<compile_context>
chip_gen: v7x
topology: tpu7x:2x2x1
jax: 0.10.2.dev20260603
libtpu: 0.0.44.dev20260713+nightly
codegen_flags: <defaults>
</compile_context>

<pallas_src>
import functools

import jax
import jax.numpy as jnp
from jax import lax
from jax.experimental import pallas as pl
from jax.experimental.pallas import tpu as pltpu
from jax.experimental.pallas import tpu_sc as plsc

N_NODES = 10000
N_PAD = 10240
E_EDGES = 320000
D = 128
HD = D // 2
NC, NS, LANES = 2, 16, 16
EPT = E_EDGES // NS
CHUNK = 80
NCHUNK = EPT // CHUNK
ROWS_PT = N_PAD // NS
M_BLK = 1024
GRID = N_PAD // M_BLK

_NEG = -3.0e38


def _proj(h, asv, adv, as2_ref, ad2_ref, mx_ref, i):
    asr = jnp.sum(h * asv, axis=1)
    adr = jnp.sum(h * adv, axis=1)
    as2_ref[...] = asr.reshape(8, 128)
    ad2_ref[...] = adr.reshape(8, 128)
    cur = jnp.max(asr)
    prev = jnp.where(i == 0, _NEG, mx_ref[0, 0])
    mx_ref[...] = jnp.full((8, 128), jnp.maximum(prev, cur), dtype=jnp.float32)


def _dense_first_body(x_ref, w_ref, asv_ref, adv_ref,
                      h_ref, as2_ref, ad2_ref, mx_ref):
    h = jnp.dot(x_ref[...], w_ref[...], preferred_element_type=jnp.float32)
    h_ref[...] = h
    _proj(h, asv_ref[...], adv_ref[...], as2_ref, ad2_ref, mx_ref,
          pl.program_id(0))


def _combine(p0, p1, s_part, b):
    rows = jnp.concatenate([p0, p1], axis=1)
    s = jnp.sum(s_part, axis=0).reshape(M_BLK, 1)
    return jnp.maximum(rows / (s + 1e-16) + b, 0.0)


def _dense_mid_body(p0_ref, p1_ref, s_ref, b_ref, w_ref, asv_ref, adv_ref,
                    h_ref, as2_ref, ad2_ref, mx_ref):
    x = _combine(p0_ref[...], p1_ref[...], s_ref[...], b_ref[...])
    h = jnp.dot(x, w_ref[...], preferred_element_type=jnp.float32)
    h_ref[...] = h
    _proj(h, asv_ref[...], adv_ref[...], as2_ref, ad2_ref, mx_ref,
          pl.program_id(0))


def _combine_last_body(p0_ref, p1_ref, s_ref, b_ref, y_ref):
    y_ref[...] = _combine(p0_ref[...], p1_ref[...], s_ref[...], b_ref[...])


_row_spec = pl.BlockSpec((M_BLK, D), lambda i: (i, 0))
_half_spec = pl.BlockSpec((M_BLK, HD), lambda i: (i, 0))
_s_spec = pl.BlockSpec((NS, M_BLK), lambda i: (0, i))
_vec_spec = pl.BlockSpec((1, D), lambda i: (0, 0))
_w_spec = pl.BlockSpec((D, D), lambda i: (0, 0))
_a2_spec = pl.BlockSpec((8, 128), lambda i: (i, 0))
_mx_spec = pl.BlockSpec((8, 128), lambda i: (0, 0))

_dense_outs = (
    jax.ShapeDtypeStruct((N_PAD, D), jnp.float32),
    jax.ShapeDtypeStruct((80, 128), jnp.float32),
    jax.ShapeDtypeStruct((80, 128), jnp.float32),
    jax.ShapeDtypeStruct((8, 128), jnp.float32),
)

_dense_first = pl.pallas_call(
    _dense_first_body,
    grid=(GRID,),
    in_specs=[_row_spec, _w_spec, _vec_spec, _vec_spec],
    out_specs=[_row_spec, _a2_spec, _a2_spec, _mx_spec],
    out_shape=_dense_outs,
)

_dense_mid = pl.pallas_call(
    _dense_mid_body,
    grid=(GRID,),
    in_specs=[_half_spec, _half_spec, _s_spec, _vec_spec, _w_spec,
              _vec_spec, _vec_spec],
    out_specs=[_row_spec, _a2_spec, _a2_spec, _mx_spec],
    out_shape=_dense_outs,
)

_combine_last = pl.pallas_call(
    _combine_last_body,
    grid=(GRID,),
    in_specs=[_half_spec, _half_spec, _s_spec, _vec_spec],
    out_specs=_row_spec,
    out_shape=jax.ShapeDtypeStruct((N_PAD, D), jnp.float32),
)


_sc_mesh = plsc.VectorSubcoreMesh(
    core_axis_name="c", subcore_axis_name="s", num_cores=NC, num_subcores=NS)


@functools.partial(
    pl.kernel,
    out_type=(jax.ShapeDtypeStruct((NC, N_PAD, HD), jnp.float32),
              jax.ShapeDtypeStruct((NS, N_PAD), jnp.float32)),
    mesh=_sc_mesh,
    compiler_params=pltpu.CompilerParams(
        needs_layout_passes=False, use_tc_tiling_on_sc=False),
    scratch_types=[
        pltpu.VMEM((N_PAD,), jnp.float32),
        pltpu.VMEM((N_PAD,), jnp.float32),
        pltpu.VMEM((NCHUNK, CHUNK), jnp.int32),
        pltpu.VMEM((NCHUNK, CHUNK), jnp.int32),
        pltpu.VMEM((2, CHUNK), jnp.int32),
        pltpu.VMEM((2, CHUNK), jnp.float32),
        pltpu.VMEM((2, CHUNK, HD), jnp.float32),
        pltpu.VMEM((N_PAD,), jnp.float32),
        pltpu.VMEM((LANES,), jnp.float32),
        pltpu.VMEM_SHARED((N_PAD, HD), jnp.float32),
        pltpu.SemaphoreType.DMA,
        pltpu.SemaphoreType.DMA,
    ],
)
def _sc_attn(h2_hbm, src_hbm, dst_hbm, asrc_hbm, adst_hbm, mx_hbm,
             out_hbm, s_hbm,
             asrc_v, adst_v, src_v, dst_v, gidx_v, w_v, rows_v,
             s_v, mx_v, acc_sh, sem_g, sem_s):
    cid = lax.axis_index("c")
    sid = lax.axis_index("s")

    pltpu.sync_copy(asrc_hbm, asrc_v)
    pltpu.sync_copy(adst_hbm, adst_v)
    pltpu.sync_copy(src_hbm.at[sid], src_v)
    pltpu.sync_copy(dst_hbm.at[sid], dst_v)
    pltpu.sync_copy(mx_hbm, mx_v)

    zero = jnp.zeros((LANES,), jnp.float32)

    def _zrow(r, carry):
        for q in range(HD // LANES):
            rows_v[0, r, pl.ds(q * LANES, LANES)] = zero
        return carry

    lax.fori_loop(0, CHUNK, _zrow, 0)
    for k in range(ROWS_PT // CHUNK):
        pltpu.sync_copy(
            rows_v.at[0],
            acc_sh.at[pl.ds(sid * ROWS_PT + k * CHUNK, CHUNK)])

    def _zs(r, carry):
        s_v[pl.ds(r * LANES, LANES)] = zero
        return carry

    lax.fori_loop(0, N_PAD // LANES, _zs, 0)
    plsc.subcore_barrier()

    mxv = mx_v[...]

    def _wphase(j, p):
        for g in range(CHUNK // LANES):
            si = src_v[j, pl.ds(g * LANES, LANES)]
            di = dst_v[j, pl.ds(g * LANES, LANES)]
            a_s = plsc.load_gather(asrc_v, [si])
            a_d = plsc.load_gather(adst_v, [di])
            z = a_s + a_d
            logit = jnp.where(z >= 0.0, z, 0.2 * z)
            zs = mxv + a_d
            shift = jnp.where(zs >= 0.0, zs, 0.2 * zs)
            w = jnp.exp(logit - shift)
            w_v[p, pl.ds(g * LANES, LANES)] = w
            plsc.addupdate_scatter(s_v, [di], w)
            gidx_v[p, pl.ds(g * LANES, LANES)] = si * 2 + cid

    _wphase(0, 0)
    pltpu.async_copy(h2_hbm.at[gidx_v.at[0]], rows_v.at[0], sem_g)

    def _chunk(j, carry):
        p = j % 2
        q = 1 - p
        pltpu.make_async_copy(
            h2_hbm.at[gidx_v.at[p]], rows_v.at[p], sem_g).wait()

        @pl.when(j > 0)
        def _():
            pltpu.make_async_copy(
                rows_v.at[q], acc_sh.at[dst_v.at[j - 1]], sem_s).wait()

        @pl.when(j + 1 < NCHUNK)
        def _():
            _wphase(j + 1, q)
            pltpu.async_copy(h2_hbm.at[gidx_v.at[q]], rows_v.at[q], sem_g)

        @plsc.parallel_loop(0, CHUNK, unroll=4)
        def _scale(e):
            wsp = plsc.load_gather(
                w_v.at[p], [jnp.zeros((LANES,), jnp.int32) + e])
            for q2 in range(HD // LANES):
                rows_v[p, e, pl.ds(q2 * LANES, LANES)] = (
                    rows_v[p, e, pl.ds(q2 * LANES, LANES)] * wsp)

        pltpu.async_copy(
            rows_v.at[p], acc_sh.at[dst_v.at[j]], sem_s, add=True)
        return carry

    lax.fori_loop(0, NCHUNK, _chunk, 0)
    pltpu.make_async_copy(
        rows_v.at[(NCHUNK - 1) % 2],
        acc_sh.at[dst_v.at[NCHUNK - 1]], sem_s).wait()

    @pl.when(cid == 0)
    def _():
        pltpu.sync_copy(s_v, s_hbm.at[sid])

    plsc.subcore_barrier()

    pltpu.sync_copy(acc_sh.at[pl.ds(sid * ROWS_PT, ROWS_PT)],
                    out_hbm.at[cid, pl.ds(sid * ROWS_PT, ROWS_PT)])


def kernel(x, edge_index, params):
    x = x.reshape(-1, D).astype(jnp.float32)
    edge_index = edge_index.reshape(2, -1)
    xp = jnp.pad(x, ((0, N_PAD - N_NODES), (0, 0)))
    src = edge_index[0].reshape(NS, NCHUNK, CHUNK)
    dst = edge_index[1].reshape(NS, NCHUNK, CHUNK)

    acc = spart = None
    for i, (W, a_src, a_dst, b) in enumerate(params):
        asv = a_src.reshape(1, D)
        adv = a_dst.reshape(1, D)
        if i == 0:
            h, as2, ad2, mx8 = _dense_first(xp, W, asv, adv)
        else:
            h, as2, ad2, mx8 = _dense_mid(
                acc[0], acc[1], spart, prev_b.reshape(1, D), W, asv, adv)
        asrc = as2.reshape(N_PAD)
        adst = ad2.reshape(N_PAD)
        mx16 = mx8[0, :LANES]
        h2 = h.reshape(2 * N_PAD, HD)
        acc, spart = _sc_attn(h2, src, dst, asrc, adst, mx16)
        prev_b = b

    y = _combine_last(acc[0], acc[1], spart, prev_b.reshape(1, D))
    return y[:N_NODES]

# --- scband reference (transcript-rebuilt; emitter-appended) ---
"""Pipeline reference for scband-gat-9165460209819 (READ-ONLY COPY).

The authoritative reference and input builder live on the scoring server;
editing this copy changes nothing except your own understanding.
"""

import jax, jax.numpy as jnp
import numpy as np

N = 10000
E = 320000
D = 128
H = 128
L = 3


def setup_inputs(seed: int = 0) -> dict:
    key = jax.random.key(seed)
    ks = jax.random.split(key, 2 + 4 * L)
    x = jax.random.normal(ks[0], (N, D), dtype=jnp.float32)
    edge_index = jax.random.randint(ks[1], (2, E), 0, N, dtype=jnp.int32)
    params = []
    in_dim = D
    for i in range(L):
        kW, ka, kb, _ = ks[2 + 4 * i], ks[3 + 4 * i], ks[4 + 4 * i], ks[5 + 4 * i]
        W = jax.random.normal(kW, (in_dim, H), dtype=jnp.float32) * (1.0 / np.sqrt(in_dim))
        a_src = jax.random.normal(ka, (H,), dtype=jnp.float32) * 0.1
        a_dst = jax.random.normal(kb, (H,), dtype=jnp.float32) * 0.1
        b = jnp.zeros((H,), dtype=jnp.float32)
        params.append((W, a_src, a_dst, b))
        in_dim = H
    return {"x": x, "edge_index": edge_index, "params": tuple(params)}


def _gat_conv(x, edge_index, W, a_src, a_dst, b):
    h = x @ W
    src = edge_index[0]
    dst = edge_index[1]
    alpha_src = h @ a_src
    alpha_dst = h @ a_dst
    e = jnp.take(alpha_src, src, axis=0) + jnp.take(alpha_dst, dst, axis=0)
    e = jax.nn.leaky_relu(e, negative_slope=0.2)
    m = jax.ops.segment_max(e, dst, num_segments=N)
    m = jnp.where(jnp.isfinite(m), m, 0.0)
    e = jnp.exp(e - jnp.take(m, dst, axis=0))
    s = jax.ops.segment_sum(e, dst, num_segments=N)
    alpha = e / (jnp.take(s, dst, axis=0) + 1e-16)
    msg = alpha[:, None] * jnp.take(h, src, axis=0)
    out = jax.ops.segment_sum(msg, dst, num_segments=N)
    return out + b


def reference(x, edge_index, params):
    x = x.reshape(-1, D)
    edge_index = edge_index.reshape(2, -1)
    for (W, a_src, a_dst, b) in params:
        x = jax.nn.relu(_gat_conv(x, edge_index, W, a_src, a_dst, b))
    return x

if __name__ == "__main__":
    import jax
    _d = setup_inputs()
    print(jax.jit(kernel)(*tuple(_d.values())))

</pallas_src>

<mosaic_0001>
#map = affine_map<(d0, d1) -> (0, 0)>
#map1 = affine_map<(d0, d1) -> (0, 0, 0)>
#map2 = affine_map<(d0, d1) -> (0)>
module attributes {stable_mosaic.version = 14 : i64} {
  func.func @_sc_attn(%arg0: i32, %arg1: i32, %arg2: memref<20480x64xf32, #tpu.memory_space<hbm>>, %arg3: memref<16x250x80xi32, #tpu.memory_space<hbm>>, %arg4: memref<16x250x80xi32, #tpu.memory_space<hbm>>, %arg5: memref<10240xf32, #tpu.memory_space<hbm>>, %arg6: memref<10240xf32, #tpu.memory_space<hbm>>, %arg7: memref<16xf32, #tpu.memory_space<hbm>>, %arg8: memref<2x10240x64xf32, #tpu.memory_space<hbm>>, %arg9: memref<16x10240xf32, #tpu.memory_space<hbm>>, %arg10: memref<10240xf32, #tpu.memory_space<vmem>>, %arg11: memref<10240xf32, #tpu.memory_space<vmem>>, %arg12: memref<250x80xi32, #tpu.memory_space<vmem>>, %arg13: memref<250x80xi32, #tpu.memory_space<vmem>>, %arg14: memref<2x80xi32, #tpu.memory_space<vmem>>, %arg15: memref<2x80xf32, #tpu.memory_space<vmem>>, %arg16: memref<2x80x64xf32, #tpu.memory_space<vmem>>, %arg17: memref<10240xf32, #tpu.memory_space<vmem>>, %arg18: memref<16xf32, #tpu.memory_space<vmem>>, %arg19: memref<10240x64xf32, #tpu.memory_space<vmem_shared>>, %arg20: memref<!tpu.dma_semaphore, #tpu.memory_space<semaphore_mem>>, %arg21: memref<!tpu.dma_semaphore, #tpu.memory_space<semaphore_mem>>) attributes {dimension_semantics = [#tpu.dimension_semantics<core_parallel>, #tpu.dimension_semantics<subcore_parallel>], iteration_bounds = array<i64: 2, 16>, scalar_prefetch = 0 : i64, scratch_operands = 12 : i64, tpu.core_type = #tpu.core_type<sc_vector_subcore>, window_params = [{transform_indices = #map}, {transform_indices = #map1}, {transform_indices = #map1}, {transform_indices = #map2}, {transform_indices = #map2}, {transform_indices = #map2}, {transform_indices = #map1}, {transform_indices = #map}]} {
    "tpu.region"() ({
      %run_scoped3A_284 = tpu.sem_alloc : memref<!tpu.dma_semaphore, #tpu.memory_space<semaphore_mem>>
      tpu.enqueue_dma source(%arg5 : memref<10240xf32, #tpu.memory_space<hbm>>) target(%arg10 : memref<10240xf32, #tpu.memory_space<vmem>>) target_semaphore(%run_scoped3A_284 : memref<!tpu.dma_semaphore, #tpu.memory_space<semaphore_mem>>)
      tpu.wait_dma2 semaphore(%run_scoped3A_284 : memref<!tpu.dma_semaphore, #tpu.memory_space<semaphore_mem>>) src(%arg5 : memref<10240xf32, #tpu.memory_space<hbm>>) dst(%arg10 : memref<10240xf32, #tpu.memory_space<vmem>>)
      tpu.yield
    }) : () -> ()
    "tpu.region"() ({
      %run_scoped3A_284 = tpu.sem_alloc : memref<!tpu.dma_semaphore, #tpu.memory_space<semaphore_mem>>
      tpu.enqueue_dma source(%arg6 : memref<10240xf32, #tpu.memory_space<hbm>>) target(%arg11 : memref<10240xf32, #tpu.memory_space<vmem>>) target_semaphore(%run_scoped3A_284 : memref<!tpu.dma_semaphore, #tpu.memory_space<semaphore_mem>>)
      tpu.wait_dma2 semaphore(%run_scoped3A_284 : memref<!tpu.dma_semaphore, #tpu.memory_space<semaphore_mem>>) src(%arg6 : memref<10240xf32, #tpu.memory_space<hbm>>) dst(%arg11 : memref<10240xf32, #tpu.memory_space<vmem>>)
      tpu.yield
    }) : () -> ()
    "tpu.region"() ({
      %run_scoped3A_284 = tpu.sem_alloc : memref<!tpu.dma_semaphore, #tpu.memory_space<semaphore_mem>>
      %dma_start3A_285 = arith.constant 0 : i32
      %dma_start3A_286 = arith.constant 0 : i32
      %dma_start3A_287 = tpu.memref_slice %arg3[%arg1, %dma_start3A_285, %dma_start3A_286] : memref<16x250x80xi32, #tpu.memory_space<hbm>> -> memref<1x250x80xi32, #tpu.memory_space<hbm>>
      %dma_start3A_288 = tpu.memref_squeeze %dma_start3A_287 : memref<1x250x80xi32, #tpu.memory_space<hbm>> -> memref<250x80xi32, #tpu.memory_space<hbm>>
      %dma_start3A_289 = arith.constant 0 : i32
      %dma_start3A_290 = arith.constant 0 : i32
      %dma_start3A_291 = tpu.memref_slice %arg3[%arg1, %dma_start3A_289, %dma_start3A_290] : memref<16x250x80xi32, #tpu.memory_space<hbm>> -> memref<1x250x80xi32, #tpu.memory_space<hbm>>
      %dma_start3A_292 = tpu.memref_squeeze %dma_start3A_291 : memref<1x250x80xi32, #tpu.memory_space<hbm>> -> memref<250x80xi32, #tpu.memory_space<hbm>>
      tpu.enqueue_dma source(%dma_start3A_292 : memref<250x80xi32, #tpu.memory_space<hbm>>) target(%arg12 : memref<250x80xi32, #tpu.memory_space<vmem>>) target_semaphore(%run_scoped3A_284 : memref<!tpu.dma_semaphore, #tpu.memory_space<semaphore_mem>>)
      %dma_wait3A_293 = arith.constant 0 : i32
      %dma_wait3A_294 = arith.constant 0 : i32
      %dma_wait3A_295 = tpu.memref_slice %arg3[%arg1, %dma_wait3A_293, %dma_wait3A_294] : memref<16x250x80xi32, #tpu.memory_space<hbm>> -> memref<1x250x80xi32, #tpu.memory_space<hbm>>
      %dma_wait3A_296 = tpu.memref_squeeze %dma_wait3A_295 : memref<1x250x80xi32, #tpu.memory_space<hbm>> -> memref<250x80xi32, #tpu.memory_space<hbm>>
      %dma_wait3A_297 = arith.constant 0 : i32
      %dma_wait3A_298 = arith.constant 0 : i32
      %dma_wait3A_299 = tpu.memref_slice %arg3[%arg1, %dma_wait3A_297, %dma_wait3A_298] : memref<16x250x80xi32, #tpu.memory_space<hbm>> -> memref<1x250x80xi32, #tpu.memory_space<hbm>>
      %dma_wait3A_300 = tpu.memref_squeeze %dma_wait3A_299 : memref<1x250x80xi32, #tpu.memory_space<hbm>> -> memref<250x80xi32, #tpu.memory_space<hbm>>
      tpu.wait_dma2 semaphore(%run_scoped3A_284 : memref<!tpu.dma_semaphore, #tpu.memory_space<semaphore_mem>>) src(%dma_wait3A_300 : memref<250x80xi32, #tpu.memory_space<hbm>>) dst(%arg12 : memref<250x80xi32, #tpu.memory_space<vmem>>)
      tpu.yield
    }) : () -> ()
    "tpu.region"() ({
      %run_scoped3A_284 = tpu.sem_alloc : memref<!tpu.dma_semaphore, #tpu.memory_space<semaphore_mem>>
      %dma_start3A_285 = arith.constant 0 : i32
      %dma_start3A_286 = arith.constant 0 : i32
      %dma_start3A_287 = tpu.memref_slice %arg4[%arg1, %dma_start3A_285, %dma_start3A_286] : memref<16x250x80xi32, #tpu.memory_space<hbm>> -> memref<1x250x80xi32, #tpu.memory_space<hbm>>
      %dma_start3A_288 = tpu.memref_squeeze %dma_start3A_287 : memref<1x250x80xi32, #tpu.memory_space<hbm>> -> memref<250x80xi32, #tpu.memory_space<hbm>>
      %dma_start3A_289 = arith.constant 0 : i32
      %dma_start3A_290 = arith.constant 0 : i32
      %dma_start3A_291 = tpu.memref_slice %arg4[%arg1, %dma_start3A_289, %dma_start3A_290] : memref<16x250x80xi32, #tpu.memory_space<hbm>> -> memref<1x250x80xi32, #tpu.memory_space<hbm>>
      %dma_start3A_292 = tpu.memref_squeeze %dma_start3A_291 : memref<1x250x80xi32, #tpu.memory_space<hbm>> -> memref<250x80xi32, #tpu.memory_space<hbm>>
      tpu.enqueue_dma source(%dma_start3A_292 : memref<250x80xi32, #tpu.memory_space<hbm>>) target(%arg13 : memref<250x80xi32, #tpu.memory_space<vmem>>) target_semaphore(%run_scoped3A_284 : memref<!tpu.dma_semaphore, #tpu.memory_space<semaphore_mem>>)
      %dma_wait3A_293 = arith.constant 0 : i32
      %dma_wait3A_294 = arith.constant 0 : i32
      %dma_wait3A_295 = tpu.memref_slice %arg4[%arg1, %dma_wait3A_293, %dma_wait3A_294] : memref<16x250x80xi32, #tpu.memory_space<hbm>> -> memref<1x250x80xi32, #tpu.memory_space<hbm>>
      %dma_wait3A_296 = tpu.memref_squeeze %dma_wait3A_295 : memref<1x250x80xi32, #tpu.memory_space<hbm>> -> memref<250x80xi32, #tpu.memory_space<hbm>>
      %dma_wait3A_297 = arith.constant 0 : i32
      %dma_wait3A_298 = arith.constant 0 : i32
      %dma_wait3A_299 = tpu.memref_slice %arg4[%arg1, %dma_wait3A_297, %dma_wait3A_298] : memref<16x250x80xi32, #tpu.memory_space<hbm>> -> memref<1x250x80xi32, #tpu.memory_space<hbm>>
      %dma_wait3A_300 = tpu.memref_squeeze %dma_wait3A_299 : memref<1x250x80xi32, #tpu.memory_space<hbm>> -> memref<250x80xi32, #tpu.memory_space<hbm>>
      tpu.wait_dma2 semaphore(%run_scoped3A_284 : memref<!tpu.dma_semaphore, #tpu.memory_space<semaphore_mem>>) src(%dma_wait3A_300 : memref<250x80xi32, #tpu.memory_space<hbm>>) dst(%arg13 : memref<250x80xi32, #tpu.memory_space<vmem>>)
      tpu.yield
    }) : () -> ()
    "tpu.region"() ({
      %run_scoped3A_284 = tpu.sem_alloc : memref<!tpu.dma_semaphore, #tpu.memory_space<semaphore_mem>>
      tpu.enqueue_dma source(%arg7 : memref<16xf32, #tpu.memory_space<hbm>>) target(%arg18 : memref<16xf32, #tpu.memory_space<vmem>>) target_semaphore(%run_scoped3A_284 : memref<!tpu.dma_semaphore, #tpu.memory_space<semaphore_mem>>)
      tpu.wait_dma2 semaphore(%run_scoped3A_284 : memref<!tpu.dma_semaphore, #tpu.memory_space<semaphore_mem>>) src(%arg7 : memref<16xf32, #tpu.memory_space<hbm>>) dst(%arg18 : memref<16xf32, #tpu.memory_space<vmem>>)
      tpu.yield
    }) : () -> ()
    %broadcast_in_dim3A = arith.constant 0.000000e+00 : f32
    %broadcast_in_dim3A_0 = vector.broadcast %broadcast_in_dim3A : f32 to vector<16xf32>
    %scan3A = arith.constant 0 : i32
    %scan3A_1 = arith.constant 0 : i32
    %scan3A_2 = arith.constant 80 : i32
    %scan3A_3 = arith.addi %scan3A_1, %scan3A_2 : i32
    %scan3A_4 = arith.constant 1 : i32
    scf.for %scan3A_284 = %scan3A_1 to %scan3A_3 step %scan3A_4  : i32 {
      %swap3A_285 = arith.constant 0 : i32
      %swap3A_286 = arith.index_cast %swap3A_285 : i32 to index
      %swap3A_287 = arith.index_cast %scan3A_284 : i32 to index
      %swap3A_288 = arith.constant 0 : index
      %swap3A_289 = tpu.vector_load %arg16[%swap3A_286, %swap3A_287, %swap3A_288] {strides = array<i32>} : memref<2x80x64xf32, #tpu.memory_space<vmem>>, vector<16xf32>,
      tpu.vector_store %arg16[%swap3A_286, %swap3A_287, %swap3A_288], %broadcast_in_dim3A_0 {strides = array<i32>} : memref<2x80x64xf32, #tpu.memory_space<vmem>>, vector<16xf32>,
      %swap3A_290 = arith.constant 0 : i32
      %swap3A_291 = arith.index_cast %swap3A_290 : i32 to index
      %swap3A_292 = arith.index_cast %scan3A_284 : i32 to index
      %swap3A_293 = arith.constant 16 : index
      %swap3A_294 = tpu.vector_load %arg16[%swap3A_291, %swap3A_292, %swap3A_293] {strides = array<i32>} : memref<2x80x64xf32, #tpu.memory_space<vmem>>, vector<16xf32>,
      tpu.vector_store %arg16[%swap3A_291, %swap3A_292, %swap3A_293], %broadcast_in_dim3A_0 {strides = array<i32>} : memref<2x80x64xf32, #tpu.memory_space<vmem>>, vector<16xf32>,
      %swap3A_295 = arith.constant 0 : i32
      %swap3A_296 = arith.index_cast %swap3A_295 : i32 to index
      %swap3A_297 = arith.index_cast %scan3A_284 : i32 to index
      %swap3A_298 = arith.constant 32 : index
      %swap3A_299 = tpu.vector_load %arg16[%swap3A_296, %swap3A_297, %swap3A_298] {strides = array<i32>} : memref<2x80x64xf32, #tpu.memory_space<vmem>>, vector<16xf32>,
      tpu.vector_store %arg16[%swap3A_296, %swap3A_297, %swap3A_298], %broadcast_in_dim3A_0 {strides = array<i32>} : memref<2x80x64xf32, #tpu.memory_space<vmem>>, vector<16xf32>,
      %swap3A_300 = arith.constant 0 : i32
      %swap3A_301 = arith.index_cast %swap3A_300 : i32 to index
      %swap3A_302 = arith.index_cast %scan3A_284 : i32 to index
      %swap3A_303 = arith.constant 48 : index
      %swap3A_304 = tpu.vector_load %arg16[%swap3A_301, %swap3A_302, %swap3A_303] {strides = array<i32>} : memref<2x80x64xf32, #tpu.memory_space<vmem>>, vector<16xf32>,
      tpu.vector_store %arg16[%swap3A_301, %swap3A_302, %swap3A_303], %broadcast_in_dim3A_0 {strides = array<i32>} : memref<2x80x64xf32, #tpu.memory_space<vmem>>, vector<16xf32>,
    }
    %scan3A_5 = arith.constant 80 : i32
    %mul3A = arith.constant 640 : i32
    %mul3A_6 = arith.muli %arg1, %mul3A : i32
    %add3A = arith.constant 0 : i32
    %add3A_7 = arith.addi %mul3A_6, %add3A : i32
    %run_scoped3A = arith.constant 0 : i32
    "tpu.region"() ({
      %run_scoped3A_284 = tpu.sem_alloc : memref<!tpu.dma_semaphore, #tpu.memory_space<semaphore_mem>>
      %dma_start3A_285 = arith.constant 0 : i32
      %dma_start3A_286 = arith.constant 0 : i32
      %dma_start3A_287 = tpu.memref_slice %arg16[%run_scoped3A, %dma_start3A_285, %dma_start3A_286] : memref<2x80x64xf32, #tpu.memory_space<vmem>> -> memref<1x80x64xf32, #tpu.memory_space<vmem>>
      %dma_start3A_288 = tpu.memref_squeeze %dma_start3A_287 : memref<1x80x64xf32, #tpu.memory_space<vmem>> -> memref<80x64xf32, #tpu.memory_space<vmem>>
      %dma_start3A_289 = arith.constant 0 : i32
      %dma_start3A_290 = tpu.memref_slice %arg19[%add3A_7, %dma_start3A_289] : memref<10240x64xf32, #tpu.memory_space<vmem_shared>> -> memref<80x64xf32, #tpu.memory_space<vmem_shared>>
      %dma_start3A_291 = arith.constant 0 : i32
      %dma_start3A_292 = tpu.memref_slice %arg19[%add3A_7, %dma_start3A_291] : memref<10240x64xf32, #tpu.memory_space<vmem_shared>> -> memref<80x64xf32, #tpu.memory_space<vmem_shared>>
      %dma_start3A_293 = arith.constant 0 : i32
      %dma_start3A_294 = arith.constant 0 : i32
      %dma_start3A_295 = tpu.memref_slice %arg16[%run_scoped3A, %dma_start3A_293, %dma_start3A_294] : memref<2x80x64xf32, #tpu.memory_space<vmem>> -> memref<1x80x64xf32, #tpu.memory_space<vmem>>
      %dma_start3A_296 = tpu.memref_squeeze %dma_start3A_295 : memref<1x80x64xf32, #tpu.memory_space<vmem>> -> memref<80x64xf32, #tpu.memory_space<vmem>>
      tpu.enqueue_dma source(%dma_start3A_296 : memref<80x64xf32, #tpu.memory_space<vmem>>) target(%dma_start3A_292 : memref<80x64xf32, #tpu.memory_space<vmem_shared>>) target_semaphore(%run_scoped3A_284 : memref<!tpu.dma_semaphore, #tpu.memory_space<semaphore_mem>>)
      %dma_wait3A_297 = arith.constant 0 : i32
      %dma_wait3A_298 = arith.constant 0 : i32
      %dma_wait3A_299 = tpu.memref_slice %arg16[%run_scoped3A, %dma_wait3A_297, %dma_wait3A_298] : memref<2x80x64xf32, #tpu.memory_space<vmem>> -> memref<1x80x64xf32, #tpu.memory_space<vmem>>
      %dma_wait3A_300 = tpu.memref_squeeze %dma_wait3A_299 : memref<1x80x64xf32, #tpu.memory_space<vmem>> -> memref<80x64xf32, #tpu.memory_space<vmem>>
      %dma_wait3A_301 = arith.constant 0 : i32
      %dma_wait3A_302 = tpu.memref_slice %arg19[%add3A_7, %dma_wait3A_301] : memref<10240x64xf32, #tpu.memory_space<vmem_shared>> -> memref<80x64xf32, #tpu.memory_space<vmem_shared>>
      %dma_wait3A_303 = arith.constant 0 : i32
      %dma_wait3A_304 = tpu.memref_slice %arg19[%add3A_7, %dma_wait3A_303] : memref<10240x64xf32, #tpu.memory_space<vmem_shared>> -> memref<80x64xf32, #tpu.memory_space<vmem_shared>>
      %dma_wait3A_305 = arith.constant 0 : i32
      %dma_wait3A_306 = arith.constant 0 : i32
      %dma_wait3A_307 = tpu.memref_slice %arg16[%run_scoped3A, %dma_wait3A_305, %dma_wait3A_306] : memref<2x80x64xf32, #tpu.memory_space<vmem>> -> memref<1x80x64xf32, #tpu.memory_space<vmem>>
      %dma_wait3A_308 = tpu.memref_squeeze %dma_wait3A_307 : memref<1x80x64xf32, #tpu.memory_space<vmem>> -> memref<80x64xf32, #tpu.memory_space<vmem>>
      tpu.wait_dma2 semaphore(%run_scoped3A_284 : memref<!tpu.dma_semaphore, #tpu.memory_space<semaphore_mem>>) src(%dma_wait3A_308 : memref<80x64xf32, #tpu.memory_space<vmem>>) dst(%dma_wait3A_304 : memref<80x64xf32, #tpu.memory_space<vmem_shared>>)
      tpu.yield
    }) : () -> ()
    %mul3A_8 = arith.constant 640 : i32
    %mul3A_9 = arith.muli %arg1, %mul3A_8 : i32
    %add3A_10 = arith.constant 80 : i32
    %add3A_11 = arith.addi %mul3A_9, %add3A_10 : i32
    %run_scoped3A_12 = arith.constant 0 : i32
    "tpu.region"() ({
      %run_scoped3A_284 = tpu.sem_alloc : memref<!tpu.dma_semaphore, #tpu.memory_space<semaphore_mem>>
      %dma_start3A_285 = arith.constant 0 : i32
      %dma_start3A_286 = arith.constant 0 : i32
      %dma_start3A_287 = tpu.memref_slice %arg16[%run_scoped3A_12, %dma_start3A_285, %dma_start3A_286] : memref<2x80x64xf32, #tpu.memory_space<vmem>> -> memref<1x80x64xf32, #tpu.memory_space<vmem>>
      %dma_start3A_288 = tpu.memref_squeeze %dma_start3A_287 : memref<1x80x64xf32, #tpu.memory_space<vmem>> -> memref<80x64xf32, #tpu.memory_space<vmem>>
      %dma_start3A_289 = arith.constant 0 : i32
      %dma_start3A_290 = tpu.memref_slice %arg19[%add3A_11, %dma_start3A_289] : memref<10240x64xf32, #tpu.memory_space<vmem_shared>> -> memref<80x64xf32, #tpu.memory_space<vmem_shared>>
      %dma_start3A_291 = arith.constant 0 : i32
      %dma_start3A_292 = tpu.memref_slice %arg19[%add3A_11, %dma_start3A_291] : memref<10240x64xf32, #tpu.memory_space<vmem_shared>> -> memref<80x64xf32, #tpu.memory_space<vmem_shared>>
      %dma_start3A_293 = arith.constant 0 : i32
      %dma_start3A_294 = arith.constant 0 : i32
      %dma_start3A_295 = tpu.memref_slice %arg16[%run_scoped3A_12, %dma_start3A_293, %dma_start3A_294] : memref<2x80x64xf32, #tpu.memory_space<vmem>> -> memref<1x80x64xf32, #tpu.memory_space<vmem>>
      %dma_start3A_296 = tpu.memref_squeeze %dma_start3A_295 : memref<1x80x64xf32, #tpu.memory_space<vmem>> -> memref<80x64xf32, #tpu.memory_space<vmem>>
      tpu.enqueue_dma source(%dma_start3A_296 : memref<80x64xf32, #tpu.memory_space<vmem>>) target(%dma_start3A_292 : memref<80x64xf32, #tpu.memory_space<vmem_shared>>) target_semaphore(%run_scoped3A_284 : memref<!tpu.dma_semaphore, #tpu.memory_space<semaphore_mem>>)
      %dma_wait3A_297 = arith.constant 0 : i32
      %dma_wait3A_298 = arith.constant 0 : i32
      %dma_wait3A_299 = tpu.memref_slice %arg16[%run_scoped3A_12, %dma_wait3A_297, %dma_wait3A_298] : memref<2x80x64xf32, #tpu.memory_space<vmem>> -> memref<1x80x64xf32, #tpu.memory_space<vmem>>
      %dma_wait3A_300 = tpu.memref_squeeze %dma_wait3A_299 : memref<1x80x64xf32, #tpu.memory_space<vmem>> -> memref<80x64xf32, #tpu.memory_space<vmem>>
      %dma_wait3A_301 = arith.constant 0 : i32
      %dma_wait3A_302 = tpu.memref_slice %arg19[%add3A_11, %dma_wait3A_301] : memref<10240x64xf32, #tpu.memory_space<vmem_shared>> -> memref<80x64xf32, #tpu.memory_space<vmem_shared>>
      %dma_wait3A_303 = arith.constant 0 : i32
      %dma_wait3A_304 = tpu.memref_slice %arg19[%add3A_11, %dma_wait3A_303] : memref<10240x64xf32, #tpu.memory_space<vmem_shared>> -> memref<80x64xf32, #tpu.memory_space<vmem_shared>>
      %dma_wait3A_305 = arith.constant 0 : i32
      %dma_wait3A_306 = arith.constant 0 : i32
      %dma_wait3A_307 = tpu.memref_slice %arg16[%run_scoped3A_12, %dma_wait3A_305, %dma_wait3A_306] : memref<2x80x64xf32, #tpu.memory_space<vmem>> -> memref<1x80x64xf32, #tpu.memory_space<vmem>>
      %dma_wait3A_308 = tpu.memref_squeeze %dma_wait3A_307 : memref<1x80x64xf32, #tpu.memory_space<vmem>> -> memref<80x64xf32, #tpu.memory_space<vmem>>
      tpu.wait_dma2 semaphore(%run_scoped3A_284 : memref<!tpu.dma_semaphore, #tpu.memory_space<semaphore_mem>>) src(%dma_wait3A_308 : memref<80x64xf32, #tpu.memory_space<vmem>>) dst(%dma_wait3A_304 : memref<80x64xf32, #tpu.memory_space<vmem_shared>>)
      tpu.yield
    }) : () -> ()
    %mul3A_13 = arith.constant 640 : i32
    %mul3A_14 = arith.muli %arg1, %mul3A_13 : i32
    %add3A_15 = arith.constant 160 : i32
    %add3A_16 = arith.addi %mul3A_14, %add3A_15 : i32
    %run_scoped3A_17 = arith.constant 0 : i32
    "tpu.region"() ({
      %run_scoped3A_284 = tpu.sem_alloc : memref<!tpu.dma_semaphore, #tpu.memory_space<semaphore_mem>>
      %dma_start3A_285 = arith.constant 0 : i32
      %dma_start3A_286 = arith.constant 0 : i32
      %dma_start3A_287 = tpu.memref_slice %arg16[%run_scoped3A_17, %dma_start3A_285, %dma_start3A_286] : memref<2x80x64xf32, #tpu.memory_space<vmem>> -> memref<1x80x64xf32, #tpu.memory_space<vmem>>
      %dma_start3A_288 = tpu.memref_squeeze %dma_start3A_287 : memref<1x80x64xf32, #tpu.memory_space<vmem>> -> memref<80x64xf32, #tpu.memory_space<vmem>>
      %dma_start3A_289 = arith.constant 0 : i32
      %dma_start3A_290 = tpu.memref_slice %arg19[%add3A_16, %dma_start3A_289] : memref<10240x64xf32, #tpu.memory_space<vmem_shared>> -> memref<80x64xf32, #tpu.memory_space<vmem_shared>>
      %dma_start3A_291 = arith.constant 0 : i32
      %dma_start3A_292 = tpu.memref_slice %arg19[%add3A_16, %dma_start3A_291] : memref<10240x64xf32, #tpu.memory_space<vmem_shared>> -> memref<80x64xf32, #tpu.memory_space<vmem_shared>>
      %dma_start3A_293 = arith.constant 0 : i32
      %dma_start3A_294 = arith.constant 0 : i32
      %dma_start3A_295 = tpu.memref_slice %arg16[%run_scoped3A_17, %dma_start3A_293, %dma_start3A_294] : memref<2x80x64xf32, #tpu.memory_space<vmem>> -> memref<1x80x64xf32, #tpu.memory_space<vmem>>
      %dma_start3A_296 = tpu.memref_squeeze %dma_start3A_295 : memref<1x80x64xf32, #tpu.memory_space<vmem>> -> memref<80x64xf32, #tpu.memory_space<vmem>>
      tpu.enqueue_dma source(%dma_start3A_296 : memref<80x64xf32, #tpu.memory_space<vmem>>) target(%dma_start3A_292 : memref<80x64xf32, #tpu.memory_space<vmem_shared>>) target_semaphore(%run_scoped3A_284 : memref<!tpu.dma_semaphore, #tpu.memory_space<semaphore_mem>>)
      %dma_wait3A_297 = arith.constant 0 : i32
      %dma_wait3A_298 = arith.constant 0 : i32
      %dma_wait3A_299 = tpu.memref_slice %arg16[%run_scoped3A_17, %dma_wait3A_297, %dma_wait3A_298] : memref<2x80x64xf32, #tpu.memory_space<vmem>> -> memref<1x80x64xf32, #tpu.memory_space<vmem>>
      %dma_wait3A_300 = tpu.memref_squeeze %dma_wait3A_299 : memref<1x80x64xf32, #tpu.memory_space<vmem>> -> memref<80x64xf32, #tpu.memory_space<vmem>>
      %dma_wait3A_301 = arith.constant 0 : i32
      %dma_wait3A_302 = tpu.memref_slice %arg19[%add3A_16, %dma_wait3A_301] : memref<10240x64xf32, #tpu.memory_space<vmem_shared>> -> memref<80x64xf32, #tpu.memory_space<vmem_shared>>
      %dma_wait3A_303 = arith.constant 0 : i32
      %dma_wait3A_304 = tpu.memref_slice %arg19[%add3A_16, %dma_wait3A_303] : memref<10240x64xf32, #tpu.memory_space<vmem_shared>> -> memref<80x64xf32, #tpu.memory_space<vmem_shared>>
      %dma_wait3A_305 = arith.constant 0 : i32
      %dma_wait3A_306 = arith.constant 0 : i32
      %dma_wait3A_307 = tpu.memref_slice %arg16[%run_scoped3A_17, %dma_wait3A_305, %dma_wait3A_306] : memref<2x80x64xf32, #tpu.memory_space<vmem>> -> memref<1x80x64xf32, #tpu.memory_space<vmem>>
      %dma_wait3A_308 = tpu.memref_squeeze %dma_wait3A_307 : memref<1x80x64xf32, #tpu.memory_space<vmem>> -> memref<80x64xf32, #tpu.memory_space<vmem>>
      tpu.wait_dma2 semaphore(%run_scoped3A_284 : memref<!tpu.dma_semaphore, #tpu.memory_space<semaphore_mem>>) src(%dma_wait3A_308 : memref<80x64xf32, #tpu.memory_space<vmem>>) dst(%dma_wait3A_304 : memref<80x64xf32, #tpu.memory_space<vmem_shared>>)
      tpu.yield
    }) : () -> ()
    %mul3A_18 = arith.constant 640 : i32
    %mul3A_19 = arith.muli %arg1, %mul3A_18 : i32
    %add3A_20 = arith.constant 240 : i32
    %add3A_21 = arith.addi %mul3A_19, %add3A_20 : i32
    %run_scoped3A_22 = arith.constant 0 : i32
    "tpu.region"() ({
      %run_scoped3A_284 = tpu.sem_alloc : memref<!tpu.dma_semaphore, #tpu.memory_space<semaphore_mem>>
      %dma_start3A_285 = arith.constant 0 : i32
      %dma_start3A_286 = arith.constant 0 : i32
      %dma_start3A_287 = tpu.memref_slice %arg16[%run_scoped3A_22, %dma_start3A_285, %dma_start3A_286] : memref<2x80x64xf32, #tpu.memory_space<vmem>> -> memref<1x80x64xf32, #tpu.memory_space<vmem>>
      %dma_start3A_288 = tpu.memref_squeeze %dma_start3A_287 : memref<1x80x64xf32, #tpu.memory_space<vmem>> -> memref<80x64xf32, #tpu.memory_space<vmem>>
      %dma_start3A_289 = arith.constant 0 : i32
      %dma_start3A_290 = tpu.memref_slice %arg19[%add3A_21, %dma_start3A_289] : memref<10240x64xf32, #tpu.memory_space<vmem_shared>> -> memref<80x64xf32, #tpu.memory_space<vmem_shared>>
      %dma_start3A_291 = arith.constant 0 : i32
      %dma_start3A_292 = tpu.memref_slice %arg19[%add3A_21, %dma_start3A_291] : memref<10240x64xf32, #tpu.memory_space<vmem_shared>> -> memref<80x64xf32, #tpu.memory_space<vmem_shared>>
      %dma_start3A_293 = arith.constant 0 : i32
      %dma_start3A_294 = arith.constant 0 : i32
      %dma_start3A_295 = tpu.memref_slice %arg16[%run_scoped3A_22, %dma_start3A_293, %dma_start3A_294] : memref<2x80x64xf32, #tpu.memory_space<vmem>> -> memref<1x80x64xf32, #tpu.memory_space<vmem>>
      %dma_start3A_296 = tpu.memref_squeeze %dma_start3A_295 : memref<1x80x64xf32, #tpu.memory_space<vmem>> -> memref<80x64xf32, #tpu.memory_space<vmem>>
      tpu.enqueue_dma source(%dma_start3A_296 : memref<80x64xf32, #tpu.memory_space<vmem>>) target(%dma_start3A_292 : memref<80x64xf32, #tpu.memory_space<vmem_shared>>) target_semaphore(%run_scoped3A_284 : memref<!tpu.dma_semaphore, #tpu.memory_space<semaphore_mem>>)
      %dma_wait3A_297 = arith.constant 0 : i32
      %dma_wait3A_298 = arith.constant 0 : i32
      %dma_wait3A_299 = tpu.memref_slice %arg16[%run_scoped3A_22, %dma_wait3A_297, %dma_wait3A_298] : memref<2x80x64xf32, #tpu.memory_space<vmem>> -> memref<1x80x64xf32, #tpu.memory_space<vmem>>
      %dma_wait3A_300 = tpu.memref_squeeze %dma_wait3A_299 : memref<1x80x64xf32, #tpu.memory_space<vmem>> -> memref<80x64xf32, #tpu.memory_space<vmem>>
      %dma_wait3A_301 = arith.constant 0 : i32
      %dma_wait3A_302 = tpu.memref_slice %arg19[%add3A_21, %dma_wait3A_301] : memref<10240x64xf32, #tpu.memory_space<vmem_shared>> -> memref<80x64xf32, #tpu.memory_space<vmem_shared>>
      %dma_wait3A_303 = arith.constant 0 : i32
      %dma_wait3A_304 = tpu.memref_slice %arg19[%add3A_21, %dma_wait3A_303] : memref<10240x64xf32, #tpu.memory_space<vmem_shared>> -> memref<80x64xf32, #tpu.memory_space<vmem_shared>>
      %dma_wait3A_305 = arith.constant 0 : i32
      %dma_wait3A_306 = arith.constant 0 : i32
      %dma_wait3A_307 = tpu.memref_slice %arg16[%run_scoped3A_22, %dma_wait3A_305, %dma_wait3A_306] : memref<2x80x64xf32, #tpu.memory_space<vmem>> -> memref<1x80x64xf32, #tpu.memory_space<vmem>>
      %dma_wait3A_308 = tpu.memref_squeeze %dma_wait3A_307 : memref<1x80x64xf32, #tpu.memory_space<vmem>> -> memref<80x64xf32, #tpu.memory_space<vmem>>
      tpu.wait_dma2 semaphore(%run_scoped3A_284 : memref<!tpu.dma_semaphore, #tpu.memory_space<semaphore_mem>>) src(%dma_wait3A_308 : memref<80x64xf32, #tpu.memory_space<vmem>>) dst(%dma_wait3A_304 : memref<80x64xf32, #tpu.memory_space<vmem_shared>>)
      tpu.yield
    }) : () -> ()
    %mul3A_23 = arith.constant 640 : i32
    %mul3A_24 = arith.muli %arg1, %mul3A_23 : i32
    %add3A_25 = arith.constant 320 : i32
    %add3A_26 = arith.addi %mul3A_24, %add3A_25 : i32
    %run_scoped3A_27 = arith.constant 0 : i32
    "tpu.region"() ({
      %run_scoped3A_284 = tpu.sem_alloc : memref<!tpu.dma_semaphore, #tpu.memory_space<semaphore_mem>>
      %dma_start3A_285 = arith.constant 0 : i32
      %dma_start3A_286 = arith.constant 0 : i32
      %dma_start3A_287 = tpu.memref_slice %arg16[%run_scoped3A_27, %dma_start3A_285, %dma_start3A_286] : memref<2x80x64xf32, #tpu.memory_space<vmem>> -> memref<1x80x64xf32, #tpu.memory_space<vmem>>
      %dma_start3A_288 = tpu.memref_squeeze %dma_start3A_287 : memref<1x80x64xf32, #tpu.memory_space<vmem>> -> memref<80x64xf32, #tpu.memory_space<vmem>>
      %dma_start3A_289 = arith.constant 0 : i32
      %dma_start3A_290 = tpu.memref_slice %arg19[%add3A_26, %dma_start3A_289] : memref<10240x64xf32, #tpu.memory_space<vmem_shared>> -> memref<80x64xf32, #tpu.memory_space<vmem_shared>>
      %dma_start3A_291 = arith.constant 0 : i32
      %dma_start3A_292 = tpu.memref_slice %arg19[%add3A_26, %dma_start3A_291] : memref<10240x64xf32, #tpu.memory_space<vmem_shared>> -> memref<80x64xf32, #tpu.memory_space<vmem_shared>>
      %dma_start3A_293 = arith.constant 0 : i32
      %dma_start3A_294 = arith.constant 0 : i32
      %dma_start3A_295 = tpu.memref_slice %arg16[%run_scoped3A_27, %dma_start3A_293, %dma_start3A_294] : memref<2x80x64xf32, #tpu.memory_space<vmem>> -> memref<1x80x64xf32, #tpu.memory_space<vmem>>
      %dma_start3A_296 = tpu.memref_squeeze %dma_start3A_295 : memref<1x80x64xf32, #tpu.memory_space<vmem>> -> memref<80x64xf32, #tpu.memory_space<vmem>>
      tpu.enqueue_dma source(%dma_start3A_296 : memref<80x64xf32, #tpu.memory_space<vmem>>) target(%dma_start3A_292 : memref<80x64xf32, #tpu.memory_space<vmem_shared>>) target_semaphore(%run_scoped3A_284 : memref<!tpu.dma_semaphore, #tpu.memory_space<semaphore_mem>>)
      %dma_wait3A_297 = arith.constant 0 : i32
      %dma_wait3A_298 = arith.constant 0 : i32
      %dma_wait3A_299 = tpu.memref_slice %arg16[%run_scoped3A_27, %dma_wait3A_297, %dma_wait3A_298] : memref<2x80x64xf32, #tpu.memory_space<vmem>> -> memref<1x80x64xf32, #tpu.memory_space<vmem>>
      %dma_wait3A_300 = tpu.memref_squeeze %dma_wait3A_299 : memref<1x80x64xf32, #tpu.memory_space<vmem>> -> memref<80x64xf32, #tpu.memory_space<vmem>>
      %dma_wait3A_301 = arith.constant 0 : i32
      %dma_wait3A_302 = tpu.memref_slice %arg19[%add3A_26, %dma_wait3A_301] : memref<10240x64xf32, #tpu.memory_space<vmem_shared>> -> memref<80x64xf32, #tpu.memory_space<vmem_shared>>
      %dma_wait3A_303 = arith.constant 0 : i32
      %dma_wait3A_304 = tpu.memref_slice %arg19[%add3A_26, %dma_wait3A_303] : memref<10240x64xf32, #tpu.memory_space<vmem_shared>> -> memref<80x64xf32, #tpu.memory_space<vmem_shared>>
      %dma_wait3A_305 = arith.constant 0 : i32
      %dma_wait3A_306 = arith.constant 0 : i32
      %dma_wait3A_307 = tpu.memref_slice %arg16[%run_scoped3A_27, %dma_wait3A_305, %dma_wait3A_306] : memref<2x80x64xf32, #tpu.memory_space<vmem>> -> memref<1x80x64xf32, #tpu.memory_space<vmem>>
      %dma_wait3A_308 = tpu.memref_squeeze %dma_wait3A_307 : memref<1x80x64xf32, #tpu.memory_space<vmem>> -> memref<80x64xf32, #tpu.memory_space<vmem>>
      tpu.wait_dma2 semaphore(%run_scoped3A_284 : memref<!tpu.dma_semaphore, #tpu.memory_space<semaphore_mem>>) src(%dma_wait3A_308 : memref<80x64xf32, #tpu.memory_space<vmem>>) dst(%dma_wait3A_304 : memref<80x64xf32, #tpu.memory_space<vmem_shared>>)
      tpu.yield
    }) : () -> ()
    %mul3A_28 = arith.constant 640 : i32
    %mul3A_29 = arith.muli %arg1, %mul3A_28 : i32
    %add3A_30 = arith.constant 400 : i32
    %add3A_31 = arith.addi %mul3A_29, %add3A_30 : i32
    %run_scoped3A_32 = arith.constant 0 : i32
    "tpu.region"() ({
      %run_scoped3A_284 = tpu.sem_alloc : memref<!tpu.dma_semaphore, #tpu.memory_space<semaphore_mem>>
      %dma_start3A_285 = arith.constant 0 : i32
      %dma_start3A_286 = arith.constant 0 : i32
      %dma_start3A_287 = tpu.memref_slice %arg16[%run_scoped3A_32, %dma_start3A_285, %dma_start3A_286] : memref<2x80x64xf32, #tpu.memory_space<vmem>> -> memref<1x80x64xf32, #tpu.memory_space<vmem>>
      %dma_start3A_288 = tpu.memref_squeeze %dma_start3A_287 : memref<1x80x64xf32, #tpu.memory_space<vmem>> -> memref<80x64xf32, #tpu.memory_space<vmem>>
      %dma_start3A_289 = arith.constant 0 : i32
      %dma_start3A_290 = tpu.memref_slice %arg19[%add3A_31, %dma_start3A_289] : memref<10240x64xf32, #tpu.memory_space<vmem_shared>> -> memref<80x64xf32, #tpu.memory_space<vmem_shared>>
      %dma_start3A_291 = arith.constant 0 : i32
      %dma_start3A_292 = tpu.memref_slice %arg19[%add3A_31, %dma_start3A_291] : memref<10240x64xf32, #tpu.memory_space<vmem_shared>> -> memref<80x64xf32, #tpu.memory_space<vmem_shared>>
      %dma_start3A_293 = arith.constant 0 : i32
      %dma_start3A_294 = arith.constant 0 : i32
      %dma_start3A_295 = tpu.memref_slice %arg16[%run_scoped3A_32, %dma_start3A_293, %dma_start3A_294] : memref<2x80x64xf32, #tpu.memory_space<vmem>> -> memref<1x80x64xf32, #tpu.memory_space<vmem>>
      %dma_start3A_296 = tpu.memref_squeeze %dma_start3A_295 : memref<1x80x64xf32, #tpu.memory_space<vmem>> -> memref<80x64xf32, #tpu.memory_space<vmem>>
      tpu.enqueue_dma source(%dma_start3A_296 : memref<80x64xf32, #tpu.memory_space<vmem>>) target(%dma_start3A_292 : memref<80x64xf32, #tpu.memory_space<vmem_shared>>) target_semaphore(%run_scoped3A_284 : memref<!tpu.dma_semaphore, #tpu.memory_space<semaphore_mem>>)
      %dma_wait3A_297 = arith.constant 0 : i32
      %dma_wait3A_298 = arith.constant 0 : i32
      %dma_wait3A_299 = tpu.memref_slice %arg16[%run_scoped3A_32, %dma_wait3A_297, %dma_wait3A_298] : memref<2x80x64xf32, #tpu.memory_space<vmem>> -> memref<1x80x64xf32, #tpu.memory_space<vmem>>
      %dma_wait3A_300 = tpu.memref_squeeze %dma_wait3A_299 : memref<1x80x64xf32, #tpu.memory_space<vmem>> -> memref<80x64xf32, #tpu.memory_space<vmem>>
      %dma_wait3A_301 = arith.constant 0 : i32
      %dma_wait3A_302 = tpu.memref_slice %arg19[%add3A_31, %dma_wait3A_301] : memref<10240x64xf32, #tpu.memory_space<vmem_shared>> -> memref<80x64xf32, #tpu.memory_space<vmem_shared>>
      %dma_wait3A_303 = arith.constant 0 : i32
      %dma_wait3A_304 = tpu.memref_slice %arg19[%add3A_31, %dma_wait3A_303] : memref<10240x64xf32, #tpu.memory_space<vmem_shared>> -> memref<80x64xf32, #tpu.memory_space<vmem_shared>>
      %dma_wait3A_305 = arith.constant 0 : i32
      %dma_wait3A_306 = arith.constant 0 : i32
      %dma_wait3A_307 = tpu.memref_slice %arg16[%run_scoped3A_32, %dma_wait3A_305, %dma_wait3A_306] : memref<2x80x64xf32, #tpu.memory_space<vmem>> -> memref<1x80x64xf32, #tpu.memory_space<vmem>>
      %dma_wait3A_308 = tpu.memref_squeeze %dma_wait3A_307 : memref<1x80x64xf32, #tpu.memory_space<vmem>> -> memref<80x64xf32, #tpu.memory_space<vmem>>
      tpu.wait_dma2 semaphore(%run_scoped3A_284 : memref<!tpu.dma_semaphore, #tpu.memory_space<semaphore_mem>>) src(%dma_wait3A_308 : memref<80x64xf32, #tpu.memory_space<vmem>>) dst(%dma_wait3A_304 : memref<80x64xf32, #tpu.memory_space<vmem_shared>>)
      tpu.yield
    }) : () -> ()
    %mul3A_33 = arith.constant 640 : i32
    %mul3A_34 = arith.muli %arg1, %mul3A_33 : i32
    %add3A_35 = arith.constant 480 : i32
    %add3A_36 = arith.addi %mul3A_34, %add3A_35 : i32
    %run_scoped3A_37 = arith.constant 0 : i32
    "tpu.region"() ({
      %run_scoped3A_284 = tpu.sem_alloc : memref<!tpu.dma_semaphore, #tpu.memory_space<semaphore_mem>>
      %dma_start3A_285 = arith.constant 0 : i32
      %dma_start3A_286 = arith.constant 0 : i32
      %dma_start3A_287 = tpu.memref_slice %arg16[%run_scoped3A_37, %dma_start3A_285, %dma_start3A_286] : memref<2x80x64xf32, #tpu.memory_space<vmem>> -> memref<1x80x64xf32, #tpu.memory_space<vmem>>
      %dma_start3A_288 = tpu.memref_squeeze %dma_start3A_287 : memref<1x80x64xf32, #tpu.memory_space<vmem>> -> memref<80x64xf32, #tpu.memory_space<vmem>>
      %dma_start3A_289 = arith.constant 0 : i32
      %dma_start3A_290 = tpu.memref_slice %arg19[%add3A_36, %dma_start3A_289] : memref<10240x64xf32, #tpu.memory_space<vmem_shared>> -> memref<80x64xf32, #tpu.memory_space<vmem_shared>>
      %dma_start3A_291 = arith.constant 0 : i32
      %dma_start3A_292 = tpu.memref_slice %arg19[%add3A_36, %dma_start3A_291] : memref<10240x64xf32, #tpu.memory_space<vmem_shared>> -> memref<80x64xf32, #tpu.memory_space<vmem_shared>>
      %dma_start3A_293 = arith.constant 0 : i32
      %dma_start3A_294 = arith.constant 0 : i32
      %dma_start3A_295 = tpu.memref_slice %arg16[%run_scoped3A_37, %dma_start3A_293, %dma_start3A_294] : memref<2x80x64xf32, #tpu.memory_space<vmem>> -> memref<1x80x64xf32, #tpu.memory_space<vmem>>
      %dma_start3A_296 = tpu.memref_squeeze %dma_start3A_295 : memref<1x80x64xf32, #tpu.memory_space<vmem>> -> memref<80x64xf32, #tpu.memory_space<vmem>>
      tpu.enqueue_dma source(%dma_start3A_296 : memref<80x64xf32, #tpu.memory_space<vmem>>) target(%dma_start3A_292 : memref<80x64xf32, #tpu.memory_space<vmem_shared>>) target_semaphore(%run_scoped3A_284 : memref<!tpu.dma_semaphore, #tpu.memory_space<semaphore_mem>>)
      %dma_wait3A_297 = arith.constant 0 : i32
      %dma_wait3A_298 = arith.constant 0 : i32
      %dma_wait3A_299 = tpu.memref_slice %arg16[%run_scoped3A_37, %dma_wait3A_297, %dma_wait3A_298] : memref<2x80x64xf32, #tpu.memory_space<vmem>> -> memref<1x80x64xf32, #tpu.memory_space<vmem>>
      %dma_wait3A_300 = tpu.memref_squeeze %dma_wait3A_299 : memref<1x80x64xf32, #tpu.memory_space<vmem>> -> memref<80x64xf32, #tpu.memory_space<vmem>>
      %dma_wait3A_301 = arith.constant 0 : i32
      %dma_wait3A_302 = tpu.memref_slice %arg19[%add3A_36, %dma_wait3A_301] : memref<10240x64xf32, #tpu.memory_space<vmem_shared>> -> memref<80x64xf32, #tpu.memory_space<vmem_shared>>
      %dma_wait3A_303 = arith.constant 0 : i32
      %dma_wait3A_304 = tpu.memref_slice %arg19[%add3A_36, %dma_wait3A_303] : memref<10240x64xf32, #tpu.memory_space<vmem_shared>> -> memref<80x64xf32, #tpu.memory_space<vmem_shared>>
      %dma_wait3A_305 = arith.constant 0 : i32
      %dma_wait3A_306 = arith.constant 0 : i32
      %dma_wait3A_307 = tpu.memref_slice %arg16[%run_scoped3A_37, %dma_wait3A_305, %dma_wait3A_306] : memref<2x80x64xf32, #tpu.memory_space<vmem>> -> memref<1x80x64xf32, #tpu.memory_space<vmem>>
      %dma_wait3A_308 = tpu.memref_squeeze %dma_wait3A_307 : memref<1x80x64xf32, #tpu.memory_space<vmem>> -> memref<80x64xf32, #tpu.memory_space<vmem>>
      tpu.wait_dma2 semaphore(%run_scoped3A_284 : memref<!tpu.dma_semaphore, #tpu.memory_space<semaphore_mem>>) src(%dma_wait3A_308 : memref<80x64xf32, #tpu.memory_space<vmem>>) dst(%dma_wait3A_304 : memref<80x64xf32, #tpu.memory_space<vmem_shared>>)
      tpu.yield
    }) : () -> ()
    %mul3A_38 = arith.constant 640 : i32
    %mul3A_39 = arith.muli %arg1, %mul3A_38 : i32
    %add3A_40 = arith.constant 560 : i32
    %add3A_41 = arith.addi %mul3A_39, %add3A_40 : i32
    %run_scoped3A_42 = arith.constant 0 : i32
    "tpu.region"() ({
      %run_scoped3A_284 = tpu.sem_alloc : memref<!tpu.dma_semaphore, #tpu.memory_space<semaphore_mem>>
      %dma_start3A_285 = arith.constant 0 : i32
      %dma_start3A_286 = arith.constant 0 : i32
      %dma_start3A_287 = tpu.memref_slice %arg16[%run_scoped3A_42, %dma_start3A_285, %dma_start3A_286] : memref<2x80x64xf32, #tpu.memory_space<vmem>> -> memref<1x80x64xf32, #tpu.memory_space<vmem>>
      %dma_start3A_288 = tpu.memref_squeeze %dma_start3A_287 : memref<1x80x64xf32, #tpu.memory_space<vmem>> -> memref<80x64xf32, #tpu.memory_space<vmem>>
      %dma_start3A_289 = arith.constant 0 : i32
      %dma_start3A_290 = tpu.memref_slice %arg19[%add3A_41, %dma_start3A_289] : memref<10240x64xf32, #tpu.memory_space<vmem_shared>> -> memref<80x64xf32, #tpu.memory_space<vmem_shared>>
      %dma_start3A_291 = arith.constant 0 : i32
      %dma_start3A_292 = tpu.memref_slice %arg19[%add3A_41, %dma_start3A_291] : memref<10240x64xf32, #tpu.memory_space<vmem_shared>> -> memref<80x64xf32, #tpu.memory_space<vmem_shared>>
      %dma_start3A_293 = arith.constant 0 : i32
      %dma_start3A_294 = arith.constant 0 : i32
      %dma_start3A_295 = tpu.memref_slice %arg16[%run_scoped3A_42, %dma_start3A_293, %dma_start3A_294] : memref<2x80x64xf32, #tpu.memory_space<vmem>> -> memref<1x80x64xf32, #tpu.memory_space<vmem>>
      %dma_start3A_296 = tpu.memref_squeeze %dma_start3A_295 : memref<1x80x64xf32, #tpu.memory_space<vmem>> -> memref<80x64xf32, #tpu.memory_space<vmem>>
      tpu.enqueue_dma source(%dma_start3A_296 : memref<80x64xf32, #tpu.memory_space<vmem>>) target(%dma_start3A_292 : memref<80x64xf32, #tpu.memory_space<vmem_shared>>) target_semaphore(%run_scoped3A_284 : memref<!tpu.dma_semaphore, #tpu.memory_space<semaphore_mem>>)
      %dma_wait3A_297 = arith.constant 0 : i32
      %dma_wait3A_298 = arith.constant 0 : i32
      %dma_wait3A_299 = tpu.memref_slice %arg16[%run_scoped3A_42, %dma_wait3A_297, %dma_wait3A_298] : memref<2x80x64xf32, #tpu.memory_space<vmem>> -> memref<1x80x64xf32, #tpu.memory_space<vmem>>
      %dma_wait3A_300 = tpu.memref_squeeze %dma_wait3A_299 : memref<1x80x64xf32, #tpu.memory_space<vmem>> -> memref<80x64xf32, #tpu.memory_space<vmem>>
      %dma_wait3A_301 = arith.constant 0 : i32
      %dma_wait3A_302 = tpu.memref_slice %arg19[%add3A_41, %dma_wait3A_301] : memref<10240x64xf32, #tpu.memory_space<vmem_shared>> -> memref<80x64xf32, #tpu.memory_space<vmem_shared>>
      %dma_wait3A_303 = arith.constant 0 : i32
      %dma_wait3A_304 = tpu.memref_slice %arg19[%add3A_41, %dma_wait3A_303] : memref<10240x64xf32, #tpu.memory_space<vmem_shared>> -> memref<80x64xf32, #tpu.memory_space<vmem_shared>>
      %dma_wait3A_305 = arith.constant 0 : i32
      %dma_wait3A_306 = arith.constant 0 : i32
      %dma_wait3A_307 = tpu.memref_slice %arg16[%run_scoped3A_42, %dma_wait3A_305, %dma_wait3A_306] : memref<2x80x64xf32, #tpu.memory_space<vmem>> -> memref<1x80x64xf32, #tpu.memory_space<vmem>>
      %dma_wait3A_308 = tpu.memref_squeeze %dma_wait3A_307 : memref<1x80x64xf32, #tpu.memory_space<vmem>> -> memref<80x64xf32, #tpu.memory_space<vmem>>
      tpu.wait_dma2 semaphore(%run_scoped3A_284 : memref<!tpu.dma_semaphore, #tpu.memory_space<semaphore_mem>>) src(%dma_wait3A_308 : memref<80x64xf32, #tpu.memory_space<vmem>>) dst(%dma_wait3A_304 : memref<80x64xf32, #tpu.memory_space<vmem_shared>>)
      tpu.yield
    }) : () -> ()
    %scan3A_43 = arith.constant 0 : i32
    %scan3A_44 = arith.constant 0 : i32
    %scan3A_45 = arith.constant 640 : i32
    %scan3A_46 = arith.addi %scan3A_44, %scan3A_45 : i32
    %scan3A_47 = arith.constant 1 : i32
    scf.for %scan3A_284 = %scan3A_44 to %scan3A_46 step %scan3A_47  : i32 {
      %mul3A_285 = arith.constant 16 : i32
      %mul3A_286 = arith.muli %scan3A_284, %mul3A_285 : i32
      %swap3A_287 = arith.index_cast %mul3A_286 : i32 to index
      %swap3A_288 = tpu.vector_load %arg17[%swap3A_287] {strides = array<i32>} : memref<10240xf32, #tpu.memory_space<vmem>>, vector<16xf32>,
      tpu.vector_store %arg17[%swap3A_287], %broadcast_in_dim3A_0 {strides = array<i32>} : memref<10240xf32, #tpu.memory_space<vmem>>, vector<16xf32>,
    }
    %scan3A_48 = arith.constant 640 : i32
    %barrier3A = arith.constant 0 : index
    tpu.barrier barrier_id(%barrier3A)
    %get3A = arith.constant 0 : index
    %get3A_49 = tpu.vector_load %arg18[%get3A] {strides = array<i32>} : memref<16xf32, #tpu.memory_space<vmem>>, vector<16xf32>,
    %get3A_50 = arith.constant 0 : i32
    %get3A_51 = arith.index_cast %get3A_50 : i32 to index
    %get3A_52 = arith.constant 0 : index
    %get3A_53 = tpu.vector_load %arg12[%get3A_51, %get3A_52] {strides = array<i32>} : memref<250x80xi32, #tpu.memory_space<vmem>>, vector<16xi32>,
    %get3A_54 = arith.constant 0 : i32
    %get3A_55 = arith.index_cast %get3A_54 : i32 to index
    %get3A_56 = arith.constant 0 : index
    %get3A_57 = tpu.vector_load %arg13[%get3A_55, %get3A_56] {strides = array<i32>} : memref<250x80xi32, #tpu.memory_space<vmem>>, vector<16xi32>,
    %gather3A = tpu.vector_load_idx %arg10[%get3A_53] : memref<10240xf32, #tpu.memory_space<vmem>>[vector<16xi32>], vector<16xf32>,
    %gather3A_58 = tpu.vector_load_idx %arg11[%get3A_57] : memref<10240xf32, #tpu.memory_space<vmem>>[vector<16xi32>], vector<16xf32>,
    %add3A_59 = arith.addf %gather3A, %gather3A_58 : vector<16xf32>
    %ge3A = arith.constant 0.000000e+00 : f32
    %ge3A_60 = vector.broadcast %ge3A : f32 to vector<16xf32>
    %ge3A_61 = arith.cmpf oge, %add3A_59, %ge3A_60 : vector<16xf32>
    %mul3A_62 = arith.constant 2.000000e-01 : f32
    %mul3A_63 = vector.broadcast %mul3A_62 : f32 to vector<16xf32>
    %mul3A_64 = arith.mulf %mul3A_63, %add3A_59 : vector<16xf32>
    %select_n3A = arith.select %ge3A_61, %add3A_59, %mul3A_64 : vector<16xi1>, vector<16xf32>
    %add3A_65 = arith.addf %get3A_49, %gather3A_58 : vector<16xf32>
    %ge3A_66 = arith.constant 0.000000e+00 : f32
    %ge3A_67 = vector.broadcast %ge3A_66 : f32 to vector<16xf32>
    %ge3A_68 = arith.cmpf oge, %add3A_65, %ge3A_67 : vector<16xf32>
    %mul3A_69 = arith.constant 2.000000e-01 : f32
    %mul3A_70 = vector.broadcast %mul3A_69 : f32 to vector<16xf32>
    %mul3A_71 = arith.mulf %mul3A_70, %add3A_65 : vector<16xf32>
    %select_n3A_72 = arith.select %ge3A_68, %add3A_65, %mul3A_71 : vector<16xi1>, vector<16xf32>
    %sub3A = arith.subf %select_n3A, %select_n3A_72 : vector<16xf32>
    %exp3A = math.exp %sub3A : vector<16xf32>
    %swap3A = arith.constant 0 : i32
    %swap3A_73 = arith.index_cast %swap3A : i32 to index
    %swap3A_74 = arith.constant 0 : index
    %swap3A_75 = tpu.vector_load %arg15[%swap3A_73, %swap3A_74] {strides = array<i32>} : memref<2x80xf32, #tpu.memory_space<vmem>>, vector<16xf32>,
    tpu.vector_store %arg15[%swap3A_73, %swap3A_74], %exp3A {strides = array<i32>} : memref<2x80xf32, #tpu.memory_space<vmem>>, vector<16xf32>,
    tpu.vector_store_idx %arg17[%get3A_57], %exp3A {add = true} : memref<10240xf32, #tpu.memory_space<vmem>>[vector<16xi32>], vector<16xf32>,
    %mul3A_76 = arith.constant 2 : i32
    %mul3A_77 = vector.broadcast %mul3A_76 : i32 to vector<16xi32>
    %mul3A_78 = arith.muli %get3A_53, %mul3A_77 : vector<16xi32>
    %add3A_79 = vector.broadcast %arg0 : i32 to vector<16xi32>
    %add3A_80 = arith.addi %mul3A_78, %add3A_79 : vector<16xi32>
    %swap3A_81 = arith.constant 0 : i32
    %swap3A_82 = arith.index_cast %swap3A_81 : i32 to index
    %swap3A_83 = arith.constant 0 : index
    %swap3A_84 = tpu.vector_load %arg14[%swap3A_82, %swap3A_83] {strides = array<i32>} : memref<2x80xi32, #tpu.memory_space<vmem>>, vector<16xi32>,
    tpu.vector_store %arg14[%swap3A_82, %swap3A_83], %add3A_80 {strides = array<i32>} : memref<2x80xi32, #tpu.memory_space<vmem>>, vector<16xi32>,
    %get3A_85 = arith.constant 0 : i32
    %get3A_86 = arith.index_cast %get3A_85 : i32 to index
    %get3A_87 = arith.constant 16 : index
    %get3A_88 = tpu.vector_load %arg12[%get3A_86, %get3A_87] {strides = array<i32>} : memref<250x80xi32, #tpu.memory_space<vmem>>, vector<16xi32>,
    %get3A_89 = arith.constant 0 : i32
    %get3A_90 = arith.index_cast %get3A_89 : i32 to index
    %get3A_91 = arith.constant 16 : index
    %get3A_92 = tpu.vector_load %arg13[%get3A_90, %get3A_91] {strides = array<i32>} : memref<250x80xi32, #tpu.memory_space<vmem>>, vector<16xi32>,
    %gather3A_93 = tpu.vector_load_idx %arg10[%get3A_88] : memref<10240xf32, #tpu.memory_space<vmem>>[vector<16xi32>], vector<16xf32>,
    %gather3A_94 = tpu.vector_load_idx %arg11[%get3A_92] : memref<10240xf32, #tpu.memory_space<vmem>>[vector<16xi32>], vector<16xf32>,
    %add3A_95 = arith.addf %gather3A_93, %gather3A_94 : vector<16xf32>
    %ge3A_96 = arith.constant 0.000000e+00 : f32
    %ge3A_97 = vector.broadcast %ge3A_96 : f32 to vector<16xf32>
    %ge3A_98 = arith.cmpf oge, %add3A_95, %ge3A_97 : vector<16xf32>
    %mul3A_99 = arith.constant 2.000000e-01 : f32
    %mul3A_100 = vector.broadcast %mul3A_99 : f32 to vector<16xf32>
    %mul3A_101 = arith.mulf %mul3A_100, %add3A_95 : vector<16xf32>
    %select_n3A_102 = arith.select %ge3A_98, %add3A_95, %mul3A_101 : vector<16xi1>, vector<16xf32>
    %add3A_103 = arith.addf %get3A_49, %gather3A_94 : vector<16xf32>
    %ge3A_104 = arith.constant 0.000000e+00 : f32
    %ge3A_105 = vector.broadcast %ge3A_104 : f32 to vector<16xf32>
    %ge3A_106 = arith.cmpf oge, %add3A_103, %ge3A_105 : vector<16xf32>
    %mul3A_107 = arith.constant 2.000000e-01 : f32
    %mul3A_108 = vector.broadcast %mul3A_107 : f32 to vector<16xf32>
    %mul3A_109 = arith.mulf %mul3A_108, %add3A_103 : vector<16xf32>
    %select_n3A_110 = arith.select %ge3A_106, %add3A_103, %mul3A_109 : vector<16xi1>, vector<16xf32>
    %sub3A_111 = arith.subf %select_n3A_102, %select_n3A_110 : vector<16xf32>
    %exp3A_112 = math.exp %sub3A_111 : vector<16xf32>
    %swap3A_113 = arith.constant 0 : i32
    %swap3A_114 = arith.index_cast %swap3A_113 : i32 to index
    %swap3A_115 = arith.constant 16 : index
    %swap3A_116 = tpu.vector_load %arg15[%swap3A_114, %swap3A_115] {strides = array<i32>} : memref<2x80xf32, #tpu.memory_space<vmem>>, vector<16xf32>,
    tpu.vector_store %arg15[%swap3A_114, %swap3A_115], %exp3A_112 {strides = array<i32>} : memref<2x80xf32, #tpu.memory_space<vmem>>, vector<16xf32>,
    tpu.vector_store_idx %arg17[%get3A_92], %exp3A_112 {add = true} : memref<10240xf32, #tpu.memory_space<vmem>>[vector<16xi32>], vector<16xf32>,
    %mul3A_117 = arith.constant 2 : i32
    %mul3A_118 = vector.broadcast %mul3A_117 : i32 to vector<16xi32>
    %mul3A_119 = arith.muli %get3A_88, %mul3A_118 : vector<16xi32>
    %add3A_120 = vector.broadcast %arg0 : i32 to vector<16xi32>
    %add3A_121 = arith.addi %mul3A_119, %add3A_120 : vector<16xi32>
    %swap3A_122 = arith.constant 0 : i32
    %swap3A_123 = arith.index_cast %swap3A_122 : i32 to index
    %swap3A_124 = arith.constant 16 : index
    %swap3A_125 = tpu.vector_load %arg14[%swap3A_123, %swap3A_124] {strides = array<i32>} : memref<2x80xi32, #tpu.memory_space<vmem>>, vector<16xi32>,
    tpu.vector_store %arg14[%swap3A_123, %swap3A_124], %add3A_121 {strides = array<i32>} : memref<2x80xi32, #tpu.memory_space<vmem>>, vector<16xi32>,
    %get3A_126 = arith.constant 0 : i32
    %get3A_127 = arith.index_cast %get3A_126 : i32 to index
    %get3A_128 = arith.constant 32 : index
    %get3A_129 = tpu.vector_load %arg12[%get3A_127, %get3A_128] {strides = array<i32>} : memref<250x80xi32, #tpu.memory_space<vmem>>, vector<16xi32>,
    %get3A_130 = arith.constant 0 : i32
    %get3A_131 = arith.index_cast %get3A_130 : i32 to index
    %get3A_132 = arith.constant 32 : index
    %get3A_133 = tpu.vector_load %arg13[%get3A_131, %get3A_132] {strides = array<i32>} : memref<250x80xi32, #tpu.memory_space<vmem>>, vector<16xi32>,
    %gather3A_134 = tpu.vector_load_idx %arg10[%get3A_129] : memref<10240xf32, #tpu.memory_space<vmem>>[vector<16xi32>], vector<16xf32>,
    %gather3A_135 = tpu.vector_load_idx %arg11[%get3A_133] : memref<10240xf32, #tpu.memory_space<vmem>>[vector<16xi32>], vector<16xf32>,
    %add3A_136 = arith.addf %gather3A_134, %gather3A_135 : vector<16xf32>
    %ge3A_137 = arith.constant 0.000000e+00 : f32
    %ge3A_138 = vector.broadcast %ge3A_137 : f32 to vector<16xf32>
    %ge3A_139 = arith.cmpf oge, %add3A_136, %ge3A_138 : vector<16xf32>
    %mul3A_140 = arith.constant 2.000000e-01 : f32
    %mul3A_141 = vector.broadcast %mul3A_140 : f32 to vector<16xf32>
    %mul3A_142 = arith.mulf %mul3A_141, %add3A_136 : vector<16xf32>
    %select_n3A_143 = arith.select %ge3A_139, %add3A_136, %mul3A_142 : vector<16xi1>, vector<16xf32>
    %add3A_144 = arith.addf %get3A_49, %gather3A_135 : vector<16xf32>
    %ge3A_145 = arith.constant 0.000000e+00 : f32
    %ge3A_146 = vector.broadcast %ge3A_145 : f32 to vector<16xf32>
    %ge3A_147 = arith.cmpf oge, %add3A_144, %ge3A_146 : vector<16xf32>
    %mul3A_148 = arith.constant 2.000000e-01 : f32
    %mul3A_149 = vector.broadcast %mul3A_148 : f32 to vector<16xf32>
    %mul3A_150 = arith.mulf %mul3A_149, %add3A_144 : vector<16xf32>
    %select_n3A_151 = arith.select %ge3A_147, %add3A_144, %mul3A_150 : vector<16xi1>, vector<16xf32>
    %sub3A_152 = arith.subf %select_n3A_143, %select_n3A_151 : vector<16xf32>
    %exp3A_153 = math.exp %sub3A_152 : vector<16xf32>
    %swap3A_154 = arith.constant 0 : i32
    %swap3A_155 = arith.index_cast %swap3A_154 : i32 to index
    %swap3A_156 = arith.constant 32 : index
    %swap3A_157 = tpu.vector_load %arg15[%swap3A_155, %swap3A_156] {strides = array<i32>} : memref<2x80xf32, #tpu.memory_space<vmem>>, vector<16xf32>,
    tpu.vector_store %arg15[%swap3A_155, %swap3A_156], %exp3A_153 {strides = array<i32>} : memref<2x80xf32, #tpu.memory_space<vmem>>, vector<16xf32>,
    tpu.vector_store_idx %arg17[%get3A_133], %exp3A_153 {add = true} : memref<10240xf32, #tpu.memory_space<vmem>>[vector<16xi32>], vector<16xf32>,
    %mul3A_158 = arith.constant 2 : i32
    %mul3A_159 = vector.broadcast %mul3A_158 : i32 to vector<16xi32>
    %mul3A_160 = arith.muli %get3A_129, %mul3A_159 : vector<16xi32>
    %add3A_161 = vector.broadcast %arg0 : i32 to vector<16xi32>
    %add3A_162 = arith.addi %mul3A_160, %add3A_161 : vector<16xi32>
    %swap3A_163 = arith.constant 0 : i32
    %swap3A_164 = arith.index_cast %swap3A_163 : i32 to index
    %swap3A_165 = arith.constant 32 : index
    %swap3A_166 = tpu.vector_load %arg14[%swap3A_164, %swap3A_165] {strides = array<i32>} : memref<2x80xi32, #tpu.memory_space<vmem>>, vector<16xi32>,
    tpu.vector_store %arg14[%swap3A_164, %swap3A_165], %add3A_162 {strides = array<i32>} : memref<2x80xi32, #tpu.memory_space<vmem>>, vector<16xi32>,
    %get3A_167 = arith.constant 0 : i32
    %get3A_168 = arith.index_cast %get3A_167 : i32 to index
    %get3A_169 = arith.constant 48 : index
    %get3A_170 = tpu.vector_load %arg12[%get3A_168, %get3A_169] {strides = array<i32>} : memref<250x80xi32, #tpu.memory_space<vmem>>, vector<16xi32>,
    %get3A_171 = arith.constant 0 : i32
    %get3A_172 = arith.index_cast %get3A_171 : i32 to index
    %get3A_173 = arith.constant 48 : index
    %get3A_174 = tpu.vector_load %arg13[%get3A_172, %get3A_173] {strides = array<i32>} : memref<250x80xi32, #tpu.memory_space<vmem>>, vector<16xi32>,
    %gather3A_175 = tpu.vector_load_idx %arg10[%get3A_170] : memref<10240xf32, #tpu.memory_space<vmem>>[vector<16xi32>], vector<16xf32>,
    %gather3A_176 = tpu.vector_load_idx %arg11[%get3A_174] : memref<10240xf32, #tpu.memory_space<vmem>>[vector<16xi32>], vector<16xf32>,
    %add3A_177 = arith.addf %gather3A_175, %gather3A_176 : vector<16xf32>
    %ge3A_178 = arith.constant 0.000000e+00 : f32
    %ge3A_179 = vector.broadcast %ge3A_178 : f32 to vector<16xf32>
    %ge3A_180 = arith.cmpf oge, %add3A_177, %ge3A_179 : vector<16xf32>
    %mul3A_181 = arith.constant 2.000000e-01 : f32
    %mul3A_182 = vector.broadcast %mul3A_181 : f32 to vector<16xf32>
    %mul3A_183 = arith.mulf %mul3A_182, %add3A_177 : vector<16xf32>
    %select_n3A_184 = arith.select %ge3A_180, %add3A_177, %mul3A_183 : vector<16xi1>, vector<16xf32>
    %add3A_185 = arith.addf %get3A_49, %gather3A_176 : vector<16xf32>
    %ge3A_186 = arith.constant 0.000000e+00 : f32
    %ge3A_187 = vector.broadcast %ge3A_186 : f32 to vector<16xf32>
    %ge3A_188 = arith.cmpf oge, %add3A_185, %ge3A_187 : vector<16xf32>
    %mul3A_189 = arith.constant 2.000000e-01 : f32
    %mul3A_190 = vector.broadcast %mul3A_189 : f32 to vector<16xf32>
    %mul3A_191 = arith.mulf %mul3A_190, %add3A_185 : vector<16xf32>
    %select_n3A_192 = arith.select %ge3A_188, %add3A_185, %mul3A_191 : vector<16xi1>, vector<16xf32>
    %sub3A_193 = arith.subf %select_n3A_184, %select_n3A_192 : vector<16xf32>
    %exp3A_194 = math.exp %sub3A_193 : vector<16xf32>
    %swap3A_195 = arith.constant 0 : i32
    %swap3A_196 = arith.index_cast %swap3A_195 : i32 to index
    %swap3A_197 = arith.constant 48 : index
    %swap3A_198 = tpu.vector_load %arg15[%swap3A_196, %swap3A_197] {strides = array<i32>} : memref<2x80xf32, #tpu.memory_space<vmem>>, vector<16xf32>,
    tpu.vector_store %arg15[%swap3A_196, %swap3A_197], %exp3A_194 {strides = array<i32>} : memref<2x80xf32, #tpu.memory_space<vmem>>, vector<16xf32>,
    tpu.vector_store_idx %arg17[%get3A_174], %exp3A_194 {add = true} : memref<10240xf32, #tpu.memory_space<vmem>>[vector<16xi32>], vector<16xf32>,
    %mul3A_199 = arith.constant 2 : i32
    %mul3A_200 = vector.broadcast %mul3A_199 : i32 to vector<16xi32>
    %mul3A_201 = arith.muli %get3A_170, %mul3A_200 : vector<16xi32>
    %add3A_202 = vector.broadcast %arg0 : i32 to vector<16xi32>
    %add3A_203 = arith.addi %mul3A_201, %add3A_202 : vector<16xi32>
    %swap3A_204 = arith.constant 0 : i32
    %swap3A_205 = arith.index_cast %swap3A_204 : i32 to index
    %swap3A_206 = arith.constant 48 : index
    %swap3A_207 = tpu.vector_load %arg14[%swap3A_205, %swap3A_206] {strides = array<i32>} : memref<2x80xi32, #tpu.memory_space<vmem>>, vector<16xi32>,
    tpu.vector_store %arg14[%swap3A_205, %swap3A_206], %add3A_203 {strides = array<i32>} : memref<2x80xi32, #tpu.memory_space<vmem>>, vector<16xi32>,
    %get3A_208 = arith.constant 0 : i32
    %get3A_209 = arith.index_cast %get3A_208 : i32 to index
    %get3A_210 = arith.constant 64 : index
    %get3A_211 = tpu.vector_load %arg12[%get3A_209, %get3A_210] {strides = array<i32>} : memref<250x80xi32, #tpu.memory_space<vmem>>, vector<16xi32>,
    %get3A_212 = arith.constant 0 : i32
    %get3A_213 = arith.index_cast %get3A_212 : i32 to index
    %get3A_214 = arith.constant 64 : index
    %get3A_215 = tpu.vector_load %arg13[%get3A_213, %get3A_214] {strides = array<i32>} : memref<250x80xi32, #tpu.memory_space<vmem>>, vector<16xi32>,
    %gather3A_216 = tpu.vector_load_idx %arg10[%get3A_211] : memref<10240xf32, #tpu.memory_space<vmem>>[vector<16xi32>], vector<16xf32>,
    %gather3A_217 = tpu.vector_load_idx %arg11[%get3A_215] : memref<10240xf32, #tpu.memory_space<vmem>>[vector<16xi32>], vector<16xf32>,
    %add3A_218 = arith.addf %gather3A_216, %gather3A_217 : vector<16xf32>
    %ge3A_219 = arith.constant 0.000000e+00 : f32
    %ge3A_220 = vector.broadcast %ge3A_219 : f32 to vector<16xf32>
    %ge3A_221 = arith.cmpf oge, %add3A_218, %ge3A_220 : vector<16xf32>
    %mul3A_222 = arith.constant 2.000000e-01 : f32
    %mul3A_223 = vector.broadcast %mul3A_222 : f32 to vector<16xf32>
    %mul3A_224 = arith.mulf %mul3A_223, %add3A_218 : vector<16xf32>
    %select_n3A_225 = arith.select %ge3A_221, %add3A_218, %mul3A_224 : vector<16xi1>, vector<16xf32>
    %add3A_226 = arith.addf %get3A_49, %gather3A_217 : vector<16xf32>
    %ge3A_227 = arith.constant 0.000000e+00 : f32
    %ge3A_228 = vector.broadcast %ge3A_227 : f32 to vector<16xf32>
    %ge3A_229 = arith.cmpf oge, %add3A_226, %ge3A_228 : vector<16xf32>
    %mul3A_230 = arith.constant 2.000000e-01 : f32
    %mul3A_231 = vector.broadcast %mul3A_230 : f32 to vector<16xf32>
    %mul3A_232 = arith.mulf %mul3A_231, %add3A_226 : vector<16xf32>
    %select_n3A_233 = arith.select %ge3A_229, %add3A_226, %mul3A_232 : vector<16xi1>, vector<16xf32>
    %sub3A_234 = arith.subf %select_n3A_225, %select_n3A_233 : vector<16xf32>
    %exp3A_235 = math.exp %sub3A_234 : vector<16xf32>
    %swap3A_236 = arith.constant 0 : i32
    %swap3A_237 = arith.index_cast %swap3A_236 : i32 to index
    %swap3A_238 = arith.constant 64 : index
    %swap3A_239 = tpu.vector_load %arg15[%swap3A_237, %swap3A_238] {strides = array<i32>} : memref<2x80xf32, #tpu.memory_space<vmem>>, vector<16xf32>,
    tpu.vector_store %arg15[%swap3A_237, %swap3A_238], %exp3A_235 {strides = array<i32>} : memref<2x80xf32, #tpu.memory_space<vmem>>, vector<16xf32>,
    tpu.vector_store_idx %arg17[%get3A_215], %exp3A_235 {add = true} : memref<10240xf32, #tpu.memory_space<vmem>>[vector<16xi32>], vector<16xf32>,
    %mul3A_240 = arith.constant 2 : i32
    %mul3A_241 = vector.broadcast %mul3A_240 : i32 to vector<16xi32>
    %mul3A_242 = arith.muli %get3A_211, %mul3A_241 : vector<16xi32>
    %add3A_243 = vector.broadcast %arg0 : i32 to vector<16xi32>
    %add3A_244 = arith.addi %mul3A_242, %add3A_243 : vector<16xi32>
    %swap3A_245 = arith.constant 0 : i32
    %swap3A_246 = arith.index_cast %swap3A_245 : i32 to index
    %swap3A_247 = arith.constant 64 : index
    %swap3A_248 = tpu.vector_load %arg14[%swap3A_246, %swap3A_247] {strides = array<i32>} : memref<2x80xi32, #tpu.memory_space<vmem>>, vector<16xi32>,
    tpu.vector_store %arg14[%swap3A_246, %swap3A_247], %add3A_244 {strides = array<i32>} : memref<2x80xi32, #tpu.memory_space<vmem>>, vector<16xi32>,
    %dma_start3A = arith.constant 0 : i32
    %dma_start3A_249 = arith.constant 0 : i32
    %dma_start3A_250 = arith.constant 0 : i32
    %dma_start3A_251 = arith.constant 0 : i32
    %dma_start3A_252 = tpu.memref_slice %arg16[%dma_start3A_249, %dma_start3A_250, %dma_start3A_251] : memref<2x80x64xf32, #tpu.memory_space<vmem>> -> memref<1x80x64xf32, #tpu.memory_space<vmem>>
    %dma_start3A_253 = tpu.memref_squeeze %dma_start3A_252 : memref<1x80x64xf32, #tpu.memory_space<vmem>> -> memref<80x64xf32, #tpu.memory_space<vmem>>
    %dma_start3A_254 = arith.constant 0 : i32
    %dma_start3A_255 = tpu.memref_slice %arg14[%dma_start3A, %dma_start3A_254] : memref<2x80xi32, #tpu.memory_space<vmem>> -> memref<1x80xi32, #tpu.memory_space<vmem>>
    %dma_start3A_256 = tpu.memref_squeeze %dma_start3A_255 : memref<1x80xi32, #tpu.memory_space<vmem>> -> memref<80xi32, #tpu.memory_space<vmem>>
    %dma_start3A_257 = arith.constant 0 : i32
    %dma_start3A_258 = arith.constant 0 : i32
    %dma_start3A_259 = tpu.memref_slice %arg2[%dma_start3A_257, %dma_start3A_258] : memref<20480x64xf32, #tpu.memory_space<hbm>> -> memref<20480x64xf32, #tpu.memory_space<hbm>>
    tpu.enqueue_indirect_dma source(%dma_start3A_259 : memref<20480x64xf32, #tpu.memory_space<hbm>>) target(%dma_start3A_253 : memref<80x64xf32, #tpu.memory_space<vmem>>) offsets(%dma_start3A_256 : memref<80xi32, #tpu.memory_space<vmem>>) semaphore(%arg20 : memref<!tpu.dma_semaphore, #tpu.memory_space<semaphore_mem>>)
    %scan3A_260 = arith.constant 0 : i32
    %scan3A_261 = arith.constant 0 : i32
    %scan3A_262 = arith.constant 250 : i32
    %scan3A_263 = arith.addi %scan3A_261, %scan3A_262 : i32
    %scan3A_264 = arith.constant 1 : i32
    scf.for %scan3A_284 = %scan3A_261 to %scan3A_263 step %scan3A_264  : i32 {
      %jit3A = arith.constant 2 : i32
      %eq3A_285 = arith.constant 0 : i32
      %eq3A_286 = arith.cmpi eq, %jit3A, %eq3A_285 : i32
      %jit3A_287 = arith.constant 1 : i32
      %select_n3A_288 = arith.select %eq3A_286, %jit3A_287, %jit3A : i32
      %rem3A = arith.remsi %scan3A_284, %select_n3A_288 : i32
      %ne3A = arith.constant 0 : i32
      %ne3A_289 = arith.cmpi ne, %rem3A, %ne3A : i32
      %lt3A = arith.constant 0 : i32
      %lt3A_290 = arith.cmpi slt, %rem3A, %lt3A : i32
      %lt3A_291 = arith.constant 0 : i32
      %lt3A_292 = arith.cmpi slt, %select_n3A_288, %lt3A_291 : i32
      %ne3A_293 = arith.xori %lt3A_290, %lt3A_292 : i1
      %and3A = arith.andi %ne3A_293, %ne3A_289 : i1
      %add3A_294 = arith.addi %rem3A, %select_n3A_288 : i32
      %select_n3A_295 = arith.select %and3A, %add3A_294, %rem3A : i32
      %sub3A_296 = arith.constant 1 : i32
      %sub3A_297 = arith.subi %sub3A_296, %select_n3A_295 : i32
      %dma_wait3A_298 = arith.constant 0 : i32
      %dma_wait3A_299 = arith.constant 0 : i32
      %dma_wait3A_300 = tpu.memref_slice %arg16[%select_n3A_295, %dma_wait3A_298, %dma_wait3A_299] : memref<2x80x64xf32, #tpu.memory_space<vmem>> -> memref<1x80x64xf32, #tpu.memory_space<vmem>>
      %dma_wait3A_301 = tpu.memref_squeeze %dma_wait3A_300 : memref<1x80x64xf32, #tpu.memory_space<vmem>> -> memref<80x64xf32, #tpu.memory_space<vmem>>
      %dma_wait3A_302 = arith.constant 0 : i32
      %dma_wait3A_303 = tpu.memref_slice %arg14[%select_n3A_295, %dma_wait3A_302] : memref<2x80xi32, #tpu.memory_space<vmem>> -> memref<1x80xi32, #tpu.memory_space<vmem>>
      %dma_wait3A_304 = tpu.memref_squeeze %dma_wait3A_303 : memref<1x80xi32, #tpu.memory_space<vmem>> -> memref<80xi32, #tpu.memory_space<vmem>>
      %dma_wait3A_305 = arith.constant 0 : i32
      %dma_wait3A_306 = arith.constant 0 : i32
      %dma_wait3A_307 = tpu.memref_slice %arg2[%dma_wait3A_305, %dma_wait3A_306] : memref<20480x64xf32, #tpu.memory_space<hbm>> -> memref<20480x64xf32, #tpu.memory_space<hbm>>
      tpu.wait_indirect_dma semaphore(%arg20 : memref<!tpu.dma_semaphore, #tpu.memory_space<semaphore_mem>>) src(%dma_wait3A_307 : memref<20480x64xf32, #tpu.memory_space<hbm>>) dst(%dma_wait3A_301 : memref<80x64xf32, #tpu.memory_space<vmem>>)
      %gt3A = arith.constant 0 : i32
      %gt3A_308 = arith.cmpi sgt, %scan3A_284, %gt3A : i32
      %convert_element_type3A_309 = arith.extui %gt3A_308 : i1 to i32
      %cond3A_310 = arith.constant 0 : i32
      %cond3A_311 = arith.cmpi ne, %convert_element_type3A_309, %cond3A_310 : i32
      scf.if %cond3A_311 {
        %sub3A_331 = arith.constant 1 : i32
        %sub3A_332 = arith.subi %scan3A_284, %sub3A_331 : i32
        %dma_wait3A_333 = arith.constant 0 : i32
        %dma_wait3A_334 = arith.constant 0 : i32
        %dma_wait3A_335 = tpu.memref_slice %arg16[%sub3A_297, %dma_wait3A_333, %dma_wait3A_334] : memref<2x80x64xf32, #tpu.memory_space<vmem>> -> memref<1x80x64xf32, #tpu.memory_space<vmem>>
        %dma_wait3A_336 = tpu.memref_squeeze %dma_wait3A_335 : memref<1x80x64xf32, #tpu.memory_space<vmem>> -> memref<80x64xf32, #tpu.memory_space<vmem>>
        %dma_wait3A_337 = arith.constant 0 : i32
        %dma_wait3A_338 = tpu.memref_slice %arg13[%sub3A_332, %dma_wait3A_337] : memref<250x80xi32, #tpu.memory_space<vmem>> -> memref<1x80xi32, #tpu.memory_space<vmem>>
        %dma_wait3A_339 = tpu.memref_squeeze %dma_wait3A_338 : memref<1x80xi32, #tpu.memory_space<vmem>> -> memref<80xi32, #tpu.memory_space<vmem>>
        %dma_wait3A_340 = arith.constant 0 : i32
        %dma_wait3A_341 = arith.constant 0 : i32
        %dma_wait3A_342 = tpu.memref_slice %arg19[%dma_wait3A_340, %dma_wait3A_341] : memref<10240x64xf32, #tpu.memory_space<vmem_shared>> -> memref<10240x64xf32, #tpu.memory_space<vmem_shared>>
        tpu.wait_indirect_dma semaphore(%arg21 : memref<!tpu.dma_semaphore, #tpu.memory_space<semaphore_mem>>) src(%dma_wait3A_336 : memref<80x64xf32, #tpu.memory_space<vmem>>) dst(%dma_wait3A_342 : memref<10240x64xf32, #tpu.memory_space<vmem_shared>>)
      } else {
      }
      %add3A_312 = arith.constant 1 : i32
      %add3A_313 = arith.addi %scan3A_284, %add3A_312 : i32
      %lt3A_314 = arith.constant 250 : i32
      %lt3A_315 = arith.cmpi slt, %add3A_313, %lt3A_314 : i32
      %convert_element_type3A_316 = arith.extui %lt3A_315 : i1 to i32
      %cond3A_317 = arith.constant 0 : i32
      %cond3A_318 = arith.cmpi ne, %convert_element_type3A_316, %cond3A_317 : i32
      scf.if %cond3A_318 {
        %add3A_331 = arith.constant 1 : i32
        %add3A_332 = arith.addi %scan3A_284, %add3A_331 : i32
        %get3A_333 = arith.index_cast %add3A_332 : i32 to index
        %get3A_334 = arith.constant 0 : index
        %get3A_335 = tpu.vector_load %arg12[%get3A_333, %get3A_334] {strides = array<i32>} : memref<250x80xi32, #tpu.memory_space<vmem>>, vector<16xi32>,
        %get3A_336 = arith.index_cast %add3A_332 : i32 to index
        %get3A_337 = arith.constant 0 : index
        %get3A_338 = tpu.vector_load %arg13[%get3A_336, %get3A_337] {strides = array<i32>} : memref<250x80xi32, #tpu.memory_space<vmem>>, vector<16xi32>,
        %gather3A_339 = tpu.vector_load_idx %arg10[%get3A_335] : memref<10240xf32, #tpu.memory_space<vmem>>[vector<16xi32>], vector<16xf32>,
        %gather3A_340 = tpu.vector_load_idx %arg11[%get3A_338] : memref<10240xf32, #tpu.memory_space<vmem>>[vector<16xi32>], vector<16xf32>,
        %add3A_341 = arith.addf %gather3A_339, %gather3A_340 : vector<16xf32>
        %ge3A_342 = arith.constant 0.000000e+00 : f32
        %ge3A_343 = vector.broadcast %ge3A_342 : f32 to vector<16xf32>
        %ge3A_344 = arith.cmpf oge, %add3A_341, %ge3A_343 : vector<16xf32>
        %mul3A_345 = arith.constant 2.000000e-01 : f32
        %mul3A_346 = vector.broadcast %mul3A_345 : f32 to vector<16xf32>
        %mul3A_347 = arith.mulf %mul3A_346, %add3A_341 : vector<16xf32>
        %select_n3A_348 = arith.select %ge3A_344, %add3A_341, %mul3A_347 : vector<16xi1>, vector<16xf32>
        %add3A_349 = arith.addf %get3A_49, %gather3A_340 : vector<16xf32>
        %ge3A_350 = arith.constant 0.000000e+00 : f32
        %ge3A_351 = vector.broadcast %ge3A_350 : f32 to vector<16xf32>
        %ge3A_352 = arith.cmpf oge, %add3A_349, %ge3A_351 : vector<16xf32>
        %mul3A_353 = arith.constant 2.000000e-01 : f32
        %mul3A_354 = vector.broadcast %mul3A_353 : f32 to vector<16xf32>
        %mul3A_355 = arith.mulf %mul3A_354, %add3A_349 : vector<16xf32>
        %select_n3A_356 = arith.select %ge3A_352, %add3A_349, %mul3A_355 : vector<16xi1>, vector<16xf32>
        %sub3A_357 = arith.subf %select_n3A_348, %select_n3A_356 : vector<16xf32>
        %exp3A_358 = math.exp %sub3A_357 : vector<16xf32>
        %swap3A_359 = arith.index_cast %sub3A_297 : i32 to index
        %swap3A_360 = arith.constant 0 : index
        %swap3A_361 = tpu.vector_load %arg15[%swap3A_359, %swap3A_360] {strides = array<i32>} : memref<2x80xf32, #tpu.memory_space<vmem>>, vector<16xf32>,
        tpu.vector_store %arg15[%swap3A_359, %swap3A_360], %exp3A_358 {strides = array<i32>} : memref<2x80xf32, #tpu.memory_space<vmem>>, vector<16xf32>,
        tpu.vector_store_idx %arg17[%get3A_338], %exp3A_358 {add = true} : memref<10240xf32, #tpu.memory_space<vmem>>[vector<16xi32>], vector<16xf32>,
        %mul3A_362 = arith.constant 2 : i32
        %mul3A_363 = vector.broadcast %mul3A_362 : i32 to vector<16xi32>
        %mul3A_364 = arith.muli %get3A_335, %mul3A_363 : vector<16xi32>
        %add3A_365 = vector.broadcast %arg0 : i32 to vector<16xi32>
        %add3A_366 = arith.addi %mul3A_364, %add3A_365 : vector<16xi32>
        %swap3A_367 = arith.index_cast %sub3A_297 : i32 to index
        %swap3A_368 = arith.constant 0 : index
        %swap3A_369 = tpu.vector_load %arg14[%swap3A_367, %swap3A_368] {strides = array<i32>} : memref<2x80xi32, #tpu.memory_space<vmem>>, vector<16xi32>,
        tpu.vector_store %arg14[%swap3A_367, %swap3A_368], %add3A_366 {strides = array<i32>} : memref<2x80xi32, #tpu.memory_space<vmem>>, vector<16xi32>,
        %get3A_370 = arith.index_cast %add3A_332 : i32 to index
        %get3A_371 = arith.constant 16 : index
        %get3A_372 = tpu.vector_load %arg12[%get3A_370, %get3A_371] {strides = array<i32>} : memref<250x80xi32, #tpu.memory_space<vmem>>, vector<16xi32>,
        %get3A_373 = arith.index_cast %add3A_332 : i32 to index
        %get3A_374 = arith.constant 16 : index
        %get3A_375 = tpu.vector_load %arg13[%get3A_373, %get3A_374] {strides = array<i32>} : memref<250x80xi32, #tpu.memory_space<vmem>>, vector<16xi32>,
        %gather3A_376 = tpu.vector_load_idx %arg10[%get3A_372] : memref<10240xf32, #tpu.memory_space<vmem>>[vector<16xi32>], vector<16xf32>,
        %gather3A_377 = tpu.vector_load_idx %arg11[%get3A_375] : memref<10240xf32, #tpu.memory_space<vmem>>[vector<16xi32>], vector<16xf32>,
        %add3A_378 = arith.addf %gather3A_376, %gather3A_377 : vector<16xf32>
        %ge3A_379 = arith.constant 0.000000e+00 : f32
        %ge3A_380 = vector.broadcast %ge3A_379 : f32 to vector<16xf32>
        %ge3A_381 = arith.cmpf oge, %add3A_378, %ge3A_380 : vector<16xf32>
        %mul3A_382 = arith.constant 2.000000e-01 : f32
        %mul3A_383 = vector.broadcast %mul3A_382 : f32 to vector<16xf32>
        %mul3A_384 = arith.mulf %mul3A_383, %add3A_378 : vector<16xf32>
        %select_n3A_385 = arith.select %ge3A_381, %add3A_378, %mul3A_384 : vector<16xi1>, vector<16xf32>
        %add3A_386 = arith.addf %get3A_49, %gather3A_377 : vector<16xf32>
        %ge3A_387 = arith.constant 0.000000e+00 : f32
        %ge3A_388 = vector.broadcast %ge3A_387 : f32 to vector<16xf32>
        %ge3A_389 = arith.cmpf oge, %add3A_386, %ge3A_388 : vector<16xf32>
        %mul3A_390 = arith.constant 2.000000e-01 : f32
        %mul3A_391 = vector.broadcast %mul3A_390 : f32 to vector<16xf32>
        %mul3A_392 = arith.mulf %mul3A_391, %add3A_386 : vector<16xf32>
        %select_n3A_393 = arith.select %ge3A_389, %add3A_386, %mul3A_392 : vector<16xi1>, vector<16xf32>
        %sub3A_394 = arith.subf %select_n3A_385, %select_n3A_393 : vector<16xf32>
        %exp3A_395 = math.exp %sub3A_394 : vector<16xf32>
        %swap3A_396 = arith.index_cast %sub3A_297 : i32 to index
        %swap3A_397 = arith.constant 16 : index
        %swap3A_398 = tpu.vector_load %arg15[%swap3A_396, %swap3A_397] {strides = array<i32>} : memref<2x80xf32, #tpu.memory_space<vmem>>, vector<16xf32>,
        tpu.vector_store %arg15[%swap3A_396, %swap3A_397], %exp3A_395 {strides = array<i32>} : memref<2x80xf32, #tpu.memory_space<vmem>>, vector<16xf32>,
        tpu.vector_store_idx %arg17[%get3A_375], %exp3A_395 {add = true} : memref<10240xf32, #tpu.memory_space<vmem>>[vector<16xi32>], vector<16xf32>,
        %mul3A_399 = arith.constant 2 : i32
        %mul3A_400 = vector.broadcast %mul3A_399 : i32 to vector<16xi32>
        %mul3A_401 = arith.muli %get3A_372, %mul3A_400 : vector<16xi32>
        %add3A_402 = vector.broadcast %arg0 : i32 to vector<16xi32>
        %add3A_403 = arith.addi %mul3A_401, %add3A_402 : vector<16xi32>
        %swap3A_404 = arith.index_cast %sub3A_297 : i32 to index
        %swap3A_405 = arith.constant 16 : index
        %swap3A_406 = tpu.vector_load %arg14[%swap3A_404, %swap3A_405] {strides = array<i32>} : memref<2x80xi32, #tpu.memory_space<vmem>>, vector<16xi32>,
        tpu.vector_store %arg14[%swap3A_404, %swap3A_405], %add3A_403 {strides = array<i32>} : memref<2x80xi32, #tpu.memory_space<vmem>>, vector<16xi32>,
        %get3A_407 = arith.index_cast %add3A_332 : i32 to index
        %get3A_408 = arith.constant 32 : index
        %get3A_409 = tpu.vector_load %arg12[%get3A_407, %get3A_408] {strides = array<i32>} : memref<250x80xi32, #tpu.memory_space<vmem>>, vector<16xi32>,
        %get3A_410 = arith.index_cast %add3A_332 : i32 to index
        %get3A_411 = arith.constant 32 : index
        %get3A_412 = tpu.vector_load %arg13[%get3A_410, %get3A_411] {strides = array<i32>} : memref<250x80xi32, #tpu.memory_space<vmem>>, vector<16xi32>,
        %gather3A_413 = tpu.vector_load_idx %arg10[%get3A_409] : memref<10240xf32, #tpu.memory_space<vmem>>[vector<16xi32>], vector<16xf32>,
        %gather3A_414 = tpu.vector_load_idx %arg11[%get3A_412] : memref<10240xf32, #tpu.memory_space<vmem>>[vector<16xi32>], vector<16xf32>,
        %add3A_415 = arith.addf %gather3A_413, %gather3A_414 : vector<16xf32>
        %ge3A_416 = arith.constant 0.000000e+00 : f32
        %ge3A_417 = vector.broadcast %ge3A_416 : f32 to vector<16xf32>
        %ge3A_418 = arith.cmpf oge, %add3A_415, %ge3A_417 : vector<16xf32>
        %mul3A_419 = arith.constant 2.000000e-01 : f32
        %mul3A_420 = vector.broadcast %mul3A_419 : f32 to vector<16xf32>
        %mul3A_421 = arith.mulf %mul3A_420, %add3A_415 : vector<16xf32>
        %select_n3A_422 = arith.select %ge3A_418, %add3A_415, %mul3A_421 : vector<16xi1>, vector<16xf32>
        %add3A_423 = arith.addf %get3A_49, %gather3A_414 : vector<16xf32>
        %ge3A_424 = arith.constant 0.000000e+00 : f32
        %ge3A_425 = vector.broadcast %ge3A_424 : f32 to vector<16xf32>
        %ge3A_426 = arith.cmpf oge, %add3A_423, %ge3A_425 : vector<16xf32>
        %mul3A_427 = arith.constant 2.000000e-01 : f32
        %mul3A_428 = vector.broadcast %mul3A_427 : f32 to vector<16xf32>
        %mul3A_429 = arith.mulf %mul3A_428, %add3A_423 : vector<16xf32>
        %select_n3A_430 = arith.select %ge3A_426, %add3A_423, %mul3A_429 : vector<16xi1>, vector<16xf32>
        %sub3A_431 = arith.subf %select_n3A_422, %select_n3A_430 : vector<16xf32>
        %exp3A_432 = math.exp %sub3A_431 : vector<16xf32>
        %swap3A_433 = arith.index_cast %sub3A_297 : i32 to index
        %swap3A_434 = arith.constant 32 : index
        %swap3A_435 = tpu.vector_load %arg15[%swap3A_433, %swap3A_434] {strides = array<i32>} : memref<2x80xf32, #tpu.memory_space<vmem>>, vector<16xf32>,
        tpu.vector_store %arg15[%swap3A_433, %swap3A_434], %exp3A_432 {strides = array<i32>} : memref<2x80xf32, #tpu.memory_space<vmem>>, vector<16xf32>,
        tpu.vector_store_idx %arg17[%get3A_412], %exp3A_432 {add = true} : memref<10240xf32, #tpu.memory_space<vmem>>[vector<16xi32>], vector<16xf32>,
        %mul3A_436 = arith.constant 2 : i32
        %mul3A_437 = vector.broadcast %mul3A_436 : i32 to vector<16xi32>
        %mul3A_438 = arith.muli %get3A_409, %mul3A_437 : vector<16xi32>
        %add3A_439 = vector.broadcast %arg0 : i32 to vector<16xi32>
        %add3A_440 = arith.addi %mul3A_438, %add3A_439 : vector<16xi32>
        %swap3A_441 = arith.index_cast %sub3A_297 : i32 to index
        %swap3A_442 = arith.constant 32 : index
        %swap3A_443 = tpu.vector_load %arg14[%swap3A_441, %swap3A_442] {strides = array<i32>} : memref<2x80xi32, #tpu.memory_space<vmem>>, vector<16xi32>,
        tpu.vector_store %arg14[%swap3A_441, %swap3A_442], %add3A_440 {strides = array<i32>} : memref<2x80xi32, #tpu.memory_space<vmem>>, vector<16xi32>,
        %get3A_444 = arith.index_cast %add3A_332 : i32 to index
        %get3A_445 = arith.constant 48 : index
        %get3A_446 = tpu.vector_load %arg12[%get3A_444, %get3A_445] {strides = array<i32>} : memref<250x80xi32, #tpu.memory_space<vmem>>, vector<16xi32>,
        %get3A_447 = arith.index_cast %add3A_332 : i32 to index
        %get3A_448 = arith.constant 48 : index
        %get3A_449 = tpu.vector_load %arg13[%get3A_447, %get3A_448] {strides = array<i32>} : memref<250x80xi32, #tpu.memory_space<vmem>>, vector<16xi32>,
        %gather3A_450 = tpu.vector_load_idx %arg10[%get3A_446] : memref<10240xf32, #tpu.memory_space<vmem>>[vector<16xi32>], vector<16xf32>,
        %gather3A_451 = tpu.vector_load_idx %arg11[%get3A_449] : memref<10240xf32, #tpu.memory_space<vmem>>[vector<16xi32>], vector<16xf32>,
        %add3A_452 = arith.addf %gather3A_450, %gather3A_451 : vector<16xf32>
        %ge3A_453 = arith.constant 0.000000e+00 : f32
        %ge3A_454 = vector.broadcast %ge3A_453 : f32 to vector<16xf32>
        %ge3A_455 = arith.cmpf oge, %add3A_452, %ge3A_454 : vector<16xf32>
        %mul3A_456 = arith.constant 2.000000e-01 : f32
        %mul3A_457 = vector.broadcast %mul3A_456 : f32 to vector<16xf32>
        %mul3A_458 = arith.mulf %mul3A_457, %add3A_452 : vector<16xf32>
        %select_n3A_459 = arith.select %ge3A_455, %add3A_452, %mul3A_458 : vector<16xi1>, vector<16xf32>
        %add3A_460 = arith.addf %get3A_49, %gather3A_451 : vector<16xf32>
        %ge3A_461 = arith.constant 0.000000e+00 : f32
        %ge3A_462 = vector.broadcast %ge3A_461 : f32 to vector<16xf32>
        %ge3A_463 = arith.cmpf oge, %add3A_460, %ge3A_462 : vector<16xf32>
        %mul3A_464 = arith.constant 2.000000e-01 : f32
        %mul3A_465 = vector.broadcast %mul3A_464 : f32 to vector<16xf32>
        %mul3A_466 = arith.mulf %mul3A_465, %add3A_460 : vector<16xf32>
        %select_n3A_467 = arith.select %ge3A_463, %add3A_460, %mul3A_466 : vector<16xi1>, vector<16xf32>
        %sub3A_468 = arith.subf %select_n3A_459, %select_n3A_467 : vector<16xf32>
        %exp3A_469 = math.exp %sub3A_468 : vector<16xf32>
        %swap3A_470 = arith.index_cast %sub3A_297 : i32 to index
        %swap3A_471 = arith.constant 48 : index
        %swap3A_472 = tpu.vector_load %arg15[%swap3A_470, %swap3A_471] {strides = array<i32>} : memref<2x80xf32, #tpu.memory_space<vmem>>, vector<16xf32>,
        tpu.vector_store %arg15[%swap3A_470, %swap3A_471], %exp3A_469 {strides = array<i32>} : memref<2x80xf32, #tpu.memory_space<vmem>>, vector<16xf32>,
        tpu.vector_store_idx %arg17[%get3A_449], %exp3A_469 {add = true} : memref<10240xf32, #tpu.memory_space<vmem>>[vector<16xi32>], vector<16xf32>,
        %mul3A_473 = arith.constant 2 : i32
        %mul3A_474 = vector.broadcast %mul3A_473 : i32 to vector<16xi32>
        %mul3A_475 = arith.muli %get3A_446, %mul3A_474 : vector<16xi32>
        %add3A_476 = vector.broadcast %arg0 : i32 to vector<16xi32>
        %add3A_477 = arith.addi %mul3A_475, %add3A_476 : vector<16xi32>
        %swap3A_478 = arith.index_cast %sub3A_297 : i32 to index
        %swap3A_479 = arith.constant 48 : index
        %swap3A_480 = tpu.vector_load %arg14[%swap3A_478, %swap3A_479] {strides = array<i32>} : memref<2x80xi32, #tpu.memory_space<vmem>>, vector<16xi32>,
        tpu.vector_store %arg14[%swap3A_478, %swap3A_479], %add3A_477 {strides = array<i32>} : memref<2x80xi32, #tpu.memory_space<vmem>>, vector<16xi32>,
        %get3A_481 = arith.index_cast %add3A_332 : i32 to index
        %get3A_482 = arith.constant 64 : index
        %get3A_483 = tpu.vector_load %arg12[%get3A_481, %get3A_482] {strides = array<i32>} : memref<250x80xi32, #tpu.memory_space<vmem>>, vector<16xi32>,
        %get3A_484 = arith.index_cast %add3A_332 : i32 to index
        %get3A_485 = arith.constant 64 : index
        %get3A_486 = tpu.vector_load %arg13[%get3A_484, %get3A_485] {strides = array<i32>} : memref<250x80xi32, #tpu.memory_space<vmem>>, vector<16xi32>,
        %gather3A_487 = tpu.vector_load_idx %arg10[%get3A_483] : memref<10240xf32, #tpu.memory_space<vmem>>[vector<16xi32>], vector<16xf32>,
        %gather3A_488 = tpu.vector_load_idx %arg11[%get3A_486] : memref<10240xf32, #tpu.memory_space<vmem>>[vector<16xi32>], vector<16xf32>,
        %add3A_489 = arith.addf %gather3A_487, %gather3A_488 : vector<16xf32>
        %ge3A_490 = arith.constant 0.000000e+00 : f32
        %ge3A_491 = vector.broadcast %ge3A_490 : f32 to vector<16xf32>
        %ge3A_492 = arith.cmpf oge, %add3A_489, %ge3A_491 : vector<16xf32>
        %mul3A_493 = arith.constant 2.000000e-01 : f32
        %mul3A_494 = vector.broadcast %mul3A_493 : f32 to vector<16xf32>
        %mul3A_495 = arith.mulf %mul3A_494, %add3A_489 : vector<16xf32>
        %select_n3A_496 = arith.select %ge3A_492, %add3A_489, %mul3A_495 : vector<16xi1>, vector<16xf32>
        %add3A_497 = arith.addf %get3A_49, %gather3A_488 : vector<16xf32>
        %ge3A_498 = arith.constant 0.000000e+00 : f32
        %ge3A_499 = vector.broadcast %ge3A_498 : f32 to vector<16xf32>
        %ge3A_500 = arith.cmpf oge, %add3A_497, %ge3A_499 : vector<16xf32>
        %mul3A_501 = arith.constant 2.000000e-01 : f32
        %mul3A_502 = vector.broadcast %mul3A_501 : f32 to vector<16xf32>
        %mul3A_503 = arith.mulf %mul3A_502, %add3A_497 : vector<16xf32>
        %select_n3A_504 = arith.select %ge3A_500, %add3A_497, %mul3A_503 : vector<16xi1>, vector<16xf32>
        %sub3A_505 = arith.subf %select_n3A_496, %select_n3A_504 : vector<16xf32>
        %exp3A_506 = math.exp %sub3A_505 : vector<16xf32>
        %swap3A_507 = arith.index_cast %sub3A_297 : i32 to index
        %swap3A_508 = arith.constant 64 : index
        %swap3A_509 = tpu.vector_load %arg15[%swap3A_507, %swap3A_508] {strides = array<i32>} : memref<2x80xf32, #tpu.memory_space<vmem>>, vector<16xf32>,
        tpu.vector_store %arg15[%swap3A_507, %swap3A_508], %exp3A_506 {strides = array<i32>} : memref<2x80xf32, #tpu.memory_space<vmem>>, vector<16xf32>,
        tpu.vector_store_idx %arg17[%get3A_486], %exp3A_506 {add = true} : memref<10240xf32, #tpu.memory_space<vmem>>[vector<16xi32>], vector<16xf32>,
        %mul3A_510 = arith.constant 2 : i32
        %mul3A_511 = vector.broadcast %mul3A_510 : i32 to vector<16xi32>
        %mul3A_512 = arith.muli %get3A_483, %mul3A_511 : vector<16xi32>
        %add3A_513 = vector.broadcast %arg0 : i32 to vector<16xi32>
        %add3A_514 = arith.addi %mul3A_512, %add3A_513 : vector<16xi32>
        %swap3A_515 = arith.index_cast %sub3A_297 : i32 to index
        %swap3A_516 = arith.constant 64 : index
        %swap3A_517 = tpu.vector_load %arg14[%swap3A_515, %swap3A_516] {strides = array<i32>} : memref<2x80xi32, #tpu.memory_space<vmem>>, vector<16xi32>,
        tpu.vector_store %arg14[%swap3A_515, %swap3A_516], %add3A_514 {strides = array<i32>} : memref<2x80xi32, #tpu.memory_space<vmem>>, vector<16xi32>,
        %dma_start3A_518 = arith.constant 0 : i32
        %dma_start3A_519 = arith.constant 0 : i32
        %dma_start3A_520 = tpu.memref_slice %arg16[%sub3A_297, %dma_start3A_518, %dma_start3A_519] : memref<2x80x64xf32, #tpu.memory_space<vmem>> -> memref<1x80x64xf32, #tpu.memory_space<vmem>>
        %dma_start3A_521 = tpu.memref_squeeze %dma_start3A_520 : memref<1x80x64xf32, #tpu.memory_space<vmem>> -> memref<80x64xf32, #tpu.memory_space<vmem>>
        %dma_start3A_522 = arith.constant 0 : i32
        %dma_start3A_523 = tpu.memref_slice %arg14[%sub3A_297, %dma_start3A_522] : memref<2x80xi32, #tpu.memory_space<vmem>> -> memref<1x80xi32, #tpu.memory_space<vmem>>
        %dma_start3A_524 = tpu.memref_squeeze %dma_start3A_523 : memref<1x80xi32, #tpu.memory_space<vmem>> -> memref<80xi32, #tpu.memory_space<vmem>>
        %dma_start3A_525 = arith.constant 0 : i32
        %dma_start3A_526 = arith.constant 0 : i32
        %dma_start3A_527 = tpu.memref_slice %arg2[%dma_start3A_525, %dma_start3A_526] : memref<20480x64xf32, #tpu.memory_space<hbm>> -> memref<20480x64xf32, #tpu.memory_space<hbm>>
        tpu.enqueue_indirect_dma source(%dma_start3A_527 : memref<20480x64xf32, #tpu.memory_space<hbm>>) target(%dma_start3A_521 : memref<80x64xf32, #tpu.memory_space<vmem>>) offsets(%dma_start3A_524 : memref<80xi32, #tpu.memory_space<vmem>>) semaphore(%arg20 : memref<!tpu.dma_semaphore, #tpu.memory_space<semaphore_mem>>)
      } else {
      }
      %parallel_loop3A = arith.constant 0 : i32
      %parallel_loop3A_319 = arith.constant 80 : i32
      %parallel_loop3A_320 = arith.constant 1 : i32
      scf.for %parallel_loop3A_331 = %parallel_loop3A to %parallel_loop3A_319 step %parallel_loop3A_320  : i32 {
        %parallel_loop3A_332 = arith.constant 0 : i32
        %parallel_loop3A_333 = vector.broadcast %parallel_loop3A_332 : i32 to vector<16xi32>
        %parallel_loop3A_334 = vector.broadcast %parallel_loop3A_331 : i32 to vector<16xi32>
        %parallel_loop3A_335 = arith.addi %parallel_loop3A_333, %parallel_loop3A_334 : vector<16xi32>
        %parallel_loop3A_336 = arith.constant 0 : i32
        %parallel_loop3A_337 = tpu.memref_slice %arg15[%select_n3A_295, %parallel_loop3A_336] : memref<2x80xf32, #tpu.memory_space<vmem>> -> memref<1x80xf32, #tpu.memory_space<vmem>>
        %parallel_loop3A_338 = tpu.memref_squeeze %parallel_loop3A_337 : memref<1x80xf32, #tpu.memory_space<vmem>> -> memref<80xf32, #tpu.memory_space<vmem>>
        %parallel_loop3A_339 = tpu.vector_load_idx %parallel_loop3A_338[%parallel_loop3A_335] : memref<80xf32, #tpu.memory_space<vmem>>[vector<16xi32>], vector<16xf32>,
        %parallel_loop3A_340 = arith.index_cast %select_n3A_295 : i32 to index
        %parallel_loop3A_341 = arith.index_cast %parallel_loop3A_331 : i32 to index
        %parallel_loop3A_342 = arith.constant 0 : index
        %parallel_loop3A_343 = tpu.vector_load %arg16[%parallel_loop3A_340, %parallel_loop3A_341, %parallel_loop3A_342] {strides = array<i32>} : memref<2x80x64xf32, #tpu.memory_space<vmem>>, vector<16xf32>,
        %parallel_loop3A_344 = arith.mulf %parallel_loop3A_343, %parallel_loop3A_339 : vector<16xf32>
        %parallel_loop3A_345 = arith.index_cast %select_n3A_295 : i32 to index
        %parallel_loop3A_346 = arith.index_cast %parallel_loop3A_331 : i32 to index
        %parallel_loop3A_347 = arith.constant 0 : index
        %parallel_loop3A_348 = tpu.vector_load %arg16[%parallel_loop3A_345, %parallel_loop3A_346, %parallel_loop3A_347] {strides = array<i32>} : memref<2x80x64xf32, #tpu.memory_space<vmem>>, vector<16xf32>,
        tpu.vector_store %arg16[%parallel_loop3A_345, %parallel_loop3A_346, %parallel_loop3A_347], %parallel_loop3A_344 {strides = array<i32>} : memref<2x80x64xf32, #tpu.memory_space<vmem>>, vector<16xf32>,
        %parallel_loop3A_349 = arith.index_cast %select_n3A_295 : i32 to index
        %parallel_loop3A_350 = arith.index_cast %parallel_loop3A_331 : i32 to index
        %parallel_loop3A_351 = arith.constant 16 : index
        %parallel_loop3A_352 = tpu.vector_load %arg16[%parallel_loop3A_349, %parallel_loop3A_350, %parallel_loop3A_351] {strides = array<i32>} : memref<2x80x64xf32, #tpu.memory_space<vmem>>, vector<16xf32>,
        %parallel_loop3A_353 = arith.mulf %parallel_loop3A_352, %parallel_loop3A_339 : vector<16xf32>
        %parallel_loop3A_354 = arith.index_cast %select_n3A_295 : i32 to index
        %parallel_loop3A_355 = arith.index_cast %parallel_loop3A_331 : i32 to index
        %parallel_loop3A_356 = arith.constant 16 : index
        %parallel_loop3A_357 = tpu.vector_load %arg16[%parallel_loop3A_354, %parallel_loop3A_355, %parallel_loop3A_356] {strides = array<i32>} : memref<2x80x64xf32, #tpu.memory_space<vmem>>, vector<16xf32>,
        tpu.vector_store %arg16[%parallel_loop3A_354, %parallel_loop3A_355, %parallel_loop3A_356], %parallel_loop3A_353 {strides = array<i32>} : memref<2x80x64xf32, #tpu.memory_space<vmem>>, vector<16xf32>,
        %parallel_loop3A_358 = arith.index_cast %select_n3A_295 : i32 to index
        %parallel_loop3A_359 = arith.index_cast %parallel_loop3A_331 : i32 to index
        %parallel_loop3A_360 = arith.constant 32 : index
        %parallel_loop3A_361 = tpu.vector_load %arg16[%parallel_loop3A_358, %parallel_loop3A_359, %parallel_loop3A_360] {strides = array<i32>} : memref<2x80x64xf32, #tpu.memory_space<vmem>>, vector<16xf32>,
        %parallel_loop3A_362 = arith.mulf %parallel_loop3A_361, %parallel_loop3A_339 : vector<16xf32>
        %parallel_loop3A_363 = arith.index_cast %select_n3A_295 : i32 to index
        %parallel_loop3A_364 = arith.index_cast %parallel_loop3A_331 : i32 to index
        %parallel_loop3A_365 = arith.constant 32 : index
        %parallel_loop3A_366 = tpu.vector_load %arg16[%parallel_loop3A_363, %parallel_loop3A_364, %parallel_loop3A_365] {strides = array<i32>} : memref<2x80x64xf32, #tpu.memory_space<vmem>>, vector<16xf32>,
        tpu.vector_store %arg16[%parallel_loop3A_363, %parallel_loop3A_364, %parallel_loop3A_365], %parallel_loop3A_362 {strides = array<i32>} : memref<2x80x64xf32, #tpu.memory_space<vmem>>, vector<16xf32>,
        %parallel_loop3A_367 = arith.index_cast %select_n3A_295 : i32 to index
        %parallel_loop3A_368 = arith.index_cast %parallel_loop3A_331 : i32 to index
        %parallel_loop3A_369 = arith.constant 48 : index
        %parallel_loop3A_370 = tpu.vector_load %arg16[%parallel_loop3A_367, %parallel_loop3A_368, %parallel_loop3A_369] {strides = array<i32>} : memref<2x80x64xf32, #tpu.memory_space<vmem>>, vector<16xf32>,
        %parallel_loop3A_371 = arith.mulf %parallel_loop3A_370, %parallel_loop3A_339 : vector<16xf32>
        %parallel_loop3A_372 = arith.index_cast %select_n3A_295 : i32 to index
        %parallel_loop3A_373 = arith.index_cast %parallel_loop3A_331 : i32 to index
        %parallel_loop3A_374 = arith.constant 48 : index
        %parallel_loop3A_375 = tpu.vector_load %arg16[%parallel_loop3A_372, %parallel_loop3A_373, %parallel_loop3A_374] {strides = array<i32>} : memref<2x80x64xf32, #tpu.memory_space<vmem>>, vector<16xf32>,
        tpu.vector_store %arg16[%parallel_loop3A_372, %parallel_loop3A_373, %parallel_loop3A_374], %parallel_loop3A_371 {strides = array<i32>} : memref<2x80x64xf32, #tpu.memory_space<vmem>>, vector<16xf32>,
      } {sc.loop_unroll_factor = 4 : i64, sc.parallel_access}
      %dma_start3A_321 = arith.constant 0 : i32
      %dma_start3A_322 = arith.constant 0 : i32
      %dma_start3A_323 = tpu.memref_slice %arg16[%select_n3A_295, %dma_start3A_321, %dma_start3A_322] : memref<2x80x64xf32, #tpu.memory_space<vmem>> -> memref<1x80x64xf32, #tpu.memory_space<vmem>>
      %dma_start3A_324 = tpu.memref_squeeze %dma_start3A_323 : memref<1x80x64xf32, #tpu.memory_space<vmem>> -> memref<80x64xf32, #tpu.memory_space<vmem>>
      %dma_start3A_325 = arith.constant 0 : i32
      %dma_start3A_326 = tpu.memref_slice %arg13[%scan3A_284, %dma_start3A_325] : memref<250x80xi32, #tpu.memory_space<vmem>> -> memref<1x80xi32, #tpu.memory_space<vmem>>
      %dma_start3A_327 = tpu.memref_squeeze %dma_start3A_326 : memref<1x80xi32, #tpu.memory_space<vmem>> -> memref<80xi32, #tpu.memory_space<vmem>>
      %dma_start3A_328 = arith.constant 0 : i32
      %dma_start3A_329 = arith.constant 0 : i32
      %dma_start3A_330 = tpu.memref_slice %arg19[%dma_start3A_328, %dma_start3A_329] : memref<10240x64xf32, #tpu.memory_space<vmem_shared>> -> memref<10240x64xf32, #tpu.memory_space<vmem_shared>>
      tpu.enqueue_indirect_dma source(%dma_start3A_324 : memref<80x64xf32, #tpu.memory_space<vmem>>) target(%dma_start3A_330 : memref<10240x64xf32, #tpu.memory_space<vmem_shared>>) offsets(%dma_start3A_327 : memref<80xi32, #tpu.memory_space<vmem>>) semaphore(%arg21 : memref<!tpu.dma_semaphore, #tpu.memory_space<semaphore_mem>>) {add = true}
    }
    %scan3A_265 = arith.constant 250 : i32
    %dma_wait3A = arith.constant 1 : i32
    %dma_wait3A_266 = arith.constant 249 : i32
    %dma_wait3A_267 = arith.constant 0 : i32
    %dma_wait3A_268 = arith.constant 0 : i32
    %dma_wait3A_269 = tpu.memref_slice %arg16[%dma_wait3A, %dma_wait3A_267, %dma_wait3A_268] : memref<2x80x64xf32, #tpu.memory_space<vmem>> -> memref<1x80x64xf32, #tpu.memory_space<vmem>>
    %dma_wait3A_270 = tpu.memref_squeeze %dma_wait3A_269 : memref<1x80x64xf32, #tpu.memory_space<vmem>> -> memref<80x64xf32, #tpu.memory_space<vmem>>
    %dma_wait3A_271 = arith.constant 0 : i32
    %dma_wait3A_272 = tpu.memref_slice %arg13[%dma_wait3A_266, %dma_wait3A_271] : memref<250x80xi32, #tpu.memory_space<vmem>> -> memref<1x80xi32, #tpu.memory_space<vmem>>
    %dma_wait3A_273 = tpu.memref_squeeze %dma_wait3A_272 : memref<1x80xi32, #tpu.memory_space<vmem>> -> memref<80xi32, #tpu.memory_space<vmem>>
    %dma_wait3A_274 = arith.constant 0 : i32
    %dma_wait3A_275 = arith.constant 0 : i32
    %dma_wait3A_276 = tpu.memref_slice %arg19[%dma_wait3A_274, %dma_wait3A_275] : memref<10240x64xf32, #tpu.memory_space<vmem_shared>> -> memref<10240x64xf32, #tpu.memory_space<vmem_shared>>
    tpu.wait_indirect_dma semaphore(%arg21 : memref<!tpu.dma_semaphore, #tpu.memory_space<semaphore_mem>>) src(%dma_wait3A_270 : memref<80x64xf32, #tpu.memory_space<vmem>>) dst(%dma_wait3A_276 : memref<10240x64xf32, #tpu.memory_space<vmem_shared>>)
    %eq3A = arith.constant 0 : i32
    %eq3A_277 = arith.cmpi eq, %arg0, %eq3A : i32
    %convert_element_type3A = arith.extui %eq3A_277 : i1 to i32
    %cond3A = arith.constant 0 : i32
    %cond3A_278 = arith.cmpi ne, %convert_element_type3A, %cond3A : i32
    scf.if %cond3A_278 {
      "tpu.region"() ({
        %run_scoped3A_284 = tpu.sem_alloc : memref<!tpu.dma_semaphore, #tpu.memory_space<semaphore_mem>>
        %dma_start3A_285 = arith.constant 0 : i32
        %dma_start3A_286 = tpu.memref_slice %arg9[%arg1, %dma_start3A_285] : memref<16x10240xf32, #tpu.memory_space<hbm>> -> memref<1x10240xf32, #tpu.memory_space<hbm>>
        %dma_start3A_287 = tpu.memref_squeeze %dma_start3A_286 : memref<1x10240xf32, #tpu.memory_space<hbm>> -> memref<10240xf32, #tpu.memory_space<hbm>>
        %dma_start3A_288 = arith.constant 0 : i32
        %dma_start3A_289 = tpu.memref_slice %arg9[%arg1, %dma_start3A_288] : memref<16x10240xf32, #tpu.memory_space<hbm>> -> memref<1x10240xf32, #tpu.memory_space<hbm>>
        %dma_start3A_290 = tpu.memref_squeeze %dma_start3A_289 : memref<1x10240xf32, #tpu.memory_space<hbm>> -> memref<10240xf32, #tpu.memory_space<hbm>>
        tpu.enqueue_dma source(%arg17 : memref<10240xf32, #tpu.memory_space<vmem>>) target(%dma_start3A_290 : memref<10240xf32, #tpu.memory_space<hbm>>) target_semaphore(%run_scoped3A_284 : memref<!tpu.dma_semaphore, #tpu.memory_space<semaphore_mem>>)
        %dma_wait3A_291 = arith.constant 0 : i32
        %dma_wait3A_292 = tpu.memref_slice %arg9[%arg1, %dma_wait3A_291] : memref<16x10240xf32, #tpu.memory_space<hbm>> -> memref<1x10240xf32, #tpu.memory_space<hbm>>
        %dma_wait3A_293 = tpu.memref_squeeze %dma_wait3A_292 : memref<1x10240xf32, #tpu.memory_space<hbm>> -> memref<10240xf32, #tpu.memory_space<hbm>>
        %dma_wait3A_294 = arith.constant 0 : i32
        %dma_wait3A_295 = tpu.memref_slice %arg9[%arg1, %dma_wait3A_294] : memref<16x10240xf32, #tpu.memory_space<hbm>> -> memref<1x10240xf32, #tpu.memory_space<hbm>>
        %dma_wait3A_296 = tpu.memref_squeeze %dma_wait3A_295 : memref<1x10240xf32, #tpu.memory_space<hbm>> -> memref<10240xf32, #tpu.memory_space<hbm>>
        tpu.wait_dma2 semaphore(%run_scoped3A_284 : memref<!tpu.dma_semaphore, #tpu.memory_space<semaphore_mem>>) src(%arg17 : memref<10240xf32, #tpu.memory_space<vmem>>) dst(%dma_wait3A_296 : memref<10240xf32, #tpu.memory_space<hbm>>)
        tpu.yield
      }) : () -> ()
    } else {
    }
    %barrier3A_279 = arith.constant 0 : index
    tpu.barrier barrier_id(%barrier3A_279)
    %mul3A_280 = arith.constant 640 : i32
    %mul3A_281 = arith.muli %arg1, %mul3A_280 : i32
    %mul3A_282 = arith.constant 640 : i32
    %mul3A_283 = arith.muli %arg1, %mul3A_282 : i32
    "tpu.region"() ({
      %run_scoped3A_284 = tpu.sem_alloc : memref<!tpu.dma_semaphore, #tpu.memory_space<semaphore_mem>>
      %dma_start3A_285 = arith.constant 0 : i32
      %dma_start3A_286 = tpu.memref_slice %arg8[%arg0, %mul3A_283, %dma_start3A_285] : memref<2x10240x64xf32, #tpu.memory_space<hbm>> -> memref<1x640x64xf32, #tpu.memory_space<hbm>>
      %dma_start3A_287 = tpu.memref_squeeze %dma_start3A_286 : memref<1x640x64xf32, #tpu.memory_space<hbm>> -> memref<640x64xf32, #tpu.memory_space<hbm>>
      %dma_start3A_288 = arith.constant 0 : i32
      %dma_start3A_289 = tpu.memref_slice %arg19[%mul3A_281, %dma_start3A_288] : memref<10240x64xf32, #tpu.memory_space<vmem_shared>> -> memref<640x64xf32, #tpu.memory_space<vmem_shared>>
      tpu.enqueue_dma source(%dma_start3A_289 : memref<640x64xf32, #tpu.memory_space<vmem_shared>>) target(%dma_start3A_287 : memref<640x64xf32, #tpu.memory_space<hbm>>) target_semaphore(%run_scoped3A_284 : memref<!tpu.dma_semaphore, #tpu.memory_space<semaphore_mem>>)
      %dma_wait3A_290 = arith.constant 0 : i32
      %dma_wait3A_291 = tpu.memref_slice %arg8[%arg0, %mul3A_283, %dma_wait3A_290] : memref<2x10240x64xf32, #tpu.memory_space<hbm>> -> memref<1x640x64xf32, #tpu.memory_space<hbm>>
      %dma_wait3A_292 = tpu.memref_squeeze %dma_wait3A_291 : memref<1x640x64xf32, #tpu.memory_space<hbm>> -> memref<640x64xf32, #tpu.memory_space<hbm>>
      %dma_wait3A_293 = arith.constant 0 : i32
      %dma_wait3A_294 = tpu.memref_slice %arg19[%mul3A_281, %dma_wait3A_293] : memref<10240x64xf32, #tpu.memory_space<vmem_shared>> -> memref<640x64xf32, #tpu.memory_space<vmem_shared>>
      tpu.wait_dma2 semaphore(%run_scoped3A_284 : memref<!tpu.dma_semaphore, #tpu.memory_space<semaphore_mem>>) src(%dma_wait3A_294 : memref<640x64xf32, #tpu.memory_space<vmem_shared>>) dst(%dma_wait3A_292 : memref<640x64xf32, #tpu.memory_space<hbm>>)
      tpu.yield
    }) : () -> ()
    return
  }
}

#map = affine_map<(d0, d1) -> (0, 0)>
#map1 = affine_map<(d0, d1) -> (0, 0, 0)>
#map2 = affine_map<(d0, d1) -> (0)>
module attributes {stable_mosaic.version = 14 : i64} {
  func.func @_sc_attn(%arg0: i32, %arg1: i32, %arg2: memref<20480x64xf32, #tpu.memory_space<hbm>>, %arg3: memref<16x250x80xi32, #tpu.memory_space<hbm>>, %arg4: memref<16x250x80xi32, #tpu.memory_space<hbm>>, %arg5: memref<10240xf32, #tpu.memory_space<hbm>>, %arg6: memref<10240xf32, #tpu.memory_space<hbm>>, %arg7: memref<16xf32, #tpu.memory_space<hbm>>, %arg8: memref<2x10240x64xf32, #tpu.memory_space<hbm>>, %arg9: memref<16x10240xf32, #tpu.memory_space<hbm>>, %arg10: memref<10240xf32, #tpu.memory_space<vmem>>, %arg11: memref<10240xf32, #tpu.memory_space<vmem>>, %arg12: memref<250x80xi32, #tpu.memory_space<vmem>>, %arg13: memref<250x80xi32, #tpu.memory_space<vmem>>, %arg14: memref<2x80xi32, #tpu.memory_space<vmem>>, %arg15: memref<2x80xf32, #tpu.memory_space<vmem>>, %arg16: memref<2x80x64xf32, #tpu.memory_space<vmem>>, %arg17: memref<10240xf32, #tpu.memory_space<vmem>>, %arg18: memref<16xf32, #tpu.memory_space<vmem>>, %arg19: memref<10240x64xf32, #tpu.memory_space<vmem_shared>>, %arg20: memref<!tpu.dma_semaphore, #tpu.memory_space<semaphore_mem>>, %arg21: memref<!tpu.dma_semaphore, #tpu.memory_space<semaphore_mem>>) attributes {dimension_semantics = [#tpu.dimension_semantics<core_parallel>, #tpu.dimension_semantics<subcore_parallel>], iteration_bounds = array<i64: 2, 16>, scalar_prefetch = 0 : i64, scratch_operands = 12 : i64, tpu.core_type = #tpu.core_type<sc_vector_subcore>, window_params = [{transform_indices = #map}, {transform_indices = #map1}, {transform_indices = #map1}, {transform_indices = #map2}, {transform_indices = #map2}, {transform_indices = #map2}, {transform_indices = #map1}, {transform_indices = #map}]} {
    "tpu.region"() ({
      %run_scoped3A_284 = tpu.sem_alloc : memref<!tpu.dma_semaphore, #tpu.memory_space<semaphore_mem>>
      tpu.enqueue_dma source(%arg5 : memref<10240xf32, #tpu.memory_space<hbm>>) target(%arg10 : memref<10240xf32, #tpu.memory_space<vmem>>) target_semaphore(%run_scoped3A_284 : memref<!tpu.dma_semaphore, #tpu.memory_space<semaphore_mem>>)
      tpu.wait_dma2 semaphore(%run_scoped3A_284 : memref<!tpu.dma_semaphore, #tpu.memory_space<semaphore_mem>>) src(%arg5 : memref<10240xf32, #tpu.memory_space<hbm>>) dst(%arg10 : memref<10240xf32, #tpu.memory_space<vmem>>)
      tpu.yield
    }) : () -> ()
    "tpu.region"() ({
      %run_scoped3A_284 = tpu.sem_alloc : memref<!tpu.dma_semaphore, #tpu.memory_space<semaphore_mem>>
      tpu.enqueue_dma source(%arg6 : memref<10240xf32, #tpu.memory_space<hbm>>) target(%arg11 : memref<10240xf32, #tpu.memory_space<vmem>>) target_semaphore(%run_scoped3A_284 : memref<!tpu.dma_semaphore, #tpu.memory_space<semaphore_mem>>)
      tpu.wait_dma2 semaphore(%run_scoped3A_284 : memref<!tpu.dma_semaphore, #tpu.memory_space<semaphore_mem>>) src(%arg6 : memref<10240xf32, #tpu.memory_space<hbm>>) dst(%arg11 : memref<10240xf32, #tpu.memory_space<vmem>>)
      tpu.yield
    }) : () -> ()
    "tpu.region"() ({
      %run_scoped3A_284 = tpu.sem_alloc : memref<!tpu.dma_semaphore, #tpu.memory_space<semaphore_mem>>
      %dma_start3A_285 = arith.constant 0 : i32
      %dma_start3A_286 = arith.constant 0 : i32
      %dma_start3A_287 = tpu.memref_slice %arg3[%arg1, %dma_start3A_285, %dma_start3A_286] : memref<16x250x80xi32, #tpu.memory_space<hbm>> -> memref<1x250x80xi32, #tpu.memory_space<hbm>>
      %dma_start3A_288 = tpu.memref_squeeze %dma_start3A_287 : memref<1x250x80xi32, #tpu.memory_space<hbm>> -> memref<250x80xi32, #tpu.memory_space<hbm>>
      %dma_start3A_289 = arith.constant 0 : i32
      %dma_start3A_290 = arith.constant 0 : i32
      %dma_start3A_291 = tpu.memref_slice %arg3[%arg1, %dma_start3A_289, %dma_start3A_290] : memref<16x250x80xi32, #tpu.memory_space<hbm>> -> memref<1x250x80xi32, #tpu.memory_space<hbm>>
      %dma_start3A_292 = tpu.memref_squeeze %dma_start3A_291 : memref<1x250x80xi32, #tpu.memory_space<hbm>> -> memref<250x80xi32, #tpu.memory_space<hbm>>
      tpu.enqueue_dma source(%dma_start3A_292 : memref<250x80xi32, #tpu.memory_space<hbm>>) target(%arg12 : memref<250x80xi32, #tpu.memory_space<vmem>>) target_semaphore(%run_scoped3A_284 : memref<!tpu.dma_semaphore, #tpu.memory_space<semaphore_mem>>)
      %dma_wait3A_293 = arith.constant 0 : i32
      %dma_wait3A_294 = arith.constant 0 : i32
      %dma_wait3A_295 = tpu.memref_slice %arg3[%arg1, %dma_wait3A_293, %dma_wait3A_294] : memref<16x250x80xi32, #tpu.memory_space<hbm>> -> memref<1x250x80xi32, #tpu.memory_space<hbm>>
      %dma_wait3A_296 = tpu.memref_squeeze %dma_wait3A_295 : memref<1x250x80xi32, #tpu.memory_space<hbm>> -> memref<250x80xi32, #tpu.memory_space<hbm>>
      %dma_wait3A_297 = arith.constant 0 : i32
      %dma_wait3A_298 = arith.constant 0 : i32
      %dma_wait3A_299 = tpu.memref_slice %arg3[%arg1, %dma_wait3A_297, %dma_wait3A_298] : memref<16x250x80xi32, #tpu.memory_space<hbm>> -> memref<1x250x80xi32, #tpu.memory_space<hbm>>
      %dma_wait3A_300 = tpu.memref_squeeze %dma_wait3A_299 : memref<1x250x80xi32, #tpu.memory_space<hbm>> -> memref<250x80xi32, #tpu.memory_space<hbm>>
      tpu.wait_dma2 semaphore(%run_scoped3A_284 : memref<!tpu.dma_semaphore, #tpu.memory_space<semaphore_mem>>) src(%dma_wait3A_300 : memref<250x80xi32, #tpu.memory_space<hbm>>) dst(%arg12 : memref<250x80xi32, #tpu.memory_space<vmem>>)
      tpu.yield
    }) : () -> ()
    "tpu.region"() ({
      %run_scoped3A_284 = tpu.sem_alloc : memref<!tpu.dma_semaphore, #tpu.memory_space<semaphore_mem>>
      %dma_start3A_285 = arith.constant 0 : i32
      %dma_start3A_286 = arith.constant 0 : i32
      %dma_start3A_287 = tpu.memref_slice %arg4[%arg1, %dma_start3A_285, %dma_start3A_286] : memref<16x250x80xi32, #tpu.memory_space<hbm>> -> memref<1x250x80xi32, #tpu.memory_space<hbm>>
      %dma_start3A_288 = tpu.memref_squeeze %dma_start3A_287 : memref<1x250x80xi32, #tpu.memory_space<hbm>> -> memref<250x80xi32, #tpu.memory_space<hbm>>
      %dma_start3A_289 = arith.constant 0 : i32
      %dma_start3A_290 = arith.constant 0 : i32
      %dma_start3A_291 = tpu.memref_slice %arg4[%arg1, %dma_start3A_289, %dma_start3A_290] : memref<16x250x80xi32, #tpu.memory_space<hbm>> -> memref<1x250x80xi32, #tpu.memory_space<hbm>>
      %dma_start3A_292 = tpu.memref_squeeze %dma_start3A_291 : memref<1x250x80xi32, #tpu.memory_space<hbm>> -> memref<250x80xi32, #tpu.memory_space<hbm>>
      tpu.enqueue_dma source(%dma_start3A_292 : memref<250x80xi32, #tpu.memory_space<hbm>>) target(%arg13 : memref<250x80xi32, #tpu.memory_space<vmem>>) target_semaphore(%run_scoped3A_284 : memref<!tpu.dma_semaphore, #tpu.memory_space<semaphore_mem>>)
      %dma_wait3A_293 = arith.constant 0 : i32
      %dma_wait3A_294 = arith.constant 0 : i32
      %dma_wait3A_295 = tpu.memref_slice %arg4[%arg1, %dma_wait3A_293, %dma_wait3A_294] : memref<16x250x80xi32, #tpu.memory_space<hbm>> -> memref<1x250x80xi32, #tpu.memory_space<hbm>>
      %dma_wait3A_296 = tpu.memref_squeeze %dma_wait3A_295 : memref<1x250x80xi32, #tpu.memory_space<hbm>> -> memref<250x80xi32, #tpu.memory_space<hbm>>
      %dma_wait3A_297 = arith.constant 0 : i32
      %dma_wait3A_298 = arith.constant 0 : i32
      %dma_wait3A_299 = tpu.memref_slice %arg4[%arg1, %dma_wait3A_297, %dma_wait3A_298] : memref<16x250x80xi32, #tpu.memory_space<hbm>> -> memref<1x250x80xi32, #tpu.memory_space<hbm>>
      %dma_wait3A_300 = tpu.memref_squeeze %dma_wait3A_299 : memref<1x250x80xi32, #tpu.memory_space<hbm>> -> memref<250x80xi32, #tpu.memory_space<hbm>>
      tpu.wait_dma2 semaphore(%run_scoped3A_284 : memref<!tpu.dma_semaphore, #tpu.memory_space<semaphore_mem>>) src(%dma_wait3A_300 : memref<250x80xi32, #tpu.memory_space<hbm>>) dst(%arg13 : memref<250x80xi32, #tpu.memory_space<vmem>>)
      tpu.yield
    }) : () -> ()
    "tpu.region"() ({
      %run_scoped3A_284 = tpu.sem_alloc : memref<!tpu.dma_semaphore, #tpu.memory_space<semaphore_mem>>
      tpu.enqueue_dma source(%arg7 : memref<16xf32, #tpu.memory_space<hbm>>) target(%arg18 : memref<16xf32, #tpu.memory_space<vmem>>) target_semaphore(%run_scoped3A_284 : memref<!tpu.dma_semaphore, #tpu.memory_space<semaphore_mem>>)
      tpu.wait_dma2 semaphore(%run_scoped3A_284 : memref<!tpu.dma_semaphore, #tpu.memory_space<semaphore_mem>>) src(%arg7 : memref<16xf32, #tpu.memory_space<hbm>>) dst(%arg18 : memref<16xf32, #tpu.memory_space<vmem>>)
      tpu.yield
    }) : () -> ()
    %broadcast_in_dim3A = arith.constant 0.000000e+00 : f32
    %broadcast_in_dim3A_0 = vector.broadcast %broadcast_in_dim3A : f32 to vector<16xf32>
    %scan3A = arith.constant 0 : i32
    %scan3A_1 = arith.constant 0 : i32
    %scan3A_2 = arith.constant 80 : i32
    %scan3A_3 = arith.addi %scan3A_1, %scan3A_2 : i32
    %scan3A_4 = arith.constant 1 : i32
    scf.for %scan3A_284 = %scan3A_1 to %scan3A_3 step %scan3A_4  : i32 {
      %swap3A_285 = arith.constant 0 : i32
      %swap3A_286 = arith.index_cast %swap3A_285 : i32 to index
      %swap3A_287 = arith.index_cast %scan3A_284 : i32 to index
      %swap3A_288 = arith.constant 0 : index
      %swap3A_289 = tpu.vector_load %arg16[%swap3A_286, %swap3A_287, %swap3A_288] {strides = array<i32>} : memref<2x80x64xf32, #tpu.memory_space<vmem>>, vector<16xf32>,
      tpu.vector_store %arg16[%swap3A_286, %swap3A_287, %swap3A_288], %broadcast_in_dim3A_0 {strides = array<i32>} : memref<2x80x64xf32, #tpu.memory_space<vmem>>, vector<16xf32>,
      %swap3A_290 = arith.constant 0 : i32
      %swap3A_291 = arith.index_cast %swap3A_290 : i32 to index
      %swap3A_292 = arith.index_cast %scan3A_284 : i32 to index
      %swap3A_293 = arith.constant 16 : index
      %swap3A_294 = tpu.vector_load %arg16[%swap3A_291, %swap3A_292, %swap3A_293] {strides = array<i32>} : memref<2x80x64xf32, #tpu.memory_space<vmem>>, vector<16xf32>,
      tpu.vector_store %arg16[%swap3A_291, %swap3A_292, %swap3A_293], %broadcast_in_dim3A_0 {strides = array<i32>} : memref<2x80x64xf32, #tpu.memory_space<vmem>>, vector<16xf32>,
      %swap3A_295 = arith.constant 0 : i32
      %swap3A_296 = arith.index_cast %swap3A_295 : i32 to index
      %swap3A_297 = arith.index_cast %scan3A_284 : i32 to index
      %swap3A_298 = arith.constant 32 : index
      %swap3A_299 = tpu.vector_load %arg16[%swap3A_296, %swap3A_297, %swap3A_298] {strides = array<i32>} : memref<2x80x64xf32, #tpu.memory_space<vmem>>, vector<16xf32>,
      tpu.vector_store %arg16[%swap3A_296, %swap3A_297, %swap3A_298], %broadcast_in_dim3A_0 {strides = array<i32>} : memref<2x80x64xf32, #tpu.memory_space<vmem>>, vector<16xf32>,
      %swap3A_300 = arith.constant 0 : i32
      %swap3A_301 = arith.index_cast %swap3A_300 : i32 to index
      %swap3A_302 = arith.index_cast %scan3A_284 : i32 to index
      %swap3A_303 = arith.constant 48 : index
      %swap3A_304 = tpu.vector_load %arg16[%swap3A_301, %swap3A_302, %swap3A_303] {strides = array<i32>} : memref<2x80x64xf32, #tpu.memory_space<vmem>>, vector<16xf32>,
      tpu.vector_store %arg16[%swap3A_301, %swap3A_302, %swap3A_303], %broadcast_in_dim3A_0 {strides = array<i32>} : memref<2x80x64xf32, #tpu.memory_space<vmem>>, vector<16xf32>,
    }
    %scan3A_5 = arith.constant 80 : i32
    %mul3A = arith.constant 640 : i32
    %mul3A_6 = arith.muli %arg1, %mul3A : i32
    %add3A = arith.constant 0 : i32
    %add3A_7 = arith.addi %mul3A_6, %add3A : i32
    %run_scoped3A = arith.constant 0 : i32
    "tpu.region"() ({
      %run_scoped3A_284 = tpu.sem_alloc : memref<!tpu.dma_semaphore, #tpu.memory_space<semaphore_mem>>
      %dma_start3A_285 = arith.constant 0 : i32
      %dma_start3A_286 = arith.constant 0 : i32
      %dma_start3A_287 = tpu.memref_slice %arg16[%run_scoped3A, %dma_start3A_285, %dma_start3A_286] : memref<2x80x64xf32, #tpu.memory_space<vmem>> -> memref<1x80x64xf32, #tpu.memory_space<vmem>>
      %dma_start3A_288 = tpu.memref_squeeze %dma_start3A_287 : memref<1x80x64xf32, #tpu.memory_space<vmem>> -> memref<80x64xf32, #tpu.memory_space<vmem>>
      %dma_start3A_289 = arith.constant 0 : i32
      %dma_start3A_290 = tpu.memref_slice %arg19[%add3A_7, %dma_start3A_289] : memref<10240x64xf32, #tpu.memory_space<vmem_shared>> -> memref<80x64xf32, #tpu.memory_space<vmem_shared>>
      %dma_start3A_291 = arith.constant 0 : i32
      %dma_start3A_292 = tpu.memref_slice %arg19[%add3A_7, %dma_start3A_291] : memref<10240x64xf32, #tpu.memory_space<vmem_shared>> -> memref<80x64xf32, #tpu.memory_space<vmem_shared>>
      %dma_start3A_293 = arith.constant 0 : i32
      %dma_start3A_294 = arith.constant 0 : i32
      %dma_start3A_295 = tpu.memref_slice %arg16[%run_scoped3A, %dma_start3A_293, %dma_start3A_294] : memref<2x80x64xf32, #tpu.memory_space<vmem>> -> memref<1x80x64xf32, #tpu.memory_space<vmem>>
      %dma_start3A_296 = tpu.memref_squeeze %dma_start3A_295 : memref<1x80x64xf32, #tpu.memory_space<vmem>> -> memref<80x64xf32, #tpu.memory_space<vmem>>
      tpu.enqueue_dma source(%dma_start3A_296 : memref<80x64xf32, #tpu.memory_space<vmem>>) target(%dma_start3A_292 : memref<80x64xf32, #tpu.memory_space<vmem_shared>>) target_semaphore(%run_scoped3A_284 : memref<!tpu.dma_semaphore, #tpu.memory_space<semaphore_mem>>)
      %dma_wait3A_297 = arith.constant 0 : i32
      %dma_wait3A_298 = arith.constant 0 : i32
      %dma_wait3A_299 = tpu.memref_slice %arg16[%run_scoped3A, %dma_wait3A_297, %dma_wait3A_298] : memref<2x80x64xf32, #tpu.memory_space<vmem>> -> memref<1x80x64xf32, #tpu.memory_space<vmem>>
      %dma_wait3A_300 = tpu.memref_squeeze %dma_wait3A_299 : memref<1x80x64xf32, #tpu.memory_space<vmem>> -> memref<80x64xf32, #tpu.memory_space<vmem>>
      %dma_wait3A_301 = arith.constant 0 : i32
      %dma_wait3A_302 = tpu.memref_slice %arg19[%add3A_7, %dma_wait3A_301] : memref<10240x64xf32, #tpu.memory_space<vmem_shared>> -> memref<80x64xf32, #tpu.memory_space<vmem_shared>>
      %dma_wait3A_303 = arith.constant 0 : i32
      %dma_wait3A_304 = tpu.memref_slice %arg19[%add3A_7, %dma_wait3A_303] : memref<10240x64xf32, #tpu.memory_space<vmem_shared>> -> memref<80x64xf32, #tpu.memory_space<vmem_shared>>
      %dma_wait3A_305 = arith.constant 0 : i32
      %dma_wait3A_306 = arith.constant 0 : i32
      %dma_wait3A_307 = tpu.memref_slice %arg16[%run_scoped3A, %dma_wait3A_305, %dma_wait3A_306] : memref<2x80x64xf32, #tpu.memory_space<vmem>> -> memref<1x80x64xf32, #tpu.memory_space<vmem>>
      %dma_wait3A_308 = tpu.memref_squeeze %dma_wait3A_307 : memref<1x80x64xf32, #tpu.memory_space<vmem>> -> memref<80x64xf32, #tpu.memory_space<vmem>>
      tpu.wait_dma2 semaphore(%run_scoped3A_284 : memref<!tpu.dma_semaphore, #tpu.memory_space<semaphore_mem>>) src(%dma_wait3A_308 : memref<80x64xf32, #tpu.memory_space<vmem>>) dst(%dma_wait3A_304 : memref<80x64xf32, #tpu.memory_space<vmem_shared>>)
      tpu.yield
    }) : () -> ()
    %mul3A_8 = arith.constant 640 : i32
    %mul3A_9 = arith.muli %arg1, %mul3A_8 : i32
    %add3A_10 = arith.constant 80 : i32
    %add3A_11 = arith.addi %mul3A_9, %add3A_10 : i32
    %run_scoped3A_12 = arith.constant 0 : i32
    "tpu.region"() ({
      %run_scoped3A_284 = tpu.sem_alloc : memref<!tpu.dma_semaphore, #tpu.memory_space<semaphore_mem>>
      %dma_start3A_285 = arith.constant 0 : i32
      %dma_start3A_286 = arith.constant 0 : i32
      %dma_start3A_287 = tpu.memref_slice %arg16[%run_scoped3A_12, %dma_start3A_285, %dma_start3A_286] : memref<2x80x64xf32, #tpu.memory_space<vmem>> -> memref<1x80x64xf32, #tpu.memory_space<vmem>>
      %dma_start3A_288 = tpu.memref_squeeze %dma_start3A_287 : memref<1x80x64xf32, #tpu.memory_space<vmem>> -> memref<80x64xf32, #tpu.memory_space<vmem>>
      %dma_start3A_289 = arith.constant 0 : i32
      %dma_start3A_290 = tpu.memref_slice %arg19[%add3A_11, %dma_start3A_289] : memref<10240x64xf32, #tpu.memory_space<vmem_shared>> -> memref<80x64xf32, #tpu.memory_space<vmem_shared>>
      %dma_start3A_291 = arith.constant 0 : i32
      %dma_start3A_292 = tpu.memref_slice %arg19[%add3A_11, %dma_start3A_291] : memref<10240x64xf32, #tpu.memory_space<vmem_shared>> -> memref<80x64xf32, #tpu.memory_space<vmem_shared>>
      %dma_start3A_293 = arith.constant 0 : i32
      %dma_start3A_294 = arith.constant 0 : i32
      %dma_start3A_295 = tpu.memref_slice %arg16[%run_scoped3A_12, %dma_start3A_293, %dma_start3A_294] : memref<2x80x64xf32, #tpu.memory_space<vmem>> -> memref<1x80x64xf32, #tpu.memory_space<vmem>>
      %dma_start3A_296 = tpu.memref_squeeze %dma_start3A_295 : memref<1x80x64xf32, #tpu.memory_space<vmem>> -> memref<80x64xf32, #tpu.memory_space<vmem>>
      tpu.enqueue_dma source(%dma_start3A_296 : memref<80x64xf32, #tpu.memory_space<vmem>>) target(%dma_start3A_292 : memref<80x64xf32, #tpu.memory_space<vmem_shared>>) target_semaphore(%run_scoped3A_284 : memref<!tpu.dma_semaphore, #tpu.memory_space<semaphore_mem>>)
      %dma_wait3A_297 = arith.constant 0 : i32
      %dma_wait3A_298 = arith.constant 0 : i32
      %dma_wait3A_299 = tpu.memref_slice %arg16[%run_scoped3A_12, %dma_wait3A_297, %dma_wait3A_298] : memref<2x80x64xf32, #tpu.memory_space<vmem>> -> memref<1x80x64xf32, #tpu.memory_space<vmem>>
      %dma_wait3A_300 = tpu.memref_squeeze %dma_wait3A_299 : memref<1x80x64xf32, #tpu.memory_space<vmem>> -> memref<80x64xf32, #tpu.memory_space<vmem>>
      %dma_wait3A_301 = arith.constant 0 : i32
      %dma_wait3A_302 = tpu.memref_slice %arg19[%add3A_11, %dma_wait3A_301] : memref<10240x64xf32, #tpu.memory_space<vmem_shared>> -> memref<80x64xf32, #tpu.memory_space<vmem_shared>>
      %dma_wait3A_303 = arith.constant 0 : i32
      %dma_wait3A_304 = tpu.memref_slice %arg19[%add3A_11, %dma_wait3A_303] : memref<10240x64xf32, #tpu.memory_space<vmem_shared>> -> memref<80x64xf32, #tpu.memory_space<vmem_shared>>
      %dma_wait3A_305 = arith.constant 0 : i32
      %dma_wait3A_306 = arith.constant 0 : i32
      %dma_wait3A_307 = tpu.memref_slice %arg16[%run_scoped3A_12, %dma_wait3A_305, %dma_wait3A_306] : memref<2x80x64xf32, #tpu.memory_space<vmem>> -> memref<1x80x64xf32, #tpu.memory_space<vmem>>
      %dma_wait3A_308 = tpu.memref_squeeze %dma_wait3A_307 : memref<1x80x64xf32, #tpu.memory_space<vmem>> -> memref<80x64xf32, #tpu.memory_space<vmem>>
      tpu.wait_dma2 semaphore(%run_scoped3A_284 : memref<!tpu.dma_semaphore, #tpu.memory_space<semaphore_mem>>) src(%dma_wait3A_308 : memref<80x64xf32, #tpu.memory_space<vmem>>) dst(%dma_wait3A_304 : memref<80x64xf32, #tpu.memory_space<vmem_shared>>)
      tpu.yield
    }) : () -> ()
    %mul3A_13 = arith.constant 640 : i32
    %mul3A_14 = arith.muli %arg1, %mul3A_13 : i32
    %add3A_15 = arith.constant 160 : i32
    %add3A_16 = arith.addi %mul3A_14, %add3A_15 : i32
    %run_scoped3A_17 = arith.constant 0 : i32
    "tpu.region"() ({
      %run_scoped3A_284 = tpu.sem_alloc : memref<!tpu.dma_semaphore, #tpu.memory_space<semaphore_mem>>
      %dma_start3A_285 = arith.constant 0 : i32
      %dma_start3A_286 = arith.constant 0 : i32
      %dma_start3A_287 = tpu.memref_slice %arg16[%run_scoped3A_17, %dma_start3A_285, %dma_start3A_286] : memref<2x80x64xf32, #tpu.memory_space<vmem>> -> memref<1x80x64xf32, #tpu.memory_space<vmem>>
      %dma_start3A_288 = tpu.memref_squeeze %dma_start3A_287 : memref<1x80x64xf32, #tpu.memory_space<vmem>> -> memref<80x64xf32, #tpu.memory_space<vmem>>
      %dma_start3A_289 = arith.constant 0 : i32
      %dma_start3A_290 = tpu.memref_slice %arg19[%add3A_16, %dma_start3A_289] : memref<10240x64xf32, #tpu.memory_space<vmem_shared>> -> memref<80x64xf32, #tpu.memory_space<vmem_shared>>
      %dma_start3A_291 = arith.constant 0 : i32
      %dma_start3A_292 = tpu.memref_slice %arg19[%add3A_16, %dma_start3A_291] : memref<10240x64xf32, #tpu.memory_space<vmem_shared>> -> memref<80x64xf32, #tpu.memory_space<vmem_shared>>
      %dma_start3A_293 = arith.constant 0 : i32
      %dma_start3A_294 = arith.constant 0 : i32
      %dma_start3A_295 = tpu.memref_slice %arg16[%run_scoped3A_17, %dma_start3A_293, %dma_start3A_294] : memref<2x80x64xf32, #tpu.memory_space<vmem>> -> memref<1x80x64xf32, #tpu.memory_space<vmem>>
      %dma_start3A_296 = tpu.memref_squeeze %dma_start3A_295 : memref<1x80x64xf32, #tpu.memory_space<vmem>> -> memref<80x64xf32, #tpu.memory_space<vmem>>
      tpu.enqueue_dma source(%dma_start3A_296 : memref<80x64xf32, #tpu.memory_space<vmem>>) target(%dma_start3A_292 : memref<80x64xf32, #tpu.memory_space<vmem_shared>>) target_semaphore(%run_scoped3A_284 : memref<!tpu.dma_semaphore, #tpu.memory_space<semaphore_mem>>)
      %dma_wait3A_297 = arith.constant 0 : i32
      %dma_wait3A_298 = arith.constant 0 : i32
      %dma_wait3A_299 = tpu.memref_slice %arg16[%run_scoped3A_17, %dma_wait3A_297, %dma_wait3A_298] : memref<2x80x64xf32, #tpu.memory_space<vmem>> -> memref<1x80x64xf32, #tpu.memory_space<vmem>>
      %dma_wait3A_300 = tpu.memref_squeeze %dma_wait3A_299 : memref<1x80x64xf32, #tpu.memory_space<vmem>> -> memref<80x64xf32, #tpu.memory_space<vmem>>
      %dma_wait3A_301 = arith.constant 0 : i32
      %dma_wait3A_302 = tpu.memref_slice %arg19[%add3A_16, %dma_wait3A_301] : memref<10240x64xf32, #tpu.memory_space<vmem_shared>> -> memref<80x64xf32, #tpu.memory_space<vmem_shared>>
      %dma_wait3A_303 = arith.constant 0 : i32
      %dma_wait3A_304 = tpu.memref_slice %arg19[%add3A_16, %dma_wait3A_303] : memref<10240x64xf32, #tpu.memory_space<vmem_shared>> -> memref<80x64xf32, #tpu.memory_space<vmem_shared>>
      %dma_wait3A_305 = arith.constant 0 : i32
      %dma_wait3A_306 = arith.constant 0 : i32
      %dma_wait3A_307 = tpu.memref_slice %arg16[%run_scoped3A_17, %dma_wait3A_305, %dma_wait3A_306] : memref<2x80x64xf32, #tpu.memory_space<vmem>> -> memref<1x80x64xf32, #tpu.memory_space<vmem>>
      %dma_wait3A_308 = tpu.memref_squeeze %dma_wait3A_307 : memref<1x80x64xf32, #tpu.memory_space<vmem>> -> memref<80x64xf32, #tpu.memory_space<vmem>>
      tpu.wait_dma2 semaphore(%run_scoped3A_284 : memref<!tpu.dma_semaphore, #tpu.memory_space<semaphore_mem>>) src(%dma_wait3A_308 : memref<80x64xf32, #tpu.memory_space<vmem>>) dst(%dma_wait3A_304 : memref<80x64xf32, #tpu.memory_space<vmem_shared>>)
      tpu.yield
    }) : () -> ()
    %mul3A_18 = arith.constant 640 : i32
    %mul3A_19 = arith.muli %arg1, %mul3A_18 : i32
    %add3A_20 = arith.constant 240 : i32
    %add3A_21 = arith.addi %mul3A_19, %add3A_20 : i32
    %run_scoped3A_22 = arith.constant 0 : i32
    "tpu.region"() ({
      %run_scoped3A_284 = tpu.sem_alloc : memref<!tpu.dma_semaphore, #tpu.memory_space<semaphore_mem>>
      %dma_start3A_285 = arith.constant 0 : i32
      %dma_start3A_286 = arith.constant 0 : i32
      %dma_start3A_287 = tpu.memref_slice %arg16[%run_scoped3A_22, %dma_start3A_285, %dma_start3A_286] : memref<2x80x64xf32, #tpu.memory_space<vmem>> -> memref<1x80x64xf32, #tpu.memory_space<vmem>>
      %dma_start3A_288 = tpu.memref_squeeze %dma_start3A_287 : memref<1x80x64xf32, #tpu.memory_space<vmem>> -> memref<80x64xf32, #tpu.memory_space<vmem>>
      %dma_start3A_289 = arith.constant 0 : i32
      %dma_start3A_290 = tpu.memref_slice %arg19[%add3A_21, %dma_start3A_289] : memref<10240x64xf32, #tpu.memory_space<vmem_shared>> -> memref<80x64xf32, #tpu.memory_space<vmem_shared>>
      %dma_start3A_291 = arith.constant 0 : i32
      %dma_start3A_292 = tpu.memref_slice %arg19[%add3A_21, %dma_start3A_291] : memref<10240x64xf32, #tpu.memory_space<vmem_shared>> -> memref<80x64xf32, #tpu.memory_space<vmem_shared>>
      %dma_start3A_293 = arith.constant 0 : i32
      %dma_start3A_294 = arith.constant 0 : i32
      %dma_start3A_295 = tpu.memref_slice %arg16[%run_scoped3A_22, %dma_start3A_293, %dma_start3A_294] : memref<2x80x64xf32, #tpu.memory_space<vmem>> -> memref<1x80x64xf32, #tpu.memory_space<vmem>>
      %dma_start3A_296 = tpu.memref_squeeze %dma_start3A_295 : memref<1x80x64xf32, #tpu.memory_space<vmem>> -> memref<80x64xf32, #tpu.memory_space<vmem>>
      tpu.enqueue_dma source(%dma_start3A_296 : memref<80x64xf32, #tpu.memory_space<vmem>>) target(%dma_start3A_292 : memref<80x64xf32, #tpu.memory_space<vmem_shared>>) target_semaphore(%run_scoped3A_284 : memref<!tpu.dma_semaphore, #tpu.memory_space<semaphore_mem>>)
      %dma_wait3A_297 = arith.constant 0 : i32
      %dma_wait3A_298 = arith.constant 0 : i32
      %dma_wait3A_299 = tpu.memref_slice %arg16[%run_scoped3A_22, %dma_wait3A_297, %dma_wait3A_298] : memref<2x80x64xf32, #tpu.memory_space<vmem>> -> memref<1x80x64xf32, #tpu.memory_space<vmem>>
      %dma_wait3A_300 = tpu.memref_squeeze %dma_wait3A_299 : memref<1x80x64xf32, #tpu.memory_space<vmem>> -> memref<80x64xf32, #tpu.memory_space<vmem>>
      %dma_wait3A_301 = arith.constant 0 : i32
      %dma_wait3A_302 = tpu.memref_slice %arg19[%add3A_21, %dma_wait3A_301] : memref<10240x64xf32, #tpu.memory_space<vmem_shared>> -> memref<80x64xf32, #tpu.memory_space<vmem_shared>>
      %dma_wait3A_303 = arith.constant 0 : i32
      %dma_wait3A_304 = tpu.memref_slice %arg19[%add3A_21, %dma_wait3A_303] : memref<10240x64xf32, #tpu.memory_space<vmem_shared>> -> memref<80x64xf32, #tpu.memory_space<vmem_shared>>
      %dma_wait3A_305 = arith.constant 0 : i32
      %dma_wait3A_306 = arith.constant 0 : i32
      %dma_wait3A_307 = tpu.memref_slice %arg16[%run_scoped3A_22, %dma_wait3A_305, %dma_wait3A_306] : memref<2x80x64xf32, #tpu.memory_space<vmem>> -> memref<1x80x64xf32, #tpu.memory_space<vmem>>
      %dma_wait3A_308 = tpu.memref_squeeze %dma_wait3A_307 : memref<1x80x64xf32, #tpu.memory_space<vmem>> -> memref<80x64xf32, #tpu.memory_space<vmem>>
      tpu.wait_dma2 semaphore(%run_scoped3A_284 : memref<!tpu.dma_semaphore, #tpu.memory_space<semaphore_mem>>) src(%dma_wait3A_308 : memref<80x64xf32, #tpu.memory_space<vmem>>) dst(%dma_wait3A_304 : memref<80x64xf32, #tpu.memory_space<vmem_shared>>)
      tpu.yield
    }) : () -> ()
    %mul3A_23 = arith.constant 640 : i32
    %mul3A_24 = arith.muli %arg1, %mul3A_23 : i32
    %add3A_25 = arith.constant 320 : i32
    %add3A_26 = arith.addi %mul3A_24, %add3A_25 : i32
    %run_scoped3A_27 = arith.constant 0 : i32
    "tpu.region"() ({
      %run_scoped3A_284 = tpu.sem_alloc : memref<!tpu.dma_semaphore, #tpu.memory_space<semaphore_mem>>
      %dma_start3A_285 = arith.constant 0 : i32
      %dma_start3A_286 = arith.constant 0 : i32
      %dma_start3A_287 = tpu.memref_slice %arg16[%run_scoped3A_27, %dma_start3A_285, %dma_start3A_286] : memref<2x80x64xf32, #tpu.memory_space<vmem>> -> memref<1x80x64xf32, #tpu.memory_space<vmem>>
      %dma_start3A_288 = tpu.memref_squeeze %dma_start3A_287 : memref<1x80x64xf32, #tpu.memory_space<vmem>> -> memref<80x64xf32, #tpu.memory_space<vmem>>
      %dma_start3A_289 = arith.constant 0 : i32
      %dma_start3A_290 = tpu.memref_slice %arg19[%add3A_26, %dma_start3A_289] : memref<10240x64xf32, #tpu.memory_space<vmem_shared>> -> memref<80x64xf32, #tpu.memory_space<vmem_shared>>
      %dma_start3A_291 = arith.constant 0 : i32
      %dma_start3A_292 = tpu.memref_slice %arg19[%add3A_26, %dma_start3A_291] : memref<10240x64xf32, #tpu.memory_space<vmem_shared>> -> memref<80x64xf32, #tpu.memory_space<vmem_shared>>
      %dma_start3A_293 = arith.constant 0 : i32
      %dma_start3A_294 = arith.constant 0 : i32
      %dma_start3A_295 = tpu.memref_slice %arg16[%run_scoped3A_27, %dma_start3A_293, %dma_start3A_294] : memref<2x80x64xf32, #tpu.memory_space<vmem>> -> memref<1x80x64xf32, #tpu.memory_space<vmem>>
      %dma_start3A_296 = tpu.memref_squeeze %dma_start3A_295 : memref<1x80x64xf32, #tpu.memory_space<vmem>> -> memref<80x64xf32, #tpu.memory_space<vmem>>
      tpu.enqueue_dma source(%dma_start3A_296 : memref<80x64xf32, #tpu.memory_space<vmem>>) target(%dma_start3A_292 : memref<80x64xf32, #tpu.memory_space<vmem_shared>>) target_semaphore(%run_scoped3A_284 : memref<!tpu.dma_semaphore, #tpu.memory_space<semaphore_mem>>)
      %dma_wait3A_297 = arith.constant 0 : i32
      %dma_wait3A_298 = arith.constant 0 : i32
      %dma_wait3A_299 = tpu.memref_slice %arg16[%run_scoped3A_27, %dma_wait3A_297, %dma_wait3A_298] : memref<2x80x64xf32, #tpu.memory_space<vmem>> -> memref<1x80x64xf32, #tpu.memory_space<vmem>>
      %dma_wait3A_300 = tpu.memref_squeeze %dma_wait3A_299 : memref<1x80x64xf32, #tpu.memory_space<vmem>> -> memref<80x64xf32, #tpu.memory_space<vmem>>
      %dma_wait3A_301 = arith.constant 0 : i32
      %dma_wait3A_302 = tpu.memref_slice %arg19[%add3A_26, %dma_wait3A_301] : memref<10240x64xf32, #tpu.memory_space<vmem_shared>> -> memref<80x64xf32, #tpu.memory_space<vmem_shared>>
      %dma_wait3A_303 = arith.constant 0 : i32
      %dma_wait3A_304 = tpu.memref_slice %arg19[%add3A_26, %dma_wait3A_303] : memref<10240x64xf32, #tpu.memory_space<vmem_shared>> -> memref<80x64xf32, #tpu.memory_space<vmem_shared>>
      %dma_wait3A_305 = arith.constant 0 : i32
      %dma_wait3A_306 = arith.constant 0 : i32
      %dma_wait3A_307 = tpu.memref_slice %arg16[%run_scoped3A_27, %dma_wait3A_305, %dma_wait3A_306] : memref<2x80x64xf32, #tpu.memory_space<vmem>> -> memref<1x80x64xf32, #tpu.memory_space<vmem>>
      %dma_wait3A_308 = tpu.memref_squeeze %dma_wait3A_307 : memref<1x80x64xf32, #tpu.memory_space<vmem>> -> memref<80x64xf32, #tpu.memory_space<vmem>>
      tpu.wait_dma2 semaphore(%run_scoped3A_284 : memref<!tpu.dma_semaphore, #tpu.memory_space<semaphore_mem>>) src(%dma_wait3A_308 : memref<80x64xf32, #tpu.memory_space<vmem>>) dst(%dma_wait3A_304 : memref<80x64xf32, #tpu.memory_space<vmem_shared>>)
      tpu.yield
    }) : () -> ()
    %mul3A_28 = arith.constant 640 : i32
    %mul3A_29 = arith.muli %arg1, %mul3A_28 : i32
    %add3A_30 = arith.constant 400 : i32
    %add3A_31 = arith.addi %mul3A_29, %add3A_30 : i32
    %run_scoped3A_32 = arith.constant 0 : i32
    "tpu.region"() ({
      %run_scoped3A_284 = tpu.sem_alloc : memref<!tpu.dma_semaphore, #tpu.memory_space<semaphore_mem>>
      %dma_start3A_285 = arith.constant 0 : i32
      %dma_start3A_286 = arith.constant 0 : i32
      %dma_start3A_287 = tpu.memref_slice %arg16[%run_scoped3A_32, %dma_start3A_285, %dma_start3A_286] : memref<2x80x64xf32, #tpu.memory_space<vmem>> -> memref<1x80x64xf32, #tpu.memory_space<vmem>>
      %dma_start3A_288 = tpu.memref_squeeze %dma_start3A_287 : memref<1x80x64xf32, #tpu.memory_space<vmem>> -> memref<80x64xf32, #tpu.memory_space<vmem>>
      %dma_start3A_289 = arith.constant 0 : i32
      %dma_start3A_290 = tpu.memref_slice %arg19[%add3A_31, %dma_start3A_289] : memref<10240x64xf32, #tpu.memory_space<vmem_shared>> -> memref<80x64xf32, #tpu.memory_space<vmem_shared>>
      %dma_start3A_291 = arith.constant 0 : i32
      %dma_start3A_292 = tpu.memref_slice %arg19[%add3A_31, %dma_start3A_291] : memref<10240x64xf32, #tpu.memory_space<vmem_shared>> -> memref<80x64xf32, #tpu.memory_space<vmem_shared>>
      %dma_start3A_293 = arith.constant 0 : i32
      %dma_start3A_294 = arith.constant 0 : i32
      %dma_start3A_295 = tpu.memref_slice %arg16[%run_scoped3A_32, %dma_start3A_293, %dma_start3A_294] : memref<2x80x64xf32, #tpu.memory_space<vmem>> -> memref<1x80x64xf32, #tpu.memory_space<vmem>>
      %dma_start3A_296 = tpu.memref_squeeze %dma_start3A_295 : memref<1x80x64xf32, #tpu.memory_space<vmem>> -> memref<80x64xf32, #tpu.memory_space<vmem>>
      tpu.enqueue_dma source(%dma_start3A_296 : memref<80x64xf32, #tpu.memory_space<vmem>>) target(%dma_start3A_292 : memref<80x64xf32, #tpu.memory_space<vmem_shared>>) target_semaphore(%run_scoped3A_284 : memref<!tpu.dma_semaphore, #tpu.memory_space<semaphore_mem>>)
      %dma_wait3A_297 = arith.constant 0 : i32
      %dma_wait3A_298 = arith.constant 0 : i32
      %dma_wait3A_299 = tpu.memref_slice %arg16[%run_scoped3A_32, %dma_wait3A_297, %dma_wait3A_298] : memref<2x80x64xf32, #tpu.memory_space<vmem>> -> memref<1x80x64xf32, #tpu.memory_space<vmem>>
      %dma_wait3A_300 = tpu.memref_squeeze %dma_wait3A_299 : memref<1x80x64xf32, #tpu.memory_space<vmem>> -> memref<80x64xf32, #tpu.memory_space<vmem>>
      %dma_wait3A_301 = arith.constant 0 : i32
      %dma_wait3A_302 = tpu.memref_slice %arg19[%add3A_31, %dma_wait3A_301] : memref<10240x64xf32, #tpu.memory_space<vmem_shared>> -> memref<80x64xf32, #tpu.memory_space<vmem_shared>>
      %dma_wait3A_303 = arith.constant 0 : i32
      %dma_wait3A_304 = tpu.memref_slice %arg19[%add3A_31, %dma_wait3A_303] : memref<10240x64xf32, #tpu.memory_space<vmem_shared>> -> memref<80x64xf32, #tpu.memory_space<vmem_shared>>
      %dma_wait3A_305 = arith.constant 0 : i32
      %dma_wait3A_306 = arith.constant 0 : i32
      %dma_wait3A_307 = tpu.memref_slice %arg16[%run_scoped3A_32, %dma_wait3A_305, %dma_wait3A_306] : memref<2x80x64xf32, #tpu.memory_space<vmem>> -> memref<1x80x64xf32, #tpu.memory_space<vmem>>
      %dma_wait3A_308 = tpu.memref_squeeze %dma_wait3A_307 : memref<1x80x64xf32, #tpu.memory_space<vmem>> -> memref<80x64xf32, #tpu.memory_space<vmem>>
      tpu.wait_dma2 semaphore(%run_scoped3A_284 : memref<!tpu.dma_semaphore, #tpu.memory_space<semaphore_mem>>) src(%dma_wait3A_308 : memref<80x64xf32, #tpu.memory_space<vmem>>) dst(%dma_wait3A_304 : memref<80x64xf32, #tpu.memory_space<vmem_shared>>)
      tpu.yield
    }) : () -> ()
    %mul3A_33 = arith.constant 640 : i32
    %mul3A_34 = arith.muli %arg1, %mul3A_33 : i32
    %add3A_35 = arith.constant 480 : i32
    %add3A_36 = arith.addi %mul3A_34, %add3A_35 : i32
    %run_scoped3A_37 = arith.constant 0 : i32
    "tpu.region"() ({
      %run_scoped3A_284 = tpu.sem_alloc : memref<!tpu.dma_semaphore, #tpu.memory_space<semaphore_mem>>
      %dma_start3A_285 = arith.constant 0 : i32
      %dma_start3A_286 = arith.constant 0 : i32
      %dma_start3A_287 = tpu.memref_slice %arg16[%run_scoped3A_37, %dma_start3A_285, %dma_start3A_286] : memref<2x80x64xf32, #tpu.memory_space<vmem>> -> memref<1x80x64xf32, #tpu.memory_space<vmem>>
      %dma_start3A_288 = tpu.memref_squeeze %dma_start3A_287 : memref<1x80x64xf32, #tpu.memory_space<vmem>> -> memref<80x64xf32, #tpu.memory_space<vmem>>
      %dma_start3A_289 = arith.constant 0 : i32
      %dma_start3A_290 = tpu.memref_slice %arg19[%add3A_36, %dma_start3A_289] : memref<10240x64xf32, #tpu.memory_space<vmem_shared>> -> memref<80x64xf32, #tpu.memory_space<vmem_shared>>
      %dma_start3A_291 = arith.constant 0 : i32
      %dma_start3A_292 = tpu.memref_slice %arg19[%add3A_36, %dma_start3A_291] : memref<10240x64xf32, #tpu.memory_space<vmem_shared>> -> memref<80x64xf32, #tpu.memory_space<vmem_shared>>
      %dma_start3A_293 = arith.constant 0 : i32
      %dma_start3A_294 = arith.constant 0 : i32
      %dma_start3A_295 = tpu.memref_slice %arg16[%run_scoped3A_37, %dma_start3A_293, %dma_start3A_294] : memref<2x80x64xf32, #tpu.memory_space<vmem>> -> memref<1x80x64xf32, #tpu.memory_space<vmem>>
      %dma_start3A_296 = tpu.memref_squeeze %dma_start3A_295 : memref<1x80x64xf32, #tpu.memory_space<vmem>> -> memref<80x64xf32, #tpu.memory_space<vmem>>
      tpu.enqueue_dma source(%dma_start3A_296 : memref<80x64xf32, #tpu.memory_space<vmem>>) target(%dma_start3A_292 : memref<80x64xf32, #tpu.memory_space<vmem_shared>>) target_semaphore(%run_scoped3A_284 : memref<!tpu.dma_semaphore, #tpu.memory_space<semaphore_mem>>)
      %dma_wait3A_297 = arith.constant 0 : i32
      %dma_wait3A_298 = arith.constant 0 : i32
      %dma_wait3A_299 = tpu.memref_slice %arg16[%run_scoped3A_37, %dma_wait3A_297, %dma_wait3A_298] : memref<2x80x64xf32, #tpu.memory_space<vmem>> -> memref<1x80x64xf32, #tpu.memory_space<vmem>>
      %dma_wait3A_300 = tpu.memref_squeeze %dma_wait3A_299 : memref<1x80x64xf32, #tpu.memory_space<vmem>> -> memref<80x64xf32, #tpu.memory_space<vmem>>
      %dma_wait3A_301 = arith.constant 0 : i32
      %dma_wait3A_302 = tpu.memref_slice %arg19[%add3A_36, %dma_wait3A_301] : memref<10240x64xf32, #tpu.memory_space<vmem_shared>> -> memref<80x64xf32, #tpu.memory_space<vmem_shared>>
      %dma_wait3A_303 = arith.constant 0 : i32
      %dma_wait3A_304 = tpu.memref_slice %arg19[%add3A_36, %dma_wait3A_303] : memref<10240x64xf32, #tpu.memory_space<vmem_shared>> -> memref<80x64xf32, #tpu.memory_space<vmem_shared>>
      %dma_wait3A_305 = arith.constant 0 : i32
      %dma_wait3A_306 = arith.constant 0 : i32
      %dma_wait3A_307 = tpu.memref_slice %arg16[%run_scoped3A_37, %dma_wait3A_305, %dma_wait3A_306] : memref<2x80x64xf32, #tpu.memory_space<vmem>> -> memref<1x80x64xf32, #tpu.memory_space<vmem>>
      %dma_wait3A_308 = tpu.memref_squeeze %dma_wait3A_307 : memref<1x80x64xf32, #tpu.memory_space<vmem>> -> memref<80x64xf32, #tpu.memory_space<vmem>>
      tpu.wait_dma2 semaphore(%run_scoped3A_284 : memref<!tpu.dma_semaphore, #tpu.memory_space<semaphore_mem>>) src(%dma_wait3A_308 : memref<80x64xf32, #tpu.memory_space<vmem>>) dst(%dma_wait3A_304 : memref<80x64xf32, #tpu.memory_space<vmem_shared>>)
      tpu.yield
    }) : () -> ()
    %mul3A_38 = arith.constant 640 : i32
    %mul3A_39 = arith.muli %arg1, %mul3A_38 : i32
    %add3A_40 = arith.constant 560 : i32
    %add3A_41 = arith.addi %mul3A_39, %add3A_40 : i32
    %run_scoped3A_42 = arith.constant 0 : i32
    "tpu.region"() ({
      %run_scoped3A_284 = tpu.sem_alloc : memref<!tpu.dma_semaphore, #tpu.memory_space<semaphore_mem>>
      %dma_start3A_285 = arith.constant 0 : i32
      %dma_start3A_286 = arith.constant 0 : i32
      %dma_start3A_287 = tpu.memref_slice %arg16[%run_scoped3A_42, %dma_start3A_285, %dma_start3A_286] : memref<2x80x64xf32, #tpu.memory_space<vmem>> -> memref<1x80x64xf32, #tpu.memory_space<vmem>>
      %dma_start3A_288 = tpu.memref_squeeze %dma_start3A_287 : memref<1x80x64xf32, #tpu.memory_space<vmem>> -> memref<80x64xf32, #tpu.memory_space<vmem>>
      %dma_start3A_289 = arith.constant 0 : i32
      %dma_start3A_290 = tpu.memref_slice %arg19[%add3A_41, %dma_start3A_289] : memref<10240x64xf32, #tpu.memory_space<vmem_shared>> -> memref<80x64xf32, #tpu.memory_space<vmem_shared>>
      %dma_start3A_291 = arith.constant 0 : i32
      %dma_start3A_292 = tpu.memref_slice %arg19[%add3A_41, %dma_start3A_291] : memref<10240x64xf32, #tpu.memory_space<vmem_shared>> -> memref<80x64xf32, #tpu.memory_space<vmem_shared>>
      %dma_start3A_293 = arith.constant 0 : i32
      %dma_start3A_294 = arith.constant 0 : i32
      %dma_start3A_295 = tpu.memref_slice %arg16[%run_scoped3A_42, %dma_start3A_293, %dma_start3A_294] : memref<2x80x64xf32, #tpu.memory_space<vmem>> -> memref<1x80x64xf32, #tpu.memory_space<vmem>>
      %dma_start3A_296 = tpu.memref_squeeze %dma_start3A_295 : memref<1x80x64xf32, #tpu.memory_space<vmem>> -> memref<80x64xf32, #tpu.memory_space<vmem>>
      tpu.enqueue_dma source(%dma_start3A_296 : memref<80x64xf32, #tpu.memory_space<vmem>>) target(%dma_start3A_292 : memref<80x64xf32, #tpu.memory_space<vmem_shared>>) target_semaphore(%run_scoped3A_284 : memref<!tpu.dma_semaphore, #tpu.memory_space<semaphore_mem>>)
      %dma_wait3A_297 = arith.constant 0 : i32
      %dma_wait3A_298 = arith.constant 0 : i32
      %dma_wait3A_299 = tpu.memref_slice %arg16[%run_scoped3A_42, %dma_wait3A_297, %dma_wait3A_298] : memref<2x80x64xf32, #tpu.memory_space<vmem>> -> memref<1x80x64xf32, #tpu.memory_space<vmem>>
      %dma_wait3A_300 = tpu.memref_squeeze %dma_wait3A_299 : memref<1x80x64xf32, #tpu.memory_space<vmem>> -> memref<80x64xf32, #tpu.memory_space<vmem>>
      %dma_wait3A_301 = arith.constant 0 : i32
      %dma_wait3A_302 = tpu.memref_slice %arg19[%add3A_41, %dma_wait3A_301] : memref<10240x64xf32, #tpu.memory_space<vmem_shared>> -> memref<80x64xf32, #tpu.memory_space<vmem_shared>>
      %dma_wait3A_303 = arith.constant 0 : i32
      %dma_wait3A_304 = tpu.memref_slice %arg19[%add3A_41, %dma_wait3A_303] : memref<10240x64xf32, #tpu.memory_space<vmem_shared>> -> memref<80x64xf32, #tpu.memory_space<vmem_shared>>
      %dma_wait3A_305 = arith.constant 0 : i32
      %dma_wait3A_306 = arith.constant 0 : i32
      %dma_wait3A_307 = tpu.memref_slice %arg16[%run_scoped3A_42, %dma_wait3A_305, %dma_wait3A_306] : memref<2x80x64xf32, #tpu.memory_space<vmem>> -> memref<1x80x64xf32, #tpu.memory_space<vmem>>
      %dma_wait3A_308 = tpu.memref_squeeze %dma_wait3A_307 : memref<1x80x64xf32, #tpu.memory_space<vmem>> -> memref<80x64xf32, #tpu.memory_space<vmem>>
      tpu.wait_dma2 semaphore(%run_scoped3A_284 : memref<!tpu.dma_semaphore, #tpu.memory_space<semaphore_mem>>) src(%dma_wait3A_308 : memref<80x64xf32, #tpu.memory_space<vmem>>) dst(%dma_wait3A_304 : memref<80x64xf32, #tpu.memory_space<vmem_shared>>)
      tpu.yield
    }) : () -> ()
    %scan3A_43 = arith.constant 0 : i32
    %scan3A_44 = arith.constant 0 : i32
    %scan3A_45 = arith.constant 640 : i32
    %scan3A_46 = arith.addi %scan3A_44, %scan3A_45 : i32
    %scan3A_47 = arith.constant 1 : i32
    scf.for %scan3A_284 = %scan3A_44 to %scan3A_46 step %scan3A_47  : i32 {
      %mul3A_285 = arith.constant 16 : i32
      %mul3A_286 = arith.muli %scan3A_284, %mul3A_285 : i32
      %swap3A_287 = arith.index_cast %mul3A_286 : i32 to index
      %swap3A_288 = tpu.vector_load %arg17[%swap3A_287] {strides = array<i32>} : memref<10240xf32, #tpu.memory_space<vmem>>, vector<16xf32>,
      tpu.vector_store %arg17[%swap3A_287], %broadcast_in_dim3A_0 {strides = array<i32>} : memref<10240xf32, #tpu.memory_space<vmem>>, vector<16xf32>,
    }
    %scan3A_48 = arith.constant 640 : i32
    %barrier3A = arith.constant 0 : index
    tpu.barrier barrier_id(%barrier3A)
    %get3A = arith.constant 0 : index
    %get3A_49 = tpu.vector_load %arg18[%get3A] {strides = array<i32>} : memref<16xf32, #tpu.memory_space<vmem>>, vector<16xf32>,
    %get3A_50 = arith.constant 0 : i32
    %get3A_51 = arith.index_cast %get3A_50 : i32 to index
    %get3A_52 = arith.constant 0 : index
    %get3A_53 = tpu.vector_load %arg12[%get3A_51, %get3A_52] {strides = array<i32>} : memref<250x80xi32, #tpu.memory_space<vmem>>, vector<16xi32>,
    %get3A_54 = arith.constant 0 : i32
    %get3A_55 = arith.index_cast %get3A_54 : i32 to index
    %get3A_56 = arith.constant 0 : index
    %get3A_57 = tpu.vector_load %arg13[%get3A_55, %get3A_56] {strides = array<i32>} : memref<250x80xi32, #tpu.memory_space<vmem>>, vector<16xi32>,
    %gather3A = tpu.vector_load_idx %arg10[%get3A_53] : memref<10240xf32, #tpu.memory_space<vmem>>[vector<16xi32>], vector<16xf32>,
    %gather3A_58 = tpu.vector_load_idx %arg11[%get3A_57] : memref<10240xf32, #tpu.memory_space<vmem>>[vector<16xi32>], vector<16xf32>,
    %add3A_59 = arith.addf %gather3A, %gather3A_58 : vector<16xf32>
    %ge3A = arith.constant 0.000000e+00 : f32
    %ge3A_60 = vector.broadcast %ge3A : f32 to vector<16xf32>
    %ge3A_61 = arith.cmpf oge, %add3A_59, %ge3A_60 : vector<16xf32>
    %mul3A_62 = arith.constant 2.000000e-01 : f32
    %mul3A_63 = vector.broadcast %mul3A_62 : f32 to vector<16xf32>
    %mul3A_64 = arith.mulf %mul3A_63, %add3A_59 : vector<16xf32>
    %select_n3A = arith.select %ge3A_61, %add3A_59, %mul3A_64 : vector<16xi1>, vector<16xf32>
    %add3A_65 = arith.addf %get3A_49, %gather3A_58 : vector<16xf32>
    %ge3A_66 = arith.constant 0.000000e+00 : f32
    %ge3A_67 = vector.broadcast %ge3A_66 : f32 to vector<16xf32>
    %ge3A_68 = arith.cmpf oge, %add3A_65, %ge3A_67 : vector<16xf32>
    %mul3A_69 = arith.constant 2.000000e-01 : f32
    %mul3A_70 = vector.broadcast %mul3A_69 : f32 to vector<16xf32>
    %mul3A_71 = arith.mulf %mul3A_70, %add3A_65 : vector<16xf32>
    %select_n3A_72 = arith.select %ge3A_68, %add3A_65, %mul3A_71 : vector<16xi1>, vector<16xf32>
    %sub3A = arith.subf %select_n3A, %select_n3A_72 : vector<16xf32>
    %exp3A = math.exp %sub3A : vector<16xf32>
    %swap3A = arith.constant 0 : i32
    %swap3A_73 = arith.index_cast %swap3A : i32 to index
    %swap3A_74 = arith.constant 0 : index
    %swap3A_75 = tpu.vector_load %arg15[%swap3A_73, %swap3A_74] {strides = array<i32>} : memref<2x80xf32, #tpu.memory_space<vmem>>, vector<16xf32>,
    tpu.vector_store %arg15[%swap3A_73, %swap3A_74], %exp3A {strides = array<i32>} : memref<2x80xf32, #tpu.memory_space<vmem>>, vector<16xf32>,
    tpu.vector_store_idx %arg17[%get3A_57], %exp3A {add = true} : memref<10240xf32, #tpu.memory_space<vmem>>[vector<16xi32>], vector<16xf32>,
    %mul3A_76 = arith.constant 2 : i32
    %mul3A_77 = vector.broadcast %mul3A_76 : i32 to vector<16xi32>
    %mul3A_78 = arith.muli %get3A_53, %mul3A_77 : vector<16xi32>
    %add3A_79 = vector.broadcast %arg0 : i32 to vector<16xi32>
    %add3A_80 = arith.addi %mul3A_78, %add3A_79 : vector<16xi32>
    %swap3A_81 = arith.constant 0 : i32
    %swap3A_82 = arith.index_cast %swap3A_81 : i32 to index
    %swap3A_83 = arith.constant 0 : index
    %swap3A_84 = tpu.vector_load %arg14[%swap3A_82, %swap3A_83] {strides = array<i32>} : memref<2x80xi32, #tpu.memory_space<vmem>>, vector<16xi32>,
    tpu.vector_store %arg14[%swap3A_82, %swap3A_83], %add3A_80 {strides = array<i32>} : memref<2x80xi32, #tpu.memory_space<vmem>>, vector<16xi32>,
    %get3A_85 = arith.constant 0 : i32
    %get3A_86 = arith.index_cast %get3A_85 : i32 to index
    %get3A_87 = arith.constant 16 : index
    %get3A_88 = tpu.vector_load %arg12[%get3A_86, %get3A_87] {strides = array<i32>} : memref<250x80xi32, #tpu.memory_space<vmem>>, vector<16xi32>,
    %get3A_89 = arith.constant 0 : i32
    %get3A_90 = arith.index_cast %get3A_89 : i32 to index
    %get3A_91 = arith.constant 16 : index
    %get3A_92 = tpu.vector_load %arg13[%get3A_90, %get3A_91] {strides = array<i32>} : memref<250x80xi32, #tpu.memory_space<vmem>>, vector<16xi32>,
    %gather3A_93 = tpu.vector_load_idx %arg10[%get3A_88] : memref<10240xf32, #tpu.memory_space<vmem>>[vector<16xi32>], vector<16xf32>,
    %gather3A_94 = tpu.vector_load_idx %arg11[%get3A_92] : memref<10240xf32, #tpu.memory_space<vmem>>[vector<16xi32>], vector<16xf32>,
    %add3A_95 = arith.addf %gather3A_93, %gather3A_94 : vector<16xf32>
    %ge3A_96 = arith.constant 0.000000e+00 : f32
    %ge3A_97 = vector.broadcast %ge3A_96 : f32 to vector<16xf32>
    %ge3A_98 = arith.cmpf oge, %add3A_95, %ge3A_97 : vector<16xf32>
    %mul3A_99 = arith.constant 2.000000e-01 : f32
    %mul3A_100 = vector.broadcast %mul3A_99 : f32 to vector<16xf32>
    %mul3A_101 = arith.mulf %mul3A_100, %add3A_95 : vector<16xf32>
    %select_n3A_102 = arith.select %ge3A_98, %add3A_95, %mul3A_101 : vector<16xi1>, vector<16xf32>
    %add3A_103 = arith.addf %get3A_49, %gather3A_94 : vector<16xf32>
    %ge3A_104 = arith.constant 0.000000e+00 : f32
    %ge3A_105 = vector.broadcast %ge3A_104 : f32 to vector<16xf32>
    %ge3A_106 = arith.cmpf oge, %add3A_103, %ge3A_105 : vector<16xf32>
    %mul3A_107 = arith.constant 2.000000e-01 : f32
    %mul3A_108 = vector.broadcast %mul3A_107 : f32 to vector<16xf32>
    %mul3A_109 = arith.mulf %mul3A_108, %add3A_103 : vector<16xf32>
    %select_n3A_110 = arith.select %ge3A_106, %add3A_103, %mul3A_109 : vector<16xi1>, vector<16xf32>
    %sub3A_111 = arith.subf %select_n3A_102, %select_n3A_110 : vector<16xf32>
    %exp3A_112 = math.exp %sub3A_111 : vector<16xf32>
    %swap3A_113 = arith.constant 0 : i32
    %swap3A_114 = arith.index_cast %swap3A_113 : i32 to index
    %swap3A_115 = arith.constant 16 : index
    %swap3A_116 = tpu.vector_load %arg15[%swap3A_114, %swap3A_115] {strides = array<i32>} : memref<2x80xf32, #tpu.memory_space<vmem>>, vector<16xf32>,
    tpu.vector_store %arg15[%swap3A_114, %swap3A_115], %exp3A_112 {strides = array<i32>} : memref<2x80xf32, #tpu.memory_space<vmem>>, vector<16xf32>,
    tpu.vector_store_idx %arg17[%get3A_92], %exp3A_112 {add = true} : memref<10240xf32, #tpu.memory_space<vmem>>[vector<16xi32>], vector<16xf32>,
    %mul3A_117 = arith.constant 2 : i32
    %mul3A_118 = vector.broadcast %mul3A_117 : i32 to vector<16xi32>
    %mul3A_119 = arith.muli %get3A_88, %mul3A_118 : vector<16xi32>
    %add3A_120 = vector.broadcast %arg0 : i32 to vector<16xi32>
    %add3A_121 = arith.addi %mul3A_119, %add3A_120 : vector<16xi32>
    %swap3A_122 = arith.constant 0 : i32
    %swap3A_123 = arith.index_cast %swap3A_122 : i32 to index
    %swap3A_124 = arith.constant 16 : index
    %swap3A_125 = tpu.vector_load %arg14[%swap3A_123, %swap3A_124] {strides = array<i32>} : memref<2x80xi32, #tpu.memory_space<vmem>>, vector<16xi32>,
    tpu.vector_store %arg14[%swap3A_123, %swap3A_124], %add3A_121 {strides = array<i32>} : memref<2x80xi32, #tpu.memory_space<vmem>>, vector<16xi32>,
    %get3A_126 = arith.constant 0 : i32
    %get3A_127 = arith.index_cast %get3A_126 : i32 to index
    %get3A_128 = arith.constant 32 : index
    %get3A_129 = tpu.vector_load %arg12[%get3A_127, %get3A_128] {strides = array<i32>} : memref<250x80xi32, #tpu.memory_space<vmem>>, vector<16xi32>,
    %get3A_130 = arith.constant 0 : i32
    %get3A_131 = arith.index_cast %get3A_130 : i32 to index
    %get3A_132 = arith.constant 32 : index
    %get3A_133 = tpu.vector_load %arg13[%get3A_131, %get3A_132] {strides = array<i32>} : memref<250x80xi32, #tpu.memory_space<vmem>>, vector<16xi32>,
    %gather3A_134 = tpu.vector_load_idx %arg10[%get3A_129] : memref<10240xf32, #tpu.memory_space<vmem>>[vector<16xi32>], vector<16xf32>,
    %gather3A_135 = tpu.vector_load_idx %arg11[%get3A_133] : memref<10240xf32, #tpu.memory_space<vmem>>[vector<16xi32>], vector<16xf32>,
    %add3A_136 = arith.addf %gather3A_134, %gather3A_135 : vector<16xf32>
    %ge3A_137 = arith.constant 0.000000e+00 : f32
    %ge3A_138 = vector.broadcast %ge3A_137 : f32 to vector<16xf32>
    %ge3A_139 = arith.cmpf oge, %add3A_136, %ge3A_138 : vector<16xf32>
    %mul3A_140 = arith.constant 2.000000e-01 : f32
    %mul3A_141 = vector.broadcast %mul3A_140 : f32 to vector<16xf32>
    %mul3A_142 = arith.mulf %mul3A_141, %add3A_136 : vector<16xf32>
    %select_n3A_143 = arith.select %ge3A_139, %add3A_136, %mul3A_142 : vector<16xi1>, vector<16xf32>
    %add3A_144 = arith.addf %get3A_49, %gather3A_135 : vector<16xf32>
    %ge3A_145 = arith.constant 0.000000e+00 : f32
    %ge3A_146 = vector.broadcast %ge3A_145 : f32 to vector<16xf32>
    %ge3A_147 = arith.cmpf oge, %add3A_144, %ge3A_146 : vector<16xf32>
    %mul3A_148 = arith.constant 2.000000e-01 : f32
    %mul3A_149 = vector.broadcast %mul3A_148 : f32 to vector<16xf32>
    %mul3A_150 = arith.mulf %mul3A_149, %add3A_144 : vector<16xf32>
    %select_n3A_151 = arith.select %ge3A_147, %add3A_144, %mul3A_150 : vector<16xi1>, vector<16xf32>
    %sub3A_152 = arith.subf %select_n3A_143, %select_n3A_151 : vector<16xf32>
    %exp3A_153 = math.exp %sub3A_152 : vector<16xf32>
    %swap3A_154 = arith.constant 0 : i32
    %swap3A_155 = arith.index_cast %swap3A_154 : i32 to index
    %swap3A_156 = arith.constant 32 : index
    %swap3A_157 = tpu.vector_load %arg15[%swap3A_155, %swap3A_156] {strides = array<i32>} : memref<2x80xf32, #tpu.memory_space<vmem>>, vector<16xf32>,
    tpu.vector_store %arg15[%swap3A_155, %swap3A_156], %exp3A_153 {strides = array<i32>} : memref<2x80xf32, #tpu.memory_space<vmem>>, vector<16xf32>,
    tpu.vector_store_idx %arg17[%get3A_133], %exp3A_153 {add = true} : memref<10240xf32, #tpu.memory_space<vmem>>[vector<16xi32>], vector<16xf32>,
    %mul3A_158 = arith.constant 2 : i32
    %mul3A_159 = vector.broadcast %mul3A_158 : i32 to vector<16xi32>
    %mul3A_160 = arith.muli %get3A_129, %mul3A_159 : vector<16xi32>
    %add3A_161 = vector.broadcast %arg0 : i32 to vector<16xi32>
    %add3A_162 = arith.addi %mul3A_160, %add3A_161 : vector<16xi32>
    %swap3A_163 = arith.constant 0 : i32
    %swap3A_164 = arith.index_cast %swap3A_163 : i32 to index
    %swap3A_165 = arith.constant 32 : index
    %swap3A_166 = tpu.vector_load %arg14[%swap3A_164, %swap3A_165] {strides = array<i32>} : memref<2x80xi32, #tpu.memory_space<vmem>>, vector<16xi32>,
    tpu.vector_store %arg14[%swap3A_164, %swap3A_165], %add3A_162 {strides = array<i32>} : memref<2x80xi32, #tpu.memory_space<vmem>>, vector<16xi32>,
    %get3A_167 = arith.constant 0 : i32
    %get3A_168 = arith.index_cast %get3A_167 : i32 to index
    %get3A_169 = arith.constant 48 : index
    %get3A_170 = tpu.vector_load %arg12[%get3A_168, %get3A_169] {strides = array<i32>} : memref<250x80xi32, #tpu.memory_space<vmem>>, vector<16xi32>,
    %get3A_171 = arith.constant 0 : i32
    %get3A_172 = arith.index_cast %get3A_171 : i32 to index
    %get3A_173 = arith.constant 48 : index
    %get3A_174 = tpu.vector_load %arg13[%get3A_172, %get3A_173] {strides = array<i32>} : memref<250x80xi32, #tpu.memory_space<vmem>>, vector<16xi32>,
    %gather3A_175 = tpu.vector_load_idx %arg10[%get3A_170] : memref<10240xf32, #tpu.memory_space<vmem>>[vector<16xi32>], vector<16xf32>,
    %gather3A_176 = tpu.vector_load_idx %arg11[%get3A_174] : memref<10240xf32, #tpu.memory_space<vmem>>[vector<16xi32>], vector<16xf32>,
    %add3A_177 = arith.addf %gather3A_175, %gather3A_176 : vector<16xf32>
    %ge3A_178 = arith.constant 0.000000e+00 : f32
    %ge3A_179 = vector.broadcast %ge3A_178 : f32 to vector<16xf32>
    %ge3A_180 = arith.cmpf oge, %add3A_177, %ge3A_179 : vector<16xf32>
    %mul3A_181 = arith.constant 2.000000e-01 : f32
    %mul3A_182 = vector.broadcast %mul3A_181 : f32 to vector<16xf32>
    %mul3A_183 = arith.mulf %mul3A_182, %add3A_177 : vector<16xf32>
    %select_n3A_184 = arith.select %ge3A_180, %add3A_177, %mul3A_183 : vector<16xi1>, vector<16xf32>
    %add3A_185 = arith.addf %get3A_49, %gather3A_176 : vector<16xf32>
    %ge3A_186 = arith.constant 0.000000e+00 : f32
    %ge3A_187 = vector.broadcast %ge3A_186 : f32 to vector<16xf32>
    %ge3A_188 = arith.cmpf oge, %add3A_185, %ge3A_187 : vector<16xf32>
    %mul3A_189 = arith.constant 2.000000e-01 : f32
    %mul3A_190 = vector.broadcast %mul3A_189 : f32 to vector<16xf32>
    %mul3A_191 = arith.mulf %mul3A_190, %add3A_185 : vector<16xf32>
    %select_n3A_192 = arith.select %ge3A_188, %add3A_185, %mul3A_191 : vector<16xi1>, vector<16xf32>
    %sub3A_193 = arith.subf %select_n3A_184, %select_n3A_192 : vector<16xf32>
    %exp3A_194 = math.exp %sub3A_193 : vector<16xf32>
    %swap3A_195 = arith.constant 0 : i32
    %swap3A_196 = arith.index_cast %swap3A_195 : i32 to index
    %swap3A_197 = arith.constant 48 : index
    %swap3A_198 = tpu.vector_load %arg15[%swap3A_196, %swap3A_197] {strides = array<i32>} : memref<2x80xf32, #tpu.memory_space<vmem>>, vector<16xf32>,
    tpu.vector_store %arg15[%swap3A_196, %swap3A_197], %exp3A_194 {strides = array<i32>} : memref<2x80xf32, #tpu.memory_space<vmem>>, vector<16xf32>,
    tpu.vector_store_idx %arg17[%get3A_174], %exp3A_194 {add = true} : memref<10240xf32, #tpu.memory_space<vmem>>[vector<16xi32>], vector<16xf32>,
    %mul3A_199 = arith.constant 2 : i32
    %mul3A_200 = vector.broadcast %mul3A_199 : i32 to vector<16xi32>
    %mul3A_201 = arith.muli %get3A_170, %mul3A_200 : vector<16xi32>
    %add3A_202 = vector.broadcast %arg0 : i32 to vector<16xi32>
    %add3A_203 = arith.addi %mul3A_201, %add3A_202 : vector<16xi32>
    %swap3A_204 = arith.constant 0 : i32
    %swap3A_205 = arith.index_cast %swap3A_204 : i32 to index
    %swap3A_206 = arith.constant 48 : index
    %swap3A_207 = tpu.vector_load %arg14[%swap3A_205, %swap3A_206] {strides = array<i32>} : memref<2x80xi32, #tpu.memory_space<vmem>>, vector<16xi32>,
    tpu.vector_store %arg14[%swap3A_205, %swap3A_206], %add3A_203 {strides = array<i32>} : memref<2x80xi32, #tpu.memory_space<vmem>>, vector<16xi32>,
    %get3A_208 = arith.constant 0 : i32
    %get3A_209 = arith.index_cast %get3A_208 : i32 to index
    %get3A_210 = arith.constant 64 : index
    %get3A_211 = tpu.vector_load %arg12[%get3A_209, %get3A_210] {strides = array<i32>} : memref<250x80xi32, #tpu.memory_space<vmem>>, vector<16xi32>,
    %get3A_212 = arith.constant 0 : i32
    %get3A_213 = arith.index_cast %get3A_212 : i32 to index
    %get3A_214 = arith.constant 64 : index
    %get3A_215 = tpu.vector_load %arg13[%get3A_213, %get3A_214] {strides = array<i32>} : memref<250x80xi32, #tpu.memory_space<vmem>>, vector<16xi32>,
    %gather3A_216 = tpu.vector_load_idx %arg10[%get3A_211] : memref<10240xf32, #tpu.memory_space<vmem>>[vector<16xi32>], vector<16xf32>,
    %gather3A_217 = tpu.vector_load_idx %arg11[%get3A_215] : memref<10240xf32, #tpu.memory_space<vmem>>[vector<16xi32>], vector<16xf32>,
    %add3A_218 = arith.addf %gather3A_216, %gather3A_217 : vector<16xf32>
    %ge3A_219 = arith.constant 0.000000e+00 : f32
    %ge3A_220 = vector.broadcast %ge3A_219 : f32 to vector<16xf32>
    %ge3A_221 = arith.cmpf oge, %add3A_218, %ge3A_220 : vector<16xf32>
    %mul3A_222 = arith.constant 2.000000e-01 : f32
    %mul3A_223 = vector.broadcast %mul3A_222 : f32 to vector<16xf32>
    %mul3A_224 = arith.mulf %mul3A_223, %add3A_218 : vector<16xf32>
    %select_n3A_225 = arith.select %ge3A_221, %add3A_218, %mul3A_224 : vector<16xi1>, vector<16xf32>
    %add3A_226 = arith.addf %get3A_49, %gather3A_217 : vector<16xf32>
    %ge3A_227 = arith.constant 0.000000e+00 : f32
    %ge3A_228 = vector.broadcast %ge3A_227 : f32 to vector<16xf32>
    %ge3A_229 = arith.cmpf oge, %add3A_226, %ge3A_228 : vector<16xf32>
    %mul3A_230 = arith.constant 2.000000e-01 : f32
    %mul3A_231 = vector.broadcast %mul3A_230 : f32 to vector<16xf32>
    %mul3A_232 = arith.mulf %mul3A_231, %add3A_226 : vector<16xf32>
    %select_n3A_233 = arith.select %ge3A_229, %add3A_226, %mul3A_232 : vector<16xi1>, vector<16xf32>
    %sub3A_234 = arith.subf %select_n3A_225, %select_n3A_233 : vector<16xf32>
    %exp3A_235 = math.exp %sub3A_234 : vector<16xf32>
    %swap3A_236 = arith.constant 0 : i32
    %swap3A_237 = arith.index_cast %swap3A_236 : i32 to index
    %swap3A_238 = arith.constant 64 : index
    %swap3A_239 = tpu.vector_load %arg15[%swap3A_237, %swap3A_238] {strides = array<i32>} : memref<2x80xf32, #tpu.memory_space<vmem>>, vector<16xf32>,
    tpu.vector_store %arg15[%swap3A_237, %swap3A_238], %exp3A_235 {strides = array<i32>} : memref<2x80xf32, #tpu.memory_space<vmem>>, vector<16xf32>,
    tpu.vector_store_idx %arg17[%get3A_215], %exp3A_235 {add = true} : memref<10240xf32, #tpu.memory_space<vmem>>[vector<16xi32>], vector<16xf32>,
    %mul3A_240 = arith.constant 2 : i32
    %mul3A_241 = vector.broadcast %mul3A_240 : i32 to vector<16xi32>
    %mul3A_242 = arith.muli %get3A_211, %mul3A_241 : vector<16xi32>
    %add3A_243 = vector.broadcast %arg0 : i32 to vector<16xi32>
    %add3A_244 = arith.addi %mul3A_242, %add3A_243 : vector<16xi32>
    %swap3A_245 = arith.constant 0 : i32
    %swap3A_246 = arith.index_cast %swap3A_245 : i32 to index
    %swap3A_247 = arith.constant 64 : index
    %swap3A_248 = tpu.vector_load %arg14[%swap3A_246, %swap3A_247] {strides = array<i32>} : memref<2x80xi32, #tpu.memory_space<vmem>>, vector<16xi32>,
    tpu.vector_store %arg14[%swap3A_246, %swap3A_247], %add3A_244 {strides = array<i32>} : memref<2x80xi32, #tpu.memory_space<vmem>>, vector<16xi32>,
    %dma_start3A = arith.constant 0 : i32
    %dma_start3A_249 = arith.constant 0 : i32
    %dma_start3A_250 = arith.constant 0 : i32
    %dma_start3A_251 = arith.constant 0 : i32
    %dma_start3A_252 = tpu.memref_slice %arg16[%dma_start3A_249, %dma_start3A_250, %dma_start3A_251] : memref<2x80x64xf32, #tpu.memory_space<vmem>> -> memref<1x80x64xf32, #tpu.memory_space<vmem>>
    %dma_start3A_253 = tpu.memref_squeeze %dma_start3A_252 : memref<1x80x64xf32, #tpu.memory_space<vmem>> -> memref<80x64xf32, #tpu.memory_space<vmem>>
    %dma_start3A_254 = arith.constant 0 : i32
    %dma_start3A_255 = tpu.memref_slice %arg14[%dma_start3A, %dma_start3A_254] : memref<2x80xi32, #tpu.memory_space<vmem>> -> memref<1x80xi32, #tpu.memory_space<vmem>>
    %dma_start3A_256 = tpu.memref_squeeze %dma_start3A_255 : memref<1x80xi32, #tpu.memory_space<vmem>> -> memref<80xi32, #tpu.memory_space<vmem>>
    %dma_start3A_257 = arith.constant 0 : i32
    %dma_start3A_258 = arith.constant 0 : i32
    %dma_start3A_259 = tpu.memref_slice %arg2[%dma_start3A_257, %dma_start3A_258] : memref<20480x64xf32, #tpu.memory_space<hbm>> -> memref<20480x64xf32, #tpu.memory_space<hbm>>
    tpu.enqueue_indirect_dma source(%dma_start3A_259 : memref<20480x64xf32, #tpu.memory_space<hbm>>) target(%dma_start3A_253 : memref<80x64xf32, #tpu.memory_space<vmem>>) offsets(%dma_start3A_256 : memref<80xi32, #tpu.memory_space<vmem>>) semaphore(%arg20 : memref<!tpu.dma_semaphore, #tpu.memory_space<semaphore_mem>>)
    %scan3A_260 = arith.constant 0 : i32
    %scan3A_261 = arith.constant 0 : i32
    %scan3A_262 = arith.constant 250 : i32
    %scan3A_263 = arith.addi %scan3A_261, %scan3A_262 : i32
    %scan3A_264 = arith.constant 1 : i32
    scf.for %scan3A_284 = %scan3A_261 to %scan3A_263 step %scan3A_264  : i32 {
      %jit3A = arith.constant 2 : i32
      %eq3A_285 = arith.constant 0 : i32
      %eq3A_286 = arith.cmpi eq, %jit3A, %eq3A_285 : i32
      %jit3A_287 = arith.constant 1 : i32
      %select_n3A_288 = arith.select %eq3A_286, %jit3A_287, %jit3A : i32
      %rem3A = arith.remsi %scan3A_284, %select_n3A_288 : i32
      %ne3A = arith.constant 0 : i32
      %ne3A_289 = arith.cmpi ne, %rem3A, %ne3A : i32
      %lt3A = arith.constant 0 : i32
      %lt3A_290 = arith.cmpi slt, %rem3A, %lt3A : i32
      %lt3A_291 = arith.constant 0 : i32
      %lt3A_292 = arith.cmpi slt, %select_n3A_288, %lt3A_291 : i32
      %ne3A_293 = arith.xori %lt3A_290, %lt3A_292 : i1
      %and3A = arith.andi %ne3A_293, %ne3A_289 : i1
      %add3A_294 = arith.addi %rem3A, %select_n3A_288 : i32
      %select_n3A_295 = arith.select %and3A, %add3A_294, %rem3A : i32
      %sub3A_296 = arith.constant 1 : i32
      %sub3A_297 = arith.subi %sub3A_296, %select_n3A_295 : i32
      %dma_wait3A_298 = arith.constant 0 : i32
      %dma_wait3A_299 = arith.constant 0 : i32
      %dma_wait3A_300 = tpu.memref_slice %arg16[%select_n3A_295, %dma_wait3A_298, %dma_wait3A_299] : memref<2x80x64xf32, #tpu.memory_space<vmem>> -> memref<1x80x64xf32, #tpu.memory_space<vmem>>
      %dma_wait3A_301 = tpu.memref_squeeze %dma_wait3A_300 : memref<1x80x64xf32, #tpu.memory_space<vmem>> -> memref<80x64xf32, #tpu.memory_space<vmem>>
      %dma_wait3A_302 = arith.constant 0 : i32
      %dma_wait3A_303 = tpu.memref_slice %arg14[%select_n3A_295, %dma_wait3A_302] : memref<2x80xi32, #tpu.memory_space<vmem>> -> memref<1x80xi32, #tpu.memory_space<vmem>>
      %dma_wait3A_304 = tpu.memref_squeeze %dma_wait3A_303 : memref<1x80xi32, #tpu.memory_space<vmem>> -> memref<80xi32, #tpu.memory_space<vmem>>
      %dma_wait3A_305 = arith.constant 0 : i32
      %dma_wait3A_306 = arith.constant 0 : i32
      %dma_wait3A_307 = tpu.memref_slice %arg2[%dma_wait3A_305, %dma_wait3A_306] : memref<20480x64xf32, #tpu.memory_space<hbm>> -> memref<20480x64xf32, #tpu.memory_space<hbm>>
      tpu.wait_indirect_dma semaphore(%arg20 : memref<!tpu.dma_semaphore, #tpu.memory_space<semaphore_mem>>) src(%dma_wait3A_307 : memref<20480x64xf32, #tpu.memory_space<hbm>>) dst(%dma_wait3A_301 : memref<80x64xf32, #tpu.memory_space<vmem>>)
      %gt3A = arith.constant 0 : i32
      %gt3A_308 = arith.cmpi sgt, %scan3A_284, %gt3A : i32
      %convert_element_type3A_309 = arith.extui %gt3A_308 : i1 to i32
      %cond3A_310 = arith.constant 0 : i32
      %cond3A_311 = arith.cmpi ne, %convert_element_type3A_309, %cond3A_310 : i32
      scf.if %cond3A_311 {
        %sub3A_331 = arith.constant 1 : i32
        %sub3A_332 = arith.subi %scan3A_284, %sub3A_331 : i32
        %dma_wait3A_333 = arith.constant 0 : i32
        %dma_wait3A_334 = arith.constant 0 : i32
        %dma_wait3A_335 = tpu.memref_slice %arg16[%sub3A_297, %dma_wait3A_333, %dma_wait3A_334] : memref<2x80x64xf32, #tpu.memory_space<vmem>> -> memref<1x80x64xf32, #tpu.memory_space<vmem>>
        %dma_wait3A_336 = tpu.memref_squeeze %dma_wait3A_335 : memref<1x80x64xf32, #tpu.memory_space<vmem>> -> memref<80x64xf32, #tpu.memory_space<vmem>>
        %dma_wait3A_337 = arith.constant 0 : i32
        %dma_wait3A_338 = tpu.memref_slice %arg13[%sub3A_332, %dma_wait3A_337] : memref<250x80xi32, #tpu.memory_space<vmem>> -> memref<1x80xi32, #tpu.memory_space<vmem>>
        %dma_wait3A_339 = tpu.memref_squeeze %dma_wait3A_338 : memref<1x80xi32, #tpu.memory_space<vmem>> -> memref<80xi32, #tpu.memory_space<vmem>>
        %dma_wait3A_340 = arith.constant 0 : i32
        %dma_wait3A_341 = arith.constant 0 : i32
        %dma_wait3A_342 = tpu.memref_slice %arg19[%dma_wait3A_340, %dma_wait3A_341] : memref<10240x64xf32, #tpu.memory_space<vmem_shared>> -> memref<10240x64xf32, #tpu.memory_space<vmem_shared>>
        tpu.wait_indirect_dma semaphore(%arg21 : memref<!tpu.dma_semaphore, #tpu.memory_space<semaphore_mem>>) src(%dma_wait3A_336 : memref<80x64xf32, #tpu.memory_space<vmem>>) dst(%dma_wait3A_342 : memref<10240x64xf32, #tpu.memory_space<vmem_shared>>)
      } else {
      }
      %add3A_312 = arith.constant 1 : i32
      %add3A_313 = arith.addi %scan3A_284, %add3A_312 : i32
      %lt3A_314 = arith.constant 250 : i32
      %lt3A_315 = arith.cmpi slt, %add3A_313, %lt3A_314 : i32
      %convert_element_type3A_316 = arith.extui %lt3A_315 : i1 to i32
      %cond3A_317 = arith.constant 0 : i32
      %cond3A_318 = arith.cmpi ne, %convert_element_type3A_316, %cond3A_317 : i32
      scf.if %cond3A_318 {
        %add3A_331 = arith.constant 1 : i32
        %add3A_332 = arith.addi %scan3A_284, %add3A_331 : i32
        %get3A_333 = arith.index_cast %add3A_332 : i32 to index
        %get3A_334 = arith.constant 0 : index
        %get3A_335 = tpu.vector_load %arg12[%get3A_333, %get3A_334] {strides = array<i32>} : memref<250x80xi32, #tpu.memory_space<vmem>>, vector<16xi32>,
        %get3A_336 = arith.index_cast %add3A_332 : i32 to index
        %get3A_337 = arith.constant 0 : index
        %get3A_338 = tpu.vector_load %arg13[%get3A_336, %get3A_337] {strides = array<i32>} : memref<250x80xi32, #tpu.memory_space<vmem>>, vector<16xi32>,
        %gather3A_339 = tpu.vector_load_idx %arg10[%get3A_335] : memref<10240xf32, #tpu.memory_space<vmem>>[vector<16xi32>], vector<16xf32>,
        %gather3A_340 = tpu.vector_load_idx %arg11[%get3A_338] : memref<10240xf32, #tpu.memory_space<vmem>>[vector<16xi32>], vector<16xf32>,
        %add3A_341 = arith.addf %gather3A_339, %gather3A_340 : vector<16xf32>
        %ge3A_342 = arith.constant 0.000000e+00 : f32
        %ge3A_343 = vector.broadcast %ge3A_342 : f32 to vector<16xf32>
        %ge3A_344 = arith.cmpf oge, %add3A_341, %ge3A_343 : vector<16xf32>
        %mul3A_345 = arith.constant 2.000000e-01 : f32
        %mul3A_346 = vector.broadcast %mul3A_345 : f32 to vector<16xf32>
        %mul3A_347 = arith.mulf %mul3A_346, %add3A_341 : vector<16xf32>
        %select_n3A_348 = arith.select %ge3A_344, %add3A_341, %mul3A_347 : vector<16xi1>, vector<16xf32>
        %add3A_349 = arith.addf %get3A_49, %gather3A_340 : vector<16xf32>
        %ge3A_350 = arith.constant 0.000000e+00 : f32
        %ge3A_351 = vector.broadcast %ge3A_350 : f32 to vector<16xf32>
        %ge3A_352 = arith.cmpf oge, %add3A_349, %ge3A_351 : vector<16xf32>
        %mul3A_353 = arith.constant 2.000000e-01 : f32
        %mul3A_354 = vector.broadcast %mul3A_353 : f32 to vector<16xf32>
        %mul3A_355 = arith.mulf %mul3A_354, %add3A_349 : vector<16xf32>
        %select_n3A_356 = arith.select %ge3A_352, %add3A_349, %mul3A_355 : vector<16xi1>, vector<16xf32>
        %sub3A_357 = arith.subf %select_n3A_348, %select_n3A_356 : vector<16xf32>
        %exp3A_358 = math.exp %sub3A_357 : vector<16xf32>
        %swap3A_359 = arith.index_cast %sub3A_297 : i32 to index
        %swap3A_360 = arith.constant 0 : index
        %swap3A_361 = tpu.vector_load %arg15[%swap3A_359, %swap3A_360] {strides = array<i32>} : memref<2x80xf32, #tpu.memory_space<vmem>>, vector<16xf32>,
        tpu.vector_store %arg15[%swap3A_359, %swap3A_360], %exp3A_358 {strides = array<i32>} : memref<2x80xf32, #tpu.memory_space<vmem>>, vector<16xf32>,
        tpu.vector_store_idx %arg17[%get3A_338], %exp3A_358 {add = true} : memref<10240xf32, #tpu.memory_space<vmem>>[vector<16xi32>], vector<16xf32>,
        %mul3A_362 = arith.constant 2 : i32
        %mul3A_363 = vector.broadcast %mul3A_362 : i32 to vector<16xi32>
        %mul3A_364 = arith.muli %get3A_335, %mul3A_363 : vector<16xi32>
        %add3A_365 = vector.broadcast %arg0 : i32 to vector<16xi32>
        %add3A_366 = arith.addi %mul3A_364, %add3A_365 : vector<16xi32>
        %swap3A_367 = arith.index_cast %sub3A_297 : i32 to index
        %swap3A_368 = arith.constant 0 : index
        %swap3A_369 = tpu.vector_load %arg14[%swap3A_367, %swap3A_368] {strides = array<i32>} : memref<2x80xi32, #tpu.memory_space<vmem>>, vector<16xi32>,
        tpu.vector_store %arg14[%swap3A_367, %swap3A_368], %add3A_366 {strides = array<i32>} : memref<2x80xi32, #tpu.memory_space<vmem>>, vector<16xi32>,
        %get3A_370 = arith.index_cast %add3A_332 : i32 to index
        %get3A_371 = arith.constant 16 : index
        %get3A_372 = tpu.vector_load %arg12[%get3A_370, %get3A_371] {strides = array<i32>} : memref<250x80xi32, #tpu.memory_space<vmem>>, vector<16xi32>,
        %get3A_373 = arith.index_cast %add3A_332 : i32 to index
        %get3A_374 = arith.constant 16 : index
        %get3A_375 = tpu.vector_load %arg13[%get3A_373, %get3A_374] {strides = array<i32>} : memref<250x80xi32, #tpu.memory_space<vmem>>, vector<16xi32>,
        %gather3A_376 = tpu.vector_load_idx %arg10[%get3A_372] : memref<10240xf32, #tpu.memory_space<vmem>>[vector<16xi32>], vector<16xf32>,
        %gather3A_377 = tpu.vector_load_idx %arg11[%get3A_375] : memref<10240xf32, #tpu.memory_space<vmem>>[vector<16xi32>], vector<16xf32>,
        %add3A_378 = arith.addf %gather3A_376, %gather3A_377 : vector<16xf32>
        %ge3A_379 = arith.constant 0.000000e+00 : f32
        %ge3A_380 = vector.broadcast %ge3A_379 : f32 to vector<16xf32>
        %ge3A_381 = arith.cmpf oge, %add3A_378, %ge3A_380 : vector<16xf32>
        %mul3A_382 = arith.constant 2.000000e-01 : f32
        %mul3A_383 = vector.broadcast %mul3A_382 : f32 to vector<16xf32>
        %mul3A_384 = arith.mulf %mul3A_383, %add3A_378 : vector<16xf32>
        %select_n3A_385 = arith.select %ge3A_381, %add3A_378, %mul3A_384 : vector<16xi1>, vector<16xf32>
        %add3A_386 = arith.addf %get3A_49, %gather3A_377 : vector<16xf32>
        %ge3A_387 = arith.constant 0.000000e+00 : f32
        %ge3A_388 = vector.broadcast %ge3A_387 : f32 to vector<16xf32>
        %ge3A_389 = arith.cmpf oge, %add3A_386, %ge3A_388 : vector<16xf32>
        %mul3A_390 = arith.constant 2.000000e-01 : f32
        %mul3A_391 = vector.broadcast %mul3A_390 : f32 to vector<16xf32>
        %mul3A_392 = arith.mulf %mul3A_391, %add3A_386 : vector<16xf32>
        %select_n3A_393 = arith.select %ge3A_389, %add3A_386, %mul3A_392 : vector<16xi1>, vector<16xf32>
        %sub3A_394 = arith.subf %select_n3A_385, %select_n3A_393 : vector<16xf32>
        %exp3A_395 = math.exp %sub3A_394 : vector<16xf32>
        %swap3A_396 = arith.index_cast %sub3A_297 : i32 to index
        %swap3A_397 = arith.constant 16 : index
        %swap3A_398 = tpu.vector_load %arg15[%swap3A_396, %swap3A_397] {strides = array<i32>} : memref<2x80xf32, #tpu.memory_space<vmem>>, vector<16xf32>,
        tpu.vector_store %arg15[%swap3A_396, %swap3A_397], %exp3A_395 {strides = array<i32>} : memref<2x80xf32, #tpu.memory_space<vmem>>, vector<16xf32>,
        tpu.vector_store_idx %arg17[%get3A_375], %exp3A_395 {add = true} : memref<10240xf32, #tpu.memory_space<vmem>>[vector<16xi32>], vector<16xf32>,
        %mul3A_399 = arith.constant 2 : i32
        %mul3A_400 = vector.broadcast %mul3A_399 : i32 to vector<16xi32>
        %mul3A_401 = arith.muli %get3A_372, %mul3A_400 : vector<16xi32>
        %add3A_402 = vector.broadcast %arg0 : i32 to vector<16xi32>
        %add3A_403 = arith.addi %mul3A_401, %add3A_402 : vector<16xi32>
        %swap3A_404 = arith.index_cast %sub3A_297 : i32 to index
        %swap3A_405 = arith.constant 16 : index
        %swap3A_406 = tpu.vector_load %arg14[%swap3A_404, %swap3A_405] {strides = array<i32>} : memref<2x80xi32, #tpu.memory_space<vmem>>, vector<16xi32>,
        tpu.vector_store %arg14[%swap3A_404, %swap3A_405], %add3A_403 {strides = array<i32>} : memref<2x80xi32, #tpu.memory_space<vmem>>, vector<16xi32>,
        %get3A_407 = arith.index_cast %add3A_332 : i32 to index
        %get3A_408 = arith.constant 32 : index
        %get3A_409 = tpu.vector_load %arg12[%get3A_407, %get3A_408] {strides = array<i32>} : memref<250x80xi32, #tpu.memory_space<vmem>>, vector<16xi32>,
        %get3A_410 = arith.index_cast %add3A_332 : i32 to index
        %get3A_411 = arith.constant 32 : index
        %get3A_412 = tpu.vector_load %arg13[%get3A_410, %get3A_411] {strides = array<i32>} : memref<250x80xi32, #tpu.memory_space<vmem>>, vector<16xi32>,
        %gather3A_413 = tpu.vector_load_idx %arg10[%get3A_409] : memref<10240xf32, #tpu.memory_space<vmem>>[vector<16xi32>], vector<16xf32>,
        %gather3A_414 = tpu.vector_load_idx %arg11[%get3A_412] : memref<10240xf32, #tpu.memory_space<vmem>>[vector<16xi32>], vector<16xf32>,
        %add3A_415 = arith.addf %gather3A_413, %gather3A_414 : vector<16xf32>
        %ge3A_416 = arith.constant 0.000000e+00 : f32
        %ge3A_417 = vector.broadcast %ge3A_416 : f32 to vector<16xf32>
        %ge3A_418 = arith.cmpf oge, %add3A_415, %ge3A_417 : vector<16xf32>
        %mul3A_419 = arith.constant 2.000000e-01 : f32
        %mul3A_420 = vector.broadcast %mul3A_419 : f32 to vector<16xf32>
        %mul3A_421 = arith.mulf %mul3A_420, %add3A_415 : vector<16xf32>
        %select_n3A_422 = arith.select %ge3A_418, %add3A_415, %mul3A_421 : vector<16xi1>, vector<16xf32>
        %add3A_423 = arith.addf %get3A_49, %gather3A_414 : vector<16xf32>
        %ge3A_424 = arith.constant 0.000000e+00 : f32
        %ge3A_425 = vector.broadcast %ge3A_424 : f32 to vector<16xf32>
        %ge3A_426 = arith.cmpf oge, %add3A_423, %ge3A_425 : vector<16xf32>
        %mul3A_427 = arith.constant 2.000000e-01 : f32
        %mul3A_428 = vector.broadcast %mul3A_427 : f32 to vector<16xf32>
        %mul3A_429 = arith.mulf %mul3A_428, %add3A_423 : vector<16xf32>
        %select_n3A_430 = arith.select %ge3A_426, %add3A_423, %mul3A_429 : vector<16xi1>, vector<16xf32>
        %sub3A_431 = arith.subf %select_n3A_422, %select_n3A_430 : vector<16xf32>
        %exp3A_432 = math.exp %sub3A_431 : vector<16xf32>
        %swap3A_433 = arith.index_cast %sub3A_297 : i32 to index
        %swap3A_434 = arith.constant 32 : index
        %swap3A_435 = tpu.vector_load %arg15[%swap3A_433, %swap3A_434] {strides = array<i32>} : memref<2x80xf32, #tpu.memory_space<vmem>>, vector<16xf32>,
        tpu.vector_store %arg15[%swap3A_433, %swap3A_434], %exp3A_432 {strides = array<i32>} : memref<2x80xf32, #tpu.memory_space<vmem>>, vector<16xf32>,
        tpu.vector_store_idx %arg17[%get3A_412], %exp3A_432 {add = true} : memref<10240xf32, #tpu.memory_space<vmem>>[vector<16xi32>], vector<16xf32>,
        %mul3A_436 = arith.constant 2 : i32
        %mul3A_437 = vector.broadcast %mul3A_436 : i32 to vector<16xi32>
        %mul3A_438 = arith.muli %get3A_409, %mul3A_437 : vector<16xi32>
        %add3A_439 = vector.broadcast %arg0 : i32 to vector<16xi32>
        %add3A_440 = arith.addi %mul3A_438, %add3A_439 : vector<16xi32>
        %swap3A_441 = arith.index_cast %sub3A_297 : i32 to index
        %swap3A_442 = arith.constant 32 : index
        %swap3A_443 = tpu.vector_load %arg14[%swap3A_441, %swap3A_442] {strides = array<i32>} : memref<2x80xi32, #tpu.memory_space<vmem>>, vector<16xi32>,
        tpu.vector_store %arg14[%swap3A_441, %swap3A_442], %add3A_440 {strides = array<i32>} : memref<2x80xi32, #tpu.memory_space<vmem>>, vector<16xi32>,
        %get3A_444 = arith.index_cast %add3A_332 : i32 to index
        %get3A_445 = arith.constant 48 : index
        %get3A_446 = tpu.vector_load %arg12[%get3A_444, %get3A_445] {strides = array<i32>} : memref<250x80xi32, #tpu.memory_space<vmem>>, vector<16xi32>,
        %get3A_447 = arith.index_cast %add3A_332 : i32 to index
        %get3A_448 = arith.constant 48 : index
        %get3A_449 = tpu.vector_load %arg13[%get3A_447, %get3A_448] {strides = array<i32>} : memref<250x80xi32, #tpu.memory_space<vmem>>, vector<16xi32>,
        %gather3A_450 = tpu.vector_load_idx %arg10[%get3A_446] : memref<10240xf32, #tpu.memory_space<vmem>>[vector<16xi32>], vector<16xf32>,
        %gather3A_451 = tpu.vector_load_idx %arg11[%get3A_449] : memref<10240xf32, #tpu.memory_space<vmem>>[vector<16xi32>], vector<16xf32>,
        %add3A_452 = arith.addf %gather3A_450, %gather3A_451 : vector<16xf32>
        %ge3A_453 = arith.constant 0.000000e+00 : f32
        %ge3A_454 = vector.broadcast %ge3A_453 : f32 to vector<16xf32>
        %ge3A_455 = arith.cmpf oge, %add3A_452, %ge3A_454 : vector<16xf32>
        %mul3A_456 = arith.constant 2.000000e-01 : f32
        %mul3A_457 = vector.broadcast %mul3A_456 : f32 to vector<16xf32>
        %mul3A_458 = arith.mulf %mul3A_457, %add3A_452 : vector<16xf32>
        %select_n3A_459 = arith.select %ge3A_455, %add3A_452, %mul3A_458 : vector<16xi1>, vector<16xf32>
        %add3A_460 = arith.addf %get3A_49, %gather3A_451 : vector<16xf32>
        %ge3A_461 = arith.constant 0.000000e+00 : f32
        %ge3A_462 = vector.broadcast %ge3A_461 : f32 to vector<16xf32>
        %ge3A_463 = arith.cmpf oge, %add3A_460, %ge3A_462 : vector<16xf32>
        %mul3A_464 = arith.constant 2.000000e-01 : f32
        %mul3A_465 = vector.broadcast %mul3A_464 : f32 to vector<16xf32>
        %mul3A_466 = arith.mulf %mul3A_465, %add3A_460 : vector<16xf32>
        %select_n3A_467 = arith.select %ge3A_463, %add3A_460, %mul3A_466 : vector<16xi1>, vector<16xf32>
        %sub3A_468 = arith.subf %select_n3A_459, %select_n3A_467 : vector<16xf32>
        %exp3A_469 = math.exp %sub3A_468 : vector<16xf32>
        %swap3A_470 = arith.index_cast %sub3A_297 : i32 to index
        %swap3A_471 = arith.constant 48 : index
        %swap3A_472 = tpu.vector_load %arg15[%swap3A_470, %swap3A_471] {strides = array<i32>} : memref<2x80xf32, #tpu.memory_space<vmem>>, vector<16xf32>,
        tpu.vector_store %arg15[%swap3A_470, %swap3A_471], %exp3A_469 {strides = array<i32>} : memref<2x80xf32, #tpu.memory_space<vmem>>, vector<16xf32>,
        tpu.vector_store_idx %arg17[%get3A_449], %exp3A_469 {add = true} : memref<10240xf32, #tpu.memory_space<vmem>>[vector<16xi32>], vector<16xf32>,
        %mul3A_473 = arith.constant 2 : i32
        %mul3A_474 = vector.broadcast %mul3A_473 : i32 to vector<16xi32>
        %mul3A_475 = arith.muli %get3A_446, %mul3A_474 : vector<16xi32>
        %add3A_476 = vector.broadcast %arg0 : i32 to vector<16xi32>
        %add3A_477 = arith.addi %mul3A_475, %add3A_476 : vector<16xi32>
        %swap3A_478 = arith.index_cast %sub3A_297 : i32 to index
        %swap3A_479 = arith.constant 48 : index
        %swap3A_480 = tpu.vector_load %arg14[%swap3A_478, %swap3A_479] {strides = array<i32>} : memref<2x80xi32, #tpu.memory_space<vmem>>, vector<16xi32>,
        tpu.vector_store %arg14[%swap3A_478, %swap3A_479], %add3A_477 {strides = array<i32>} : memref<2x80xi32, #tpu.memory_space<vmem>>, vector<16xi32>,
        %get3A_481 = arith.index_cast %add3A_332 : i32 to index
        %get3A_482 = arith.constant 64 : index
        %get3A_483 = tpu.vector_load %arg12[%get3A_481, %get3A_482] {strides = array<i32>} : memref<250x80xi32, #tpu.memory_space<vmem>>, vector<16xi32>,
        %get3A_484 = arith.index_cast %add3A_332 : i32 to index
        %get3A_485 = arith.constant 64 : index
        %get3A_486 = tpu.vector_load %arg13[%get3A_484, %get3A_485] {strides = array<i32>} : memref<250x80xi32, #tpu.memory_space<vmem>>, vector<16xi32>,
        %gather3A_487 = tpu.vector_load_idx %arg10[%get3A_483] : memref<10240xf32, #tpu.memory_space<vmem>>[vector<16xi32>], vector<16xf32>,
        %gather3A_488 = tpu.vector_load_idx %arg11[%get3A_486] : memref<10240xf32, #tpu.memory_space<vmem>>[vector<16xi32>], vector<16xf32>,
        %add3A_489 = arith.addf %gather3A_487, %gather3A_488 : vector<16xf32>
        %ge3A_490 = arith.constant 0.000000e+00 : f32
        %ge3A_491 = vector.broadcast %ge3A_490 : f32 to vector<16xf32>
        %ge3A_492 = arith.cmpf oge, %add3A_489, %ge3A_491 : vector<16xf32>
        %mul3A_493 = arith.constant 2.000000e-01 : f32
        %mul3A_494 = vector.broadcast %mul3A_493 : f32 to vector<16xf32>
        %mul3A_495 = arith.mulf %mul3A_494, %add3A_489 : vector<16xf32>
        %select_n3A_496 = arith.select %ge3A_492, %add3A_489, %mul3A_495 : vector<16xi1>, vector<16xf32>
        %add3A_497 = arith.addf %get3A_49, %gather3A_488 : vector<16xf32>
        %ge3A_498 = arith.constant 0.000000e+00 : f32
        %ge3A_499 = vector.broadcast %ge3A_498 : f32 to vector<16xf32>
        %ge3A_500 = arith.cmpf oge, %add3A_497, %ge3A_499 : vector<16xf32>
        %mul3A_501 = arith.constant 2.000000e-01 : f32
        %mul3A_502 = vector.broadcast %mul3A_501 : f32 to vector<16xf32>
        %mul3A_503 = arith.mulf %mul3A_502, %add3A_497 : vector<16xf32>
        %select_n3A_504 = arith.select %ge3A_500, %add3A_497, %mul3A_503 : vector<16xi1>, vector<16xf32>
        %sub3A_505 = arith.subf %select_n3A_496, %select_n3A_504 : vector<16xf32>
        %exp3A_506 = math.exp %sub3A_505 : vector<16xf32>
        %swap3A_507 = arith.index_cast %sub3A_297 : i32 to index
        %swap3A_508 = arith.constant 64 : index
        %swap3A_509 = tpu.vector_load %arg15[%swap3A_507, %swap3A_508] {strides = array<i32>} : memref<2x80xf32, #tpu.memory_space<vmem>>, vector<16xf32>,
        tpu.vector_store %arg15[%swap3A_507, %swap3A_508], %exp3A_506 {strides = array<i32>} : memref<2x80xf32, #tpu.memory_space<vmem>>, vector<16xf32>,
        tpu.vector_store_idx %arg17[%get3A_486], %exp3A_506 {add = true} : memref<10240xf32, #tpu.memory_space<vmem>>[vector<16xi32>], vector<16xf32>,
        %mul3A_510 = arith.constant 2 : i32
        %mul3A_511 = vector.broadcast %mul3A_510 : i32 to vector<16xi32>
        %mul3A_512 = arith.muli %get3A_483, %mul3A_511 : vector<16xi32>
        %add3A_513 = vector.broadcast %arg0 : i32 to vector<16xi32>
        %add3A_514 = arith.addi %mul3A_512, %add3A_513 : vector<16xi32>
        %swap3A_515 = arith.index_cast %sub3A_297 : i32 to index
        %swap3A_516 = arith.constant 64 : index
        %swap3A_517 = tpu.vector_load %arg14[%swap3A_515, %swap3A_516] {strides = array<i32>} : memref<2x80xi32, #tpu.memory_space<vmem>>, vector<16xi32>,
        tpu.vector_store %arg14[%swap3A_515, %swap3A_516], %add3A_514 {strides = array<i32>} : memref<2x80xi32, #tpu.memory_space<vmem>>, vector<16xi32>,
        %dma_start3A_518 = arith.constant 0 : i32
        %dma_start3A_519 = arith.constant 0 : i32
        %dma_start3A_520 = tpu.memref_slice %arg16[%sub3A_297, %dma_start3A_518, %dma_start3A_519] : memref<2x80x64xf32, #tpu.memory_space<vmem>> -> memref<1x80x64xf32, #tpu.memory_space<vmem>>
        %dma_start3A_521 = tpu.memref_squeeze %dma_start3A_520 : memref<1x80x64xf32, #tpu.memory_space<vmem>> -> memref<80x64xf32, #tpu.memory_space<vmem>>
        %dma_start3A_522 = arith.constant 0 : i32
        %dma_start3A_523 = tpu.memref_slice %arg14[%sub3A_297, %dma_start3A_522] : memref<2x80xi32, #tpu.memory_space<vmem>> -> memref<1x80xi32, #tpu.memory_space<vmem>>
        %dma_start3A_524 = tpu.memref_squeeze %dma_start3A_523 : memref<1x80xi32, #tpu.memory_space<vmem>> -> memref<80xi32, #tpu.memory_space<vmem>>
        %dma_start3A_525 = arith.constant 0 : i32
        %dma_start3A_526 = arith.constant 0 : i32
        %dma_start3A_527 = tpu.memref_slice %arg2[%dma_start3A_525, %dma_start3A_526] : memref<20480x64xf32, #tpu.memory_space<hbm>> -> memref<20480x64xf32, #tpu.memory_space<hbm>>
        tpu.enqueue_indirect_dma source(%dma_start3A_527 : memref<20480x64xf32, #tpu.memory_space<hbm>>) target(%dma_start3A_521 : memref<80x64xf32, #tpu.memory_space<vmem>>) offsets(%dma_start3A_524 : memref<80xi32, #tpu.memory_space<vmem>>) semaphore(%arg20 : memref<!tpu.dma_semaphore, #tpu.memory_space<semaphore_mem>>)
      } else {
      }
      %parallel_loop3A = arith.constant 0 : i32
      %parallel_loop3A_319 = arith.constant 80 : i32
      %parallel_loop3A_320 = arith.constant 1 : i32
      scf.for %parallel_loop3A_331 = %parallel_loop3A to %parallel_loop3A_319 step %parallel_loop3A_320  : i32 {
        %parallel_loop3A_332 = arith.constant 0 : i32
        %parallel_loop3A_333 = vector.broadcast %parallel_loop3A_332 : i32 to vector<16xi32>
        %parallel_loop3A_334 = vector.broadcast %parallel_loop3A_331 : i32 to vector<16xi32>
        %parallel_loop3A_335 = arith.addi %parallel_loop3A_333, %parallel_loop3A_334 : vector<16xi32>
        %parallel_loop3A_336 = arith.constant 0 : i32
        %parallel_loop3A_337 = tpu.memref_slice %arg15[%select_n3A_295, %parallel_loop3A_336] : memref<2x80xf32, #tpu.memory_space<vmem>> -> memref<1x80xf32, #tpu.memory_space<vmem>>
        %parallel_loop3A_338 = tpu.memref_squeeze %parallel_loop3A_337 : memref<1x80xf32, #tpu.memory_space<vmem>> -> memref<80xf32, #tpu.memory_space<vmem>>
        %parallel_loop3A_339 = tpu.vector_load_idx %parallel_loop3A_338[%parallel_loop3A_335] : memref<80xf32, #tpu.memory_space<vmem>>[vector<16xi32>], vector<16xf32>,
        %parallel_loop3A_340 = arith.index_cast %select_n3A_295 : i32 to index
        %parallel_loop3A_341 = arith.index_cast %parallel_loop3A_331 : i32 to index
        %parallel_loop3A_342 = arith.constant 0 : index
        %parallel_loop3A_343 = tpu.vector_load %arg16[%parallel_loop3A_340, %parallel_loop3A_341, %parallel_loop3A_342] {strides = array<i32>} : memref<2x80x64xf32, #tpu.memory_space<vmem>>, vector<16xf32>,
        %parallel_loop3A_344 = arith.mulf %parallel_loop3A_343, %parallel_loop3A_339 : vector<16xf32>
        %parallel_loop3A_345 = arith.index_cast %select_n3A_295 : i32 to index
        %parallel_loop3A_346 = arith.index_cast %parallel_loop3A_331 : i32 to index
        %parallel_loop3A_347 = arith.constant 0 : index
        %parallel_loop3A_348 = tpu.vector_load %arg16[%parallel_loop3A_345, %parallel_loop3A_346, %parallel_loop3A_347] {strides = array<i32>} : memref<2x80x64xf32, #tpu.memory_space<vmem>>, vector<16xf32>,
        tpu.vector_store %arg16[%parallel_loop3A_345, %parallel_loop3A_346, %parallel_loop3A_347], %parallel_loop3A_344 {strides = array<i32>} : memref<2x80x64xf32, #tpu.memory_space<vmem>>, vector<16xf32>,
        %parallel_loop3A_349 = arith.index_cast %select_n3A_295 : i32 to index
        %parallel_loop3A_350 = arith.index_cast %parallel_loop3A_331 : i32 to index
        %parallel_loop3A_351 = arith.constant 16 : index
        %parallel_loop3A_352 = tpu.vector_load %arg16[%parallel_loop3A_349, %parallel_loop3A_350, %parallel_loop3A_351] {strides = array<i32>} : memref<2x80x64xf32, #tpu.memory_space<vmem>>, vector<16xf32>,
        %parallel_loop3A_353 = arith.mulf %parallel_loop3A_352, %parallel_loop3A_339 : vector<16xf32>
        %parallel_loop3A_354 = arith.index_cast %select_n3A_295 : i32 to index
        %parallel_loop3A_355 = arith.index_cast %parallel_loop3A_331 : i32 to index
        %parallel_loop3A_356 = arith.constant 16 : index
        %parallel_loop3A_357 = tpu.vector_load %arg16[%parallel_loop3A_354, %parallel_loop3A_355, %parallel_loop3A_356] {strides = array<i32>} : memref<2x80x64xf32, #tpu.memory_space<vmem>>, vector<16xf32>,
        tpu.vector_store %arg16[%parallel_loop3A_354, %parallel_loop3A_355, %parallel_loop3A_356], %parallel_loop3A_353 {strides = array<i32>} : memref<2x80x64xf32, #tpu.memory_space<vmem>>, vector<16xf32>,
        %parallel_loop3A_358 = arith.index_cast %select_n3A_295 : i32 to index
        %parallel_loop3A_359 = arith.index_cast %parallel_loop3A_331 : i32 to index
        %parallel_loop3A_360 = arith.constant 32 : index
        %parallel_loop3A_361 = tpu.vector_load %arg16[%parallel_loop3A_358, %parallel_loop3A_359, %parallel_loop3A_360] {strides = array<i32>} : memref<2x80x64xf32, #tpu.memory_space<vmem>>, vector<16xf32>,
        %parallel_loop3A_362 = arith.mulf %parallel_loop3A_361, %parallel_loop3A_339 : vector<16xf32>
        %parallel_loop3A_363 = arith.index_cast %select_n3A_295 : i32 to index
        %parallel_loop3A_364 = arith.index_cast %parallel_loop3A_331 : i32 to index
        %parallel_loop3A_365 = arith.constant 32 : index
        %parallel_loop3A_366 = tpu.vector_load %arg16[%parallel_loop3A_363, %parallel_loop3A_364, %parallel_loop3A_365] {strides = array<i32>} : memref<2x80x64xf32, #tpu.memory_space<vmem>>, vector<16xf32>,
        tpu.vector_store %arg16[%parallel_loop3A_363, %parallel_loop3A_364, %parallel_loop3A_365], %parallel_loop3A_362 {strides = array<i32>} : memref<2x80x64xf32, #tpu.memory_space<vmem>>, vector<16xf32>,
        %parallel_loop3A_367 = arith.index_cast %select_n3A_295 : i32 to index
        %parallel_loop3A_368 = arith.index_cast %parallel_loop3A_331 : i32 to index
        %parallel_loop3A_369 = arith.constant 48 : index
        %parallel_loop3A_370 = tpu.vector_load %arg16[%parallel_loop3A_367, %parallel_loop3A_368, %parallel_loop3A_369] {strides = array<i32>} : memref<2x80x64xf32, #tpu.memory_space<vmem>>, vector<16xf32>,
        %parallel_loop3A_371 = arith.mulf %parallel_loop3A_370, %parallel_loop3A_339 : vector<16xf32>
        %parallel_loop3A_372 = arith.index_cast %select_n3A_295 : i32 to index
        %parallel_loop3A_373 = arith.index_cast %parallel_loop3A_331 : i32 to index
        %parallel_loop3A_374 = arith.constant 48 : index
        %parallel_loop3A_375 = tpu.vector_load %arg16[%parallel_loop3A_372, %parallel_loop3A_373, %parallel_loop3A_374] {strides = array<i32>} : memref<2x80x64xf32, #tpu.memory_space<vmem>>, vector<16xf32>,
        tpu.vector_store %arg16[%parallel_loop3A_372, %parallel_loop3A_373, %parallel_loop3A_374], %parallel_loop3A_371 {strides = array<i32>} : memref<2x80x64xf32, #tpu.memory_space<vmem>>, vector<16xf32>,
      } {sc.loop_unroll_factor = 4 : i64, sc.parallel_access}
      %dma_start3A_321 = arith.constant 0 : i32
      %dma_start3A_322 = arith.constant 0 : i32
      %dma_start3A_323 = tpu.memref_slice %arg16[%select_n3A_295, %dma_start3A_321, %dma_start3A_322] : memref<2x80x64xf32, #tpu.memory_space<vmem>> -> memref<1x80x64xf32, #tpu.memory_space<vmem>>
      %dma_start3A_324 = tpu.memref_squeeze %dma_start3A_323 : memref<1x80x64xf32, #tpu.memory_space<vmem>> -> memref<80x64xf32, #tpu.memory_space<vmem>>
      %dma_start3A_325 = arith.constant 0 : i32
      %dma_start3A_326 = tpu.memref_slice %arg13[%scan3A_284, %dma_start3A_325] : memref<250x80xi32, #tpu.memory_space<vmem>> -> memref<1x80xi32, #tpu.memory_space<vmem>>
      %dma_start3A_327 = tpu.memref_squeeze %dma_start3A_326 : memref<1x80xi32, #tpu.memory_space<vmem>> -> memref<80xi32, #tpu.memory_space<vmem>>
      %dma_start3A_328 = arith.constant 0 : i32
      %dma_start3A_329 = arith.constant 0 : i32
      %dma_start3A_330 = tpu.memref_slice %arg19[%dma_start3A_328, %dma_start3A_329] : memref<10240x64xf32, #tpu.memory_space<vmem_shared>> -> memref<10240x64xf32, #tpu.memory_space<vmem_shared>>
      tpu.enqueue_indirect_dma source(%dma_start3A_324 : memref<80x64xf32, #tpu.memory_space<vmem>>) target(%dma_start3A_330 : memref<10240x64xf32, #tpu.memory_space<vmem_shared>>) offsets(%dma_start3A_327 : memref<80xi32, #tpu.memory_space<vmem>>) semaphore(%arg21 : memref<!tpu.dma_semaphore, #tpu.memory_space<semaphore_mem>>) {add = true}
    }
    %scan3A_265 = arith.constant 250 : i32
    %dma_wait3A = arith.constant 1 : i32
    %dma_wait3A_266 = arith.constant 249 : i32
    %dma_wait3A_267 = arith.constant 0 : i32
    %dma_wait3A_268 = arith.constant 0 : i32
    %dma_wait3A_269 = tpu.memref_slice %arg16[%dma_wait3A, %dma_wait3A_267, %dma_wait3A_268] : memref<2x80x64xf32, #tpu.memory_space<vmem>> -> memref<1x80x64xf32, #tpu.memory_space<vmem>>
    %dma_wait3A_270 = tpu.memref_squeeze %dma_wait3A_269 : memref<1x80x64xf32, #tpu.memory_space<vmem>> -> memref<80x64xf32, #tpu.memory_space<vmem>>
    %dma_wait3A_271 = arith.constant 0 : i32
    %dma_wait3A_272 = tpu.memref_slice %arg13[%dma_wait3A_266, %dma_wait3A_271] : memref<250x80xi32, #tpu.memory_space<vmem>> -> memref<1x80xi32, #tpu.memory_space<vmem>>
    %dma_wait3A_273 = tpu.memref_squeeze %dma_wait3A_272 : memref<1x80xi32, #tpu.memory_space<vmem>> -> memref<80xi32, #tpu.memory_space<vmem>>
    %dma_wait3A_274 = arith.constant 0 : i32
    %dma_wait3A_275 = arith.constant 0 : i32
    %dma_wait3A_276 = tpu.memref_slice %arg19[%dma_wait3A_274, %dma_wait3A_275] : memref<10240x64xf32, #tpu.memory_space<vmem_shared>> -> memref<10240x64xf32, #tpu.memory_space<vmem_shared>>
    tpu.wait_indirect_dma semaphore(%arg21 : memref<!tpu.dma_semaphore, #tpu.memory_space<semaphore_mem>>) src(%dma_wait3A_270 : memref<80x64xf32, #tpu.memory_space<vmem>>) dst(%dma_wait3A_276 : memref<10240x64xf32, #tpu.memory_space<vmem_shared>>)
    %eq3A = arith.constant 0 : i32
    %eq3A_277 = arith.cmpi eq, %arg0, %eq3A : i32
    %convert_element_type3A = arith.extui %eq3A_277 : i1 to i32
    %cond3A = arith.constant 0 : i32
    %cond3A_278 = arith.cmpi ne, %convert_element_type3A, %cond3A : i32
    scf.if %cond3A_278 {
      "tpu.region"() ({
        %run_scoped3A_284 = tpu.sem_alloc : memref<!tpu.dma_semaphore, #tpu.memory_space<semaphore_mem>>
        %dma_start3A_285 = arith.constant 0 : i32
        %dma_start3A_286 = tpu.memref_slice %arg9[%arg1, %dma_start3A_285] : memref<16x10240xf32, #tpu.memory_space<hbm>> -> memref<1x10240xf32, #tpu.memory_space<hbm>>
        %dma_start3A_287 = tpu.memref_squeeze %dma_start3A_286 : memref<1x10240xf32, #tpu.memory_space<hbm>> -> memref<10240xf32, #tpu.memory_space<hbm>>
        %dma_start3A_288 = arith.constant 0 : i32
        %dma_start3A_289 = tpu.memref_slice %arg9[%arg1, %dma_start3A_288] : memref<16x10240xf32, #tpu.memory_space<hbm>> -> memref<1x10240xf32, #tpu.memory_space<hbm>>
        %dma_start3A_290 = tpu.memref_squeeze %dma_start3A_289 : memref<1x10240xf32, #tpu.memory_space<hbm>> -> memref<10240xf32, #tpu.memory_space<hbm>>
        tpu.enqueue_dma source(%arg17 : memref<10240xf32, #tpu.memory_space<vmem>>) target(%dma_start3A_290 : memref<10240xf32, #tpu.memory_space<hbm>>) target_semaphore(%run_scoped3A_284 : memref<!tpu.dma_semaphore, #tpu.memory_space<semaphore_mem>>)
        %dma_wait3A_291 = arith.constant 0 : i32
        %dma_wait3A_292 = tpu.memref_slice %arg9[%arg1, %dma_wait3A_291] : memref<16x10240xf32, #tpu.memory_space<hbm>> -> memref<1x10240xf32, #tpu.memory_space<hbm>>
        %dma_wait3A_293 = tpu.memref_squeeze %dma_wait3A_292 : memref<1x10240xf32, #tpu.memory_space<hbm>> -> memref<10240xf32, #tpu.memory_space<hbm>>
        %dma_wait3A_294 = arith.constant 0 : i32
        %dma_wait3A_295 = tpu.memref_slice %arg9[%arg1, %dma_wait3A_294] : memref<16x10240xf32, #tpu.memory_space<hbm>> -> memref<1x10240xf32, #tpu.memory_space<hbm>>
        %dma_wait3A_296 = tpu.memref_squeeze %dma_wait3A_295 : memref<1x10240xf32, #tpu.memory_space<hbm>> -> memref<10240xf32, #tpu.memory_space<hbm>>
        tpu.wait_dma2 semaphore(%run_scoped3A_284 : memref<!tpu.dma_semaphore, #tpu.memory_space<semaphore_mem>>) src(%arg17 : memref<10240xf32, #tpu.memory_space<vmem>>) dst(%dma_wait3A_296 : memref<10240xf32, #tpu.memory_space<hbm>>)
        tpu.yield
      }) : () -> ()
    } else {
    }
    %barrier3A_279 = arith.constant 0 : index
    tpu.barrier barrier_id(%barrier3A_279)
    %mul3A_280 = arith.constant 640 : i32
    %mul3A_281 = arith.muli %arg1, %mul3A_280 : i32
    %mul3A_282 = arith.constant 640 : i32
    %mul3A_283 = arith.muli %arg1, %mul3A_282 : i32
    "tpu.region"() ({
      %run_scoped3A_284 = tpu.sem_alloc : memref<!tpu.dma_semaphore, #tpu.memory_space<semaphore_mem>>
      %dma_start3A_285 = arith.constant 0 : i32
      %dma_start3A_286 = tpu.memref_slice %arg8[%arg0, %mul3A_283, %dma_start3A_285] : memref<2x10240x64xf32, #tpu.memory_space<hbm>> -> memref<1x640x64xf32, #tpu.memory_space<hbm>>
      %dma_start3A_287 = tpu.memref_squeeze %dma_start3A_286 : memref<1x640x64xf32, #tpu.memory_space<hbm>> -> memref<640x64xf32, #tpu.memory_space<hbm>>
      %dma_start3A_288 = arith.constant 0 : i32
      %dma_start3A_289 = tpu.memref_slice %arg19[%mul3A_281, %dma_start3A_288] : memref<10240x64xf32, #tpu.memory_space<vmem_shared>> -> memref<640x64xf32, #tpu.memory_space<vmem_shared>>
      tpu.enqueue_dma source(%dma_start3A_289 : memref<640x64xf32, #tpu.memory_space<vmem_shared>>) target(%dma_start3A_287 : memref<640x64xf32, #tpu.memory_space<hbm>>) target_semaphore(%run_scoped3A_284 : memref<!tpu.dma_semaphore, #tpu.memory_space<semaphore_mem>>)
      %dma_wait3A_290 = arith.constant 0 : i32
      %dma_wait3A_291 = tpu.memref_slice %arg8[%arg0, %mul3A_283, %dma_wait3A_290] : memref<2x10240x64xf32, #tpu.memory_space<hbm>> -> memref<1x640x64xf32, #tpu.memory_space<hbm>>
      %dma_wait3A_292 = tpu.memref_squeeze %dma_wait3A_291 : memref<1x640x64xf32, #tpu.memory_space<hbm>> -> memref<640x64xf32, #tpu.memory_space<hbm>>
      %dma_wait3A_293 = arith.constant 0 : i32
      %dma_wait3A_294 = tpu.memref_slice %arg19[%mul3A_281, %dma_wait3A_293] : memref<10240x64xf32, #tpu.memory_space<vmem_shared>> -> memref<640x64xf32, #tpu.memory_space<vmem_shared>>
      tpu.wait_dma2 semaphore(%run_scoped3A_284 : memref<!tpu.dma_semaphore, #tpu.memory_space<semaphore_mem>>) src(%dma_wait3A_294 : memref<640x64xf32, #tpu.memory_space<vmem_shared>>) dst(%dma_wait3A_292 : memref<640x64xf32, #tpu.memory_space<hbm>>)
      tpu.yield
    }) : () -> ()
    return
  }
}

#map = affine_map<(d0, d1) -> (0, 0)>
#map1 = affine_map<(d0, d1) -> (0, 0, 0)>
#map2 = affine_map<(d0, d1) -> (0)>
module attributes {stable_mosaic.version = 14 : i64} {
  func.func @_sc_attn(%arg0: i32, %arg1: i32, %arg2: memref<20480x64xf32, #tpu.memory_space<hbm>>, %arg3: memref<16x250x80xi32, #tpu.memory_space<hbm>>, %arg4: memref<16x250x80xi32, #tpu.memory_space<hbm>>, %arg5: memref<10240xf32, #tpu.memory_space<hbm>>, %arg6: memref<10240xf32, #tpu.memory_space<hbm>>, %arg7: memref<16xf32, #tpu.memory_space<hbm>>, %arg8: memref<2x10240x64xf32, #tpu.memory_space<hbm>>, %arg9: memref<16x10240xf32, #tpu.memory_space<hbm>>, %arg10: memref<10240xf32, #tpu.memory_space<vmem>>, %arg11: memref<10240xf32, #tpu.memory_space<vmem>>, %arg12: memref<250x80xi32, #tpu.memory_space<vmem>>, %arg13: memref<250x80xi32, #tpu.memory_space<vmem>>, %arg14: memref<2x80xi32, #tpu.memory_space<vmem>>, %arg15: memref<2x80xf32, #tpu.memory_space<vmem>>, %arg16: memref<2x80x64xf32, #tpu.memory_space<vmem>>, %arg17: memref<10240xf32, #tpu.memory_space<vmem>>, %arg18: memref<16xf32, #tpu.memory_space<vmem>>, %arg19: memref<10240x64xf32, #tpu.memory_space<vmem_shared>>, %arg20: memref<!tpu.dma_semaphore, #tpu.memory_space<semaphore_mem>>, %arg21: memref<!tpu.dma_semaphore, #tpu.memory_space<semaphore_mem>>) attributes {dimension_semantics = [#tpu.dimension_semantics<core_parallel>, #tpu.dimension_semantics<subcore_parallel>], iteration_bounds = array<i64: 2, 16>, scalar_prefetch = 0 : i64, scratch_operands = 12 : i64, tpu.core_type = #tpu.core_type<sc_vector_subcore>, window_params = [{transform_indices = #map}, {transform_indices = #map1}, {transform_indices = #map1}, {transform_indices = #map2}, {transform_indices = #map2}, {transform_indices = #map2}, {transform_indices = #map1}, {transform_indices = #map}]} {
    "tpu.region"() ({
      %run_scoped3A_284 = tpu.sem_alloc : memref<!tpu.dma_semaphore, #tpu.memory_space<semaphore_mem>>
      tpu.enqueue_dma source(%arg5 : memref<10240xf32, #tpu.memory_space<hbm>>) target(%arg10 : memref<10240xf32, #tpu.memory_space<vmem>>) target_semaphore(%run_scoped3A_284 : memref<!tpu.dma_semaphore, #tpu.memory_space<semaphore_mem>>)
      tpu.wait_dma2 semaphore(%run_scoped3A_284 : memref<!tpu.dma_semaphore, #tpu.memory_space<semaphore_mem>>) src(%arg5 : memref<10240xf32, #tpu.memory_space<hbm>>) dst(%arg10 : memref<10240xf32, #tpu.memory_space<vmem>>)
      tpu.yield
    }) : () -> ()
    "tpu.region"() ({
      %run_scoped3A_284 = tpu.sem_alloc : memref<!tpu.dma_semaphore, #tpu.memory_space<semaphore_mem>>
      tpu.enqueue_dma source(%arg6 : memref<10240xf32, #tpu.memory_space<hbm>>) target(%arg11 : memref<10240xf32, #tpu.memory_space<vmem>>) target_semaphore(%run_scoped3A_284 : memref<!tpu.dma_semaphore, #tpu.memory_space<semaphore_mem>>)
      tpu.wait_dma2 semaphore(%run_scoped3A_284 : memref<!tpu.dma_semaphore, #tpu.memory_space<semaphore_mem>>) src(%arg6 : memref<10240xf32, #tpu.memory_space<hbm>>) dst(%arg11 : memref<10240xf32, #tpu.memory_space<vmem>>)
      tpu.yield
    }) : () -> ()
    "tpu.region"() ({
      %run_scoped3A_284 = tpu.sem_alloc : memref<!tpu.dma_semaphore, #tpu.memory_space<semaphore_mem>>
      %dma_start3A_285 = arith.constant 0 : i32
      %dma_start3A_286 = arith.constant 0 : i32
      %dma_start3A_287 = tpu.memref_slice %arg3[%arg1, %dma_start3A_285, %dma_start3A_286] : memref<16x250x80xi32, #tpu.memory_space<hbm>> -> memref<1x250x80xi32, #tpu.memory_space<hbm>>
      %dma_start3A_288 = tpu.memref_squeeze %dma_start3A_287 : memref<1x250x80xi32, #tpu.memory_space<hbm>> -> memref<250x80xi32, #tpu.memory_space<hbm>>
      %dma_start3A_289 = arith.constant 0 : i32
      %dma_start3A_290 = arith.constant 0 : i32
      %dma_start3A_291 = tpu.memref_slice %arg3[%arg1, %dma_start3A_289, %dma_start3A_290] : memref<16x250x80xi32, #tpu.memory_space<hbm>> -> memref<1x250x80xi32, #tpu.memory_space<hbm>>
      %dma_start3A_292 = tpu.memref_squeeze %dma_start3A_291 : memref<1x250x80xi32, #tpu.memory_space<hbm>> -> memref<250x80xi32, #tpu.memory_space<hbm>>
      tpu.enqueue_dma source(%dma_start3A_292 : memref<250x80xi32, #tpu.memory_space<hbm>>) target(%arg12 : memref<250x80xi32, #tpu.memory_space<vmem>>) target_semaphore(%run_scoped3A_284 : memref<!tpu.dma_semaphore, #tpu.memory_space<semaphore_mem>>)
      %dma_wait3A_293 = arith.constant 0 : i32
      %dma_wait3A_294 = arith.constant 0 : i32
      %dma_wait3A_295 = tpu.memref_slice %arg3[%arg1, %dma_wait3A_293, %dma_wait3A_294] : memref<16x250x80xi32, #tpu.memory_space<hbm>> -> memref<1x250x80xi32, #tpu.memory_space<hbm>>
      %dma_wait3A_296 = tpu.memref_squeeze %dma_wait3A_295 : memref<1x250x80xi32, #tpu.memory_space<hbm>> -> memref<250x80xi32, #tpu.memory_space<hbm>>
      %dma_wait3A_297 = arith.constant 0 : i32
      %dma_wait3A_298 = arith.constant 0 : i32
      %dma_wait3A_299 = tpu.memref_slice %arg3[%arg1, %dma_wait3A_297, %dma_wait3A_298] : memref<16x250x80xi32, #tpu.memory_space<hbm>> -> memref<1x250x80xi32, #tpu.memory_space<hbm>>
      %dma_wait3A_300 = tpu.memref_squeeze %dma_wait3A_299 : memref<1x250x80xi32, #tpu.memory_space<hbm>> -> memref<250x80xi32, #tpu.memory_space<hbm>>
      tpu.wait_dma2 semaphore(%run_scoped3A_284 : memref<!tpu.dma_semaphore, #tpu.memory_space<semaphore_mem>>) src(%dma_wait3A_300 : memref<250x80xi32, #tpu.memory_space<hbm>>) dst(%arg12 : memref<250x80xi32, #tpu.memory_space<vmem>>)
      tpu.yield
    }) : () -> ()
    "tpu.region"() ({
      %run_scoped3A_284 = tpu.sem_alloc : memref<!tpu.dma_semaphore, #tpu.memory_space<semaphore_mem>>
      %dma_start3A_285 = arith.constant 0 : i32
      %dma_start3A_286 = arith.constant 0 : i32
      %dma_start3A_287 = tpu.memref_slice %arg4[%arg1, %dma_start3A_285, %dma_start3A_286] : memref<16x250x80xi32, #tpu.memory_space<hbm>> -> memref<1x250x80xi32, #tpu.memory_space<hbm>>
      %dma_start3A_288 = tpu.memref_squeeze %dma_start3A_287 : memref<1x250x80xi32, #tpu.memory_space<hbm>> -> memref<250x80xi32, #tpu.memory_space<hbm>>
      %dma_start3A_289 = arith.constant 0 : i32
      %dma_start3A_290 = arith.constant 0 : i32
      %dma_start3A_291 = tpu.memref_slice %arg4[%arg1, %dma_start3A_289, %dma_start3A_290] : memref<16x250x80xi32, #tpu.memory_space<hbm>> -> memref<1x250x80xi32, #tpu.memory_space<hbm>>
      %dma_start3A_292 = tpu.memref_squeeze %dma_start3A_291 : memref<1x250x80xi32, #tpu.memory_space<hbm>> -> memref<250x80xi32, #tpu.memory_space<hbm>>
      tpu.enqueue_dma source(%dma_start3A_292 : memref<250x80xi32, #tpu.memory_space<hbm>>) target(%arg13 : memref<250x80xi32, #tpu.memory_space<vmem>>) target_semaphore(%run_scoped3A_284 : memref<!tpu.dma_semaphore, #tpu.memory_space<semaphore_mem>>)
      %dma_wait3A_293 = arith.constant 0 : i32
      %dma_wait3A_294 = arith.constant 0 : i32
      %dma_wait3A_295 = tpu.memref_slice %arg4[%arg1, %dma_wait3A_293, %dma_wait3A_294] : memref<16x250x80xi32, #tpu.memory_space<hbm>> -> memref<1x250x80xi32, #tpu.memory_space<hbm>>
      %dma_wait3A_296 = tpu.memref_squeeze %dma_wait3A_295 : memref<1x250x80xi32, #tpu.memory_space<hbm>> -> memref<250x80xi32, #tpu.memory_space<hbm>>
      %dma_wait3A_297 = arith.constant 0 : i32
      %dma_wait3A_298 = arith.constant 0 : i32
      %dma_wait3A_299 = tpu.memref_slice %arg4[%arg1, %dma_wait3A_297, %dma_wait3A_298] : memref<16x250x80xi32, #tpu.memory_space<hbm>> -> memref<1x250x80xi32, #tpu.memory_space<hbm>>
      %dma_wait3A_300 = tpu.memref_squeeze %dma_wait3A_299 : memref<1x250x80xi32, #tpu.memory_space<hbm>> -> memref<250x80xi32, #tpu.memory_space<hbm>>
      tpu.wait_dma2 semaphore(%run_scoped3A_284 : memref<!tpu.dma_semaphore, #tpu.memory_space<semaphore_mem>>) src(%dma_wait3A_300 : memref<250x80xi32, #tpu.memory_space<hbm>>) dst(%arg13 : memref<250x80xi32, #tpu.memory_space<vmem>>)
      tpu.yield
    }) : () -> ()
    "tpu.region"() ({
      %run_scoped3A_284 = tpu.sem_alloc : memref<!tpu.dma_semaphore, #tpu.memory_space<semaphore_mem>>
      tpu.enqueue_dma source(%arg7 : memref<16xf32, #tpu.memory_space<hbm>>) target(%arg18 : memref<16xf32, #tpu.memory_space<vmem>>) target_semaphore(%run_scoped3A_284 : memref<!tpu.dma_semaphore, #tpu.memory_space<semaphore_mem>>)
      tpu.wait_dma2 semaphore(%run_scoped3A_284 : memref<!tpu.dma_semaphore, #tpu.memory_space<semaphore_mem>>) src(%arg7 : memref<16xf32, #tpu.memory_space<hbm>>) dst(%arg18 : memref<16xf32, #tpu.memory_space<vmem>>)
      tpu.yield
    }) : () -> ()
    %broadcast_in_dim3A = arith.constant 0.000000e+00 : f32
    %broadcast_in_dim3A_0 = vector.broadcast %broadcast_in_dim3A : f32 to vector<16xf32>
    %scan3A = arith.constant 0 : i32
    %scan3A_1 = arith.constant 0 : i32
    %scan3A_2 = arith.constant 80 : i32
    %scan3A_3 = arith.addi %scan3A_1, %scan3A_2 : i32
    %scan3A_4 = arith.constant 1 : i32
    scf.for %scan3A_284 = %scan3A_1 to %scan3A_3 step %scan3A_4  : i32 {
      %swap3A_285 = arith.constant 0 : i32
      %swap3A_286 = arith.index_cast %swap3A_285 : i32 to index
      %swap3A_287 = arith.index_cast %scan3A_284 : i32 to index
      %swap3A_288 = arith.constant 0 : index
      %swap3A_289 = tpu.vector_load %arg16[%swap3A_286, %swap3A_287, %swap3A_288] {strides = array<i32>} : memref<2x80x64xf32, #tpu.memory_space<vmem>>, vector<16xf32>,
      tpu.vector_store %arg16[%swap3A_286, %swap3A_287, %swap3A_288], %broadcast_in_dim3A_0 {strides = array<i32>} : memref<2x80x64xf32, #tpu.memory_space<vmem>>, vector<16xf32>,
      %swap3A_290 = arith.constant 0 : i32
      %swap3A_291 = arith.index_cast %swap3A_290 : i32 to index
      %swap3A_292 = arith.index_cast %scan3A_284 : i32 to index
      %swap3A_293 = arith.constant 16 : index
      %swap3A_294 = tpu.vector_load %arg16[%swap3A_291, %swap3A_292, %swap3A_293] {strides = array<i32>} : memref<2x80x64xf32, #tpu.memory_space<vmem>>, vector<16xf32>,
      tpu.vector_store %arg16[%swap3A_291, %swap3A_292, %swap3A_293], %broadcast_in_dim3A_0 {strides = array<i32>} : memref<2x80x64xf32, #tpu.memory_space<vmem>>, vector<16xf32>,
      %swap3A_295 = arith.constant 0 : i32
      %swap3A_296 = arith.index_cast %swap3A_295 : i32 to index
      %swap3A_297 = arith.index_cast %scan3A_284 : i32 to index
      %swap3A_298 = arith.constant 32 : index
      %swap3A_299 = tpu.vector_load %arg16[%swap3A_296, %swap3A_297, %swap3A_298] {strides = array<i32>} : memref<2x80x64xf32, #tpu.memory_space<vmem>>, vector<16xf32>,
      tpu.vector_store %arg16[%swap3A_296, %swap3A_297, %swap3A_298], %broadcast_in_dim3A_0 {strides = array<i32>} : memref<2x80x64xf32, #tpu.memory_space<vmem>>, vector<16xf32>,
      %swap3A_300 = arith.constant 0 : i32
      %swap3A_301 = arith.index_cast %swap3A_300 : i32 to index
      %swap3A_302 = arith.index_cast %scan3A_284 : i32 to index
      %swap3A_303 = arith.constant 48 : index
      %swap3A_304 = tpu.vector_load %arg16[%swap3A_301, %swap3A_302, %swap3A_303] {strides = array<i32>} : memref<2x80x64xf32, #tpu.memory_space<vmem>>, vector<16xf32>,
      tpu.vector_store %arg16[%swap3A_301, %swap3A_302, %swap3A_303], %broadcast_in_dim3A_0 {strides = array<i32>} : memref<2x80x64xf32, #tpu.memory_space<vmem>>, vector<16xf32>,
    }
    %scan3A_5 = arith.constant 80 : i32
    %mul3A = arith.constant 640 : i32
    %mul3A_6 = arith.muli %arg1, %mul3A : i32
    %add3A = arith.constant 0 : i32
    %add3A_7 = arith.addi %mul3A_6, %add3A : i32
    %run_scoped3A = arith.constant 0 : i32
    "tpu.region"() ({
      %run_scoped3A_284 = tpu.sem_alloc : memref<!tpu.dma_semaphore, #tpu.memory_space<semaphore_mem>>
      %dma_start3A_285 = arith.constant 0 : i32
      %dma_start3A_286 = arith.constant 0 : i32
      %dma_start3A_287 = tpu.memref_slice %arg16[%run_scoped3A, %dma_start3A_285, %dma_start3A_286] : memref<2x80x64xf32, #tpu.memory_space<vmem>> -> memref<1x80x64xf32, #tpu.memory_space<vmem>>
      %dma_start3A_288 = tpu.memref_squeeze %dma_start3A_287 : memref<1x80x64xf32, #tpu.memory_space<vmem>> -> memref<80x64xf32, #tpu.memory_space<vmem>>
      %dma_start3A_289 = arith.constant 0 : i32
      %dma_start3A_290 = tpu.memref_slice %arg19[%add3A_7, %dma_start3A_289] : memref<10240x64xf32, #tpu.memory_space<vmem_shared>> -> memref<80x64xf32, #tpu.memory_space<vmem_shared>>
      %dma_start3A_291 = arith.constant 0 : i32
      %dma_start3A_292 = tpu.memref_slice %arg19[%add3A_7, %dma_start3A_291] : memref<10240x64xf32, #tpu.memory_space<vmem_shared>> -> memref<80x64xf32, #tpu.memory_space<vmem_shared>>
      %dma_start3A_293 = arith.constant 0 : i32
      %dma_start3A_294 = arith.constant 0 : i32
      %dma_start3A_295 = tpu.memref_slice %arg16[%run_scoped3A, %dma_start3A_293, %dma_start3A_294] : memref<2x80x64xf32, #tpu.memory_space<vmem>> -> memref<1x80x64xf32, #tpu.memory_space<vmem>>
      %dma_start3A_296 = tpu.memref_squeeze %dma_start3A_295 : memref<1x80x64xf32, #tpu.memory_space<vmem>> -> memref<80x64xf32, #tpu.memory_space<vmem>>
      tpu.enqueue_dma source(%dma_start3A_296 : memref<80x64xf32, #tpu.memory_space<vmem>>) target(%dma_start3A_292 : memref<80x64xf32, #tpu.memory_space<vmem_shared>>) target_semaphore(%run_scoped3A_284 : memref<!tpu.dma_semaphore, #tpu.memory_space<semaphore_mem>>)
      %dma_wait3A_297 = arith.constant 0 : i32
      %dma_wait3A_298 = arith.constant 0 : i32
      %dma_wait3A_299 = tpu.memref_slice %arg16[%run_scoped3A, %dma_wait3A_297, %dma_wait3A_298] : memref<2x80x64xf32, #tpu.memory_space<vmem>> -> memref<1x80x64xf32, #tpu.memory_space<vmem>>
      %dma_wait3A_300 = tpu.memref_squeeze %dma_wait3A_299 : memref<1x80x64xf32, #tpu.memory_space<vmem>> -> memref<80x64xf32, #tpu.memory_space<vmem>>
      %dma_wait3A_301 = arith.constant 0 : i32
      %dma_wait3A_302 = tpu.memref_slice %arg19[%add3A_7, %dma_wait3A_301] : memref<10240x64xf32, #tpu.memory_space<vmem_shared>> -> memref<80x64xf32, #tpu.memory_space<vmem_shared>>
      %dma_wait3A_303 = arith.constant 0 : i32
      %dma_wait3A_304 = tpu.memref_slice %arg19[%add3A_7, %dma_wait3A_303] : memref<10240x64xf32, #tpu.memory_space<vmem_shared>> -> memref<80x64xf32, #tpu.memory_space<vmem_shared>>
      %dma_wait3A_305 = arith.constant 0 : i32
      %dma_wait3A_306 = arith.constant 0 : i32
      %dma_wait3A_307 = tpu.memref_slice %arg16[%run_scoped3A, %dma_wait3A_305, %dma_wait3A_306] : memref<2x80x64xf32, #tpu.memory_space<vmem>> -> memref<1x80x64xf32, #tpu.memory_space<vmem>>
      %dma_wait3A_308 = tpu.memref_squeeze %dma_wait3A_307 : memref<1x80x64xf32, #tpu.memory_space<vmem>> -> memref<80x64xf32, #tpu.memory_space<vmem>>
      tpu.wait_dma2 semaphore(%run_scoped3A_284 : memref<!tpu.dma_semaphore, #tpu.memory_space<semaphore_mem>>) src(%dma_wait3A_308 : memref<80x64xf32, #tpu.memory_space<vmem>>) dst(%dma_wait3A_304 : memref<80x64xf32, #tpu.memory_space<vmem_shared>>)
      tpu.yield
    }) : () -> ()
    %mul3A_8 = arith.constant 640 : i32
    %mul3A_9 = arith.muli %arg1, %mul3A_8 : i32
    %add3A_10 = arith.constant 80 : i32
    %add3A_11 = arith.addi %mul3A_9, %add3A_10 : i32
    %run_scoped3A_12 = arith.constant 0 : i32
    "tpu.region"() ({
      %run_scoped3A_284 = tpu.sem_alloc : memref<!tpu.dma_semaphore, #tpu.memory_space<semaphore_mem>>
      %dma_start3A_285 = arith.constant 0 : i32
      %dma_start3A_286 = arith.constant 0 : i32
      %dma_start3A_287 = tpu.memref_slice %arg16[%run_scoped3A_12, %dma_start3A_285, %dma_start3A_286] : memref<2x80x64xf32, #tpu.memory_space<vmem>> -> memref<1x80x64xf32, #tpu.memory_space<vmem>>
      %dma_start3A_288 = tpu.memref_squeeze %dma_start3A_287 : memref<1x80x64xf32, #tpu.memory_space<vmem>> -> memref<80x64xf32, #tpu.memory_space<vmem>>
      %dma_start3A_289 = arith.constant 0 : i32
      %dma_start3A_290 = tpu.memref_slice %arg19[%add3A_11, %dma_start3A_289] : memref<10240x64xf32, #tpu.memory_space<vmem_shared>> -> memref<80x64xf32, #tpu.memory_space<vmem_shared>>
      %dma_start3A_291 = arith.constant 0 : i32
      %dma_start3A_292 = tpu.memref_slice %arg19[%add3A_11, %dma_start3A_291] : memref<10240x64xf32, #tpu.memory_space<vmem_shared>> -> memref<80x64xf32, #tpu.memory_space<vmem_shared>>
      %dma_start3A_293 = arith.constant 0 : i32
      %dma_start3A_294 = arith.constant 0 : i32
      %dma_start3A_295 = tpu.memref_slice %arg16[%run_scoped3A_12, %dma_start3A_293, %dma_start3A_294] : memref<2x80x64xf32, #tpu.memory_space<vmem>> -> memref<1x80x64xf32, #tpu.memory_space<vmem>>
      %dma_start3A_296 = tpu.memref_squeeze %dma_start3A_295 : memref<1x80x64xf32, #tpu.memory_space<vmem>> -> memref<80x64xf32, #tpu.memory_space<vmem>>
      tpu.enqueue_dma source(%dma_start3A_296 : memref<80x64xf32, #tpu.memory_space<vmem>>) target(%dma_start3A_292 : memref<80x64xf32, #tpu.memory_space<vmem_shared>>) target_semaphore(%run_scoped3A_284 : memref<!tpu.dma_semaphore, #tpu.memory_space<semaphore_mem>>)
      %dma_wait3A_297 = arith.constant 0 : i32
      %dma_wait3A_298 = arith.constant 0 : i32
      %dma_wait3A_299 = tpu.memref_slice %arg16[%run_scoped3A_12, %dma_wait3A_297, %dma_wait3A_298] : memref<2x80x64xf32, #tpu.memory_space<vmem>> -> memref<1x80x64xf32, #tpu.memory_space<vmem>>
      %dma_wait3A_300 = tpu.memref_squeeze %dma_wait3A_299 : memref<1x80x64xf32, #tpu.memory_space<vmem>> -> memref<80x64xf32, #tpu.memory_space<vmem>>
      %dma_wait3A_301 = arith.constant 0 : i32
      %dma_wait3A_302 = tpu.memref_slice %arg19[%add3A_11, %dma_wait3A_301] : memref<10240x64xf32, #tpu.memory_space<vmem_shared>> -> memref<80x64xf32, #tpu.memory_space<vmem_shared>>
      %dma_wait3A_303 = arith.constant 0 : i32
      %dma_wait3A_304 = tpu.memref_slice %arg19[%add3A_11, %dma_wait3A_303] : memref<10240x64xf32, #tpu.memory_space<vmem_shared>> -> memref<80x64xf32, #tpu.memory_space<vmem_shared>>
      %dma_wait3A_305 = arith.constant 0 : i32
      %dma_wait3A_306 = arith.constant 0 : i32
      %dma_wait3A_307 = tpu.memref_slice %arg16[%run_scoped3A_12, %dma_wait3A_305, %dma_wait3A_306] : memref<2x80x64xf32, #tpu.memory_space<vmem>> -> memref<1x80x64xf32, #tpu.memory_space<vmem>>
      %dma_wait3A_308 = tpu.memref_squeeze %dma_wait3A_307 : memref<1x80x64xf32, #tpu.memory_space<vmem>> -> memref<80x64xf32, #tpu.memory_space<vmem>>
      tpu.wait_dma2 semaphore(%run_scoped3A_284 : memref<!tpu.dma_semaphore, #tpu.memory_space<semaphore_mem>>) src(%dma_wait3A_308 : memref<80x64xf32, #tpu.memory_space<vmem>>) dst(%dma_wait3A_304 : memref<80x64xf32, #tpu.memory_space<vmem_shared>>)
      tpu.yield
    }) : () -> ()
    %mul3A_13 = arith.constant 640 : i32
    %mul3A_14 = arith.muli %arg1, %mul3A_13 : i32
    %add3A_15 = arith.constant 160 : i32
    %add3A_16 = arith.addi %mul3A_14, %add3A_15 : i32
    %run_scoped3A_17 = arith.constant 0 : i32
    "tpu.region"() ({
      %run_scoped3A_284 = tpu.sem_alloc : memref<!tpu.dma_semaphore, #tpu.memory_space<semaphore_mem>>
      %dma_start3A_285 = arith.constant 0 : i32
      %dma_start3A_286 = arith.constant 0 : i32
      %dma_start3A_287 = tpu.memref_slice %arg16[%run_scoped3A_17, %dma_start3A_285, %dma_start3A_286] : memref<2x80x64xf32, #tpu.memory_space<vmem>> -> memref<1x80x64xf32, #tpu.memory_space<vmem>>
      %dma_start3A_288 = tpu.memref_squeeze %dma_start3A_287 : memref<1x80x64xf32, #tpu.memory_space<vmem>> -> memref<80x64xf32, #tpu.memory_space<vmem>>
      %dma_start3A_289 = arith.constant 0 : i32
      %dma_start3A_290 = tpu.memref_slice %arg19[%add3A_16, %dma_start3A_289] : memref<10240x64xf32, #tpu.memory_space<vmem_shared>> -> memref<80x64xf32, #tpu.memory_space<vmem_shared>>
      %dma_start3A_291 = arith.constant 0 : i32
      %dma_start3A_292 = tpu.memref_slice %arg19[%add3A_16, %dma_start3A_291] : memref<10240x64xf32, #tpu.memory_space<vmem_shared>> -> memref<80x64xf32, #tpu.memory_space<vmem_shared>>
      %dma_start3A_293 = arith.constant 0 : i32
      %dma_start3A_294 = arith.constant 0 : i32
      %dma_start3A_295 = tpu.memref_slice %arg16[%run_scoped3A_17, %dma_start3A_293, %dma_start3A_294] : memref<2x80x64xf32, #tpu.memory_space<vmem>> -> memref<1x80x64xf32, #tpu.memory_space<vmem>>
      %dma_start3A_296 = tpu.memref_squeeze %dma_start3A_295 : memref<1x80x64xf32, #tpu.memory_space<vmem>> -> memref<80x64xf32, #tpu.memory_space<vmem>>
      tpu.enqueue_dma source(%dma_start3A_296 : memref<80x64xf32, #tpu.memory_space<vmem>>) target(%dma_start3A_292 : memref<80x64xf32, #tpu.memory_space<vmem_shared>>) target_semaphore(%run_scoped3A_284 : memref<!tpu.dma_semaphore, #tpu.memory_space<semaphore_mem>>)
      %dma_wait3A_297 = arith.constant 0 : i32
      %dma_wait3A_298 = arith.constant 0 : i32
      %dma_wait3A_299 = tpu.memref_slice %arg16[%run_scoped3A_17, %dma_wait3A_297, %dma_wait3A_298] : memref<2x80x64xf32, #tpu.memory_space<vmem>> -> memref<1x80x64xf32, #tpu.memory_space<vmem>>
      %dma_wait3A_300 = tpu.memref_squeeze %dma_wait3A_299 : memref<1x80x64xf32, #tpu.memory_space<vmem>> -> memref<80x64xf32, #tpu.memory_space<vmem>>
      %dma_wait3A_301 = arith.constant 0 : i32
      %dma_wait3A_302 = tpu.memref_slice %arg19[%add3A_16, %dma_wait3A_301] : memref<10240x64xf32, #tpu.memory_space<vmem_shared>> -> memref<80x64xf32, #tpu.memory_space<vmem_shared>>
      %dma_wait3A_303 = arith.constant 0 : i32
      %dma_wait3A_304 = tpu.memref_slice %arg19[%add3A_16, %dma_wait3A_303] : memref<10240x64xf32, #tpu.memory_space<vmem_shared>> -> memref<80x64xf32, #tpu.memory_space<vmem_shared>>
      %dma_wait3A_305 = arith.constant 0 : i32
      %dma_wait3A_306 = arith.constant 0 : i32
      %dma_wait3A_307 = tpu.memref_slice %arg16[%run_scoped3A_17, %dma_wait3A_305, %dma_wait3A_306] : memref<2x80x64xf32, #tpu.memory_space<vmem>> -> memref<1x80x64xf32, #tpu.memory_space<vmem>>
      %dma_wait3A_308 = tpu.memref_squeeze %dma_wait3A_307 : memref<1x80x64xf32, #tpu.memory_space<vmem>> -> memref<80x64xf32, #tpu.memory_space<vmem>>
      tpu.wait_dma2 semaphore(%run_scoped3A_284 : memref<!tpu.dma_semaphore, #tpu.memory_space<semaphore_mem>>) src(%dma_wait3A_308 : memref<80x64xf32, #tpu.memory_space<vmem>>) dst(%dma_wait3A_304 : memref<80x64xf32, #tpu.memory_space<vmem_shared>>)
      tpu.yield
    }) : () -> ()
    %mul3A_18 = arith.constant 640 : i32
    %mul3A_19 = arith.muli %arg1, %mul3A_18 : i32
    %add3A_20 = arith.constant 240 : i32
    %add3A_21 = arith.addi %mul3A_19, %add3A_20 : i32
    %run_scoped3A_22 = arith.constant 0 : i32
    "tpu.region"() ({
      %run_scoped3A_284 = tpu.sem_alloc : memref<!tpu.dma_semaphore, #tpu.memory_space<semaphore_mem>>
      %dma_start3A_285 = arith.constant 0 : i32
      %dma_start3A_286 = arith.constant 0 : i32
      %dma_start3A_287 = tpu.memref_slice %arg16[%run_scoped3A_22, %dma_start3A_285, %dma_start3A_286] : memref<2x80x64xf32, #tpu.memory_space<vmem>> -> memref<1x80x64xf32, #tpu.memory_space<vmem>>
      %dma_start3A_288 = tpu.memref_squeeze %dma_start3A_287 : memref<1x80x64xf32, #tpu.memory_space<vmem>> -> memref<80x64xf32, #tpu.memory_space<vmem>>
      %dma_start3A_289 = arith.constant 0 : i32
      %dma_start3A_290 = tpu.memref_slice %arg19[%add3A_21, %dma_start3A_289] : memref<10240x64xf32, #tpu.memory_space<vmem_shared>> -> memref<80x64xf32, #tpu.memory_space<vmem_shared>>
      %dma_start3A_291 = arith.constant 0 : i32
      %dma_start3A_292 = tpu.memref_slice %arg19[%add3A_21, %dma_start3A_291] : memref<10240x64xf32, #tpu.memory_space<vmem_shared>> -> memref<80x64xf32, #tpu.memory_space<vmem_shared>>
      %dma_start3A_293 = arith.constant 0 : i32
      %dma_start3A_294 = arith.constant 0 : i32
      %dma_start3A_295 = tpu.memref_slice %arg16[%run_scoped3A_22, %dma_start3A_293, %dma_start3A_294] : memref<2x80x64xf32, #tpu.memory_space<vmem>> -> memref<1x80x64xf32, #tpu.memory_space<vmem>>
      %dma_start3A_296 = tpu.memref_squeeze %dma_start3A_295 : memref<1x80x64xf32, #tpu.memory_space<vmem>> -> memref<80x64xf32, #tpu.memory_space<vmem>>
      tpu.enqueue_dma source(%dma_start3A_296 : memref<80x64xf32, #tpu.memory_space<vmem>>) target(%dma_start3A_292 : memref<80x64xf32, #tpu.memory_space<vmem_shared>>) target_semaphore(%run_scoped3A_284 : memref<!tpu.dma_semaphore, #tpu.memory_space<semaphore_mem>>)
      %dma_wait3A_297 = arith.constant 0 : i32
      %dma_wait3A_298 = arith.constant 0 : i32
      %dma_wait3A_299 = tpu.memref_slice %arg16[%run_scoped3A_22, %dma_wait3A_297, %dma_wait3A_298] : memref<2x80x64xf32, #tpu.memory_space<vmem>> -> memref<1x80x64xf32, #tpu.memory_space<vmem>>
      %dma_wait3A_300 = tpu.memref_squeeze %dma_wait3A_299 : memref<1x80x64xf32, #tpu.memory_space<vmem>> -> memref<80x64xf32, #tpu.memory_space<vmem>>
      %dma_wait3A_301 = arith.constant 0 : i32
      %dma_wait3A_302 = tpu.memref_slice %arg19[%add3A_21, %dma_wait3A_301] : memref<10240x64xf32, #tpu.memory_space<vmem_shared>> -> memref<80x64xf32, #tpu.memory_space<vmem_shared>>
      %dma_wait3A_303 = arith.constant 0 : i32
      %dma_wait3A_304 = tpu.memref_slice %arg19[%add3A_21, %dma_wait3A_303] : memref<10240x64xf32, #tpu.memory_space<vmem_shared>> -> memref<80x64xf32, #tpu.memory_space<vmem_shared>>
      %dma_wait3A_305 = arith.constant 0 : i32
      %dma_wait3A_306 = arith.constant 0 : i32
      %dma_wait3A_307 = tpu.memref_slice %arg16[%run_scoped3A_22, %dma_wait3A_305, %dma_wait3A_306] : memref<2x80x64xf32, #tpu.memory_space<vmem>> -> memref<1x80x64xf32, #tpu.memory_space<vmem>>
      %dma_wait3A_308 = tpu.memref_squeeze %dma_wait3A_307 : memref<1x80x64xf32, #tpu.memory_space<vmem>> -> memref<80x64xf32, #tpu.memory_space<vmem>>
      tpu.wait_dma2 semaphore(%run_scoped3A_284 : memref<!tpu.dma_semaphore, #tpu.memory_space<semaphore_mem>>) src(%dma_wait3A_308 : memref<80x64xf32, #tpu.memory_space<vmem>>) dst(%dma_wait3A_304 : memref<80x64xf32, #tpu.memory_space<vmem_shared>>)
      tpu.yield
    }) : () -> ()
    %mul3A_23 = arith.constant 640 : i32
    %mul3A_24 = arith.muli %arg1, %mul3A_23 : i32
    %add3A_25 = arith.constant 320 : i32
    %add3A_26 = arith.addi %mul3A_24, %add3A_25 : i32
    %run_scoped3A_27 = arith.constant 0 : i32
    "tpu.region"() ({
      %run_scoped3A_284 = tpu.sem_alloc : memref<!tpu.dma_semaphore, #tpu.memory_space<semaphore_mem>>
      %dma_start3A_285 = arith.constant 0 : i32
      %dma_start3A_286 = arith.constant 0 : i32
      %dma_start3A_287 = tpu.memref_slice %arg16[%run_scoped3A_27, %dma_start3A_285, %dma_start3A_286] : memref<2x80x64xf32, #tpu.memory_space<vmem>> -> memref<1x80x64xf32, #tpu.memory_space<vmem>>
      %dma_start3A_288 = tpu.memref_squeeze %dma_start3A_287 : memref<1x80x64xf32, #tpu.memory_space<vmem>> -> memref<80x64xf32, #tpu.memory_space<vmem>>
      %dma_start3A_289 = arith.constant 0 : i32
      %dma_start3A_290 = tpu.memref_slice %arg19[%add3A_26, %dma_start3A_289] : memref<10240x64xf32, #tpu.memory_space<vmem_shared>> -> memref<80x64xf32, #tpu.memory_space<vmem_shared>>
      %dma_start3A_291 = arith.constant 0 : i32
      %dma_start3A_292 = tpu.memref_slice %arg19[%add3A_26, %dma_start3A_291] : memref<10240x64xf32, #tpu.memory_space<vmem_shared>> -> memref<80x64xf32, #tpu.memory_space<vmem_shared>>
      %dma_start3A_293 = arith.constant 0 : i32
      %dma_start3A_294 = arith.constant 0 : i32
      %dma_start3A_295 = tpu.memref_slice %arg16[%run_scoped3A_27, %dma_start3A_293, %dma_start3A_294] : memref<2x80x64xf32, #tpu.memory_space<vmem>> -> memref<1x80x64xf32, #tpu.memory_space<vmem>>
      %dma_start3A_296 = tpu.memref_squeeze %dma_start3A_295 : memref<1x80x64xf32, #tpu.memory_space<vmem>> -> memref<80x64xf32, #tpu.memory_space<vmem>>
      tpu.enqueue_dma source(%dma_start3A_296 : memref<80x64xf32, #tpu.memory_space<vmem>>) target(%dma_start3A_292 : memref<80x64xf32, #tpu.memory_space<vmem_shared>>) target_semaphore(%run_scoped3A_284 : memref<!tpu.dma_semaphore, #tpu.memory_space<semaphore_mem>>)
      %dma_wait3A_297 = arith.constant 0 : i32
      %dma_wait3A_298 = arith.constant 0 : i32
      %dma_wait3A_299 = tpu.memref_slice %arg16[%run_scoped3A_27, %dma_wait3A_297, %dma_wait3A_298] : memref<2x80x64xf32, #tpu.memory_space<vmem>> -> memref<1x80x64xf32, #tpu.memory_space<vmem>>
      %dma_wait3A_300 = tpu.memref_squeeze %dma_wait3A_299 : memref<1x80x64xf32, #tpu.memory_space<vmem>> -> memref<80x64xf32, #tpu.memory_space<vmem>>
      %dma_wait3A_301 = arith.constant 0 : i32
      %dma_wait3A_302 = tpu.memref_slice %arg19[%add3A_26, %dma_wait3A_301] : memref<10240x64xf32, #tpu.memory_space<vmem_shared>> -> memref<80x64xf32, #tpu.memory_space<vmem_shared>>
      %dma_wait3A_303 = arith.constant 0 : i32
      %dma_wait3A_304 = tpu.memref_slice %arg19[%add3A_26, %dma_wait3A_303] : memref<10240x64xf32, #tpu.memory_space<vmem_shared>> -> memref<80x64xf32, #tpu.memory_space<vmem_shared>>
      %dma_wait3A_305 = arith.constant 0 : i32
      %dma_wait3A_306 = arith.constant 0 : i32
      %dma_wait3A_307 = tpu.memref_slice %arg16[%run_scoped3A_27, %dma_wait3A_305, %dma_wait3A_306] : memref<2x80x64xf32, #tpu.memory_space<vmem>> -> memref<1x80x64xf32, #tpu.memory_space<vmem>>
      %dma_wait3A_308 = tpu.memref_squeeze %dma_wait3A_307 : memref<1x80x64xf32, #tpu.memory_space<vmem>> -> memref<80x64xf32, #tpu.memory_space<vmem>>
      tpu.wait_dma2 semaphore(%run_scoped3A_284 : memref<!tpu.dma_semaphore, #tpu.memory_space<semaphore_mem>>) src(%dma_wait3A_308 : memref<80x64xf32, #tpu.memory_space<vmem>>) dst(%dma_wait3A_304 : memref<80x64xf32, #tpu.memory_space<vmem_shared>>)
      tpu.yield
    }) : () -> ()
    %mul3A_28 = arith.constant 640 : i32
    %mul3A_29 = arith.muli %arg1, %mul3A_28 : i32
    %add3A_30 = arith.constant 400 : i32
    %add3A_31 = arith.addi %mul3A_29, %add3A_30 : i32
    %run_scoped3A_32 = arith.constant 0 : i32
    "tpu.region"() ({
      %run_scoped3A_284 = tpu.sem_alloc : memref<!tpu.dma_semaphore, #tpu.memory_space<semaphore_mem>>
      %dma_start3A_285 = arith.constant 0 : i32
      %dma_start3A_286 = arith.constant 0 : i32
      %dma_start3A_287 = tpu.memref_slice %arg16[%run_scoped3A_32, %dma_start3A_285, %dma_start3A_286] : memref<2x80x64xf32, #tpu.memory_space<vmem>> -> memref<1x80x64xf32, #tpu.memory_space<vmem>>
      %dma_start3A_288 = tpu.memref_squeeze %dma_start3A_287 : memref<1x80x64xf32, #tpu.memory_space<vmem>> -> memref<80x64xf32, #tpu.memory_space<vmem>>
      %dma_start3A_289 = arith.constant 0 : i32
      %dma_start3A_290 = tpu.memref_slice %arg19[%add3A_31, %dma_start3A_289] : memref<10240x64xf32, #tpu.memory_space<vmem_shared>> -> memref<80x64xf32, #tpu.memory_space<vmem_shared>>
      %dma_start3A_291 = arith.constant 0 : i32
      %dma_start3A_292 = tpu.memref_slice %arg19[%add3A_31, %dma_start3A_291] : memref<10240x64xf32, #tpu.memory_space<vmem_shared>> -> memref<80x64xf32, #tpu.memory_space<vmem_shared>>
      %dma_start3A_293 = arith.constant 0 : i32
      %dma_start3A_294 = arith.constant 0 : i32
      %dma_start3A_295 = tpu.memref_slice %arg16[%run_scoped3A_32, %dma_start3A_293, %dma_start3A_294] : memref<2x80x64xf32, #tpu.memory_space<vmem>> -> memref<1x80x64xf32, #tpu.memory_space<vmem>>
      %dma_start3A_296 = tpu.memref_squeeze %dma_start3A_295 : memref<1x80x64xf32, #tpu.memory_space<vmem>> -> memref<80x64xf32, #tpu.memory_space<vmem>>
      tpu.enqueue_dma source(%dma_start3A_296 : memref<80x64xf32, #tpu.memory_space<vmem>>) target(%dma_start3A_292 : memref<80x64xf32, #tpu.memory_space<vmem_shared>>) target_semaphore(%run_scoped3A_284 : memref<!tpu.dma_semaphore, #tpu.memory_space<semaphore_mem>>)
      %dma_wait3A_297 = arith.constant 0 : i32
      %dma_wait3A_298 = arith.constant 0 : i32
      %dma_wait3A_299 = tpu.memref_slice %arg16[%run_scoped3A_32, %dma_wait3A_297, %dma_wait3A_298] : memref<2x80x64xf32, #tpu.memory_space<vmem>> -> memref<1x80x64xf32, #tpu.memory_space<vmem>>
      %dma_wait3A_300 = tpu.memref_squeeze %dma_wait3A_299 : memref<1x80x64xf32, #tpu.memory_space<vmem>> -> memref<80x64xf32, #tpu.memory_space<vmem>>
      %dma_wait3A_301 = arith.constant 0 : i32
      %dma_wait3A_302 = tpu.memref_slice %arg19[%add3A_31, %dma_wait3A_301] : memref<10240x64xf32, #tpu.memory_space<vmem_shared>> -> memref<80x64xf32, #tpu.memory_space<vmem_shared>>
      %dma_wait3A_303 = arith.constant 0 : i32
      %dma_wait3A_304 = tpu.memref_slice %arg19[%add3A_31, %dma_wait3A_303] : memref<10240x64xf32, #tpu.memory_space<vmem_shared>> -> memref<80x64xf32, #tpu.memory_space<vmem_shared>>
      %dma_wait3A_305 = arith.constant 0 : i32
      %dma_wait3A_306 = arith.constant 0 : i32
      %dma_wait3A_307 = tpu.memref_slice %arg16[%run_scoped3A_32, %dma_wait3A_305, %dma_wait3A_306] : memref<2x80x64xf32, #tpu.memory_space<vmem>> -> memref<1x80x64xf32, #tpu.memory_space<vmem>>
      %dma_wait3A_308 = tpu.memref_squeeze %dma_wait3A_307 : memref<1x80x64xf32, #tpu.memory_space<vmem>> -> memref<80x64xf32, #tpu.memory_space<vmem>>
      tpu.wait_dma2 semaphore(%run_scoped3A_284 : memref<!tpu.dma_semaphore, #tpu.memory_space<semaphore_mem>>) src(%dma_wait3A_308 : memref<80x64xf32, #tpu.memory_space<vmem>>) dst(%dma_wait3A_304 : memref<80x64xf32, #tpu.memory_space<vmem_shared>>)
      tpu.yield
    }) : () -> ()
    %mul3A_33 = arith.constant 640 : i32
    %mul3A_34 = arith.muli %arg1, %mul3A_33 : i32
    %add3A_35 = arith.constant 480 : i32
    %add3A_36 = arith.addi %mul3A_34, %add3A_35 : i32
    %run_scoped3A_37 = arith.constant 0 : i32
    "tpu.region"() ({
      %run_scoped3A_284 = tpu.sem_alloc : memref<!tpu.dma_semaphore, #tpu.memory_space<semaphore_mem>>
      %dma_start3A_285 = arith.constant 0 : i32
      %dma_start3A_286 = arith.constant 0 : i32
      %dma_start3A_287 = tpu.memref_slice %arg16[%run_scoped3A_37, %dma_start3A_285, %dma_start3A_286] : memref<2x80x64xf32, #tpu.memory_space<vmem>> -> memref<1x80x64xf32, #tpu.memory_space<vmem>>
      %dma_start3A_288 = tpu.memref_squeeze %dma_start3A_287 : memref<1x80x64xf32, #tpu.memory_space<vmem>> -> memref<80x64xf32, #tpu.memory_space<vmem>>
      %dma_start3A_289 = arith.constant 0 : i32
      %dma_start3A_290 = tpu.memref_slice %arg19[%add3A_36, %dma_start3A_289] : memref<10240x64xf32, #tpu.memory_space<vmem_shared>> -> memref<80x64xf32, #tpu.memory_space<vmem_shared>>
      %dma_start3A_291 = arith.constant 0 : i32
      %dma_start3A_292 = tpu.memref_slice %arg19[%add3A_36, %dma_start3A_291] : memref<10240x64xf32, #tpu.memory_space<vmem_shared>> -> memref<80x64xf32, #tpu.memory_space<vmem_shared>>
      %dma_start3A_293 = arith.constant 0 : i32
      %dma_start3A_294 = arith.constant 0 : i32
      %dma_start3A_295 = tpu.memref_slice %arg16[%run_scoped3A_37, %dma_start3A_293, %dma_start3A_294] : memref<2x80x64xf32, #tpu.memory_space<vmem>> -> memref<1x80x64xf32, #tpu.memory_space<vmem>>
      %dma_start3A_296 = tpu.memref_squeeze %dma_start3A_295 : memref<1x80x64xf32, #tpu.memory_space<vmem>> -> memref<80x64xf32, #tpu.memory_space<vmem>>
      tpu.enqueue_dma source(%dma_start3A_296 : memref<80x64xf32, #tpu.memory_space<vmem>>) target(%dma_start3A_292 : memref<80x64xf32, #tpu.memory_space<vmem_shared>>) target_semaphore(%run_scoped3A_284 : memref<!tpu.dma_semaphore, #tpu.memory_space<semaphore_mem>>)
      %dma_wait3A_297 = arith.constant 0 : i32
      %dma_wait3A_298 = arith.constant 0 : i32
      %dma_wait3A_299 = tpu.memref_slice %arg16[%run_scoped3A_37, %dma_wait3A_297, %dma_wait3A_298] : memref<2x80x64xf32, #tpu.memory_space<vmem>> -> memref<1x80x64xf32, #tpu.memory_space<vmem>>
      %dma_wait3A_300 = tpu.memref_squeeze %dma_wait3A_299 : memref<1x80x64xf32, #tpu.memory_space<vmem>> -> memref<80x64xf32, #tpu.memory_space<vmem>>
      %dma_wait3A_301 = arith.constant 0 : i32
      %dma_wait3A_302 = tpu.memref_slice %arg19[%add3A_36, %dma_wait3A_301] : memref<10240x64xf32, #tpu.memory_space<vmem_shared>> -> memref<80x64xf32, #tpu.memory_space<vmem_shared>>
      %dma_wait3A_303 = arith.constant 0 : i32
      %dma_wait3A_304 = tpu.memref_slice %arg19[%add3A_36, %dma_wait3A_303] : memref<10240x64xf32, #tpu.memory_space<vmem_shared>> -> memref<80x64xf32, #tpu.memory_space<vmem_shared>>
      %dma_wait3A_305 = arith.constant 0 : i32
      %dma_wait3A_306 = arith.constant 0 : i32
      %dma_wait3A_307 = tpu.memref_slice %arg16[%run_scoped3A_37, %dma_wait3A_305, %dma_wait3A_306] : memref<2x80x64xf32, #tpu.memory_space<vmem>> -> memref<1x80x64xf32, #tpu.memory_space<vmem>>
      %dma_wait3A_308 = tpu.memref_squeeze %dma_wait3A_307 : memref<1x80x64xf32, #tpu.memory_space<vmem>> -> memref<80x64xf32, #tpu.memory_space<vmem>>
      tpu.wait_dma2 semaphore(%run_scoped3A_284 : memref<!tpu.dma_semaphore, #tpu.memory_space<semaphore_mem>>) src(%dma_wait3A_308 : memref<80x64xf32, #tpu.memory_space<vmem>>) dst(%dma_wait3A_304 : memref<80x64xf32, #tpu.memory_space<vmem_shared>>)
      tpu.yield
    }) : () -> ()
    %mul3A_38 = arith.constant 640 : i32
    %mul3A_39 = arith.muli %arg1, %mul3A_38 : i32
    %add3A_40 = arith.constant 560 : i32
    %add3A_41 = arith.addi %mul3A_39, %add3A_40 : i32
    %run_scoped3A_42 = arith.constant 0 : i32
    "tpu.region"() ({
      %run_scoped3A_284 = tpu.sem_alloc : memref<!tpu.dma_semaphore, #tpu.memory_space<semaphore_mem>>
      %dma_start3A_285 = arith.constant 0 : i32
      %dma_start3A_286 = arith.constant 0 : i32
      %dma_start3A_287 = tpu.memref_slice %arg16[%run_scoped3A_42, %dma_start3A_285, %dma_start3A_286] : memref<2x80x64xf32, #tpu.memory_space<vmem>> -> memref<1x80x64xf32, #tpu.memory_space<vmem>>
      %dma_start3A_288 = tpu.memref_squeeze %dma_start3A_287 : memref<1x80x64xf32, #tpu.memory_space<vmem>> -> memref<80x64xf32, #tpu.memory_space<vmem>>
      %dma_start3A_289 = arith.constant 0 : i32
      %dma_start3A_290 = tpu.memref_slice %arg19[%add3A_41, %dma_start3A_289] : memref<10240x64xf32, #tpu.memory_space<vmem_shared>> -> memref<80x64xf32, #tpu.memory_space<vmem_shared>>
      %dma_start3A_291 = arith.constant 0 : i32
      %dma_start3A_292 = tpu.memref_slice %arg19[%add3A_41, %dma_start3A_291] : memref<10240x64xf32, #tpu.memory_space<vmem_shared>> -> memref<80x64xf32, #tpu.memory_space<vmem_shared>>
      %dma_start3A_293 = arith.constant 0 : i32
      %dma_start3A_294 = arith.constant 0 : i32
      %dma_start3A_295 = tpu.memref_slice %arg16[%run_scoped3A_42, %dma_start3A_293, %dma_start3A_294] : memref<2x80x64xf32, #tpu.memory_space<vmem>> -> memref<1x80x64xf32, #tpu.memory_space<vmem>>
      %dma_start3A_296 = tpu.memref_squeeze %dma_start3A_295 : memref<1x80x64xf32, #tpu.memory_space<vmem>> -> memref<80x64xf32, #tpu.memory_space<vmem>>
      tpu.enqueue_dma source(%dma_start3A_296 : memref<80x64xf32, #tpu.memory_space<vmem>>) target(%dma_start3A_292 : memref<80x64xf32, #tpu.memory_space<vmem_shared>>) target_semaphore(%run_scoped3A_284 : memref<!tpu.dma_semaphore, #tpu.memory_space<semaphore_mem>>)
      %dma_wait3A_297 = arith.constant 0 : i32
      %dma_wait3A_298 = arith.constant 0 : i32
      %dma_wait3A_299 = tpu.memref_slice %arg16[%run_scoped3A_42, %dma_wait3A_297, %dma_wait3A_298] : memref<2x80x64xf32, #tpu.memory_space<vmem>> -> memref<1x80x64xf32, #tpu.memory_space<vmem>>
      %dma_wait3A_300 = tpu.memref_squeeze %dma_wait3A_299 : memref<1x80x64xf32, #tpu.memory_space<vmem>> -> memref<80x64xf32, #tpu.memory_space<vmem>>
      %dma_wait3A_301 = arith.constant 0 : i32
      %dma_wait3A_302 = tpu.memref_slice %arg19[%add3A_41, %dma_wait3A_301] : memref<10240x64xf32, #tpu.memory_space<vmem_shared>> -> memref<80x64xf32, #tpu.memory_space<vmem_shared>>
      %dma_wait3A_303 = arith.constant 0 : i32
      %dma_wait3A_304 = tpu.memref_slice %arg19[%add3A_41, %dma_wait3A_303] : memref<10240x64xf32, #tpu.memory_space<vmem_shared>> -> memref<80x64xf32, #tpu.memory_space<vmem_shared>>
      %dma_wait3A_305 = arith.constant 0 : i32
      %dma_wait3A_306 = arith.constant 0 : i32
      %dma_wait3A_307 = tpu.memref_slice %arg16[%run_scoped3A_42, %dma_wait3A_305, %dma_wait3A_306] : memref<2x80x64xf32, #tpu.memory_space<vmem>> -> memref<1x80x64xf32, #tpu.memory_space<vmem>>
      %dma_wait3A_308 = tpu.memref_squeeze %dma_wait3A_307 : memref<1x80x64xf32, #tpu.memory_space<vmem>> -> memref<80x64xf32, #tpu.memory_space<vmem>>
      tpu.wait_dma2 semaphore(%run_scoped3A_284 : memref<!tpu.dma_semaphore, #tpu.memory_space<semaphore_mem>>) src(%dma_wait3A_308 : memref<80x64xf32, #tpu.memory_space<vmem>>) dst(%dma_wait3A_304 : memref<80x64xf32, #tpu.memory_space<vmem_shared>>)
      tpu.yield
    }) : () -> ()
    %scan3A_43 = arith.constant 0 : i32
    %scan3A_44 = arith.constant 0 : i32
    %scan3A_45 = arith.constant 640 : i32
    %scan3A_46 = arith.addi %scan3A_44, %scan3A_45 : i32
    %scan3A_47 = arith.constant 1 : i32
    scf.for %scan3A_284 = %scan3A_44 to %scan3A_46 step %scan3A_47  : i32 {
      %mul3A_285 = arith.constant 16 : i32
      %mul3A_286 = arith.muli %scan3A_284, %mul3A_285 : i32
      %swap3A_287 = arith.index_cast %mul3A_286 : i32 to index
      %swap3A_288 = tpu.vector_load %arg17[%swap3A_287] {strides = array<i32>} : memref<10240xf32, #tpu.memory_space<vmem>>, vector<16xf32>,
      tpu.vector_store %arg17[%swap3A_287], %broadcast_in_dim3A_0 {strides = array<i32>} : memref<10240xf32, #tpu.memory_space<vmem>>, vector<16xf32>,
    }
    %scan3A_48 = arith.constant 640 : i32
    %barrier3A = arith.constant 0 : index
    tpu.barrier barrier_id(%barrier3A)
    %get3A = arith.constant 0 : index
    %get3A_49 = tpu.vector_load %arg18[%get3A] {strides = array<i32>} : memref<16xf32, #tpu.memory_space<vmem>>, vector<16xf32>,
    %get3A_50 = arith.constant 0 : i32
    %get3A_51 = arith.index_cast %get3A_50 : i32 to index
    %get3A_52 = arith.constant 0 : index
    %get3A_53 = tpu.vector_load %arg12[%get3A_51, %get3A_52] {strides = array<i32>} : memref<250x80xi32, #tpu.memory_space<vmem>>, vector<16xi32>,
    %get3A_54 = arith.constant 0 : i32
    %get3A_55 = arith.index_cast %get3A_54 : i32 to index
    %get3A_56 = arith.constant 0 : index
    %get3A_57 = tpu.vector_load %arg13[%get3A_55, %get3A_56] {strides = array<i32>} : memref<250x80xi32, #tpu.memory_space<vmem>>, vector<16xi32>,
    %gather3A = tpu.vector_load_idx %arg10[%get3A_53] : memref<10240xf32, #tpu.memory_space<vmem>>[vector<16xi32>], vector<16xf32>,
    %gather3A_58 = tpu.vector_load_idx %arg11[%get3A_57] : memref<10240xf32, #tpu.memory_space<vmem>>[vector<16xi32>], vector<16xf32>,
    %add3A_59 = arith.addf %gather3A, %gather3A_58 : vector<16xf32>
    %ge3A = arith.constant 0.000000e+00 : f32
    %ge3A_60 = vector.broadcast %ge3A : f32 to vector<16xf32>
    %ge3A_61 = arith.cmpf oge, %add3A_59, %ge3A_60 : vector<16xf32>
    %mul3A_62 = arith.constant 2.000000e-01 : f32
    %mul3A_63 = vector.broadcast %mul3A_62 : f32 to vector<16xf32>
    %mul3A_64 = arith.mulf %mul3A_63, %add3A_59 : vector<16xf32>
    %select_n3A = arith.select %ge3A_61, %add3A_59, %mul3A_64 : vector<16xi1>, vector<16xf32>
    %add3A_65 = arith.addf %get3A_49, %gather3A_58 : vector<16xf32>
    %ge3A_66 = arith.constant 0.000000e+00 : f32
    %ge3A_67 = vector.broadcast %ge3A_66 : f32 to vector<16xf32>
    %ge3A_68 = arith.cmpf oge, %add3A_65, %ge3A_67 : vector<16xf32>
    %mul3A_69 = arith.constant 2.000000e-01 : f32
    %mul3A_70 = vector.broadcast %mul3A_69 : f32 to vector<16xf32>
    %mul3A_71 = arith.mulf %mul3A_70, %add3A_65 : vector<16xf32>
    %select_n3A_72 = arith.select %ge3A_68, %add3A_65, %mul3A_71 : vector<16xi1>, vector<16xf32>
    %sub3A = arith.subf %select_n3A, %select_n3A_72 : vector<16xf32>
    %exp3A = math.exp %sub3A : vector<16xf32>
    %swap3A = arith.constant 0 : i32
    %swap3A_73 = arith.index_cast %swap3A : i32 to index
    %swap3A_74 = arith.constant 0 : index
    %swap3A_75 = tpu.vector_load %arg15[%swap3A_73, %swap3A_74] {strides = array<i32>} : memref<2x80xf32, #tpu.memory_space<vmem>>, vector<16xf32>,
    tpu.vector_store %arg15[%swap3A_73, %swap3A_74], %exp3A {strides = array<i32>} : memref<2x80xf32, #tpu.memory_space<vmem>>, vector<16xf32>,
    tpu.vector_store_idx %arg17[%get3A_57], %exp3A {add = true} : memref<10240xf32, #tpu.memory_space<vmem>>[vector<16xi32>], vector<16xf32>,
    %mul3A_76 = arith.constant 2 : i32
    %mul3A_77 = vector.broadcast %mul3A_76 : i32 to vector<16xi32>
    %mul3A_78 = arith.muli %get3A_53, %mul3A_77 : vector<16xi32>
    %add3A_79 = vector.broadcast %arg0 : i32 to vector<16xi32>
    %add3A_80 = arith.addi %mul3A_78, %add3A_79 : vector<16xi32>
    %swap3A_81 = arith.constant 0 : i32
    %swap3A_82 = arith.index_cast %swap3A_81 : i32 to index
    %swap3A_83 = arith.constant 0 : index
    %swap3A_84 = tpu.vector_load %arg14[%swap3A_82, %swap3A_83] {strides = array<i32>} : memref<2x80xi32, #tpu.memory_space<vmem>>, vector<16xi32>,
    tpu.vector_store %arg14[%swap3A_82, %swap3A_83], %add3A_80 {strides = array<i32>} : memref<2x80xi32, #tpu.memory_space<vmem>>, vector<16xi32>,
    %get3A_85 = arith.constant 0 : i32
    %get3A_86 = arith.index_cast %get3A_85 : i32 to index
    %get3A_87 = arith.constant 16 : index
    %get3A_88 = tpu.vector_load %arg12[%get3A_86, %get3A_87] {strides = array<i32>} : memref<250x80xi32, #tpu.memory_space<vmem>>, vector<16xi32>,
    %get3A_89 = arith.constant 0 : i32
    %get3A_90 = arith.index_cast %get3A_89 : i32 to index
    %get3A_91 = arith.constant 16 : index
    %get3A_92 = tpu.vector_load %arg13[%get3A_90, %get3A_91] {strides = array<i32>} : memref<250x80xi32, #tpu.memory_space<vmem>>, vector<16xi32>,
    %gather3A_93 = tpu.vector_load_idx %arg10[%get3A_88] : memref<10240xf32, #tpu.memory_space<vmem>>[vector<16xi32>], vector<16xf32>,
    %gather3A_94 = tpu.vector_load_idx %arg11[%get3A_92] : memref<10240xf32, #tpu.memory_space<vmem>>[vector<16xi32>], vector<16xf32>,
    %add3A_95 = arith.addf %gather3A_93, %gather3A_94 : vector<16xf32>
    %ge3A_96 = arith.constant 0.000000e+00 : f32
    %ge3A_97 = vector.broadcast %ge3A_96 : f32 to vector<16xf32>
    %ge3A_98 = arith.cmpf oge, %add3A_95, %ge3A_97 : vector<16xf32>
    %mul3A_99 = arith.constant 2.000000e-01 : f32
    %mul3A_100 = vector.broadcast %mul3A_99 : f32 to vector<16xf32>
    %mul3A_101 = arith.mulf %mul3A_100, %add3A_95 : vector<16xf32>
    %select_n3A_102 = arith.select %ge3A_98, %add3A_95, %mul3A_101 : vector<16xi1>, vector<16xf32>
    %add3A_103 = arith.addf %get3A_49, %gather3A_94 : vector<16xf32>
    %ge3A_104 = arith.constant 0.000000e+00 : f32
    %ge3A_105 = vector.broadcast %ge3A_104 : f32 to vector<16xf32>
    %ge3A_106 = arith.cmpf oge, %add3A_103, %ge3A_105 : vector<16xf32>
    %mul3A_107 = arith.constant 2.000000e-01 : f32
    %mul3A_108 = vector.broadcast %mul3A_107 : f32 to vector<16xf32>
    %mul3A_109 = arith.mulf %mul3A_108, %add3A_103 : vector<16xf32>
    %select_n3A_110 = arith.select %ge3A_106, %add3A_103, %mul3A_109 : vector<16xi1>, vector<16xf32>
    %sub3A_111 = arith.subf %select_n3A_102, %select_n3A_110 : vector<16xf32>
    %exp3A_112 = math.exp %sub3A_111 : vector<16xf32>
    %swap3A_113 = arith.constant 0 : i32
    %swap3A_114 = arith.index_cast %swap3A_113 : i32 to index
    %swap3A_115 = arith.constant 16 : index
    %swap3A_116 = tpu.vector_load %arg15[%swap3A_114, %swap3A_115] {strides = array<i32>} : memref<2x80xf32, #tpu.memory_space<vmem>>, vector<16xf32>,
    tpu.vector_store %arg15[%swap3A_114, %swap3A_115], %exp3A_112 {strides = array<i32>} : memref<2x80xf32, #tpu.memory_space<vmem>>, vector<16xf32>,
    tpu.vector_store_idx %arg17[%get3A_92], %exp3A_112 {add = true} : memref<10240xf32, #tpu.memory_space<vmem>>[vector<16xi32>], vector<16xf32>,
    %mul3A_117 = arith.constant 2 : i32
    %mul3A_118 = vector.broadcast %mul3A_117 : i32 to vector<16xi32>
    %mul3A_119 = arith.muli %get3A_88, %mul3A_118 : vector<16xi32>
    %add3A_120 = vector.broadcast %arg0 : i32 to vector<16xi32>
    %add3A_121 = arith.addi %mul3A_119, %add3A_120 : vector<16xi32>
    %swap3A_122 = arith.constant 0 : i32
    %swap3A_123 = arith.index_cast %swap3A_122 : i32 to index
    %swap3A_124 = arith.constant 16 : index
    %swap3A_125 = tpu.vector_load %arg14[%swap3A_123, %swap3A_124] {strides = array<i32>} : memref<2x80xi32, #tpu.memory_space<vmem>>, vector<16xi32>,
    tpu.vector_store %arg14[%swap3A_123, %swap3A_124], %add3A_121 {strides = array<i32>} : memref<2x80xi32, #tpu.memory_space<vmem>>, vector<16xi32>,
    %get3A_126 = arith.constant 0 : i32
    %get3A_127 = arith.index_cast %get3A_126 : i32 to index
    %get3A_128 = arith.constant 32 : index
    %get3A_129 = tpu.vector_load %arg12[%get3A_127, %get3A_128] {strides = array<i32>} : memref<250x80xi32, #tpu.memory_space<vmem>>, vector<16xi32>,
    %get3A_130 = arith.constant 0 : i32
    %get3A_131 = arith.index_cast %get3A_130 : i32 to index
    %get3A_132 = arith.constant 32 : index
    %get3A_133 = tpu.vector_load %arg13[%get3A_131, %get3A_132] {strides = array<i32>} : memref<250x80xi32, #tpu.memory_space<vmem>>, vector<16xi32>,
    %gather3A_134 = tpu.vector_load_idx %arg10[%get3A_129] : memref<10240xf32, #tpu.memory_space<vmem>>[vector<16xi32>], vector<16xf32>,
    %gather3A_135 = tpu.vector_load_idx %arg11[%get3A_133] : memref<10240xf32, #tpu.memory_space<vmem>>[vector<16xi32>], vector<16xf32>,
    %add3A_136 = arith.addf %gather3A_134, %gather3A_135 : vector<16xf32>
    %ge3A_137 = arith.constant 0.000000e+00 : f32
    %ge3A_138 = vector.broadcast %ge3A_137 : f32 to vector<16xf32>
    %ge3A_139 = arith.cmpf oge, %add3A_136, %ge3A_138 : vector<16xf32>
    %mul3A_140 = arith.constant 2.000000e-01 : f32
    %mul3A_141 = vector.broadcast %mul3A_140 : f32 to vector<16xf32>
    %mul3A_142 = arith.mulf %mul3A_141, %add3A_136 : vector<16xf32>
    %select_n3A_143 = arith.select %ge3A_139, %add3A_136, %mul3A_142 : vector<16xi1>, vector<16xf32>
    %add3A_144 = arith.addf %get3A_49, %gather3A_135 : vector<16xf32>
    %ge3A_145 = arith.constant 0.000000e+00 : f32
    %ge3A_146 = vector.broadcast %ge3A_145 : f32 to vector<16xf32>
    %ge3A_147 = arith.cmpf oge, %add3A_144, %ge3A_146 : vector<16xf32>
    %mul3A_148 = arith.constant 2.000000e-01 : f32
    %mul3A_149 = vector.broadcast %mul3A_148 : f32 to vector<16xf32>
    %mul3A_150 = arith.mulf %mul3A_149, %add3A_144 : vector<16xf32>
    %select_n3A_151 = arith.select %ge3A_147, %add3A_144, %mul3A_150 : vector<16xi1>, vector<16xf32>
    %sub3A_152 = arith.subf %select_n3A_143, %select_n3A_151 : vector<16xf32>
    %exp3A_153 = math.exp %sub3A_152 : vector<16xf32>
    %swap3A_154 = arith.constant 0 : i32
    %swap3A_155 = arith.index_cast %swap3A_154 : i32 to index
    %swap3A_156 = arith.constant 32 : index
    %swap3A_157 = tpu.vector_load %arg15[%swap3A_155, %swap3A_156] {strides = array<i32>} : memref<2x80xf32, #tpu.memory_space<vmem>>, vector<16xf32>,
    tpu.vector_store %arg15[%swap3A_155, %swap3A_156], %exp3A_153 {strides = array<i32>} : memref<2x80xf32, #tpu.memory_space<vmem>>, vector<16xf32>,
    tpu.vector_store_idx %arg17[%get3A_133], %exp3A_153 {add = true} : memref<10240xf32, #tpu.memory_space<vmem>>[vector<16xi32>], vector<16xf32>,
    %mul3A_158 = arith.constant 2 : i32
    %mul3A_159 = vector.broadcast %mul3A_158 : i32 to vector<16xi32>
    %mul3A_160 = arith.muli %get3A_129, %mul3A_159 : vector<16xi32>
    %add3A_161 = vector.broadcast %arg0 : i32 to vector<16xi32>
    %add3A_162 = arith.addi %mul3A_160, %add3A_161 : vector<16xi32>
    %swap3A_163 = arith.constant 0 : i32
    %swap3A_164 = arith.index_cast %swap3A_163 : i32 to index
    %swap3A_165 = arith.constant 32 : index
    %swap3A_166 = tpu.vector_load %arg14[%swap3A_164, %swap3A_165] {strides = array<i32>} : memref<2x80xi32, #tpu.memory_space<vmem>>, vector<16xi32>,
    tpu.vector_store %arg14[%swap3A_164, %swap3A_165], %add3A_162 {strides = array<i32>} : memref<2x80xi32, #tpu.memory_space<vmem>>, vector<16xi32>,
    %get3A_167 = arith.constant 0 : i32
    %get3A_168 = arith.index_cast %get3A_167 : i32 to index
    %get3A_169 = arith.constant 48 : index
    %get3A_170 = tpu.vector_load %arg12[%get3A_168, %get3A_169] {strides = array<i32>} : memref<250x80xi32, #tpu.memory_space<vmem>>, vector<16xi32>,
    %get3A_171 = arith.constant 0 : i32
    %get3A_172 = arith.index_cast %get3A_171 : i32 to index
    %get3A_173 = arith.constant 48 : index
    %get3A_174 = tpu.vector_load %arg13[%get3A_172, %get3A_173] {strides = array<i32>} : memref<250x80xi32, #tpu.memory_space<vmem>>, vector<16xi32>,
    %gather3A_175 = tpu.vector_load_idx %arg10[%get3A_170] : memref<10240xf32, #tpu.memory_space<vmem>>[vector<16xi32>], vector<16xf32>,
    %gather3A_176 = tpu.vector_load_idx %arg11[%get3A_174] : memref<10240xf32, #tpu.memory_space<vmem>>[vector<16xi32>], vector<16xf32>,
    %add3A_177 = arith.addf %gather3A_175, %gather3A_176 : vector<16xf32>
    %ge3A_178 = arith.constant 0.000000e+00 : f32
    %ge3A_179 = vector.broadcast %ge3A_178 : f32 to vector<16xf32>
    %ge3A_180 = arith.cmpf oge, %add3A_177, %ge3A_179 : vector<16xf32>
    %mul3A_181 = arith.constant 2.000000e-01 : f32
    %mul3A_182 = vector.broadcast %mul3A_181 : f32 to vector<16xf32>
    %mul3A_183 = arith.mulf %mul3A_182, %add3A_177 : vector<16xf32>
    %select_n3A_184 = arith.select %ge3A_180, %add3A_177, %mul3A_183 : vector<16xi1>, vector<16xf32>
    %add3A_185 = arith.addf %get3A_49, %gather3A_176 : vector<16xf32>
    %ge3A_186 = arith.constant 0.000000e+00 : f32
    %ge3A_187 = vector.broadcast %ge3A_186 : f32 to vector<16xf32>
    %ge3A_188 = arith.cmpf oge, %add3A_185, %ge3A_187 : vector<16xf32>
    %mul3A_189 = arith.constant 2.000000e-01 : f32
    %mul3A_190 = vector.broadcast %mul3A_189 : f32 to vector<16xf32>
    %mul3A_191 = arith.mulf %mul3A_190, %add3A_185 : vector<16xf32>
    %select_n3A_192 = arith.select %ge3A_188, %add3A_185, %mul3A_191 : vector<16xi1>, vector<16xf32>
    %sub3A_193 = arith.subf %select_n3A_184, %select_n3A_192 : vector<16xf32>
    %exp3A_194 = math.exp %sub3A_193 : vector<16xf32>
    %swap3A_195 = arith.constant 0 : i32
    %swap3A_196 = arith.index_cast %swap3A_195 : i32 to index
    %swap3A_197 = arith.constant 48 : index
    %swap3A_198 = tpu.vector_load %arg15[%swap3A_196, %swap3A_197] {strides = array<i32>} : memref<2x80xf32, #tpu.memory_space<vmem>>, vector<16xf32>,
    tpu.vector_store %arg15[%swap3A_196, %swap3A_197], %exp3A_194 {strides = array<i32>} : memref<2x80xf32, #tpu.memory_space<vmem>>, vector<16xf32>,
    tpu.vector_store_idx %arg17[%get3A_174], %exp3A_194 {add = true} : memref<10240xf32, #tpu.memory_space<vmem>>[vector<16xi32>], vector<16xf32>,
    %mul3A_199 = arith.constant 2 : i32
    %mul3A_200 = vector.broadcast %mul3A_199 : i32 to vector<16xi32>
    %mul3A_201 = arith.muli %get3A_170, %mul3A_200 : vector<16xi32>
    %add3A_202 = vector.broadcast %arg0 : i32 to vector<16xi32>
    %add3A_203 = arith.addi %mul3A_201, %add3A_202 : vector<16xi32>
    %swap3A_204 = arith.constant 0 : i32
    %swap3A_205 = arith.index_cast %swap3A_204 : i32 to index
    %swap3A_206 = arith.constant 48 : index
    %swap3A_207 = tpu.vector_load %arg14[%swap3A_205, %swap3A_206] {strides = array<i32>} : memref<2x80xi32, #tpu.memory_space<vmem>>, vector<16xi32>,
    tpu.vector_store %arg14[%swap3A_205, %swap3A_206], %add3A_203 {strides = array<i32>} : memref<2x80xi32, #tpu.memory_space<vmem>>, vector<16xi32>,
    %get3A_208 = arith.constant 0 : i32
    %get3A_209 = arith.index_cast %get3A_208 : i32 to index
    %get3A_210 = arith.constant 64 : index
    %get3A_211 = tpu.vector_load %arg12[%get3A_209, %get3A_210] {strides = array<i32>} : memref<250x80xi32, #tpu.memory_space<vmem>>, vector<16xi32>,
    %get3A_212 = arith.constant 0 : i32
    %get3A_213 = arith.index_cast %get3A_212 : i32 to index
    %get3A_214 = arith.constant 64 : index
    %get3A_215 = tpu.vector_load %arg13[%get3A_213, %get3A_214] {strides = array<i32>} : memref<250x80xi32, #tpu.memory_space<vmem>>, vector<16xi32>,
    %gather3A_216 = tpu.vector_load_idx %arg10[%get3A_211] : memref<10240xf32, #tpu.memory_space<vmem>>[vector<16xi32>], vector<16xf32>,
    %gather3A_217 = tpu.vector_load_idx %arg11[%get3A_215] : memref<10240xf32, #tpu.memory_space<vmem>>[vector<16xi32>], vector<16xf32>,
    %add3A_218 = arith.addf %gather3A_216, %gather3A_217 : vector<16xf32>
    %ge3A_219 = arith.constant 0.000000e+00 : f32
    %ge3A_220 = vector.broadcast %ge3A_219 : f32 to vector<16xf32>
    %ge3A_221 = arith.cmpf oge, %add3A_218, %ge3A_220 : vector<16xf32>
    %mul3A_222 = arith.constant 2.000000e-01 : f32
    %mul3A_223 = vector.broadcast %mul3A_222 : f32 to vector<16xf32>
    %mul3A_224 = arith.mulf %mul3A_223, %add3A_218 : vector<16xf32>
    %select_n3A_225 = arith.select %ge3A_221, %add3A_218, %mul3A_224 : vector<16xi1>, vector<16xf32>
    %add3A_226 = arith.addf %get3A_49, %gather3A_217 : vector<16xf32>
    %ge3A_227 = arith.constant 0.000000e+00 : f32
    %ge3A_228 = vector.broadcast %ge3A_227 : f32 to vector<16xf32>
    %ge3A_229 = arith.cmpf oge, %add3A_226, %ge3A_228 : vector<16xf32>
    %mul3A_230 = arith.constant 2.000000e-01 : f32
    %mul3A_231 = vector.broadcast %mul3A_230 : f32 to vector<16xf32>
    %mul3A_232 = arith.mulf %mul3A_231, %add3A_226 : vector<16xf32>
    %select_n3A_233 = arith.select %ge3A_229, %add3A_226, %mul3A_232 : vector<16xi1>, vector<16xf32>
    %sub3A_234 = arith.subf %select_n3A_225, %select_n3A_233 : vector<16xf32>
    %exp3A_235 = math.exp %sub3A_234 : vector<16xf32>
    %swap3A_236 = arith.constant 0 : i32
    %swap3A_237 = arith.index_cast %swap3A_236 : i32 to index
    %swap3A_238 = arith.constant 64 : index
    %swap3A_239 = tpu.vector_load %arg15[%swap3A_237, %swap3A_238] {strides = array<i32>} : memref<2x80xf32, #tpu.memory_space<vmem>>, vector<16xf32>,
    tpu.vector_store %arg15[%swap3A_237, %swap3A_238], %exp3A_235 {strides = array<i32>} : memref<2x80xf32, #tpu.memory_space<vmem>>, vector<16xf32>,
    tpu.vector_store_idx %arg17[%get3A_215], %exp3A_235 {add = true} : memref<10240xf32, #tpu.memory_space<vmem>>[vector<16xi32>], vector<16xf32>,
    %mul3A_240 = arith.constant 2 : i32
    %mul3A_241 = vector.broadcast %mul3A_240 : i32 to vector<16xi32>
    %mul3A_242 = arith.muli %get3A_211, %mul3A_241 : vector<16xi32>
    %add3A_243 = vector.broadcast %arg0 : i32 to vector<16xi32>
    %add3A_244 = arith.addi %mul3A_242, %add3A_243 : vector<16xi32>
    %swap3A_245 = arith.constant 0 : i32
    %swap3A_246 = arith.index_cast %swap3A_245 : i32 to index
    %swap3A_247 = arith.constant 64 : index
    %swap3A_248 = tpu.vector_load %arg14[%swap3A_246, %swap3A_247] {strides = array<i32>} : memref<2x80xi32, #tpu.memory_space<vmem>>, vector<16xi32>,
    tpu.vector_store %arg14[%swap3A_246, %swap3A_247], %add3A_244 {strides = array<i32>} : memref<2x80xi32, #tpu.memory_space<vmem>>, vector<16xi32>,
    %dma_start3A = arith.constant 0 : i32
    %dma_start3A_249 = arith.constant 0 : i32
    %dma_start3A_250 = arith.constant 0 : i32
    %dma_start3A_251 = arith.constant 0 : i32
    %dma_start3A_252 = tpu.memref_slice %arg16[%dma_start3A_249, %dma_start3A_250, %dma_start3A_251] : memref<2x80x64xf32, #tpu.memory_space<vmem>> -> memref<1x80x64xf32, #tpu.memory_space<vmem>>
    %dma_start3A_253 = tpu.memref_squeeze %dma_start3A_252 : memref<1x80x64xf32, #tpu.memory_space<vmem>> -> memref<80x64xf32, #tpu.memory_space<vmem>>
    %dma_start3A_254 = arith.constant 0 : i32
    %dma_start3A_255 = tpu.memref_slice %arg14[%dma_start3A, %dma_start3A_254] : memref<2x80xi32, #tpu.memory_space<vmem>> -> memref<1x80xi32, #tpu.memory_space<vmem>>
    %dma_start3A_256 = tpu.memref_squeeze %dma_start3A_255 : memref<1x80xi32, #tpu.memory_space<vmem>> -> memref<80xi32, #tpu.memory_space<vmem>>
    %dma_start3A_257 = arith.constant 0 : i32
    %dma_start3A_258 = arith.constant 0 : i32
    %dma_start3A_259 = tpu.memref_slice %arg2[%dma_start3A_257, %dma_start3A_258] : memref<20480x64xf32, #tpu.memory_space<hbm>> -> memref<20480x64xf32, #tpu.memory_space<hbm>>
    tpu.enqueue_indirect_dma source(%dma_start3A_259 : memref<20480x64xf32, #tpu.memory_space<hbm>>) target(%dma_start3A_253 : memref<80x64xf32, #tpu.memory_space<vmem>>) offsets(%dma_start3A_256 : memref<80xi32, #tpu.memory_space<vmem>>) semaphore(%arg20 : memref<!tpu.dma_semaphore, #tpu.memory_space<semaphore_mem>>)
    %scan3A_260 = arith.constant 0 : i32
    %scan3A_261 = arith.constant 0 : i32
    %scan3A_262 = arith.constant 250 : i32
    %scan3A_263 = arith.addi %scan3A_261, %scan3A_262 : i32
    %scan3A_264 = arith.constant 1 : i32
    scf.for %scan3A_284 = %scan3A_261 to %scan3A_263 step %scan3A_264  : i32 {
      %jit3A = arith.constant 2 : i32
      %eq3A_285 = arith.constant 0 : i32
      %eq3A_286 = arith.cmpi eq, %jit3A, %eq3A_285 : i32
      %jit3A_287 = arith.constant 1 : i32
      %select_n3A_288 = arith.select %eq3A_286, %jit3A_287, %jit3A : i32
      %rem3A = arith.remsi %scan3A_284, %select_n3A_288 : i32
      %ne3A = arith.constant 0 : i32
      %ne3A_289 = arith.cmpi ne, %rem3A, %ne3A : i32
      %lt3A = arith.constant 0 : i32
      %lt3A_290 = arith.cmpi slt, %rem3A, %lt3A : i32
      %lt3A_291 = arith.constant 0 : i32
      %lt3A_292 = arith.cmpi slt, %select_n3A_288, %lt3A_291 : i32
      %ne3A_293 = arith.xori %lt3A_290, %lt3A_292 : i1
      %and3A = arith.andi %ne3A_293, %ne3A_289 : i1
      %add3A_294 = arith.addi %rem3A, %select_n3A_288 : i32
      %select_n3A_295 = arith.select %and3A, %add3A_294, %rem3A : i32
      %sub3A_296 = arith.constant 1 : i32
      %sub3A_297 = arith.subi %sub3A_296, %select_n3A_295 : i32
      %dma_wait3A_298 = arith.constant 0 : i32
      %dma_wait3A_299 = arith.constant 0 : i32
      %dma_wait3A_300 = tpu.memref_slice %arg16[%select_n3A_295, %dma_wait3A_298, %dma_wait3A_299] : memref<2x80x64xf32, #tpu.memory_space<vmem>> -> memref<1x80x64xf32, #tpu.memory_space<vmem>>
      %dma_wait3A_301 = tpu.memref_squeeze %dma_wait3A_300 : memref<1x80x64xf32, #tpu.memory_space<vmem>> -> memref<80x64xf32, #tpu.memory_space<vmem>>
      %dma_wait3A_302 = arith.constant 0 : i32
      %dma_wait3A_303 = tpu.memref_slice %arg14[%select_n3A_295, %dma_wait3A_302] : memref<2x80xi32, #tpu.memory_space<vmem>> -> memref<1x80xi32, #tpu.memory_space<vmem>>
      %dma_wait3A_304 = tpu.memref_squeeze %dma_wait3A_303 : memref<1x80xi32, #tpu.memory_space<vmem>> -> memref<80xi32, #tpu.memory_space<vmem>>
      %dma_wait3A_305 = arith.constant 0 : i32
      %dma_wait3A_306 = arith.constant 0 : i32
      %dma_wait3A_307 = tpu.memref_slice %arg2[%dma_wait3A_305, %dma_wait3A_306] : memref<20480x64xf32, #tpu.memory_space<hbm>> -> memref<20480x64xf32, #tpu.memory_space<hbm>>
      tpu.wait_indirect_dma semaphore(%arg20 : memref<!tpu.dma_semaphore, #tpu.memory_space<semaphore_mem>>) src(%dma_wait3A_307 : memref<20480x64xf32, #tpu.memory_space<hbm>>) dst(%dma_wait3A_301 : memref<80x64xf32, #tpu.memory_space<vmem>>)
      %gt3A = arith.constant 0 : i32
      %gt3A_308 = arith.cmpi sgt, %scan3A_284, %gt3A : i32
      %convert_element_type3A_309 = arith.extui %gt3A_308 : i1 to i32
      %cond3A_310 = arith.constant 0 : i32
      %cond3A_311 = arith.cmpi ne, %convert_element_type3A_309, %cond3A_310 : i32
      scf.if %cond3A_311 {
        %sub3A_331 = arith.constant 1 : i32
        %sub3A_332 = arith.subi %scan3A_284, %sub3A_331 : i32
        %dma_wait3A_333 = arith.constant 0 : i32
        %dma_wait3A_334 = arith.constant 0 : i32
        %dma_wait3A_335 = tpu.memref_slice %arg16[%sub3A_297, %dma_wait3A_333, %dma_wait3A_334] : memref<2x80x64xf32, #tpu.memory_space<vmem>> -> memref<1x80x64xf32, #tpu.memory_space<vmem>>
        %dma_wait3A_336 = tpu.memref_squeeze %dma_wait3A_335 : memref<1x80x64xf32, #tpu.memory_space<vmem>> -> memref<80x64xf32, #tpu.memory_space<vmem>>
        %dma_wait3A_337 = arith.constant 0 : i32
        %dma_wait3A_338 = tpu.memref_slice %arg13[%sub3A_332, %dma_wait3A_337] : memref<250x80xi32, #tpu.memory_space<vmem>> -> memref<1x80xi32, #tpu.memory_space<vmem>>
        %dma_wait3A_339 = tpu.memref_squeeze %dma_wait3A_338 : memref<1x80xi32, #tpu.memory_space<vmem>> -> memref<80xi32, #tpu.memory_space<vmem>>
        %dma_wait3A_340 = arith.constant 0 : i32
        %dma_wait3A_341 = arith.constant 0 : i32
        %dma_wait3A_342 = tpu.memref_slice %arg19[%dma_wait3A_340, %dma_wait3A_341] : memref<10240x64xf32, #tpu.memory_space<vmem_shared>> -> memref<10240x64xf32, #tpu.memory_space<vmem_shared>>
        tpu.wait_indirect_dma semaphore(%arg21 : memref<!tpu.dma_semaphore, #tpu.memory_space<semaphore_mem>>) src(%dma_wait3A_336 : memref<80x64xf32, #tpu.memory_space<vmem>>) dst(%dma_wait3A_342 : memref<10240x64xf32, #tpu.memory_space<vmem_shared>>)
      } else {
      }
      %add3A_312 = arith.constant 1 : i32
      %add3A_313 = arith.addi %scan3A_284, %add3A_312 : i32
      %lt3A_314 = arith.constant 250 : i32
      %lt3A_315 = arith.cmpi slt, %add3A_313, %lt3A_314 : i32
      %convert_element_type3A_316 = arith.extui %lt3A_315 : i1 to i32
      %cond3A_317 = arith.constant 0 : i32
      %cond3A_318 = arith.cmpi ne, %convert_element_type3A_316, %cond3A_317 : i32
      scf.if %cond3A_318 {
        %add3A_331 = arith.constant 1 : i32
        %add3A_332 = arith.addi %scan3A_284, %add3A_331 : i32
        %get3A_333 = arith.index_cast %add3A_332 : i32 to index
        %get3A_334 = arith.constant 0 : index
        %get3A_335 = tpu.vector_load %arg12[%get3A_333, %get3A_334] {strides = array<i32>} : memref<250x80xi32, #tpu.memory_space<vmem>>, vector<16xi32>,
        %get3A_336 = arith.index_cast %add3A_332 : i32 to index
        %get3A_337 = arith.constant 0 : index
        %get3A_338 = tpu.vector_load %arg13[%get3A_336, %get3A_337] {strides = array<i32>} : memref<250x80xi32, #tpu.memory_space<vmem>>, vector<16xi32>,
        %gather3A_339 = tpu.vector_load_idx %arg10[%get3A_335] : memref<10240xf32, #tpu.memory_space<vmem>>[vector<16xi32>], vector<16xf32>,
        %gather3A_340 = tpu.vector_load_idx %arg11[%get3A_338] : memref<10240xf32, #tpu.memory_space<vmem>>[vector<16xi32>], vector<16xf32>,
        %add3A_341 = arith.addf %gather3A_339, %gather3A_340 : vector<16xf32>
        %ge3A_342 = arith.constant 0.000000e+00 : f32
        %ge3A_343 = vector.broadcast %ge3A_342 : f32 to vector<16xf32>
        %ge3A_344 = arith.cmpf oge, %add3A_341, %ge3A_343 : vector<16xf32>
        %mul3A_345 = arith.constant 2.000000e-01 : f32
        %mul3A_346 = vector.broadcast %mul3A_345 : f32 to vector<16xf32>
        %mul3A_347 = arith.mulf %mul3A_346, %add3A_341 : vector<16xf32>
        %select_n3A_348 = arith.select %ge3A_344, %add3A_341, %mul3A_347 : vector<16xi1>, vector<16xf32>
        %add3A_349 = arith.addf %get3A_49, %gather3A_340 : vector<16xf32>
        %ge3A_350 = arith.constant 0.000000e+00 : f32
        %ge3A_351 = vector.broadcast %ge3A_350 : f32 to vector<16xf32>
        %ge3A_352 = arith.cmpf oge, %add3A_349, %ge3A_351 : vector<16xf32>
        %mul3A_353 = arith.constant 2.000000e-01 : f32
        %mul3A_354 = vector.broadcast %mul3A_353 : f32 to vector<16xf32>
        %mul3A_355 = arith.mulf %mul3A_354, %add3A_349 : vector<16xf32>
        %select_n3A_356 = arith.select %ge3A_352, %add3A_349, %mul3A_355 : vector<16xi1>, vector<16xf32>
        %sub3A_357 = arith.subf %select_n3A_348, %select_n3A_356 : vector<16xf32>
        %exp3A_358 = math.exp %sub3A_357 : vector<16xf32>
        %swap3A_359 = arith.index_cast %sub3A_297 : i32 to index
        %swap3A_360 = arith.constant 0 : index
        %swap3A_361 = tpu.vector_load %arg15[%swap3A_359, %swap3A_360] {strides = array<i32>} : memref<2x80xf32, #tpu.memory_space<vmem>>, vector<16xf32>,
        tpu.vector_store %arg15[%swap3A_359, %swap3A_360], %exp3A_358 {strides = array<i32>} : memref<2x80xf32, #tpu.memory_space<vmem>>, vector<16xf32>,
        tpu.vector_store_idx %arg17[%get3A_338], %exp3A_358 {add = true} : memref<10240xf32, #tpu.memory_space<vmem>>[vector<16xi32>], vector<16xf32>,
        %mul3A_362 = arith.constant 2 : i32
        %mul3A_363 = vector.broadcast %mul3A_362 : i32 to vector<16xi32>
        %mul3A_364 = arith.muli %get3A_335, %mul3A_363 : vector<16xi32>
        %add3A_365 = vector.broadcast %arg0 : i32 to vector<16xi32>
        %add3A_366 = arith.addi %mul3A_364, %add3A_365 : vector<16xi32>
        %swap3A_367 = arith.index_cast %sub3A_297 : i32 to index
        %swap3A_368 = arith.constant 0 : index
        %swap3A_369 = tpu.vector_load %arg14[%swap3A_367, %swap3A_368] {strides = array<i32>} : memref<2x80xi32, #tpu.memory_space<vmem>>, vector<16xi32>,
        tpu.vector_store %arg14[%swap3A_367, %swap3A_368], %add3A_366 {strides = array<i32>} : memref<2x80xi32, #tpu.memory_space<vmem>>, vector<16xi32>,
        %get3A_370 = arith.index_cast %add3A_332 : i32 to index
        %get3A_371 = arith.constant 16 : index
        %get3A_372 = tpu.vector_load %arg12[%get3A_370, %get3A_371] {strides = array<i32>} : memref<250x80xi32, #tpu.memory_space<vmem>>, vector<16xi32>,
        %get3A_373 = arith.index_cast %add3A_332 : i32 to index
        %get3A_374 = arith.constant 16 : index
        %get3A_375 = tpu.vector_load %arg13[%get3A_373, %get3A_374] {strides = array<i32>} : memref<250x80xi32, #tpu.memory_space<vmem>>, vector<16xi32>,
        %gather3A_376 = tpu.vector_load_idx %arg10[%get3A_372] : memref<10240xf32, #tpu.memory_space<vmem>>[vector<16xi32>], vector<16xf32>,
        %gather3A_377 = tpu.vector_load_idx %arg11[%get3A_375] : memref<10240xf32, #tpu.memory_space<vmem>>[vector<16xi32>], vector<16xf32>,
        %add3A_378 = arith.addf %gather3A_376, %gather3A_377 : vector<16xf32>
        %ge3A_379 = arith.constant 0.000000e+00 : f32
        %ge3A_380 = vector.broadcast %ge3A_379 : f32 to vector<16xf32>
        %ge3A_381 = arith.cmpf oge, %add3A_378, %ge3A_380 : vector<16xf32>
        %mul3A_382 = arith.constant 2.000000e-01 : f32
        %mul3A_383 = vector.broadcast %mul3A_382 : f32 to vector<16xf32>
        %mul3A_384 = arith.mulf %mul3A_383, %add3A_378 : vector<16xf32>
        %select_n3A_385 = arith.select %ge3A_381, %add3A_378, %mul3A_384 : vector<16xi1>, vector<16xf32>
        %add3A_386 = arith.addf %get3A_49, %gather3A_377 : vector<16xf32>
        %ge3A_387 = arith.constant 0.000000e+00 : f32
        %ge3A_388 = vector.broadcast %ge3A_387 : f32 to vector<16xf32>
        %ge3A_389 = arith.cmpf oge, %add3A_386, %ge3A_388 : vector<16xf32>
        %mul3A_390 = arith.constant 2.000000e-01 : f32
        %mul3A_391 = vector.broadcast %mul3A_390 : f32 to vector<16xf32>
        %mul3A_392 = arith.mulf %mul3A_391, %add3A_386 : vector<16xf32>
        %select_n3A_393 = arith.select %ge3A_389, %add3A_386, %mul3A_392 : vector<16xi1>, vector<16xf32>
        %sub3A_394 = arith.subf %select_n3A_385, %select_n3A_393 : vector<16xf32>
        %exp3A_395 = math.exp %sub3A_394 : vector<16xf32>
        %swap3A_396 = arith.index_cast %sub3A_297 : i32 to index
        %swap3A_397 = arith.constant 16 : index
        %swap3A_398 = tpu.vector_load %arg15[%swap3A_396, %swap3A_397] {strides = array<i32>} : memref<2x80xf32, #tpu.memory_space<vmem>>, vector<16xf32>,
        tpu.vector_store %arg15[%swap3A_396, %swap3A_397], %exp3A_395 {strides = array<i32>} : memref<2x80xf32, #tpu.memory_space<vmem>>, vector<16xf32>,
        tpu.vector_store_idx %arg17[%get3A_375], %exp3A_395 {add = true} : memref<10240xf32, #tpu.memory_space<vmem>>[vector<16xi32>], vector<16xf32>,
        %mul3A_399 = arith.constant 2 : i32
        %mul3A_400 = vector.broadcast %mul3A_399 : i32 to vector<16xi32>
        %mul3A_401 = arith.muli %get3A_372, %mul3A_400 : vector<16xi32>
        %add3A_402 = vector.broadcast %arg0 : i32 to vector<16xi32>
        %add3A_403 = arith.addi %mul3A_401, %add3A_402 : vector<16xi32>
        %swap3A_404 = arith.index_cast %sub3A_297 : i32 to index
        %swap3A_405 = arith.constant 16 : index
        %swap3A_406 = tpu.vector_load %arg14[%swap3A_404, %swap3A_405] {strides = array<i32>} : memref<2x80xi32, #tpu.memory_space<vmem>>, vector<16xi32>,
        tpu.vector_store %arg14[%swap3A_404, %swap3A_405], %add3A_403 {strides = array<i32>} : memref<2x80xi32, #tpu.memory_space<vmem>>, vector<16xi32>,
        %get3A_407 = arith.index_cast %add3A_332 : i32 to index
        %get3A_408 = arith.constant 32 : index
        %get3A_409 = tpu.vector_load %arg12[%get3A_407, %get3A_408] {strides = array<i32>} : memref<250x80xi32, #tpu.memory_space<vmem>>, vector<16xi32>,
        %get3A_410 = arith.index_cast %add3A_332 : i32 to index
        %get3A_411 = arith.constant 32 : index
        %get3A_412 = tpu.vector_load %arg13[%get3A_410, %get3A_411] {strides = array<i32>} : memref<250x80xi32, #tpu.memory_space<vmem>>, vector<16xi32>,
        %gather3A_413 = tpu.vector_load_idx %arg10[%get3A_409] : memref<10240xf32, #tpu.memory_space<vmem>>[vector<16xi32>], vector<16xf32>,
        %gather3A_414 = tpu.vector_load_idx %arg11[%get3A_412] : memref<10240xf32, #tpu.memory_space<vmem>>[vector<16xi32>], vector<16xf32>,
        %add3A_415 = arith.addf %gather3A_413, %gather3A_414 : vector<16xf32>
        %ge3A_416 = arith.constant 0.000000e+00 : f32
        %ge3A_417 = vector.broadcast %ge3A_416 : f32 to vector<16xf32>
        %ge3A_418 = arith.cmpf oge, %add3A_415, %ge3A_417 : vector<16xf32>
        %mul3A_419 = arith.constant 2.000000e-01 : f32
        %mul3A_420 = vector.broadcast %mul3A_419 : f32 to vector<16xf32>
        %mul3A_421 = arith.mulf %mul3A_420, %add3A_415 : vector<16xf32>
        %select_n3A_422 = arith.select %ge3A_418, %add3A_415, %mul3A_421 : vector<16xi1>, vector<16xf32>
        %add3A_423 = arith.addf %get3A_49, %gather3A_414 : vector<16xf32>
        %ge3A_424 = arith.constant 0.000000e+00 : f32
        %ge3A_425 = vector.broadcast %ge3A_424 : f32 to vector<16xf32>
        %ge3A_426 = arith.cmpf oge, %add3A_423, %ge3A_425 : vector<16xf32>
        %mul3A_427 = arith.constant 2.000000e-01 : f32
        %mul3A_428 = vector.broadcast %mul3A_427 : f32 to vector<16xf32>
        %mul3A_429 = arith.mulf %mul3A_428, %add3A_423 : vector<16xf32>
        %select_n3A_430 = arith.select %ge3A_426, %add3A_423, %mul3A_429 : vector<16xi1>, vector<16xf32>
        %sub3A_431 = arith.subf %select_n3A_422, %select_n3A_430 : vector<16xf32>
        %exp3A_432 = math.exp %sub3A_431 : vector<16xf32>
        %swap3A_433 = arith.index_cast %sub3A_297 : i32 to index
        %swap3A_434 = arith.constant 32 : index
        %swap3A_435 = tpu.vector_load %arg15[%swap3A_433, %swap3A_434] {strides = array<i32>} : memref<2x80xf32, #tpu.memory_space<vmem>>, vector<16xf32>,
        tpu.vector_store %arg15[%swap3A_433, %swap3A_434], %exp3A_432 {strides = array<i32>} : memref<2x80xf32, #tpu.memory_space<vmem>>, vector<16xf32>,
        tpu.vector_store_idx %arg17[%get3A_412], %exp3A_432 {add = true} : memref<10240xf32, #tpu.memory_space<vmem>>[vector<16xi32>], vector<16xf32>,
        %mul3A_436 = arith.constant 2 : i32
        %mul3A_437 = vector.broadcast %mul3A_436 : i32 to vector<16xi32>
        %mul3A_438 = arith.muli %get3A_409, %mul3A_437 : vector<16xi32>
        %add3A_439 = vector.broadcast %arg0 : i32 to vector<16xi32>
        %add3A_440 = arith.addi %mul3A_438, %add3A_439 : vector<16xi32>
        %swap3A_441 = arith.index_cast %sub3A_297 : i32 to index
        %swap3A_442 = arith.constant 32 : index
        %swap3A_443 = tpu.vector_load %arg14[%swap3A_441, %swap3A_442] {strides = array<i32>} : memref<2x80xi32, #tpu.memory_space<vmem>>, vector<16xi32>,
        tpu.vector_store %arg14[%swap3A_441, %swap3A_442], %add3A_440 {strides = array<i32>} : memref<2x80xi32, #tpu.memory_space<vmem>>, vector<16xi32>,
        %get3A_444 = arith.index_cast %add3A_332 : i32 to index
        %get3A_445 = arith.constant 48 : index
        %get3A_446 = tpu.vector_load %arg12[%get3A_444, %get3A_445] {strides = array<i32>} : memref<250x80xi32, #tpu.memory_space<vmem>>, vector<16xi32>,
        %get3A_447 = arith.index_cast %add3A_332 : i32 to index
        %get3A_448 = arith.constant 48 : index
        %get3A_449 = tpu.vector_load %arg13[%get3A_447, %get3A_448] {strides = array<i32>} : memref<250x80xi32, #tpu.memory_space<vmem>>, vector<16xi32>,
        %gather3A_450 = tpu.vector_load_idx %arg10[%get3A_446] : memref<10240xf32, #tpu.memory_space<vmem>>[vector<16xi32>], vector<16xf32>,
        %gather3A_451 = tpu.vector_load_idx %arg11[%get3A_449] : memref<10240xf32, #tpu.memory_space<vmem>>[vector<16xi32>], vector<16xf32>,
        %add3A_452 = arith.addf %gather3A_450, %gather3A_451 : vector<16xf32>
        %ge3A_453 = arith.constant 0.000000e+00 : f32
        %ge3A_454 = vector.broadcast %ge3A_453 : f32 to vector<16xf32>
        %ge3A_455 = arith.cmpf oge, %add3A_452, %ge3A_454 : vector<16xf32>
        %mul3A_456 = arith.constant 2.000000e-01 : f32
        %mul3A_457 = vector.broadcast %mul3A_456 : f32 to vector<16xf32>
        %mul3A_458 = arith.mulf %mul3A_457, %add3A_452 : vector<16xf32>
        %select_n3A_459 = arith.select %ge3A_455, %add3A_452, %mul3A_458 : vector<16xi1>, vector<16xf32>
        %add3A_460 = arith.addf %get3A_49, %gather3A_451 : vector<16xf32>
        %ge3A_461 = arith.constant 0.000000e+00 : f32
        %ge3A_462 = vector.broadcast %ge3A_461 : f32 to vector<16xf32>
        %ge3A_463 = arith.cmpf oge, %add3A_460, %ge3A_462 : vector<16xf32>
        %mul3A_464 = arith.constant 2.000000e-01 : f32
        %mul3A_465 = vector.broadcast %mul3A_464 : f32 to vector<16xf32>
        %mul3A_466 = arith.mulf %mul3A_465, %add3A_460 : vector<16xf32>
        %select_n3A_467 = arith.select %ge3A_463, %add3A_460, %mul3A_466 : vector<16xi1>, vector<16xf32>
        %sub3A_468 = arith.subf %select_n3A_459, %select_n3A_467 : vector<16xf32>
        %exp3A_469 = math.exp %sub3A_468 : vector<16xf32>
        %swap3A_470 = arith.index_cast %sub3A_297 : i32 to index
        %swap3A_471 = arith.constant 48 : index
        %swap3A_472 = tpu.vector_load %arg15[%swap3A_470, %swap3A_471] {strides = array<i32>} : memref<2x80xf32, #tpu.memory_space<vmem>>, vector<16xf32>,
        tpu.vector_store %arg15[%swap3A_470, %swap3A_471], %exp3A_469 {strides = array<i32>} : memref<2x80xf32, #tpu.memory_space<vmem>>, vector<16xf32>,
        tpu.vector_store_idx %arg17[%get3A_449], %exp3A_469 {add = true} : memref<10240xf32, #tpu.memory_space<vmem>>[vector<16xi32>], vector<16xf32>,
        %mul3A_473 = arith.constant 2 : i32
        %mul3A_474 = vector.broadcast %mul3A_473 : i32 to vector<16xi32>
        %mul3A_475 = arith.muli %get3A_446, %mul3A_474 : vector<16xi32>
        %add3A_476 = vector.broadcast %arg0 : i32 to vector<16xi32>
        %add3A_477 = arith.addi %mul3A_475, %add3A_476 : vector<16xi32>
        %swap3A_478 = arith.index_cast %sub3A_297 : i32 to index
        %swap3A_479 = arith.constant 48 : index
        %swap3A_480 = tpu.vector_load %arg14[%swap3A_478, %swap3A_479] {strides = array<i32>} : memref<2x80xi32, #tpu.memory_space<vmem>>, vector<16xi32>,
        tpu.vector_store %arg14[%swap3A_478, %swap3A_479], %add3A_477 {strides = array<i32>} : memref<2x80xi32, #tpu.memory_space<vmem>>, vector<16xi32>,
        %get3A_481 = arith.index_cast %add3A_332 : i32 to index
        %get3A_482 = arith.constant 64 : index
        %get3A_483 = tpu.vector_load %arg12[%get3A_481, %get3A_482] {strides = array<i32>} : memref<250x80xi32, #tpu.memory_space<vmem>>, vector<16xi32>,
        %get3A_484 = arith.index_cast %add3A_332 : i32 to index
        %get3A_485 = arith.constant 64 : index
        %get3A_486 = tpu.vector_load %arg13[%get3A_484, %get3A_485] {strides = array<i32>} : memref<250x80xi32, #tpu.memory_space<vmem>>, vector<16xi32>,
        %gather3A_487 = tpu.vector_load_idx %arg10[%get3A_483] : memref<10240xf32, #tpu.memory_space<vmem>>[vector<16xi32>], vector<16xf32>,
        %gather3A_488 = tpu.vector_load_idx %arg11[%get3A_486] : memref<10240xf32, #tpu.memory_space<vmem>>[vector<16xi32>], vector<16xf32>,
        %add3A_489 = arith.addf %gather3A_487, %gather3A_488 : vector<16xf32>
        %ge3A_490 = arith.constant 0.000000e+00 : f32
        %ge3A_491 = vector.broadcast %ge3A_490 : f32 to vector<16xf32>
        %ge3A_492 = arith.cmpf oge, %add3A_489, %ge3A_491 : vector<16xf32>
        %mul3A_493 = arith.constant 2.000000e-01 : f32
        %mul3A_494 = vector.broadcast %mul3A_493 : f32 to vector<16xf32>
        %mul3A_495 = arith.mulf %mul3A_494, %add3A_489 : vector<16xf32>
        %select_n3A_496 = arith.select %ge3A_492, %add3A_489, %mul3A_495 : vector<16xi1>, vector<16xf32>
        %add3A_497 = arith.addf %get3A_49, %gather3A_488 : vector<16xf32>
        %ge3A_498 = arith.constant 0.000000e+00 : f32
        %ge3A_499 = vector.broadcast %ge3A_498 : f32 to vector<16xf32>
        %ge3A_500 = arith.cmpf oge, %add3A_497, %ge3A_499 : vector<16xf32>
        %mul3A_501 = arith.constant 2.000000e-01 : f32
        %mul3A_502 = vector.broadcast %mul3A_501 : f32 to vector<16xf32>
        %mul3A_503 = arith.mulf %mul3A_502, %add3A_497 : vector<16xf32>
        %select_n3A_504 = arith.select %ge3A_500, %add3A_497, %mul3A_503 : vector<16xi1>, vector<16xf32>
        %sub3A_505 = arith.subf %select_n3A_496, %select_n3A_504 : vector<16xf32>
        %exp3A_506 = math.exp %sub3A_505 : vector<16xf32>
        %swap3A_507 = arith.index_cast %sub3A_297 : i32 to index
        %swap3A_508 = arith.constant 64 : index
        %swap3A_509 = tpu.vector_load %arg15[%swap3A_507, %swap3A_508] {strides = array<i32>} : memref<2x80xf32, #tpu.memory_space<vmem>>, vector<16xf32>,
        tpu.vector_store %arg15[%swap3A_507, %swap3A_508], %exp3A_506 {strides = array<i32>} : memref<2x80xf32, #tpu.memory_space<vmem>>, vector<16xf32>,
        tpu.vector_store_idx %arg17[%get3A_486], %exp3A_506 {add = true} : memref<10240xf32, #tpu.memory_space<vmem>>[vector<16xi32>], vector<16xf32>,
        %mul3A_510 = arith.constant 2 : i32
        %mul3A_511 = vector.broadcast %mul3A_510 : i32 to vector<16xi32>
        %mul3A_512 = arith.muli %get3A_483, %mul3A_511 : vector<16xi32>
        %add3A_513 = vector.broadcast %arg0 : i32 to vector<16xi32>
        %add3A_514 = arith.addi %mul3A_512, %add3A_513 : vector<16xi32>
        %swap3A_515 = arith.index_cast %sub3A_297 : i32 to index
        %swap3A_516 = arith.constant 64 : index
        %swap3A_517 = tpu.vector_load %arg14[%swap3A_515, %swap3A_516] {strides = array<i32>} : memref<2x80xi32, #tpu.memory_space<vmem>>, vector<16xi32>,
        tpu.vector_store %arg14[%swap3A_515, %swap3A_516], %add3A_514 {strides = array<i32>} : memref<2x80xi32, #tpu.memory_space<vmem>>, vector<16xi32>,
        %dma_start3A_518 = arith.constant 0 : i32
        %dma_start3A_519 = arith.constant 0 : i32
        %dma_start3A_520 = tpu.memref_slice %arg16[%sub3A_297, %dma_start3A_518, %dma_start3A_519] : memref<2x80x64xf32, #tpu.memory_space<vmem>> -> memref<1x80x64xf32, #tpu.memory_space<vmem>>
        %dma_start3A_521 = tpu.memref_squeeze %dma_start3A_520 : memref<1x80x64xf32, #tpu.memory_space<vmem>> -> memref<80x64xf32, #tpu.memory_space<vmem>>
        %dma_start3A_522 = arith.constant 0 : i32
        %dma_start3A_523 = tpu.memref_slice %arg14[%sub3A_297, %dma_start3A_522] : memref<2x80xi32, #tpu.memory_space<vmem>> -> memref<1x80xi32, #tpu.memory_space<vmem>>
        %dma_start3A_524 = tpu.memref_squeeze %dma_start3A_523 : memref<1x80xi32, #tpu.memory_space<vmem>> -> memref<80xi32, #tpu.memory_space<vmem>>
        %dma_start3A_525 = arith.constant 0 : i32
        %dma_start3A_526 = arith.constant 0 : i32
        %dma_start3A_527 = tpu.memref_slice %arg2[%dma_start3A_525, %dma_start3A_526] : memref<20480x64xf32, #tpu.memory_space<hbm>> -> memref<20480x64xf32, #tpu.memory_space<hbm>>
        tpu.enqueue_indirect_dma source(%dma_start3A_527 : memref<20480x64xf32, #tpu.memory_space<hbm>>) target(%dma_start3A_521 : memref<80x64xf32, #tpu.memory_space<vmem>>) offsets(%dma_start3A_524 : memref<80xi32, #tpu.memory_space<vmem>>) semaphore(%arg20 : memref<!tpu.dma_semaphore, #tpu.memory_space<semaphore_mem>>)
      } else {
      }
      %parallel_loop3A = arith.constant 0 : i32
      %parallel_loop3A_319 = arith.constant 80 : i32
      %parallel_loop3A_320 = arith.constant 1 : i32
      scf.for %parallel_loop3A_331 = %parallel_loop3A to %parallel_loop3A_319 step %parallel_loop3A_320  : i32 {
        %parallel_loop3A_332 = arith.constant 0 : i32
        %parallel_loop3A_333 = vector.broadcast %parallel_loop3A_332 : i32 to vector<16xi32>
        %parallel_loop3A_334 = vector.broadcast %parallel_loop3A_331 : i32 to vector<16xi32>
        %parallel_loop3A_335 = arith.addi %parallel_loop3A_333, %parallel_loop3A_334 : vector<16xi32>
        %parallel_loop3A_336 = arith.constant 0 : i32
        %parallel_loop3A_337 = tpu.memref_slice %arg15[%select_n3A_295, %parallel_loop3A_336] : memref<2x80xf32, #tpu.memory_space<vmem>> -> memref<1x80xf32, #tpu.memory_space<vmem>>
        %parallel_loop3A_338 = tpu.memref_squeeze %parallel_loop3A_337 : memref<1x80xf32, #tpu.memory_space<vmem>> -> memref<80xf32, #tpu.memory_space<vmem>>
        %parallel_loop3A_339 = tpu.vector_load_idx %parallel_loop3A_338[%parallel_loop3A_335] : memref<80xf32, #tpu.memory_space<vmem>>[vector<16xi32>], vector<16xf32>,
        %parallel_loop3A_340 = arith.index_cast %select_n3A_295 : i32 to index
        %parallel_loop3A_341 = arith.index_cast %parallel_loop3A_331 : i32 to index
        %parallel_loop3A_342 = arith.constant 0 : index
        %parallel_loop3A_343 = tpu.vector_load %arg16[%parallel_loop3A_340, %parallel_loop3A_341, %parallel_loop3A_342] {strides = array<i32>} : memref<2x80x64xf32, #tpu.memory_space<vmem>>, vector<16xf32>,
        %parallel_loop3A_344 = arith.mulf %parallel_loop3A_343, %parallel_loop3A_339 : vector<16xf32>
        %parallel_loop3A_345 = arith.index_cast %select_n3A_295 : i32 to index
        %parallel_loop3A_346 = arith.index_cast %parallel_loop3A_331 : i32 to index
        %parallel_loop3A_347 = arith.constant 0 : index
        %parallel_loop3A_348 = tpu.vector_load %arg16[%parallel_loop3A_345, %parallel_loop3A_346, %parallel_loop3A_347] {strides = array<i32>} : memref<2x80x64xf32, #tpu.memory_space<vmem>>, vector<16xf32>,
        tpu.vector_store %arg16[%parallel_loop3A_345, %parallel_loop3A_346, %parallel_loop3A_347], %parallel_loop3A_344 {strides = array<i32>} : memref<2x80x64xf32, #tpu.memory_space<vmem>>, vector<16xf32>,
        %parallel_loop3A_349 = arith.index_cast %select_n3A_295 : i32 to index
        %parallel_loop3A_350 = arith.index_cast %parallel_loop3A_331 : i32 to index
        %parallel_loop3A_351 = arith.constant 16 : index
        %parallel_loop3A_352 = tpu.vector_load %arg16[%parallel_loop3A_349, %parallel_loop3A_350, %parallel_loop3A_351] {strides = array<i32>} : memref<2x80x64xf32, #tpu.memory_space<vmem>>, vector<16xf32>,
        %parallel_loop3A_353 = arith.mulf %parallel_loop3A_352, %parallel_loop3A_339 : vector<16xf32>
        %parallel_loop3A_354 = arith.index_cast %select_n3A_295 : i32 to index
        %parallel_loop3A_355 = arith.index_cast %parallel_loop3A_331 : i32 to index
        %parallel_loop3A_356 = arith.constant 16 : index
        %parallel_loop3A_357 = tpu.vector_load %arg16[%parallel_loop3A_354, %parallel_loop3A_355, %parallel_loop3A_356] {strides = array<i32>} : memref<2x80x64xf32, #tpu.memory_space<vmem>>, vector<16xf32>,
        tpu.vector_store %arg16[%parallel_loop3A_354, %parallel_loop3A_355, %parallel_loop3A_356], %parallel_loop3A_353 {strides = array<i32>} : memref<2x80x64xf32, #tpu.memory_space<vmem>>, vector<16xf32>,
        %parallel_loop3A_358 = arith.index_cast %select_n3A_295 : i32 to index
        %parallel_loop3A_359 = arith.index_cast %parallel_loop3A_331 : i32 to index
        %parallel_loop3A_360 = arith.constant 32 : index
        %parallel_loop3A_361 = tpu.vector_load %arg16[%parallel_loop3A_358, %parallel_loop3A_359, %parallel_loop3A_360] {strides = array<i32>} : memref<2x80x64xf32, #tpu.memory_space<vmem>>, vector<16xf32>,
        %parallel_loop3A_362 = arith.mulf %parallel_loop3A_361, %parallel_loop3A_339 : vector<16xf32>
        %parallel_loop3A_363 = arith.index_cast %select_n3A_295 : i32 to index
        %parallel_loop3A_364 = arith.index_cast %parallel_loop3A_331 : i32 to index
        %parallel_loop3A_365 = arith.constant 32 : index
        %parallel_loop3A_366 = tpu.vector_load %arg16[%parallel_loop3A_363, %parallel_loop3A_364, %parallel_loop3A_365] {strides = array<i32>} : memref<2x80x64xf32, #tpu.memory_space<vmem>>, vector<16xf32>,
        tpu.vector_store %arg16[%parallel_loop3A_363, %parallel_loop3A_364, %parallel_loop3A_365], %parallel_loop3A_362 {strides = array<i32>} : memref<2x80x64xf32, #tpu.memory_space<vmem>>, vector<16xf32>,
        %parallel_loop3A_367 = arith.index_cast %select_n3A_295 : i32 to index
        %parallel_loop3A_368 = arith.index_cast %parallel_loop3A_331 : i32 to index
        %parallel_loop3A_369 = arith.constant 48 : index
        %parallel_loop3A_370 = tpu.vector_load %arg16[%parallel_loop3A_367, %parallel_loop3A_368, %parallel_loop3A_369] {strides = array<i32>} : memref<2x80x64xf32, #tpu.memory_space<vmem>>, vector<16xf32>,
        %parallel_loop3A_371 = arith.mulf %parallel_loop3A_370, %parallel_loop3A_339 : vector<16xf32>
        %parallel_loop3A_372 = arith.index_cast %select_n3A_295 : i32 to index
        %parallel_loop3A_373 = arith.index_cast %parallel_loop3A_331 : i32 to index
        %parallel_loop3A_374 = arith.constant 48 : index
        %parallel_loop3A_375 = tpu.vector_load %arg16[%parallel_loop3A_372, %parallel_loop3A_373, %parallel_loop3A_374] {strides = array<i32>} : memref<2x80x64xf32, #tpu.memory_space<vmem>>, vector<16xf32>,
        tpu.vector_store %arg16[%parallel_loop3A_372, %parallel_loop3A_373, %parallel_loop3A_374], %parallel_loop3A_371 {strides = array<i32>} : memref<2x80x64xf32, #tpu.memory_space<vmem>>, vector<16xf32>,
      } {sc.loop_unroll_factor = 4 : i64, sc.parallel_access}
      %dma_start3A_321 = arith.constant 0 : i32
      %dma_start3A_322 = arith.constant 0 : i32
      %dma_start3A_323 = tpu.memref_slice %arg16[%select_n3A_295, %dma_start3A_321, %dma_start3A_322] : memref<2x80x64xf32, #tpu.memory_space<vmem>> -> memref<1x80x64xf32, #tpu.memory_space<vmem>>
      %dma_start3A_324 = tpu.memref_squeeze %dma_start3A_323 : memref<1x80x64xf32, #tpu.memory_space<vmem>> -> memref<80x64xf32, #tpu.memory_space<vmem>>
      %dma_start3A_325 = arith.constant 0 : i32
      %dma_start3A_326 = tpu.memref_slice %arg13[%scan3A_284, %dma_start3A_325] : memref<250x80xi32, #tpu.memory_space<vmem>> -> memref<1x80xi32, #tpu.memory_space<vmem>>
      %dma_start3A_327 = tpu.memref_squeeze %dma_start3A_326 : memref<1x80xi32, #tpu.memory_space<vmem>> -> memref<80xi32, #tpu.memory_space<vmem>>
      %dma_start3A_328 = arith.constant 0 : i32
      %dma_start3A_329 = arith.constant 0 : i32
      %dma_start3A_330 = tpu.memref_slice %arg19[%dma_start3A_328, %dma_start3A_329] : memref<10240x64xf32, #tpu.memory_space<vmem_shared>> -> memref<10240x64xf32, #tpu.memory_space<vmem_shared>>
      tpu.enqueue_indirect_dma source(%dma_start3A_324 : memref<80x64xf32, #tpu.memory_space<vmem>>) target(%dma_start3A_330 : memref<10240x64xf32, #tpu.memory_space<vmem_shared>>) offsets(%dma_start3A_327 : memref<80xi32, #tpu.memory_space<vmem>>) semaphore(%arg21 : memref<!tpu.dma_semaphore, #tpu.memory_space<semaphore_mem>>) {add = true}
    }
    %scan3A_265 = arith.constant 250 : i32
    %dma_wait3A = arith.constant 1 : i32
    %dma_wait3A_266 = arith.constant 249 : i32
    %dma_wait3A_267 = arith.constant 0 : i32
    %dma_wait3A_268 = arith.constant 0 : i32
    %dma_wait3A_269 = tpu.memref_slice %arg16[%dma_wait3A, %dma_wait3A_267, %dma_wait3A_268] : memref<2x80x64xf32, #tpu.memory_space<vmem>> -> memref<1x80x64xf32, #tpu.memory_space<vmem>>
    %dma_wait3A_270 = tpu.memref_squeeze %dma_wait3A_269 : memref<1x80x64xf32, #tpu.memory_space<vmem>> -> memref<80x64xf32, #tpu.memory_space<vmem>>
    %dma_wait3A_271 = arith.constant 0 : i32
    %dma_wait3A_272 = tpu.memref_slice %arg13[%dma_wait3A_266, %dma_wait3A_271] : memref<250x80xi32, #tpu.memory_space<vmem>> -> memref<1x80xi32, #tpu.memory_space<vmem>>
    %dma_wait3A_273 = tpu.memref_squeeze %dma_wait3A_272 : memref<1x80xi32, #tpu.memory_space<vmem>> -> memref<80xi32, #tpu.memory_space<vmem>>
    %dma_wait3A_274 = arith.constant 0 : i32
    %dma_wait3A_275 = arith.constant 0 : i32
    %dma_wait3A_276 = tpu.memref_slice %arg19[%dma_wait3A_274, %dma_wait3A_275] : memref<10240x64xf32, #tpu.memory_space<vmem_shared>> -> memref<10240x64xf32, #tpu.memory_space<vmem_shared>>
    tpu.wait_indirect_dma semaphore(%arg21 : memref<!tpu.dma_semaphore, #tpu.memory_space<semaphore_mem>>) src(%dma_wait3A_270 : memref<80x64xf32, #tpu.memory_space<vmem>>) dst(%dma_wait3A_276 : memref<10240x64xf32, #tpu.memory_space<vmem_shared>>)
    %eq3A = arith.constant 0 : i32
    %eq3A_277 = arith.cmpi eq, %arg0, %eq3A : i32
    %convert_element_type3A = arith.extui %eq3A_277 : i1 to i32
    %cond3A = arith.constant 0 : i32
    %cond3A_278 = arith.cmpi ne, %convert_element_type3A, %cond3A : i32
    scf.if %cond3A_278 {
      "tpu.region"() ({
        %run_scoped3A_284 = tpu.sem_alloc : memref<!tpu.dma_semaphore, #tpu.memory_space<semaphore_mem>>
        %dma_start3A_285 = arith.constant 0 : i32
        %dma_start3A_286 = tpu.memref_slice %arg9[%arg1, %dma_start3A_285] : memref<16x10240xf32, #tpu.memory_space<hbm>> -> memref<1x10240xf32, #tpu.memory_space<hbm>>
        %dma_start3A_287 = tpu.memref_squeeze %dma_start3A_286 : memref<1x10240xf32, #tpu.memory_space<hbm>> -> memref<10240xf32, #tpu.memory_space<hbm>>
        %dma_start3A_288 = arith.constant 0 : i32
        %dma_start3A_289 = tpu.memref_slice %arg9[%arg1, %dma_start3A_288] : memref<16x10240xf32, #tpu.memory_space<hbm>> -> memref<1x10240xf32, #tpu.memory_space<hbm>>
        %dma_start3A_290 = tpu.memref_squeeze %dma_start3A_289 : memref<1x10240xf32, #tpu.memory_space<hbm>> -> memref<10240xf32, #tpu.memory_space<hbm>>
        tpu.enqueue_dma source(%arg17 : memref<10240xf32, #tpu.memory_space<vmem>>) target(%dma_start3A_290 : memref<10240xf32, #tpu.memory_space<hbm>>) target_semaphore(%run_scoped3A_284 : memref<!tpu.dma_semaphore, #tpu.memory_space<semaphore_mem>>)
        %dma_wait3A_291 = arith.constant 0 : i32
        %dma_wait3A_292 = tpu.memref_slice %arg9[%arg1, %dma_wait3A_291] : memref<16x10240xf32, #tpu.memory_space<hbm>> -> memref<1x10240xf32, #tpu.memory_space<hbm>>
        %dma_wait3A_293 = tpu.memref_squeeze %dma_wait3A_292 : memref<1x10240xf32, #tpu.memory_space<hbm>> -> memref<10240xf32, #tpu.memory_space<hbm>>
        %dma_wait3A_294 = arith.constant 0 : i32
        %dma_wait3A_295 = tpu.memref_slice %arg9[%arg1, %dma_wait3A_294] : memref<16x10240xf32, #tpu.memory_space<hbm>> -> memref<1x10240xf32, #tpu.memory_space<hbm>>
        %dma_wait3A_296 = tpu.memref_squeeze %dma_wait3A_295 : memref<1x10240xf32, #tpu.memory_space<hbm>> -> memref<10240xf32, #tpu.memory_space<hbm>>
        tpu.wait_dma2 semaphore(%run_scoped3A_284 : memref<!tpu.dma_semaphore, #tpu.memory_space<semaphore_mem>>) src(%arg17 : memref<10240xf32, #tpu.memory_space<vmem>>) dst(%dma_wait3A_296 : memref<10240xf32, #tpu.memory_space<hbm>>)
        tpu.yield
      }) : () -> ()
    } else {
    }
    %barrier3A_279 = arith.constant 0 : index
    tpu.barrier barrier_id(%barrier3A_279)
    %mul3A_280 = arith.constant 640 : i32
    %mul3A_281 = arith.muli %arg1, %mul3A_280 : i32
    %mul3A_282 = arith.constant 640 : i32
    %mul3A_283 = arith.muli %arg1, %mul3A_282 : i32
    "tpu.region"() ({
      %run_scoped3A_284 = tpu.sem_alloc : memref<!tpu.dma_semaphore, #tpu.memory_space<semaphore_mem>>
      %dma_start3A_285 = arith.constant 0 : i32
      %dma_start3A_286 = tpu.memref_slice %arg8[%arg0, %mul3A_283, %dma_start3A_285] : memref<2x10240x64xf32, #tpu.memory_space<hbm>> -> memref<1x640x64xf32, #tpu.memory_space<hbm>>
      %dma_start3A_287 = tpu.memref_squeeze %dma_start3A_286 : memref<1x640x64xf32, #tpu.memory_space<hbm>> -> memref<640x64xf32, #tpu.memory_space<hbm>>
      %dma_start3A_288 = arith.constant 0 : i32
      %dma_start3A_289 = tpu.memref_slice %arg19[%mul3A_281, %dma_start3A_288] : memref<10240x64xf32, #tpu.memory_space<vmem_shared>> -> memref<640x64xf32, #tpu.memory_space<vmem_shared>>
      tpu.enqueue_dma source(%dma_start3A_289 : memref<640x64xf32, #tpu.memory_space<vmem_shared>>) target(%dma_start3A_287 : memref<640x64xf32, #tpu.memory_space<hbm>>) target_semaphore(%run_scoped3A_284 : memref<!tpu.dma_semaphore, #tpu.memory_space<semaphore_mem>>)
      %dma_wait3A_290 = arith.constant 0 : i32
      %dma_wait3A_291 = tpu.memref_slice %arg8[%arg0, %mul3A_283, %dma_wait3A_290] : memref<2x10240x64xf32, #tpu.memory_space<hbm>> -> memref<1x640x64xf32, #tpu.memory_space<hbm>>
      %dma_wait3A_292 = tpu.memref_squeeze %dma_wait3A_291 : memref<1x640x64xf32, #tpu.memory_space<hbm>> -> memref<640x64xf32, #tpu.memory_space<hbm>>
      %dma_wait3A_293 = arith.constant 0 : i32
      %dma_wait3A_294 = tpu.memref_slice %arg19[%mul3A_281, %dma_wait3A_293] : memref<10240x64xf32, #tpu.memory_space<vmem_shared>> -> memref<640x64xf32, #tpu.memory_space<vmem_shared>>
      tpu.wait_dma2 semaphore(%run_scoped3A_284 : memref<!tpu.dma_semaphore, #tpu.memory_space<semaphore_mem>>) src(%dma_wait3A_294 : memref<640x64xf32, #tpu.memory_space<vmem_shared>>) dst(%dma_wait3A_292 : memref<640x64xf32, #tpu.memory_space<hbm>>)
      tpu.yield
    }) : () -> ()
    return
  }
}

module attributes {stable_mosaic.version = 14 : i64} {
  func.func @_dense_first_body(%arg0: i32, %arg1: memref<1024x128xf32, #tpu.memory_space<vmem>>, %arg2: memref<128x128xf32, #tpu.memory_space<vmem>>, %arg3: memref<1x128xf32, #tpu.memory_space<vmem>>, %arg4: memref<1x128xf32, #tpu.memory_space<vmem>>, %arg5: memref<1024x128xf32, #tpu.memory_space<vmem>>, %arg6: memref<8x128xf32, #tpu.memory_space<vmem>>, %arg7: memref<8x128xf32, #tpu.memory_space<vmem>>, %arg8: memref<8x128xf32, #tpu.memory_space<vmem>>) attributes {dimension_semantics = [#tpu.dimension_semantics<arbitrary>], iteration_bounds = array<i64: 10>, scalar_prefetch = 0 : i64, scratch_operands = 0 : i64, tpu.core_type = #tpu.core_type<tc>, window_params = [{transform_indices = @transform_0, window_bounds = array<i64: 1024, 128>}, {pipeline_mode = #tpu.pipeline_mode<synchronous>, transform_indices = @transform_1, window_bounds = array<i64: 128, 128>}, {pipeline_mode = #tpu.pipeline_mode<synchronous>, transform_indices = @transform_2, window_bounds = array<i64: 1, 128>}, {pipeline_mode = #tpu.pipeline_mode<synchronous>, transform_indices = @transform_3, window_bounds = array<i64: 1, 128>}, {transform_indices = @transform_4, window_bounds = array<i64: 1024, 128>}, {transform_indices = @transform_5, window_bounds = array<i64: 8, 128>}, {transform_indices = @transform_6, window_bounds = array<i64: 8, 128>}, {pipeline_mode = #tpu.pipeline_mode<synchronous>, transform_indices = @transform_7, window_bounds = array<i64: 8, 128>}]} {
    %get3A = arith.constant 0 : index
    %get3A_0 = arith.constant 0 : index
    %get3A_1 = vector.load %arg1[%get3A, %get3A_0] : memref<1024x128xf32, #tpu.memory_space<vmem>>, vector<1024x128xf32>
    %get3A_2 = arith.constant 0 : index
    %get3A_3 = arith.constant 0 : index
    %get3A_4 = vector.load %arg2[%get3A_2, %get3A_3] : memref<128x128xf32, #tpu.memory_space<vmem>>, vector<128x128xf32>
    %dot_general3A = arith.constant dense<0.000000e+00> : vector<1024x128xf32>
    %dot_general3A_5 = tpu.matmul %get3A_1, %get3A_4, %dot_general3A {dimension_numbers = #tpu.dot_dimension_numbers<[1], [0], [0], [1], [0, 0, 1, 1], [], []>, transpose_lhs_hint = false} : vector<1024x128xf32>, vector<128x128xf32>, vector<1024x128xf32> -> vector<1024x128xf32>
    %swap3A = arith.constant 0 : index
    %swap3A_6 = arith.constant 0 : index
    %swap3A_7 = vector.load %arg5[%swap3A, %swap3A_6] : memref<1024x128xf32, #tpu.memory_space<vmem>>, vector<1024x128xf32>
    tpu.vector_store %arg5[%swap3A, %swap3A_6], %dot_general3A_5 {strides = array<i32>} : memref<1024x128xf32, #tpu.memory_space<vmem>>, vector<1024x128xf32>,
    %get3A_8 = arith.constant 0 : index
    %get3A_9 = arith.constant 0 : index
    %get3A_10 = vector.load %arg3[%get3A_8, %get3A_9] : memref<1x128xf32, #tpu.memory_space<vmem>>, vector<1x128xf32>
    %get3A_11 = arith.constant 0 : index
    %get3A_12 = arith.constant 0 : index
    %get3A_13 = vector.load %arg4[%get3A_11, %get3A_12] : memref<1x128xf32, #tpu.memory_space<vmem>>, vector<1x128xf32>
    %mul3A = vector.broadcast %get3A_10 : vector<1x128xf32> to vector<1024x128xf32>
    %mul3A_14 = arith.mulf %dot_general3A_5, %mul3A : vector<1024x128xf32>
    %reduce_sum3A = arith.constant dense<0.000000e+00> : vector<1024xf32>
    %reduce_sum3A_15 = vector.multi_reduction <add>, %mul3A_14, %reduce_sum3A [1] : vector<1024x128xf32> to vector<1024xf32>
    %mul3A_16 = vector.broadcast %get3A_13 : vector<1x128xf32> to vector<1024x128xf32>
    %mul3A_17 = arith.mulf %dot_general3A_5, %mul3A_16 : vector<1024x128xf32>
    %reduce_sum3A_18 = arith.constant dense<0.000000e+00> : vector<1024xf32>
    %reduce_sum3A_19 = vector.multi_reduction <add>, %mul3A_17, %reduce_sum3A_18 [1] : vector<1024x128xf32> to vector<1024xf32>
    %reshape3A = vector.shape_cast %reduce_sum3A_15 : vector<1024xf32> to vector<8x128xf32>
    %swap3A_20 = arith.constant 0 : index
    %swap3A_21 = arith.constant 0 : index
    %swap3A_22 = vector.load %arg6[%swap3A_20, %swap3A_21] : memref<8x128xf32, #tpu.memory_space<vmem>>, vector<8x128xf32>
    tpu.vector_store %arg6[%swap3A_20, %swap3A_21], %reshape3A {strides = array<i32>} : memref<8x128xf32, #tpu.memory_space<vmem>>, vector<8x128xf32>,
    %reshape3A_23 = vector.shape_cast %reduce_sum3A_19 : vector<1024xf32> to vector<8x128xf32>
    %swap3A_24 = arith.constant 0 : index
    %swap3A_25 = arith.constant 0 : index
    %swap3A_26 = vector.load %arg7[%swap3A_24, %swap3A_25] : memref<8x128xf32, #tpu.memory_space<vmem>>, vector<8x128xf32>
    tpu.vector_store %arg7[%swap3A_24, %swap3A_25], %reshape3A_23 {strides = array<i32>} : memref<8x128xf32, #tpu.memory_space<vmem>>, vector<8x128xf32>,
    %reduce_max3A = vector.shape_cast %reduce_sum3A_15 : vector<1024xf32> to vector<1x1024xf32>
    %reduce_max3A_27 = arith.constant dense<0xFF800000> : vector<1xf32>
    %reduce_max3A_28 = vector.multi_reduction <maximumf>, %reduce_max3A, %reduce_max3A_27 [1] : vector<1x1024xf32> to vector<1xf32>
    %reduce_max3A_29 = vector.shape_cast %reduce_max3A_28 : vector<1xf32> to vector<1x1xf32>
    %reduce_max3A_30 = vector.extract %reduce_max3A_29[0, 0] : f32 from vector<1x1xf32>
    %eq3A = arith.constant 0 : i32
    %eq3A_31 = arith.cmpi eq, %arg0, %eq3A : i32
    %get3A_32 = arith.constant 0 : index
    %get3A_33 = arith.constant 0 : index
    %get3A_34 = vector.load %arg8[%get3A_32, %get3A_33] : memref<8x128xf32, #tpu.memory_space<vmem>>, vector<1x1xf32>
    %get3A_35 = vector.extract %get3A_34[0, 0] : f32 from vector<1x1xf32>
    %jit3A = arith.constant -3.000000e+38 : f32
    %select_n3A = arith.select %eq3A_31, %jit3A, %get3A_35 : f32
    %max3A = arith.maximumf %select_n3A, %reduce_max3A_30 : f32
    %broadcast_in_dim3A = vector.broadcast %max3A : f32 to vector<8x128xf32>
    %swap3A_36 = arith.constant 0 : index
    %swap3A_37 = arith.constant 0 : index
    %swap3A_38 = vector.load %arg8[%swap3A_36, %swap3A_37] : memref<8x128xf32, #tpu.memory_space<vmem>>, vector<8x128xf32>
    tpu.vector_store %arg8[%swap3A_36, %swap3A_37], %broadcast_in_dim3A {strides = array<i32>} : memref<8x128xf32, #tpu.memory_space<vmem>>, vector<8x128xf32>,
    return
  }
  func.func @transform_0(%arg0: i32) -> (i32, i32) {
    %c0_i32 = arith.constant 0 : i32
    %c0_i32_0 = arith.constant 0 : i32
    return %arg0, %c0_i32 : i32, i32
  }
  func.func @transform_1(%arg0: i32) -> (i32, i32) {
    %c0_i32 = arith.constant 0 : i32
    %c0_i32_0 = arith.constant 0 : i32
    %c0_i32_1 = arith.constant 0 : i32
    return %c0_i32, %c0_i32_0 : i32, i32
  }
  func.func @transform_2(%arg0: i32) -> (i32, i32) {
    %c0_i32 = arith.constant 0 : i32
    %c0_i32_0 = arith.constant 0 : i32
    %c0_i32_1 = arith.constant 0 : i32
    return %c0_i32, %c0_i32_0 : i32, i32
  }
  func.func @transform_3(%arg0: i32) -> (i32, i32) {
    %c0_i32 = arith.constant 0 : i32
    %c0_i32_0 = arith.constant 0 : i32
    %c0_i32_1 = arith.constant 0 : i32
    return %c0_i32, %c0_i32_0 : i32, i32
  }
  func.func @transform_4(%arg0: i32) -> (i32, i32) {
    %c0_i32 = arith.constant 0 : i32
    %c0_i32_0 = arith.constant 0 : i32
    return %arg0, %c0_i32 : i32, i32
  }
  func.func @transform_5(%arg0: i32) -> (i32, i32) {
    %c0_i32 = arith.constant 0 : i32
    %c0_i32_0 = arith.constant 0 : i32
    return %arg0, %c0_i32 : i32, i32
  }
  func.func @transform_6(%arg0: i32) -> (i32, i32) {
    %c0_i32 = arith.constant 0 : i32
    %c0_i32_0 = arith.constant 0 : i32
    return %arg0, %c0_i32 : i32, i32
  }
  func.func @transform_7(%arg0: i32) -> (i32, i32) {
    %c0_i32 = arith.constant 0 : i32
    %c0_i32_0 = arith.constant 0 : i32
    %c0_i32_1 = arith.constant 0 : i32
    return %c0_i32, %c0_i32_0 : i32, i32
  }
}

module attributes {stable_mosaic.version = 14 : i64} {
  func.func @_dense_mid_body(%arg0: i32, %arg1: memref<1024x64xf32, #tpu.memory_space<vmem>>, %arg2: memref<1024x64xf32, #tpu.memory_space<vmem>>, %arg3: memref<16x1024xf32, #tpu.memory_space<vmem>>, %arg4: memref<1x128xf32, #tpu.memory_space<vmem>>, %arg5: memref<128x128xf32, #tpu.memory_space<vmem>>, %arg6: memref<1x128xf32, #tpu.memory_space<vmem>>, %arg7: memref<1x128xf32, #tpu.memory_space<vmem>>, %arg8: memref<1024x128xf32, #tpu.memory_space<vmem>>, %arg9: memref<8x128xf32, #tpu.memory_space<vmem>>, %arg10: memref<8x128xf32, #tpu.memory_space<vmem>>, %arg11: memref<8x128xf32, #tpu.memory_space<vmem>>) attributes {dimension_semantics = [#tpu.dimension_semantics<arbitrary>], iteration_bounds = array<i64: 10>, scalar_prefetch = 0 : i64, scratch_operands = 0 : i64, tpu.core_type = #tpu.core_type<tc>, window_params = [{transform_indices = @transform_0, window_bounds = array<i64: 1024, 64>}, {transform_indices = @transform_1, window_bounds = array<i64: 1024, 64>}, {transform_indices = @transform_2, window_bounds = array<i64: 16, 1024>}, {pipeline_mode = #tpu.pipeline_mode<synchronous>, transform_indices = @transform_3, window_bounds = array<i64: 1, 128>}, {pipeline_mode = #tpu.pipeline_mode<synchronous>, transform_indices = @transform_4, window_bounds = array<i64: 128, 128>}, {pipeline_mode = #tpu.pipeline_mode<synchronous>, transform_indices = @transform_5, window_bounds = array<i64: 1, 128>}, {pipeline_mode = #tpu.pipeline_mode<synchronous>, transform_indices = @transform_6, window_bounds = array<i64: 1, 128>}, {transform_indices = @transform_7, window_bounds = array<i64: 1024, 128>}, {transform_indices = @transform_8, window_bounds = array<i64: 8, 128>}, {transform_indices = @transform_9, window_bounds = array<i64: 8, 128>}, {pipeline_mode = #tpu.pipeline_mode<synchronous>, transform_indices = @transform_10, window_bounds = array<i64: 8, 128>}]} {
    %get3A = arith.constant 0 : index
    %get3A_0 = arith.constant 0 : index
    %get3A_1 = vector.load %arg1[%get3A, %get3A_0] : memref<1024x64xf32, #tpu.memory_space<vmem>>, vector<1024x64xf32>
    %get3A_2 = arith.constant 0 : index
    %get3A_3 = arith.constant 0 : index
    %get3A_4 = vector.load %arg2[%get3A_2, %get3A_3] : memref<1024x64xf32, #tpu.memory_space<vmem>>, vector<1024x64xf32>
    %get3A_5 = arith.constant 0 : index
    %get3A_6 = arith.constant 0 : index
    %get3A_7 = vector.load %arg3[%get3A_5, %get3A_6] : memref<16x1024xf32, #tpu.memory_space<vmem>>, vector<16x1024xf32>
    %get3A_8 = arith.constant 0 : index
    %get3A_9 = arith.constant 0 : index
    %get3A_10 = vector.load %arg4[%get3A_8, %get3A_9] : memref<1x128xf32, #tpu.memory_space<vmem>>, vector<1x128xf32>
    %concatenate3A = tpu.concatenate %get3A_1, %get3A_4 in 1 : vector<1024x64xf32>, vector<1024x64xf32> -> vector<1024x128xf32>
    %reduce_sum3A = arith.constant dense<0.000000e+00> : vector<1024xf32>
    %reduce_sum3A_11 = vector.multi_reduction <add>, %get3A_7, %reduce_sum3A [0] : vector<16x1024xf32> to vector<1024xf32>
    %reshape3A = vector.shape_cast %reduce_sum3A_11 : vector<1024xf32> to vector<1024x1xf32>
    %add3A = arith.constant 1.000000e-16 : f32
    %add3A_12 = vector.broadcast %add3A : f32 to vector<1024x1xf32>
    %add3A_13 = arith.addf %reshape3A, %add3A_12 : vector<1024x1xf32>
    %div3A = vector.broadcast %add3A_13 : vector<1024x1xf32> to vector<1024x128xf32>
    %div3A_14 = arith.divf %concatenate3A, %div3A : vector<1024x128xf32>
    %add3A_15 = vector.broadcast %get3A_10 : vector<1x128xf32> to vector<1024x128xf32>
    %add3A_16 = arith.addf %div3A_14, %add3A_15 : vector<1024x128xf32>
    %max3A = arith.constant 0.000000e+00 : f32
    %max3A_17 = vector.broadcast %max3A : f32 to vector<1024x128xf32>
    %max3A_18 = arith.maximumf %add3A_16, %max3A_17 : vector<1024x128xf32>
    %get3A_19 = arith.constant 0 : index
    %get3A_20 = arith.constant 0 : index
    %get3A_21 = vector.load %arg5[%get3A_19, %get3A_20] : memref<128x128xf32, #tpu.memory_space<vmem>>, vector<128x128xf32>
    %dot_general3A = arith.constant dense<0.000000e+00> : vector<1024x128xf32>
    %dot_general3A_22 = tpu.matmul %max3A_18, %get3A_21, %dot_general3A {dimension_numbers = #tpu.dot_dimension_numbers<[1], [0], [0], [1], [0, 0, 1, 1], [], []>, transpose_lhs_hint = false} : vector<1024x128xf32>, vector<128x128xf32>, vector<1024x128xf32> -> vector<1024x128xf32>
    %swap3A = arith.constant 0 : index
    %swap3A_23 = arith.constant 0 : index
    %swap3A_24 = vector.load %arg8[%swap3A, %swap3A_23] : memref<1024x128xf32, #tpu.memory_space<vmem>>, vector<1024x128xf32>
    tpu.vector_store %arg8[%swap3A, %swap3A_23], %dot_general3A_22 {strides = array<i32>} : memref<1024x128xf32, #tpu.memory_space<vmem>>, vector<1024x128xf32>,
    %get3A_25 = arith.constant 0 : index
    %get3A_26 = arith.constant 0 : index
    %get3A_27 = vector.load %arg6[%get3A_25, %get3A_26] : memref<1x128xf32, #tpu.memory_space<vmem>>, vector<1x128xf32>
    %get3A_28 = arith.constant 0 : index
    %get3A_29 = arith.constant 0 : index
    %get3A_30 = vector.load %arg7[%get3A_28, %get3A_29] : memref<1x128xf32, #tpu.memory_space<vmem>>, vector<1x128xf32>
    %mul3A = vector.broadcast %get3A_27 : vector<1x128xf32> to vector<1024x128xf32>
    %mul3A_31 = arith.mulf %dot_general3A_22, %mul3A : vector<1024x128xf32>
    %reduce_sum3A_32 = arith.constant dense<0.000000e+00> : vector<1024xf32>
    %reduce_sum3A_33 = vector.multi_reduction <add>, %mul3A_31, %reduce_sum3A_32 [1] : vector<1024x128xf32> to vector<1024xf32>
    %mul3A_34 = vector.broadcast %get3A_30 : vector<1x128xf32> to vector<1024x128xf32>
    %mul3A_35 = arith.mulf %dot_general3A_22, %mul3A_34 : vector<1024x128xf32>
    %reduce_sum3A_36 = arith.constant dense<0.000000e+00> : vector<1024xf32>
    %reduce_sum3A_37 = vector.multi_reduction <add>, %mul3A_35, %reduce_sum3A_36 [1] : vector<1024x128xf32> to vector<1024xf32>
    %reshape3A_38 = vector.shape_cast %reduce_sum3A_33 : vector<1024xf32> to vector<8x128xf32>
    %swap3A_39 = arith.constant 0 : index
    %swap3A_40 = arith.constant 0 : index
    %swap3A_41 = vector.load %arg9[%swap3A_39, %swap3A_40] : memref<8x128xf32, #tpu.memory_space<vmem>>, vector<8x128xf32>
    tpu.vector_store %arg9[%swap3A_39, %swap3A_40], %reshape3A_38 {strides = array<i32>} : memref<8x128xf32, #tpu.memory_space<vmem>>, vector<8x128xf32>,
    %reshape3A_42 = vector.shape_cast %reduce_sum3A_37 : vector<1024xf32> to vector<8x128xf32>
    %swap3A_43 = arith.constant 0 : index
    %swap3A_44 = arith.constant 0 : index
    %swap3A_45 = vector.load %arg10[%swap3A_43, %swap3A_44] : memref<8x128xf32, #tpu.memory_space<vmem>>, vector<8x128xf32>
    tpu.vector_store %arg10[%swap3A_43, %swap3A_44], %reshape3A_42 {strides = array<i32>} : memref<8x128xf32, #tpu.memory_space<vmem>>, vector<8x128xf32>,
    %reduce_max3A = vector.shape_cast %reduce_sum3A_33 : vector<1024xf32> to vector<1x1024xf32>
    %reduce_max3A_46 = arith.constant dense<0xFF800000> : vector<1xf32>
    %reduce_max3A_47 = vector.multi_reduction <maximumf>, %reduce_max3A, %reduce_max3A_46 [1] : vector<1x1024xf32> to vector<1xf32>
    %reduce_max3A_48 = vector.shape_cast %reduce_max3A_47 : vector<1xf32> to vector<1x1xf32>
    %reduce_max3A_49 = vector.extract %reduce_max3A_48[0, 0] : f32 from vector<1x1xf32>
    %eq3A = arith.constant 0 : i32
    %eq3A_50 = arith.cmpi eq, %arg0, %eq3A : i32
    %get3A_51 = arith.constant 0 : index
    %get3A_52 = arith.constant 0 : index
    %get3A_53 = vector.load %arg11[%get3A_51, %get3A_52] : memref<8x128xf32, #tpu.memory_space<vmem>>, vector<1x1xf32>
    %get3A_54 = vector.extract %get3A_53[0, 0] : f32 from vector<1x1xf32>
    %jit3A = arith.constant -3.000000e+38 : f32
    %select_n3A = arith.select %eq3A_50, %jit3A, %get3A_54 : f32
    %max3A_55 = arith.maximumf %select_n3A, %reduce_max3A_49 : f32
    %broadcast_in_dim3A = vector.broadcast %max3A_55 : f32 to vector<8x128xf32>
    %swap3A_56 = arith.constant 0 : index
    %swap3A_57 = arith.constant 0 : index
    %swap3A_58 = vector.load %arg11[%swap3A_56, %swap3A_57] : memref<8x128xf32, #tpu.memory_space<vmem>>, vector<8x128xf32>
    tpu.vector_store %arg11[%swap3A_56, %swap3A_57], %broadcast_in_dim3A {strides = array<i32>} : memref<8x128xf32, #tpu.memory_space<vmem>>, vector<8x128xf32>,
    return
  }
  func.func @transform_0(%arg0: i32) -> (i32, i32) {
    %c0_i32 = arith.constant 0 : i32
    %c0_i32_0 = arith.constant 0 : i32
    return %arg0, %c0_i32 : i32, i32
  }
  func.func @transform_1(%arg0: i32) -> (i32, i32) {
    %c0_i32 = arith.constant 0 : i32
    %c0_i32_0 = arith.constant 0 : i32
    return %arg0, %c0_i32 : i32, i32
  }
  func.func @transform_2(%arg0: i32) -> (i32, i32) {
    %c0_i32 = arith.constant 0 : i32
    %c0_i32_0 = arith.constant 0 : i32
    return %c0_i32, %arg0 : i32, i32
  }
  func.func @transform_3(%arg0: i32) -> (i32, i32) {
    %c0_i32 = arith.constant 0 : i32
    %c0_i32_0 = arith.constant 0 : i32
    %c0_i32_1 = arith.constant 0 : i32
    return %c0_i32, %c0_i32_0 : i32, i32
  }
  func.func @transform_4(%arg0: i32) -> (i32, i32) {
    %c0_i32 = arith.constant 0 : i32
    %c0_i32_0 = arith.constant 0 : i32
    %c0_i32_1 = arith.constant 0 : i32
    return %c0_i32, %c0_i32_0 : i32, i32
  }
  func.func @transform_5(%arg0: i32) -> (i32, i32) {
    %c0_i32 = arith.constant 0 : i32
    %c0_i32_0 = arith.constant 0 : i32
    %c0_i32_1 = arith.constant 0 : i32
    return %c0_i32, %c0_i32_0 : i32, i32
  }
  func.func @transform_6(%arg0: i32) -> (i32, i32) {
    %c0_i32 = arith.constant 0 : i32
    %c0_i32_0 = arith.constant 0 : i32
    %c0_i32_1 = arith.constant 0 : i32
    return %c0_i32, %c0_i32_0 : i32, i32
  }
  func.func @transform_7(%arg0: i32) -> (i32, i32) {
    %c0_i32 = arith.constant 0 : i32
    %c0_i32_0 = arith.constant 0 : i32
    return %arg0, %c0_i32 : i32, i32
  }
  func.func @transform_8(%arg0: i32) -> (i32, i32) {
    %c0_i32 = arith.constant 0 : i32
    %c0_i32_0 = arith.constant 0 : i32
    return %arg0, %c0_i32 : i32, i32
  }
  func.func @transform_9(%arg0: i32) -> (i32, i32) {
    %c0_i32 = arith.constant 0 : i32
    %c0_i32_0 = arith.constant 0 : i32
    return %arg0, %c0_i32 : i32, i32
  }
  func.func @transform_10(%arg0: i32) -> (i32, i32) {
    %c0_i32 = arith.constant 0 : i32
    %c0_i32_0 = arith.constant 0 : i32
    %c0_i32_1 = arith.constant 0 : i32
    return %c0_i32, %c0_i32_0 : i32, i32
  }
}

module attributes {stable_mosaic.version = 14 : i64} {
  func.func @_combine_last_body(%arg0: i32, %arg1: memref<1024x64xf32, #tpu.memory_space<vmem>>, %arg2: memref<1024x64xf32, #tpu.memory_space<vmem>>, %arg3: memref<16x1024xf32, #tpu.memory_space<vmem>>, %arg4: memref<1x128xf32, #tpu.memory_space<vmem>>, %arg5: memref<1024x128xf32, #tpu.memory_space<vmem>>) attributes {dimension_semantics = [#tpu.dimension_semantics<arbitrary>], iteration_bounds = array<i64: 10>, scalar_prefetch = 0 : i64, scratch_operands = 0 : i64, tpu.core_type = #tpu.core_type<tc>, window_params = [{transform_indices = @transform_0, window_bounds = array<i64: 1024, 64>}, {transform_indices = @transform_1, window_bounds = array<i64: 1024, 64>}, {transform_indices = @transform_2, window_bounds = array<i64: 16, 1024>}, {pipeline_mode = #tpu.pipeline_mode<synchronous>, transform_indices = @transform_3, window_bounds = array<i64: 1, 128>}, {transform_indices = @transform_4, window_bounds = array<i64: 1024, 128>}]} {
    %get3A = arith.constant 0 : index
    %get3A_0 = arith.constant 0 : index
    %get3A_1 = vector.load %arg1[%get3A, %get3A_0] : memref<1024x64xf32, #tpu.memory_space<vmem>>, vector<1024x64xf32>
    %get3A_2 = arith.constant 0 : index
    %get3A_3 = arith.constant 0 : index
    %get3A_4 = vector.load %arg2[%get3A_2, %get3A_3] : memref<1024x64xf32, #tpu.memory_space<vmem>>, vector<1024x64xf32>
    %get3A_5 = arith.constant 0 : index
    %get3A_6 = arith.constant 0 : index
    %get3A_7 = vector.load %arg3[%get3A_5, %get3A_6] : memref<16x1024xf32, #tpu.memory_space<vmem>>, vector<16x1024xf32>
    %get3A_8 = arith.constant 0 : index
    %get3A_9 = arith.constant 0 : index
    %get3A_10 = vector.load %arg4[%get3A_8, %get3A_9] : memref<1x128xf32, #tpu.memory_space<vmem>>, vector<1x128xf32>
    %concatenate3A = tpu.concatenate %get3A_1, %get3A_4 in 1 : vector<1024x64xf32>, vector<1024x64xf32> -> vector<1024x128xf32>
    %reduce_sum3A = arith.constant dense<0.000000e+00> : vector<1024xf32>
    %reduce_sum3A_11 = vector.multi_reduction <add>, %get3A_7, %reduce_sum3A [0] : vector<16x1024xf32> to vector<1024xf32>
    %reshape3A = vector.shape_cast %reduce_sum3A_11 : vector<1024xf32> to vector<1024x1xf32>
    %add3A = arith.constant 1.000000e-16 : f32
    %add3A_12 = vector.broadcast %add3A : f32 to vector<1024x1xf32>
    %add3A_13 = arith.addf %reshape3A, %add3A_12 : vector<1024x1xf32>
    %div3A = vector.broadcast %add3A_13 : vector<1024x1xf32> to vector<1024x128xf32>
    %div3A_14 = arith.divf %concatenate3A, %div3A : vector<1024x128xf32>
    %add3A_15 = vector.broadcast %get3A_10 : vector<1x128xf32> to vector<1024x128xf32>
    %add3A_16 = arith.addf %div3A_14, %add3A_15 : vector<1024x128xf32>
    %max3A = arith.constant 0.000000e+00 : f32
    %max3A_17 = vector.broadcast %max3A : f32 to vector<1024x128xf32>
    %max3A_18 = arith.maximumf %add3A_16, %max3A_17 : vector<1024x128xf32>
    %swap3A = arith.constant 0 : index
    %swap3A_19 = arith.constant 0 : index
    %swap3A_20 = vector.load %arg5[%swap3A, %swap3A_19] : memref<1024x128xf32, #tpu.memory_space<vmem>>, vector<1024x128xf32>
    tpu.vector_store %arg5[%swap3A, %swap3A_19], %max3A_18 {strides = array<i32>} : memref<1024x128xf32, #tpu.memory_space<vmem>>, vector<1024x128xf32>,
    return
  }
  func.func @transform_0(%arg0: i32) -> (i32, i32) {
    %c0_i32 = arith.constant 0 : i32
    %c0_i32_0 = arith.constant 0 : i32
    return %arg0, %c0_i32 : i32, i32
  }
  func.func @transform_1(%arg0: i32) -> (i32, i32) {
    %c0_i32 = arith.constant 0 : i32
    %c0_i32_0 = arith.constant 0 : i32
    return %arg0, %c0_i32 : i32, i32
  }
  func.func @transform_2(%arg0: i32) -> (i32, i32) {
    %c0_i32 = arith.constant 0 : i32
    %c0_i32_0 = arith.constant 0 : i32
    return %c0_i32, %arg0 : i32, i32
  }
  func.func @transform_3(%arg0: i32) -> (i32, i32) {
    %c0_i32 = arith.constant 0 : i32
    %c0_i32_0 = arith.constant 0 : i32
    %c0_i32_1 = arith.constant 0 : i32
    return %c0_i32, %c0_i32_0 : i32, i32
  }
  func.func @transform_4(%arg0: i32) -> (i32, i32) {
    %c0_i32 = arith.constant 0 : i32
    %c0_i32_0 = arith.constant 0 : i32
    return %arg0, %c0_i32 : i32, i32
  }
}

</mosaic_0001>

<sc_bundles>
// kernel: kernel.12.cloned.1.call-start
scs
__scs_entry_jumppad:
0x0: {  	(pc) =	sbr.rel $0x88, $3  }
0x1: {  	(tag) =	ssettag $0x0;
	lr =	simm.s32 $0x1  }
0x2: {  	[smem:$0x3F93] =	sst lr;
	_ =	strace $0xD0000000  }
0x3: {  	_ = 	snop  }
0x4: {  	_ = 	snop  }
0x5: {  	_ = 	snop  }
0x6: {  	_ = 	snop  }
0x7: {  	_ = 	snop  }
__scs_overlays_trampoline_lowered:
0x8: {  	[smem:$0x3FA2] =	sst s0  }
0x9: {  	[smem:$0x3FA3] =	sst s1  }
0xa: {  	[smem:$0x3FA4] =	sst s2  }
0xb: {  	[smem:$0x3FA5] =	sst s3  }
0xc: {  	[smem:$0x3FA6] =	sst s4  }
0xd: {  	[smem:$0x3FA7] =	sst s5  }
0xe: {  	[smem:$0x3FA8] =	sst s6  }
0xf: {  	[smem:$0x3FA9] =	sst s7  }
0x10: {  	[smem:$0x3FAA] =	sst s8  }
0x11: {  	[smem:$0x3FAB] =	sst s9;
	s0 =	simm.s32 @!p0 $0x0  }
0x12: {  	s1 =	sld [smem:$0x3F91];
	s0 =	simm.s32 @p0 $0x1  }
0x13: {  	[smem:$0x3FAC] =	sst s0;
	s0 =	simm.s32 @!p1 $0x0  }
0x14: {  	s2 =	sld [smem:$0x3F90];
	s0 =	simm.s32 @p1 $0x1  }
0x15: {  	[smem:$0x3FAD] =	sst s0;
	s0 =	simm.s32 @!p2 $0x0  }
0x16: {  	s3 =	sld [smem:$0x3FDB];
	s0 =	simm.s32 @p2 $0x1  }
0x17: {  	s4 =	simm.s32 $0x1BF5;
	[smem:$0x3FAF] =	sst s0  }
0x18: {  	s0 =	sld [smem:$0x3F92];
	_ =	swait.ge [sflag:s4], $0x0  }
0x19: {  	s7 =	sld [smem:$0x3F93]  }
0x1a: {  	s8 =	sadd.s32 $0xFFFFE003, lr  }
0x1b: {  	s9 =	sadd.s32 $0xFFFFFEF7, lr;
	s5 =	simm.s32 $0xFFFFFFFF;
	p2 =	slt.u32 s8, $0xFFFFF086  }
0x1c: {  	p1 =	slt.u32 s9, $0xF7A;
	s5 =	simm.s32 @!p2 $0x0  }
0x1d: {  	s5 =	simm.s32 @p1 $0x1;
	p0 =	seq.s32 s7, s2  }
0x1e: {  	s7 =	smul.u32 @!p0 $0xF7A, s2;
	p2 =	seq.s32 @!p0 s5, $0x0  }
0x1f: {  	s9 =	smul.u32 $0xF7A, s1;
	s8 =	simm.s32 @!p0 $0x1BF5;
	p2 =	por !p2, p0  }
0x20: {  	[sflag:s8] =	ssyncset.s32 @!p0 $0xFFFFF086;
	s6 =	sadd.s32 @!p0 s3, s7;
	s7 =	simm.s32 @!p0 $0x108  }
0x21: {  	s3 =	sadd.s32 s3, s9;
	s6 =	sadd.s32 @!p0 $0x88, s6;
	s7 =	simm.s32 @p2 $0x1082  }
0x22: {  	[simem:s7], [sflag:s8] =	dma.local @!p0 [hbm:s6], $0xF7A  }
0x23: {  	s9 =	sor.u32 $0xD0000000, s2;
	s6 =	simm.s32 $0x108;
	_ =	swait.ge @!p0 [sflag:s8], $0x0  }
0x24: {  	s3 =	sadd.s32 $0x88, s3;
	s6 =	simm.s32 @!p1 $0x1082;
	[sflag:s4] =	ssyncset.s32 $0xFFFFF086  }
0x25: {  	[simem:s6], [sflag:s4] =	dma.local [hbm:s3], $0xF7A  }
0x26: {  	[smem:$0x3F93] =	sst s1;
	(tag) =	ssettag s2;
	_ =	strace s9  }
0x27: {  	s1 =	sld [smem:$0x3FA3]  }
0x28: {  	s2 =	sld [smem:$0x3FA4]  }
0x29: {  	s4 =	sld [smem:$0x3FA6]  }
0x2a: {  	p0 =	seq.s32 s5, $0x0;
	s5 =	sld [smem:$0x3FA7]  }
0x2b: {  	s6 =	sld [smem:$0x3FA8]  }
0x2c: {  	s7 =	sld [smem:$0x3FA9]  }
0x2d: {  	s3 =	simm.s32 $0x108;
	s8 =	sld [smem:$0x3FAA]  }
0x2e: {  	s3 =	simm.s32 @!p0 $0x1082;
	s9 =	sld [smem:$0x3FAB]  }
0x2f: {  	lr =	sadd.s32 s0, s3;
	s0 =	sld [smem:$0x3FA2]  }
0x30: {  	s3 =	sld [smem:$0x3FA5]  }
0x31: {  	[smem:$0x3FAE] =	sst s10  }
0x32: {  	s10 =	sld [smem:$0x3FAC];
	_ =	sdelay $0x3  }
0x33: {  	p0 =	seq.s32 s10, $0x1;
	s10 =	sld [smem:$0x3FAE];
	_ =	sdelay $0x3  }
0x34: {  	[smem:$0x3FAE] =	sst s10  }
0x35: {  	s10 =	sld [smem:$0x3FAD];
	_ =	sdelay $0x3  }
0x36: {  	p1 =	seq.s32 s10, $0x1;
	s10 =	sld [smem:$0x3FAE];
	_ =	sdelay $0x3  }
0x37: {  	[smem:$0x3FAE] =	sst s10  }
0x38: {  	s10 =	sld [smem:$0x3FAF]  }
0x39: {  	_ = 	snop;
	(pc) =	sbr.ind lr, $3  }
0x3a: {  	_ = 	snop  }
0x3b: {  	_ = 	snop  }
0x3c: {  	p2 =	seq.s32 s10, $0x1;
	s10 =	sld [smem:$0x3FAE]  }
0x3d: {  	_ =	shalt  }
0x3e: {  	_ =	shalt  }
0x3f: {  	_ =	shalt  }
0x40: {  	_ =	shalt  }
0x41: {  	_ =	shalt  }
0x42: {  	_ =	shalt  }
0x43: {  	_ =	shalt  }
0x44: {  	_ =	shalt  }
0x45: {  	_ =	shalt  }
0x46: {  	_ =	shalt  }
0x47: {  	_ =	shalt  }
0x48: {  	_ =	shalt  }
0x49: {  	_ =	shalt  }
0x4a: {  	_ =	shalt  }
0x4b: {  	_ =	shalt  }
0x4c: {  	_ =	shalt  }
0x4d: {  	_ =	shalt  }
0x4e: {  	_ =	shalt  }
0x4f: {  	_ =	shalt  }
0x50: {  	_ =	shalt  }
0x51: {  	_ =	shalt  }
0x52: {  	_ =	shalt  }
0x53: {  	_ =	shalt  }
0x54: {  	_ =	shalt  }
0x55: {  	_ =	shalt  }
0x56: {  	_ =	shalt  }
0x57: {  	_ =	shalt  }
0x58: {  	_ =	shalt  }
0x59: {  	_ =	shalt  }
0x5a: {  	_ =	shalt  }
0x5b: {  	_ =	shalt  }
0x5c: {  	_ =	shalt  }
0x5d: {  	_ =	shalt  }
0x5e: {  	_ =	shalt  }
0x5f: {  	_ =	shalt  }
0x60: {  	_ =	shalt  }
0x61: {  	_ =	shalt  }
0x62: {  	_ =	shalt  }
0x63: {  	_ =	shalt  }
0x64: {  	_ =	shalt  }
0x65: {  	_ =	shalt  }
0x66: {  	_ =	shalt  }
0x67: {  	_ =	shalt  }
0x68: {  	_ =	shalt  }
0x69: {  	_ =	shalt  }
0x6a: {  	_ =	shalt  }
0x6b: {  	_ =	shalt  }
0x6c: {  	_ =	shalt  }
0x6d: {  	_ =	shalt  }
0x6e: {  	_ =	shalt  }
0x6f: {  	_ =	shalt  }
0x70: {  	_ =	shalt  }
0x71: {  	_ =	shalt  }
0x72: {  	_ =	shalt  }
0x73: {  	_ =	shalt  }
0x74: {  	_ =	shalt  }
0x75: {  	_ =	shalt  }
0x76: {  	_ =	shalt  }
0x77: {  	_ =	shalt  }
0x78: {  	_ =	shalt  }
0x79: {  	_ =	shalt  }
0x7a: {  	_ =	shalt  }
0x7b: {  	_ =	shalt  }
0x7c: {  	_ =	shalt  }
0x7d: {  	_ =	shalt  }
0x7e: {  	_ =	shalt  }
0x7f: {  	_ =	shalt  }
0x80: {  	_ =	shalt  }
0x81: {  	_ =	shalt  }
0x82: {  	_ =	shalt  }
0x83: {  	_ =	shalt  }
0x84: {  	_ =	shalt  }
0x85: {  	_ =	shalt  }
0x86: {  	_ =	shalt  }
0x87: {  	_ =	shalt  }
.Lfunc_end0:
.L_simem_size_0:
called_computation.1_lowered:
.L_overlay_start_0:
0x88: {  	s2 =	sld [smem:$0x3FD9]  }
0x89: {  	s3 =	sld [smem:$0x3FFE];
	_ =	sdelay $0x1  }
0x8a: {  	s1 =	srdreg.scid  }
0x8b: {  	s0 =	sand.u32 $0x1, s1  }
0x8c: {  	s17 =	sshll.u32 s0, $0xA;
	s2 =	sadd.s32 s3, s2  }
0x8d: {  	s2 =	sadd.s32 s2, s17  }
0x8e: {  	[smem:$0x3FBA] =	sst s2  }
0x8f: {  	_ = 	snop  }
0x90: {  	s2 =	sld [smem:$0x3FD0];
	(tm) =	ssettm $0x1  }
0x91: {  	s18 =	sld [smem:$0x3FFB];
	_ =	sdelay $0x3  }
0x92: {  	_ =	strace s18  }
0x93: {  	s3 =	sld [smem:$0x3FFC];
	_ =	sdelay $0x3  }
0x94: {  	_ =	strace s3  }
0x95: {  	s3 =	sld [smem:$0x3FFD];
	_ =	sdelay $0x3  }
0x96: {  	_ =	strace s3  }
0x97: {  	_ =	strace $0x8FFFFFFF  }
0x98: {  	s19 =	sld [smem:$0x3FDB];
	_ =	sdelay $0x1  }
0x99: {  	s4 =	simm.s32 $_scs_section_size  }
0x9a: {  	s5 =	simm.s32 $_size__tile_overlayer_lowered;
	s6 =	simm.s32 $_tile_overlayer_lowered  }
0x9b: {  	s22 =	simm.s32 $0x1BFF;
	s21 =	sshll.u32 s6, $0x1;
	s3 =	sadd.s32 s4, s19  }
0x9c: {  	s7 =	simm.s32 $0x0;
	s20 =	sshll.u32 s5, $0x1;
	s5 =	sadd.s32 s21, s3  }
0x9d: {  	[timem:s7], [sflag:s22] =	dma.local [hbm:s5], s20  }
0x9e: {  	_ =	swait.ge [sflag:s22], s20  }
0x9f: {  	s4 =	ssub.s32 $0x0, s20;
	[sflag:s22] =	ssyncset.done $0x0  }
0xa0: {  	[sflag:s22] =	ssyncadd.s32 s4;
	_ =	sdelay $0x1  }
0xa1: {  	s23 =	simm.s32 $0x1B8B  }
0xa2: {  	_ =	swait.ge [sflag:s23], $0x1  }
0xa3: {  	[sflag:s23] =	ssyncset.done $0x0  }
0xa4: {  	s25 =	simm.s32 $0x1B8E;
	s24 =	sld [smem:$0x3FFE];
	[sflag:s23] =	ssyncadd.s32 $0xFFFFFFFF  }
0xa5: {  	s26 =	simm.s32 $execute0_lowered;
	[smem:$0x3FD2] =	sst s25  }
0xa6: {  	s5 =	sshll.u32 s26, $0x1;
	_ =	strace $0x80000049;
	[dreg:$0x1] =	wrdreg $0xFFFFFFFF  }
0xa7: {  	s28 =	simm.s32 $_size_execute0_lowered;
	s3 =	sadd.s32 s3, s5;
	[dreg:$0x0] =	wrdreg $0x0  }
0xa8: {  	s5 =	sshll.u32 s28, $0x1;
	[dreg:$0x2] =	wrdreg s3  }
0xa9: {  	[dreg:$0x3] =	wrdreg s5  }
0xaa: {  	[dreg:$0x4] =	wrdreg $0xC0  }
0xab: {  	_ =	task [dreg:s7], $0x5FFFF  }
0xac: {  	[dreg:$0x1] =	wrdreg $0xFFFFFFFF  }
0xad: {  	[dreg:$0x0] =	wrdreg $0x60  }
0xae: {  	[dreg:$0x2] =	wrdreg s24  }
0xaf: {  	[dreg:$0x3] =	wrdreg s2  }
0xb0: {  	[dreg:$0x4] =	wrdreg $0x13D900  }
0xb1: {  	[dreg:$0x5] =	wrdreg $0x9  }
0xb2: {  	_ =	task.clear_ibuf [dreg:s7], $0x6FFFF;
	_ =	strace $0x90000049  }
0xb3: {  	s29 =	simm.s32 $0x9;
	_ =	strace $0x8000004B  }
0xb4: {  	_ =	swait.ge [sflag:s29], $0x1  }
0xb5: {  	[sflag:s29] =	ssyncadd.s32 $0xFFFFFFFF  }
0xb6: {  	_ =	strace $0x9000004B  }
0xb7: {  	_ =	sfence  }
0xb8: {  	s30 =	sld [smem:$0x0];
	_ =	sdelay $0x2  }
0xb9: {  	s31 =	sshll.u32 s1, $0xD;
	s1 =	sshrl.u32 s1, $0x2  }
0xba: {  	s3 =	sand.u32 $0x4000, s31;
	s1 =	sadd.s32 s1, s30  }
0xbb: {  	s0 =	sor.u32 s3, s0;
	s1 =	sshll.u32 s1, $0x11  }
0xbc: {  	s0 =	sor.u32 s1, s0  }
0xbd: {  	s0 =	sadd.s32 $0x8F2B, s0  }
0xbe: {  	[sflag:s0] =	ssyncadd.remote.s32 $0x1  }
0xbf: {  	_ =	sfence.sel $0xFFFF  }
0xc0: {  	[dreg:$0x0] =	wrdreg $0xFFFFFFFF;
	(pc) =	sbr.abs _section_cstart, $3  }
0xc1: {  	[dreg:$0x1] =	wrdreg $0xFFFFFFFF  }
0xc2: {  	_ =	task.clear_ibuf [dreg:s7], $0x2FFFF;
	_ =	strace $0x9FFFFFFF  }
0xc3: {  	(tm) =	ssettm $0x7FFFFFFF  }
tec
execute0_lowered:
.L_overlay_start_1:
0x0: {  	(tag) =	ssettag $0x1  }
0x1: {  	s0 =	rddreg [dreg:$0x0]  }
0x2: {  	s1 =	rddreg [dreg:$0x1]  }
0x3: {  	s2 =	rddreg [dreg:$0x2];
	s12 =	stileid.u32  }
0x4: {  	s3 =	simm.s32 $0x0;
	s4 =	srdreg.scid;
	s21 =	simm.s32 $0x3  }
0x5: {  	s22 =	simm.s32 $0x2800;
	s28 =	simm.s32 $0x11580;
	s29 =	simm.s32 $0x50  }
0x6: {  	s31 =	simm.s32 $0x1;
	s5 =	smul.u32 $0x9C4, s12;
	[smem:$0x7FF] =	sst s3  }
0x7: {  	s6 =	sand.u32 $0x1, s4;
	s7 =	smul.u32 $0xA000, s12;
	s4 =	sadd.s32 $0xE600, s0  }
0x8: {  	s10 =	sadd.s32 $0x36600, s0;
	s23 =	sadd.s32 $0x36C00, s0;
	s24 =	smul.u32 $0x500, s12  }
0x9: {  	s12 =	smul.u32 $0x28000, s12;
	_ =	strace $0x8000004A;
	[dreg:$0x4] =	wrdreg s10  }
0xa: {  	s13 =	sadd.s32 $0x37200, s0;
	s8 =	smul.u32 $0xA0000, s6;
	[dreg:$0x5] =	wrdreg s23  }
0xb: {  	s11 =	ssub.s32 $0x2, s6;
	[dreg:$0x6] =	wrdreg s13;
	p0 =	sne.s32 s6, $0x0  }
0xc: {  	s23 =	simm.s32 $0x0;
	s9 =	sadd.s32 s5, s0;
	s25 =	sshrl.u32 s11, $0x1  }
0xd: {  	s26 =	sshrl.u32 s12, $0x2;
	s1 =	sadd.s32 s1, s5;
	s10 =	sadd.s32 s7, s2  }
0xe: {  	s8 =	sadd.s32 s7, s8;
	s20 =	ssub.s32 s11, s25;
	s9 =	sadd.s32 $0x4800, s9  }
0xf: {  	[dreg:$0x8] =	wrdreg s1;
	s30 =	sadd.s32 s26, s2;
	s26 =	simm.s32 $0xED80  }
0x10: {  	s8 =	sshrl.u32 s8, $0x3;
	[dreg:$0x7] =	wrdreg s9;
	s11 =	sadd.s32 $0x1400, s30  }
0x11: {  	s12 =	sadd.s32 $0x2800, s30;
	s13 =	sadd.s32 $0x3C00, s30;
	s14 =	sadd.s32 $0x5000, s30  }
0x12: {  	s15 =	sadd.s32 $0x6400, s30;
	s16 =	sadd.s32 $0x7800, s30;
	s17 =	sadd.s32 $0x8C00, s30  }
0x13: {  	s20 =	smax.u32 s20, $0x1;
	s8 =	sadd.s32 s8, s0;
	s0 =	sadd.s32 s24, s0  }
0x14: {  	v1 =	vimm.f32 $0.0e+00;
	v0 =	vmov s6;
	s18 =	sadd.s32 $0x37400, s0;
	s19 =	sadd.s32 $0x3C400, s8;
	s0 =	simm.s32 $0x2  }
.LBB2_1:
0x15: {  	s1 =	rddreg [dreg:$0x4]  }
0x16: {  	[tilespmem:s3], [sflag:$0x3] =	stream.linear.gather [hbm4b:s1+s3], $0x2800, $0x38;
	[tilespmem:$0x1DD90] =	vst v63  }
0x17: {  	_ =	swait.ge [sflag:s21], $0x2800  }
0x18: {  	[sflag:s21] =	ssyncset.done $0x0  }
0x19: {  	s7 =	rddreg [dreg:$0x5];
	[sflag:s21] =	ssyncadd.s32 $0xFFFFD800  }
0x1a: {  	[tilespmem:s22], [sflag:$0x3] =	stream.linear.gather [hbm4b:s7+s3], $0x2800, $0x38;
	[tilespmem:$0x1DD90] =	vst v63  }
0x1b: {  	_ =	swait.ge [sflag:s21], $0x2800  }
0x1c: {  	[sflag:s21] =	ssyncset.done $0x0  }
0x1d: {  	s5 =	simm.s32 $0x5000;
	s8 =	rddreg [dreg:$0x7];
	[sflag:s21] =	ssyncadd.s32 $0xFFFFD800  }
0x1e: {  	[tilespmem:s5], [sflag:$0x3] =	stream.linear.gather [hbm4b:s8+s3], $0x4E20, $0x38;
	[tilespmem:$0x1DD90] =	vst v63  }
0x1f: {  	_ =	swait.ge [sflag:s21], $0x4E20  }
0x20: {  	[sflag:s21] =	ssyncset.done $0x0  }
0x21: {  	s24 =	simm.s32 $0x9E20;
	s9 =	rddreg [dreg:$0x8];
	[sflag:s21] =	ssyncadd.s32 $0xFFFFB1E0  }
0x22: {  	[tilespmem:s24], [sflag:$0x3] =	stream.linear.gather [hbm4b:s9+s3], $0x4E20, $0x38;
	[tilespmem:$0x1DD90] =	vst v63  }
0x23: {  	_ =	swait.ge [sflag:s21], $0x4E20  }
0x24: {  	[sflag:s21] =	ssyncset.done $0x0  }
0x25: {  	s30 =	simm.s32 $0x13D80;
	s25 =	rddreg [dreg:$0x6];
	[sflag:s21] =	ssyncadd.s32 $0xFFFFB1E0  }
0x26: {  	[tilespmem:s30], [sflag:$0x3] =	stream.linear.gather [hbm4b:s25+s3], $0x10, $0x38;
	[tilespmem:$0x1DD90] =	vst v63  }
0x27: {  	_ =	swait.ge [sflag:s21], $0x10  }
0x28: {  	[sflag:s21] =	ssyncset.done $0x0  }
0x29: {  	s1 =	simm.s32 $0x0;
	s5 =	simm.s32 $0x100;
	[sflag:s21] =	ssyncadd.s32 $0xFFFFFFF0  }
.LBB2_2:
0x2a: {  	p1 =	sne.s32 s5, $0x4F00;
	[tilespmem:s1+$0xEDB0] =	vst v1;
	s6 =	smov.u32 s5;
	s5 =	sadd.s32 $0x100, s5  }
.Ltmp0:
0x2b: {  	[tilespmem:s1+$0xEDA0] =	vst v1;
	(pc) =	sbr.rel @p1 .LBB2_2-.Ltmp0, $3  }
0x2c: {  	[tilespmem:s1+$0xED80] =	vst v1  }
0x2d: {  	[tilespmem:s1+$0xED90] =	vst v1;
	_ =	sdelay $0x1  }
0x2e: {  	s1 =	sshra.s32 s6, $0x2  }
0x2f: {  	[tilespmem:s1+$0xEDB0] =	vst v1  }
0x30: {  	[tilespmem:s1+$0xEDA0] =	vst v1  }
0x31: {  	[tilespmem:s1+$0xED80] =	vst v1  }
0x32: {  	[tilespmem:s1+$0xED90] =	vst v1  }
0x33: {  	[spmem:s10] =	stream.linear.scatter [tilespmem:s26], [sflag:$0x3], $0x1400, $0x38;
	[tilespmem:$0x1DD90] =	vst v63  }
0x34: {  	_ =	swait.ge [sflag:s21], $0x1400  }
0x35: {  	[sflag:s21] =	ssyncset.done $0x0  }
0x36: {  	[sflag:s21] =	ssyncadd.s32 $0xFFFFEC00  }
0x37: {  	[spmem:s11] =	stream.linear.scatter [tilespmem:s26], [sflag:$0x3], $0x1400, $0x38;
	[tilespmem:$0x1DD90] =	vst v63  }
0x38: {  	_ =	swait.ge [sflag:s21], $0x1400  }
0x39: {  	[sflag:s21] =	ssyncset.done $0x0  }
0x3a: {  	[sflag:s21] =	ssyncadd.s32 $0xFFFFEC00  }
0x3b: {  	[spmem:s12] =	stream.linear.scatter [tilespmem:s26], [sflag:$0x3], $0x1400, $0x38;
	[tilespmem:$0x1DD90] =	vst v63  }
0x3c: {  	_ =	swait.ge [sflag:s21], $0x1400  }
0x3d: {  	[sflag:s21] =	ssyncset.done $0x0  }
0x3e: {  	[sflag:s21] =	ssyncadd.s32 $0xFFFFEC00  }
0x3f: {  	[spmem:s13] =	stream.linear.scatter [tilespmem:s26], [sflag:$0x3], $0x1400, $0x38;
	[tilespmem:$0x1DD90] =	vst v63  }
0x40: {  	_ =	swait.ge [sflag:s21], $0x1400  }
0x41: {  	[sflag:s21] =	ssyncset.done $0x0  }
0x42: {  	[sflag:s21] =	ssyncadd.s32 $0xFFFFEC00  }
0x43: {  	[spmem:s14] =	stream.linear.scatter [tilespmem:s26], [sflag:$0x3], $0x1400, $0x38;
	[tilespmem:$0x1DD90] =	vst v63  }
0x44: {  	_ =	swait.ge [sflag:s21], $0x1400  }
0x45: {  	[sflag:s21] =	ssyncset.done $0x0  }
0x46: {  	[sflag:s21] =	ssyncadd.s32 $0xFFFFEC00  }
0x47: {  	[spmem:s15] =	stream.linear.scatter [tilespmem:s26], [sflag:$0x3], $0x1400, $0x38;
	[tilespmem:$0x1DD90] =	vst v63  }
0x48: {  	_ =	swait.ge [sflag:s21], $0x1400  }
0x49: {  	[sflag:s21] =	ssyncset.done $0x0  }
0x4a: {  	[sflag:s21] =	ssyncadd.s32 $0xFFFFEC00  }
0x4b: {  	[spmem:s16] =	stream.linear.scatter [tilespmem:s26], [sflag:$0x3], $0x1400, $0x38;
	[tilespmem:$0x1DD90] =	vst v63  }
0x4c: {  	_ =	swait.ge [sflag:s21], $0x1400  }
0x4d: {  	[sflag:s21] =	ssyncset.done $0x0  }
0x4e: {  	[sflag:s21] =	ssyncadd.s32 $0xFFFFEC00  }
0x4f: {  	[spmem:s17] =	stream.linear.scatter [tilespmem:s26], [sflag:$0x3], $0x1400, $0x38;
	[tilespmem:$0x1DD90] =	vst v63  }
0x50: {  	_ =	swait.ge [sflag:s21], $0x1400  }
0x51: {  	[sflag:s21] =	ssyncset.done $0x0  }
0x52: {  	s1 =	simm.s32 $0x40;
	s5 =	simm.s32 $0x0;
	[sflag:s21] =	ssyncadd.s32 $0xFFFFEC00  }
.LBB2_4:
0x53: {  	p1 =	sne.s32 s1, $0x9FC0;
	[tilespmem:s5+$0x11580] =	vst v1;
	s5 =	smov.u32 s1;
	s1 =	sadd.s32 $0x40, s1  }
.Ltmp1:
0x54: {  	(pc) =	sbr.rel @p1 .LBB2_4-.Ltmp1, $2  }
0x55: {  	_ =	sdelay $0x2  }
0x56: {  	s5 =	sshra.s32 s5, $0x2  }
0x57: {  	[tilespmem:s5+$0x11580] =	vst v1  }
0x58: {  	[bflag:$0x0] =	sbarrier.arrive $0xFFFF  }
0x59: {  	v3 =	vld [tilespmem:$0x5000]  }
0x5a: {  	v4 =	vld [tilespmem:$0x9E20];
	_ =	sdelay $0x5  }
0x5b: {  	s24 =	simm.s32 $0x0;
	v2 =	vld [tilespmem:$0x13D80]  }
0x5c: {  	v5 =	vld.idx.msk [tilespmem:v3+s24+$0x0], $0xffff  }
0x5d: {  	v6 =	vld.idx.msk [tilespmem:v4+s22+$0x0], $0xffff;
	_ =	sdelay $0x4  }
0x5e: {  	v5 =	vadd.f32 v6, v5;
	v6 =	vadd.f32 v6, v2;
	_ =	sdelay $0x1  }
0x5f: {  	v7 =	vmul.f32 $2.000000030e-01, v5;
	v8 =	vmul.f32 $2.000000030e-01, v6  }
0x60: {  	vm0 =	vge.f32 v5, $0.0e+00;
	vm1 =	vge.f32 v6, $0.0e+00  }
0x61: {  	v5 =	vsel vm0, v5, v7;
	v6 =	vsel vm1, v6, v8  }
0x62: {  	v5 =	vsub.f32 v5, v6;
	_ =	sdelay $0x1  }
0x63: {  	v5 =	vmul.f32 $1.442695020e+00, v5;
	_ =	sdelay $0x1  }
0x64: {  	(erf) = vpow2.f32 v5;
	_ =	sdelay $0x8  }
0x65: {  	v5 =	vpop (erf)  }
0x66: {  	[tilespmem:$0xECE0] =	vst v5  }
0x67: {  	[tilespmem:v4+s28+$0x0] =	vst.idx.add.f32.msk $0xffff, v5  }
0x68: {  	v4 =	vld [tilespmem:$0x5010]  }
0x69: {  	v5 =	vld [tilespmem:$0x9E30];
	_ =	sdelay $0x3  }
0x6a: {  	v3 =	vshll.u32 v3, $0x1  }
0x6b: {  	v3 =	vor.u32 v0, v3  }
0x6c: {  	[tilespmem:$0xEC40] =	vst v3  }
0x6d: {  	v3 =	vld.idx.msk [tilespmem:v4+s24+$0x0], $0xffff  }
0x6e: {  	v52 =	vld.idx.msk [tilespmem:v5+s22+$0x0], $0xffff;
	_ =	sdelay $0x4  }
0x6f: {  	v3 =	vadd.f32 v52, v3;
	v6 =	vadd.f32 v52, v2;
	_ =	sdelay $0x1  }
0x70: {  	v53 =	vmul.f32 $2.000000030e-01, v3;
	v54 =	vmul.f32 $2.000000030e-01, v6  }
0x71: {  	vm8 =	vge.f32 v3, $0.0e+00;
	vm9 =	vge.f32 v6, $0.0e+00  }
0x72: {  	v3 =	vsel vm8, v3, v53;
	v6 =	vsel vm9, v6, v54  }
0x73: {  	v3 =	vsub.f32 v3, v6;
	_ =	sdelay $0x1  }
0x74: {  	v3 =	vmul.f32 $1.442695020e+00, v3;
	_ =	sdelay $0x1  }
0x75: {  	(erf) = vpow2.f32 v3;
	_ =	sdelay $0x8  }
0x76: {  	v3 =	vpop (erf)  }
0x77: {  	[tilespmem:$0xECF0] =	vst v3  }
0x78: {  	[tilespmem:v5+s28+$0x0] =	vst.idx.add.f32.msk $0xffff, v3  }
0x79: {  	v3 =	vld [tilespmem:$0x5020]  }
0x7a: {  	v5 =	vld [tilespmem:$0x9E40];
	_ =	sdelay $0x3  }
0x7b: {  	v4 =	vshll.u32 v4, $0x1  }
0x7c: {  	v4 =	vor.u32 v0, v4  }
0x7d: {  	[tilespmem:$0xEC50] =	vst v4  }
0x7e: {  	v4 =	vld.idx.msk [tilespmem:v3+s24+$0x0], $0xffff  }
0x7f: {  	v55 =	vld.idx.msk [tilespmem:v5+s22+$0x0], $0xffff;
	_ =	sdelay $0x4  }
0x80: {  	v4 =	vadd.f32 v55, v4;
	v6 =	vadd.f32 v55, v2;
	_ =	sdelay $0x1  }
0x81: {  	v56 =	vmul.f32 $2.000000030e-01, v4;
	v57 =	vmul.f32 $2.000000030e-01, v6  }
0x82: {  	vm10 =	vge.f32 v4, $0.0e+00;
	vm11 =	vge.f32 v6, $0.0e+00  }
0x83: {  	v4 =	vsel vm10, v4, v56;
	v6 =	vsel vm11, v6, v57  }
0x84: {  	v4 =	vsub.f32 v4, v6;
	_ =	sdelay $0x1  }
0x85: {  	v4 =	vmul.f32 $1.442695020e+00, v4;
	_ =	sdelay $0x1  }
0x86: {  	(erf) = vpow2.f32 v4;
	_ =	sdelay $0x8  }
0x87: {  	v4 =	vpop (erf)  }
0x88: {  	[tilespmem:$0xED00] =	vst v4  }
0x89: {  	[tilespmem:v5+s28+$0x0] =	vst.idx.add.f32.msk $0xffff, v4  }
0x8a: {  	v4 =	vld [tilespmem:$0x5030]  }
0x8b: {  	v5 =	vld [tilespmem:$0x9E50];
	_ =	sdelay $0x3  }
0x8c: {  	v3 =	vshll.u32 v3, $0x1  }
0x8d: {  	v3 =	vor.u32 v0, v3  }
0x8e: {  	[tilespmem:$0xEC60] =	vst v3  }
0x8f: {  	v3 =	vld.idx.msk [tilespmem:v4+s24+$0x0], $0xffff  }
0x90: {  	v58 =	vld.idx.msk [tilespmem:v5+s22+$0x0], $0xffff;
	_ =	sdelay $0x4  }
0x91: {  	v3 =	vadd.f32 v58, v3;
	v6 =	vadd.f32 v58, v2;
	_ =	sdelay $0x1  }
0x92: {  	v59 =	vmul.f32 $2.000000030e-01, v3;
	v60 =	vmul.f32 $2.000000030e-01, v6  }
0x93: {  	vm12 =	vge.f32 v3, $0.0e+00;
	vm13 =	vge.f32 v6, $0.0e+00  }
0x94: {  	v3 =	vsel vm12, v3, v59;
	v6 =	vsel vm13, v6, v60  }
0x95: {  	v3 =	vsub.f32 v3, v6;
	_ =	sdelay $0x1  }
0x96: {  	v3 =	vmul.f32 $1.442695020e+00, v3;
	_ =	sdelay $0x1  }
0x97: {  	(erf) = vpow2.f32 v3;
	_ =	sdelay $0x8  }
0x98: {  	v3 =	vpop (erf)  }
0x99: {  	[tilespmem:$0xED10] =	vst v3  }
0x9a: {  	[tilespmem:v5+s28+$0x0] =	vst.idx.add.f32.msk $0xffff, v3  }
0x9b: {  	v3 =	vld [tilespmem:$0x5040]  }
0x9c: {  	v5 =	vld [tilespmem:$0x9E60];
	_ =	sdelay $0x3  }
0x9d: {  	v4 =	vshll.u32 v4, $0x1  }
0x9e: {  	v4 =	vor.u32 v0, v4  }
0x9f: {  	[tilespmem:$0xEC70] =	vst v4  }
0xa0: {  	v4 =	vld.idx.msk [tilespmem:v3+s24+$0x0], $0xffff  }
0xa1: {  	v61 =	vld.idx.msk [tilespmem:v5+s22+$0x0], $0xffff;
	_ =	sdelay $0x4  }
0xa2: {  	v4 =	vadd.f32 v61, v4;
	v6 =	vadd.f32 v61, v2;
	_ =	sdelay $0x1  }
0xa3: {  	v62 =	vmul.f32 $2.000000030e-01, v4;
	v63 =	vmul.f32 $2.000000030e-01, v6  }
0xa4: {  	vm14 =	vge.f32 v4, $0.0e+00;
	vm15 =	vge.f32 v6, $0.0e+00  }
0xa5: {  	v4 =	vsel vm14, v4, v62;
	v6 =	vsel vm15, v6, v63  }
0xa6: {  	v4 =	vsub.f32 v4, v6;
	_ =	sdelay $0x1  }
0xa7: {  	v4 =	vmul.f32 $1.442695020e+00, v4;
	_ =	sdelay $0x1  }
0xa8: {  	(erf) = vpow2.f32 v4;
	_ =	sdelay $0x8  }
0xa9: {  	v4 =	vpop (erf)  }
0xaa: {  	v3 =	vshll.u32 v3, $0x1;
	[tilespmem:$0xED20] =	vst v4  }
0xab: {  	v3 =	vor.u32 v0, v3;
	[tilespmem:v5+s28+$0x0] =	vst.idx.add.f32.msk $0xffff, v4  }
0xac: {  	s1 =	simm.s32 $0xEC40;
	[tilespmem:$0xEC80] =	vst v3  }
0xad: {  	[tilespmem:s26], [sflag:$0x1] =	stream.indirect.gather [hbm4b:s4+s29], $0x40, s1, s29, $0xb8;
	[tilespmem:$0x1DD90] =	vst v63  }
.LBB2_6:
0xae: {  	p1 =	seq.s32 s24, $0x0  }
0xaf: {  	p2 =	seq.s32 @!p1 s24, $0xF9  }
0xb0: {  	_ =	swait.ge [sflag:s31], $0x1400;
	p2 =	por p1, !p2  }
.Ltmp2:
0xb1: {  	[sflag:s31] =	ssyncset.done $0x0;
	(pc) =	sbr.rel @!p2 .LBB2_8-.Ltmp2, $4  }
0xb2: {  	s5 =	simm.s32 @!p1 $0x2;
	[sflag:s31] =	ssyncadd.s32 $0xFFFFEC00  }
0xb3: {  	_ =	swait.ge @!p1 [sflag:s5], $0x1400  }
0xb4: {  	[sflag:s5] =	ssyncset.done @!p1 $0x0  }
0xb5: {  	s1 =	sand.u32 $0x1, s24;
	s25 =	simm.s32 @!p1 $0xFA;
	[sflag:s5] =	ssyncadd.s32 @!p1 $0xFFFFEC00  }
0xb6: {  	s25 =	sadd.s32 @!p1 $0x1, s24  }
0xb7: {  	s25 =	simm.s32 @p1 $0x1  }
0xb8: {  	s6 =	smul.u32 $0x50, s25;
	_ =	sdelay $0x1  }
0xb9: {  	v3 =	vld [tilespmem:s6+$0x5000]  }
0xba: {  	v4 =	vld [tilespmem:s6+$0x9E20];
	_ =	sdelay $0x6  }
0xbb: {  	v5 =	vld.idx.msk [tilespmem:v3+s3+$0x0], $0xffff  }
0xbc: {  	v6 =	vld.idx.msk [tilespmem:v4+s22+$0x0], $0xffff;
	_ =	sdelay $0x4  }
0xbd: {  	v5 =	vadd.f32 v6, v5;
	v6 =	vadd.f32 v6, v2;
	_ =	sdelay $0x1  }
0xbe: {  	v7 =	vmul.f32 $2.000000030e-01, v5;
	v8 =	vmul.f32 $2.000000030e-01, v6  }
0xbf: {  	vm0 =	vge.f32 v5, $0.0e+00;
	vm1 =	vge.f32 v6, $0.0e+00  }
0xc0: {  	v5 =	vsel vm0, v5, v7;
	v6 =	vsel vm1, v6, v8  }
0xc1: {  	v5 =	vsub.f32 v5, v6;
	_ =	sdelay $0x1  }
0xc2: {  	v5 =	vmul.f32 $1.442695020e+00, v5;
	_ =	sdelay $0x1  }
0xc3: {  	(erf) = vpow2.f32 v5;
	_ =	sdelay $0x6  }
0xc4: {  	s7 =	sxor.u32 $0x1, s1  }
0xc5: {  	s5 =	smul.u32 $0x50, s7  }
0xc6: {  	v5 =	vpop (erf)  }
0xc7: {  	v3 =	vshll.u32 v3, $0x1;
	[tilespmem:s5+$0xECE0] =	vst v5  }
0xc8: {  	v3 =	vor.u32 v0, v3;
	[tilespmem:v4+s28+$0x0] =	vst.idx.add.f32.msk $0xffff, v5  }
0xc9: {  	[tilespmem:s5+$0xEC40] =	vst v3  }
0xca: {  	v3 =	vld [tilespmem:s6+$0x5010]  }
0xcb: {  	v4 =	vld [tilespmem:s6+$0x9E30];
	_ =	sdelay $0x6  }
0xcc: {  	v5 =	vld.idx.msk [tilespmem:v3+s3+$0x0], $0xffff  }
0xcd: {  	v52 =	vld.idx.msk [tilespmem:v4+s22+$0x0], $0xffff;
	_ =	sdelay $0x4  }
0xce: {  	v5 =	vadd.f32 v52, v5;
	v6 =	vadd.f32 v52, v2;
	_ =	sdelay $0x1  }
0xcf: {  	v53 =	vmul.f32 $2.000000030e-01, v5;
	v54 =	vmul.f32 $2.000000030e-01, v6  }
0xd0: {  	vm8 =	vge.f32 v5, $0.0e+00;
	vm9 =	vge.f32 v6, $0.0e+00  }
0xd1: {  	v5 =	vsel vm8, v5, v53;
	v6 =	vsel vm9, v6, v54  }
0xd2: {  	v5 =	vsub.f32 v5, v6;
	_ =	sdelay $0x1  }
0xd3: {  	v5 =	vmul.f32 $1.442695020e+00, v5;
	_ =	sdelay $0x1  }
0xd4: {  	(erf) = vpow2.f32 v5;
	_ =	sdelay $0x8  }
0xd5: {  	v5 =	vpop (erf)  }
0xd6: {  	v3 =	vshll.u32 v3, $0x1;
	[tilespmem:s5+$0xECF0] =	vst v5  }
0xd7: {  	v3 =	vor.u32 v0, v3;
	[tilespmem:v4+s28+$0x0] =	vst.idx.add.f32.msk $0xffff, v5  }
0xd8: {  	[tilespmem:s5+$0xEC50] =	vst v3  }
0xd9: {  	v3 =	vld [tilespmem:s6+$0x5020]  }
0xda: {  	v4 =	vld [tilespmem:s6+$0x9E40];
	_ =	sdelay $0x6  }
0xdb: {  	v5 =	vld.idx.msk [tilespmem:v3+s3+$0x0], $0xffff  }
0xdc: {  	v55 =	vld.idx.msk [tilespmem:v4+s22+$0x0], $0xffff;
	_ =	sdelay $0x4  }
0xdd: {  	v5 =	vadd.f32 v55, v5;
	v6 =	vadd.f32 v55, v2;
	_ =	sdelay $0x1  }
0xde: {  	v56 =	vmul.f32 $2.000000030e-01, v5;
	v57 =	vmul.f32 $2.000000030e-01, v6  }
0xdf: {  	vm10 =	vge.f32 v5, $0.0e+00;
	vm11 =	vge.f32 v6, $0.0e+00  }
0xe0: {  	v5 =	vsel vm10, v5, v56;
	v6 =	vsel vm11, v6, v57  }
0xe1: {  	v5 =	vsub.f32 v5, v6;
	_ =	sdelay $0x1  }
0xe2: {  	v5 =	vmul.f32 $1.442695020e+00, v5;
	_ =	sdelay $0x1  }
0xe3: {  	(erf) = vpow2.f32 v5;
	_ =	sdelay $0x8  }
0xe4: {  	v5 =	vpop (erf)  }
0xe5: {  	v3 =	vshll.u32 v3, $0x1;
	[tilespmem:s5+$0xED00] =	vst v5  }
0xe6: {  	v3 =	vor.u32 v0, v3;
	[tilespmem:v4+s28+$0x0] =	vst.idx.add.f32.msk $0xffff, v5  }
0xe7: {  	[tilespmem:s5+$0xEC60] =	vst v3  }
0xe8: {  	v3 =	vld [tilespmem:s6+$0x5030]  }
0xe9: {  	v4 =	vld [tilespmem:s6+$0x9E50];
	_ =	sdelay $0x6  }
0xea: {  	v5 =	vld.idx.msk [tilespmem:v3+s3+$0x0], $0xffff  }
0xeb: {  	v58 =	vld.idx.msk [tilespmem:v4+s22+$0x0], $0xffff;
	_ =	sdelay $0x4  }
0xec: {  	v5 =	vadd.f32 v58, v5;
	v6 =	vadd.f32 v58, v2;
	_ =	sdelay $0x1  }
0xed: {  	v59 =	vmul.f32 $2.000000030e-01, v5;
	v60 =	vmul.f32 $2.000000030e-01, v6  }
0xee: {  	vm12 =	vge.f32 v5, $0.0e+00;
	vm13 =	vge.f32 v6, $0.0e+00  }
0xef: {  	v5 =	vsel vm12, v5, v59;
	v6 =	vsel vm13, v6, v60  }
0xf0: {  	v5 =	vsub.f32 v5, v6;
	_ =	sdelay $0x1  }
0xf1: {  	v5 =	vmul.f32 $1.442695020e+00, v5;
	_ =	sdelay $0x1  }
0xf2: {  	(erf) = vpow2.f32 v5;
	_ =	sdelay $0x8  }
0xf3: {  	v5 =	vpop (erf)  }
0xf4: {  	v3 =	vshll.u32 v3, $0x1;
	[tilespmem:s5+$0xED10] =	vst v5  }
0xf5: {  	v3 =	vor.u32 v0, v3;
	[tilespmem:v4+s28+$0x0] =	vst.idx.add.f32.msk $0xffff, v5  }
0xf6: {  	[tilespmem:s5+$0xEC70] =	vst v3  }
0xf7: {  	v3 =	vld [tilespmem:s6+$0x5040]  }
0xf8: {  	v4 =	vld [tilespmem:s6+$0x9E60];
	_ =	sdelay $0x6  }
0xf9: {  	v5 =	vld.idx.msk [tilespmem:v3+s3+$0x0], $0xffff  }
0xfa: {  	v61 =	vld.idx.msk [tilespmem:v4+s22+$0x0], $0xffff;
	_ =	sdelay $0x4  }
0xfb: {  	v5 =	vadd.f32 v61, v5;
	v6 =	vadd.f32 v61, v2;
	_ =	sdelay $0x1  }
0xfc: {  	v62 =	vmul.f32 $2.000000030e-01, v5;
	v63 =	vmul.f32 $2.000000030e-01, v6  }
0xfd: {  	vm14 =	vge.f32 v5, $0.0e+00;
	vm15 =	vge.f32 v6, $0.0e+00  }
0xfe: {  	v5 =	vsel vm14, v5, v62;
	v6 =	vsel vm15, v6, v63  }
0xff: {  	v5 =	vsub.f32 v5, v6;
	_ =	sdelay $0x1  }
0x100: {  	v5 =	vmul.f32 $1.442695020e+00, v5;
	_ =	sdelay $0x1  }
0x101: {  	(erf) = vpow2.f32 v5;
	_ =	sdelay $0x8  }
0x102: {  	s8 =	smul.u32 $0x5000, s7;
	v5 =	vpop (erf)  }
0x103: {  	v3 =	vshll.u32 v3, $0x1;
	[tilespmem:s5+$0xED20] =	vst v5  }
0x104: {  	s6 =	sshrl.u32 s8, $0x2;
	v3 =	vor.u32 v0, v3;
	[tilespmem:v4+s28+$0x0] =	vst.idx.add.f32.msk $0xffff, v5  }
0x105: {  	s9 =	sadd.s32 $0xEC40, s5;
	s30 =	sadd.s32 $0xED80, s6;
	[tilespmem:s5+$0xEC80] =	vst v3  }
0x106: {  	[tilespmem:s30], [sflag:$0x1] =	stream.indirect.gather [hbm4b:s4+s29], $0x40, s9, s29, $0xb8;
	[tilespmem:$0x1DD90] =	vst v63  }
.LBB2_8:
0x107: {  	s5 =	simm.s32 $0x0  }
0x108: {  	v3 =	vmov s5  }
0x109: {  	s9 =	simm.s32 $0x3;
	s6 =	simm.s32 $0x1;
	v3 =	vand.u32 $0xFFFFFFFC, v3  }
0x10a: {  	v4 =	vmov s9;
	v5 =	vmov s6;
	v6 =	vbroadcast v3, $0x0  }
0x10b: {  	s7 =	smul.u32 $0x140, s1;
	s6 =	simm.s32 $0x2;
	v3 =	vand.u32 $0xFFFFFFFD, v5  }
0x10c: {  	v5 =	vmov s6;
	v7 =	vbroadcast v3, $0x0  }
0x10d: {  	s8 =	smul.u32 $0x5000, s1;
	s5 =	sshrl.u32 s7, $0x2;
	v3 =	vand.u32 $0xFFFFFFFE, v5  }
0x10e: {  	s5 =	sadd.s32 $0xECE0, s5;
	v8 =	vbroadcast v3, $0x0  }
0x10f: {  	s6 =	sshrl.u32 s8, $0x2;
	v3 =	vld.idx.msk [tilespmem:v4+s5+$0x0], $0xffff  }
0x110: {  	s1 =	sadd.s32 $0xEE00, s6;
	v10 =	vld.idx.msk [tilespmem:v6+s5+$0x0], $0xffff  }
0x111: {  	v6 =	vld [tilespmem:s1+$0x30]  }
0x112: {  	v5 =	vld.idx.msk [tilespmem:v7+s5+$0x0], $0xffff  }
0x113: {  	v7 =	vld [tilespmem:s1+$0xFFFFFF80]  }
0x114: {  	v4 =	vld.idx.msk [tilespmem:v8+s5+$0x0], $0xffff  }
0x115: {  	v8 =	vld [tilespmem:s1+$0xFFFFFF90]  }
0x116: {  	v9 =	vld [tilespmem:s1+$0xFFFFFFA0]  }
0x117: {  	v11 =	vld [tilespmem:s1+$0xFFFFFFB0]  }
0x118: {  	v12 =	vld [tilespmem:s1+$0xFFFFFFC0];
	v14 =	vmul.f32 v7, v10  }
0x119: {  	v7 =	vld [tilespmem:s1+$0xFFFFFFD0];
	v13 =	vmul.f32 v6, v4  }
0x11a: {  	s7 =	simm.s32 $0x4;
	v15 =	vmul.f32 v8, v10;
	v6 =	vld [tilespmem:s1+$0xFFFFFFE0];
	[tilespmem:s1+$0xFFFFFF80] =	vst v14  }
0x11b: {  	s9 =	simm.s32 $0x7;
	v8 =	vmov s7;
	v14 =	vmul.f32 v9, v10;
	v9 =	vld [tilespmem:s1+$0xFFFFFFF0];
	[tilespmem:s1+$0x30] =	vst v13  }
0x11c: {  	s8 =	simm.s32 $0x5;
	s30 =	sadd.s32 $0xED80, s6;
	v16 =	vand.u32 $0xFFFFFFFC, v8;
	v8 =	vmov s9;
	[tilespmem:s1+$0xFFFFFF90] =	vst v15;
	v13 =	vmul.f32 v11, v10;
	v11 =	vld [tilespmem:s1+$0x0]  }
0x11d: {  	s6 =	smov.u32 s1;
	s7 =	simm.s32 $0x8;
	v10 =	vbroadcast v16, $0x0;
	v15 =	vmov s8;
	s8 =	simm.s32 $0x6;
	[tilespmem:s1+$0xFFFFFFA0] =	vst v14;
	v14 =	vmul.f32 v12, v5;
	v12 =	vld [tilespmem:s1+$0x10]  }
.LBB2_9:
0x11e: {  	p1 =	slt.u32 s7, $0x4C;
	v15 =	vand.u32 $0xFFFFFFFD, v15;
	v16 =	vmov s8;
	[tilespmem:s1+$0xFFFFFFB0] =	vst v13;
	v7 =	vmul.f32 v7, v5;
	v13 =	vld [tilespmem:s1+$0x20]  }
0x11f: {  	v15 =	vbroadcast v15, $0x0;
	v16 =	vand.u32 $0xFFFFFFFE, v16;
	[tilespmem:s1+$0xFFFFFFC0] =	vst v14;
	v6 =	vmul.f32 v6, v5;
	v14 =	vld [tilespmem:s1+$0x40]  }
0x120: {  	v16 =	vbroadcast v16, $0x0;
	[tilespmem:s1+$0xFFFFFFD0] =	vst v7;
	v5 =	vmul.f32 v9, v5;
	v7 =	vld [tilespmem:s1+$0x50]  }
0x121: {  	[tilespmem:s1+$0xFFFFFFE0] =	vst v6;
	v6 =	vmul.f32 v11, v4;
	v9 =	vld [tilespmem:s1+$0x60]  }
0x122: {  	[tilespmem:s1+$0xFFFFFFF0] =	vst v5;
	v5 =	vmul.f32 v12, v4;
	v11 =	vld [tilespmem:s1+$0x70]  }
0x123: {  	v8 =	vld.idx.msk [tilespmem:v8+s5+$0x0], $0xffff;
	[tilespmem:s1+$0x0] =	vst v6;
	v4 =	vmul.f32 v13, v4  }
0x124: {  	v10 =	vld.idx.msk [tilespmem:v10+s5+$0x0], $0xffff;
	[tilespmem:s1+$0x10] =	vst v5;
	v6 =	vmul.f32 v14, v3  }
0x125: {  	v5 =	vld.idx.msk [tilespmem:v15+s5+$0x0], $0xffff;
	[tilespmem:s1+$0x20] =	vst v4;
	v7 =	vmul.f32 v7, v3  }
0x126: {  	s1 =	sadd.s32 $0x100, s1;
	v4 =	vld.idx.msk [tilespmem:v16+s5+$0x0], $0xffff;
	[tilespmem:s6+$0x40] =	vst v6;
	v6 =	vmul.f32 v9, v3  }
0x127: {  	v9 =	vld [tilespmem:s1+$0x30];
	[tilespmem:s6+$0x50] =	vst v7;
	v11 =	vmul.f32 v11, v3  }
0x128: {  	v7 =	vld [tilespmem:s1+$0xFFFFFF80];
	[tilespmem:s6+$0x60] =	vst v6  }
0x129: {  	v3 =	vmov v8;
	v6 =	vld [tilespmem:s1+$0xFFFFFF90];
	[tilespmem:s6+$0x70] =	vst v11;
	s6 =	smov.u32 s1  }
0x12a: {  	v8 =	vld [tilespmem:s1+$0xFFFFFFA0]  }
0x12b: {  	v11 =	vld [tilespmem:s1+$0xFFFFFFB0]  }
0x12c: {  	v12 =	vld [tilespmem:s1+$0xFFFFFFC0];
	v9 =	vmul.f32 v9, v4  }
.Ltmp3:
0x12d: {  	v13 =	vmul.f32 v7, v10;
	v7 =	vld [tilespmem:s1+$0xFFFFFFD0];
	(pc) =	sbr.rel @p1 .LBB2_9-.Ltmp3, $4  }
0x12e: {  	v14 =	vmul.f32 v6, v10;
	v6 =	vld [tilespmem:s1+$0xFFFFFFE0];
	[tilespmem:s1+$0x30] =	vst v9  }
0x12f: {  	s8 =	sadd.s32 $0x3, s7;
	v15 =	vmov s7;
	[tilespmem:s1+$0xFFFFFF80] =	vst v13;
	v16 =	vmul.f32 v8, v10;
	v9 =	vld [tilespmem:s1+$0xFFFFFFF0]  }
0x130: {  	s9 =	sadd.s32 $0x1, s7;
	v15 =	vand.u32 $0xFFFFFFFC, v15;
	v8 =	vmov s8;
	[tilespmem:s1+$0xFFFFFF90] =	vst v14;
	v13 =	vmul.f32 v11, v10;
	v11 =	vld [tilespmem:s1+$0x0]  }
0x131: {  	s8 =	sadd.s32 $0x2, s7;
	s7 =	sadd.s32 $0x4, s7;
	v10 =	vbroadcast v15, $0x0;
	v15 =	vmov s9;
	[tilespmem:s1+$0xFFFFFFA0] =	vst v16;
	v14 =	vmul.f32 v12, v5;
	v12 =	vld [tilespmem:s1+$0x10]  }
0x132: {  	v17 =	vld [tilespmem:s1+$0x20]  }
0x133: {  	v18 =	vld [tilespmem:s1+$0x40]  }
0x134: {  	v19 =	vld [tilespmem:s1+$0x50]  }
0x135: {  	v20 =	vld [tilespmem:s1+$0x60]  }
0x136: {  	[tilespmem:s1+$0xFFFFFFB0] =	vst v13;
	v7 =	vmul.f32 v7, v5;
	v32 =	vld [tilespmem:s1+$0x70]  }
0x137: {  	v8 =	vld.idx.msk [tilespmem:v8+s5+$0x0], $0xffff;
	[tilespmem:s1+$0xFFFFFFC0] =	vst v14;
	v6 =	vmul.f32 v6, v5  }
0x138: {  	s9 =	sadd.s32 $0x100, s1;
	v34 =	vld.idx.msk [tilespmem:v10+s5+$0x0], $0xffff;
	[tilespmem:s1+$0xFFFFFFD0] =	vst v7;
	v33 =	vmul.f32 v9, v5  }
0x139: {  	v15 =	vand.u32 $0xFFFFFFFD, v15;
	v42 =	vld [tilespmem:s9+$0xFFFFFF80];
	[tilespmem:s1+$0xFFFFFFE0] =	vst v6;
	v35 =	vmul.f32 v11, v4  }
0x13a: {  	v15 =	vbroadcast v15, $0x0;
	v44 =	vld [tilespmem:s9+$0xFFFFFF90];
	[tilespmem:s1+$0xFFFFFFF0] =	vst v33;
	v37 =	vmul.f32 v12, v4  }
0x13b: {  	v46 =	vld [tilespmem:s9+$0xFFFFFFA0];
	[tilespmem:s1+$0x0] =	vst v35;
	v39 =	vmul.f32 v17, v4  }
0x13c: {  	v16 =	vmov s8;
	v47 =	vld [tilespmem:s9+$0xFFFFFFB0];
	v41 =	vmul.f32 v18, v3;
	[tilespmem:s1+$0x10] =	vst v37  }
0x13d: {  	v16 =	vand.u32 $0xFFFFFFFE, v16;
	v48 =	vld [tilespmem:s9+$0xFFFFFFC0];
	v43 =	vmul.f32 v19, v3;
	[tilespmem:s1+$0x20] =	vst v39  }
0x13e: {  	v49 =	vld [tilespmem:s9+$0xFFFFFFD0];
	v16 =	vbroadcast v16, $0x0;
	v45 =	vmul.f32 v20, v3;
	[tilespmem:s6+$0x40] =	vst v41  }
0x13f: {  	v56 =	vld [tilespmem:s9+$0x40];
	v3 =	vmul.f32 v32, v3;
	[tilespmem:s6+$0x50] =	vst v43  }
0x140: {  	v12 =	vmul.f32 v44, v34;
	v36 =	vld.idx.msk [tilespmem:v15+s5+$0x0], $0xffff;
	[tilespmem:s6+$0x60] =	vst v45  }
0x141: {  	v59 =	vld [tilespmem:s9+$0x60];
	[tilespmem:s6+$0x70] =	vst v3;
	v3 =	vmul.f32 v42, v34  }
0x142: {  	v50 =	vld [tilespmem:s9+$0xFFFFFFE0];
	v4 =	vmul.f32 v47, v34;
	[tilespmem:s9+$0xFFFFFF90] =	vst v12  }
0x143: {  	v52 =	vld [tilespmem:s9+$0x0];
	[tilespmem:s9+$0xFFFFFF80] =	vst v3;
	v3 =	vmul.f32 v46, v34  }
0x144: {  	v62 =	vmul.f32 v56, v8;
	v38 =	vld.idx.msk [tilespmem:v16+s5+$0x0], $0xffff;
	[tilespmem:s9+$0xFFFFFFB0] =	vst v4  }
0x145: {  	v51 =	vld [tilespmem:s9+$0xFFFFFFF0];
	[tilespmem:s9+$0xFFFFFFA0] =	vst v3;
	v3 =	vmul.f32 v48, v36  }
0x146: {  	v55 =	vld [tilespmem:s9+$0x20];
	v63 =	vmul.f32 v59, v8;
	[tilespmem:s9+$0x40] =	vst v62  }
0x147: {  	v40 =	vld [tilespmem:s9+$0x30];
	[tilespmem:s9+$0xFFFFFFC0] =	vst v3;
	v3 =	vmul.f32 v50, v36  }
0x148: {  	v58 =	vld [tilespmem:s9+$0x50];
	[tilespmem:s9+$0x60] =	vst v63;
	v54 =	vmul.f32 v49, v36  }
0x149: {  	v53 =	vld [tilespmem:s9+$0x10];
	[tilespmem:s9+$0xFFFFFFE0] =	vst v3;
	v3 =	vmul.f32 v52, v38  }
0x14a: {  	v61 =	vld [tilespmem:s9+$0x70];
	v57 =	vmul.f32 v51, v36;
	[tilespmem:s9+$0xFFFFFFD0] =	vst v54  }
0x14b: {  	[tilespmem:s9+$0x0] =	vst v3;
	v3 =	vmul.f32 v55, v38  }
0x14c: {  	v6 =	vmul.f32 v40, v38;
	[tilespmem:s9+$0xFFFFFFF0] =	vst v57  }
0x14d: {  	s24 =	smul.u32 $0x140, s24;
	p1 =	slt.u32 s25, $0xFA;
	[tilespmem:s9+$0x20] =	vst v3;
	v3 =	vmul.f32 v58, v8  }
.Ltmp4:
0x14e: {  	v60 =	vmul.f32 v53, v38;
	[tilespmem:s9+$0x30] =	vst v6;
	(pc) =	sbr.rel @p1 .LBB2_6-.Ltmp4, $4  }
0x14f: {  	[tilespmem:s9+$0x50] =	vst v3;
	v3 =	vmul.f32 v61, v8  }
0x150: {  	s1 =	sshra.s32 s24, $0x2;
	[tilespmem:s9+$0x10] =	vst v60  }
0x151: {  	s24 =	smov.u32 s25;
	s1 =	sadd.s32 $0x9E20, s1;
	[tilespmem:s9+$0x70] =	vst v3  }
0x152: {  	[spmem:s2] =	stream.indirect.scatter.add.f32 [tilespmem:s30], [sflag:$0x2], $0x40, s1, s29, $0xb8;
	[tilespmem:$0x1DD90] =	vst v63  }
0x153: {  	_ =	swait.ge [sflag:s0], $0x1400  }
0x154: {  	[sflag:s0] =	ssyncset.done $0x0  }
0x155: {  	s1 =	simm.s32 @!p0 $0x0;
	s5 =	simm.s32 @!p0 $0x11580;
	[sflag:s0] =	ssyncadd.s32 $0xFFFFEC00  }
0x156: {  	[hbm4b:s18+s1] =	stream.linear.scatter @!p0 [tilespmem:s5], [sflag:$0x3], $0x2800, $0x38;
	[tilespmem:$0x1DD90] =	vst v63  }
0x157: {  	s1 =	simm.s32 @!p0 $0x3  }
0x158: {  	s25 =	stileid.u32;
	_ =	swait.ge @!p0 [sflag:s1], $0x2800  }
0x159: {  	s30 =	sshrl.u32 s10, $0x3;
	s23 =	sadd.s32 $0x1, s23;
	[sflag:s1] =	ssyncset.done @!p0 $0x0  }
0x15a: {  	p1 =	sne.s32 s23, s20;
	[sflag:s1] =	ssyncadd.s32 @!p0 $0xFFFFD800;
	s1 =	sshll.u32 s25, $0x6  }
.Ltmp5:
0x15b: {  	[bflag:$0x0] =	sbarrier.arrive $0xFFFF;
	s1 =	sor.u32 $0x1C03, s1;
	(pc) =	sbr.rel @p1 .LBB2_1-.Ltmp5, $4  }
0x15c: {  	[hbm:s19], [sflag:s1] =	dma.local [spmem:s30], $0x1400  }
0x15d: {  	_ =	swait.ge [sflag:s21], $0x1400  }
0x15e: {  	[sflag:s21] =	ssyncset.done $0x0  }
0x15f: {  	[sflag:s21] =	ssyncadd.s32 $0xFFFFEC00  }
0x160: {  	_ =	sfence.sel $0x180000  }
0x161: {  	[bflag:$0x0] =	sbarrier.arrive $0xFFFF  }
0x162: {  	_ =	strace $0x9000004A  }
0x163: {  	s0 =	stileid.u32;
	[bflag:$0x2] =	sbarrier.arrive $0xFFFF  }
0x164: {  	p0 =	sne.s32 s0, $0x0;
	s0 =	rddreg [dreg:$0x3]  }
0x165: {  	s0 =	sadd.s32 @!p0 $0x100000, s0  }
0x166: {  	[sflag:s0] =	ssyncadd.tile.s32 @!p0 $0x1;
	_ =	shalt  }
.Lfunc_end2:
_tile_overlayer_lowered:
.L_overlay_start_2:
0x167: {  	(tag) =	ssettag $0x2  }
0x168: {  	s0 =	rddreg [dreg:$0x0];
	s2 =	stileid.u32  }
0x169: {  	s1 =	rddreg [dreg:$0x1];
	p0 =	sne.s32 s2, $0x0  }
0x16a: {  	s3 =	rddreg [dreg:$0x2];
	[bflag:$0x3] =	sbarrier.arrive $0xFFFF;
	s2 =	simm.s32 @!p0 $0x1C03  }
0x16b: {  	[timem:s3], [sflag:s2] =	dma.local @!p0 [hbm:s0], s1  }
0x16c: {  	s0 =	simm.s32 @!p0 $0x3  }
0x16d: {  	_ =	swait.ge @!p0 [sflag:s0], s1  }
0x16e: {  	s1 =	ssub.s32 @!p0 $0x0, s1;
	[sflag:s0] =	ssyncset.done @!p0 $0x0  }
0x16f: {  	[sflag:s0] =	ssyncadd.s32 @!p0 s1  }
0x170: {  	[bflag:$0x3] =	sbarrier.arrive $0xFFFF  }
0x171: {  	_ =	shalt  }

// kernel: kernel.15.cloned.1.call-start
scs
__scs_entry_jumppad:
0x0: {  	(pc) =	sbr.rel $0x88, $3  }
0x1: {  	(tag) =	ssettag $0x0;
	lr =	simm.s32 $0x1  }
0x2: {  	[smem:$0x3F93] =	sst lr;
	_ =	strace $0xD0000000  }
0x3: {  	_ = 	snop  }
0x4: {  	_ = 	snop  }
0x5: {  	_ = 	snop  }
0x6: {  	_ = 	snop  }
0x7: {  	_ = 	snop  }
__scs_overlays_trampoline_lowered:
0x8: {  	[smem:$0x3FA2] =	sst s0  }
0x9: {  	[smem:$0x3FA3] =	sst s1  }
0xa: {  	[smem:$0x3FA4] =	sst s2  }
0xb: {  	[smem:$0x3FA5] =	sst s3  }
0xc: {  	[smem:$0x3FA6] =	sst s4  }
0xd: {  	[smem:$0x3FA7] =	sst s5  }
0xe: {  	[smem:$0x3FA8] =	sst s6  }
0xf: {  	[smem:$0x3FA9] =	sst s7  }
0x10: {  	[smem:$0x3FAA] =	sst s8  }
0x11: {  	[smem:$0x3FAB] =	sst s9;
	s0 =	simm.s32 @!p0 $0x0  }
0x12: {  	s1 =	sld [smem:$0x3F91];
	s0 =	simm.s32 @p0 $0x1  }
0x13: {  	[smem:$0x3FAC] =	sst s0;
	s0 =	simm.s32 @!p1 $0x0  }
0x14: {  	s2 =	sld [smem:$0x3F90];
	s0 =	simm.s32 @p1 $0x1  }
0x15: {  	[smem:$0x3FAD] =	sst s0;
	s0 =	simm.s32 @!p2 $0x0  }
0x16: {  	s3 =	sld [smem:$0x3FDB];
	s0 =	simm.s32 @p2 $0x1  }
0x17: {  	s4 =	simm.s32 $0x1BF5;
	[smem:$0x3FAF] =	sst s0  }
0x18: {  	s0 =	sld [smem:$0x3F92];
	_ =	swait.ge [sflag:s4], $0x0  }
0x19: {  	s7 =	sld [smem:$0x3F93]  }
0x1a: {  	s8 =	sadd.s32 $0xFFFFE003, lr  }
0x1b: {  	s9 =	sadd.s32 $0xFFFFFEF7, lr;
	s5 =	simm.s32 $0xFFFFFFFF;
	p2 =	slt.u32 s8, $0xFFFFF086  }
0x1c: {  	p1 =	slt.u32 s9, $0xF7A;
	s5 =	simm.s32 @!p2 $0x0  }
0x1d: {  	s5 =	simm.s32 @p1 $0x1;
	p0 =	seq.s32 s7, s2  }
0x1e: {  	s7 =	smul.u32 @!p0 $0xF7A, s2;
	p2 =	seq.s32 @!p0 s5, $0x0  }
0x1f: {  	s9 =	smul.u32 $0xF7A, s1;
	s8 =	simm.s32 @!p0 $0x1BF5;
	p2 =	por !p2, p0  }
0x20: {  	[sflag:s8] =	ssyncset.s32 @!p0 $0xFFFFF086;
	s6 =	sadd.s32 @!p0 s3, s7;
	s7 =	simm.s32 @!p0 $0x108  }
0x21: {  	s3 =	sadd.s32 s3, s9;
	s6 =	sadd.s32 @!p0 $0x88, s6;
	s7 =	simm.s32 @p2 $0x1082  }
0x22: {  	[simem:s7], [sflag:s8] =	dma.local @!p0 [hbm:s6], $0xF7A  }
0x23: {  	s9 =	sor.u32 $0xD0000000, s2;
	s6 =	simm.s32 $0x108;
	_ =	swait.ge @!p0 [sflag:s8], $0x0  }
0x24: {  	s3 =	sadd.s32 $0x88, s3;
	s6 =	simm.s32 @!p1 $0x1082;
	[sflag:s4] =	ssyncset.s32 $0xFFFFF086  }
0x25: {  	[simem:s6], [sflag:s4] =	dma.local [hbm:s3], $0xF7A  }
0x26: {  	[smem:$0x3F93] =	sst s1;
	(tag) =	ssettag s2;
	_ =	strace s9  }
0x27: {  	s1 =	sld [smem:$0x3FA3]  }
0x28: {  	s2 =	sld [smem:$0x3FA4]  }
0x29: {  	s4 =	sld [smem:$0x3FA6]  }
0x2a: {  	p0 =	seq.s32 s5, $0x0;
	s5 =	sld [smem:$0x3FA7]  }
0x2b: {  	s6 =	sld [smem:$0x3FA8]  }
0x2c: {  	s7 =	sld [smem:$0x3FA9]  }
0x2d: {  	s3 =	simm.s32 $0x108;
	s8 =	sld [smem:$0x3FAA]  }
0x2e: {  	s3 =	simm.s32 @!p0 $0x1082;
	s9 =	sld [smem:$0x3FAB]  }
0x2f: {  	lr =	sadd.s32 s0, s3;
	s0 =	sld [smem:$0x3FA2]  }
0x30: {  	s3 =	sld [smem:$0x3FA5]  }
0x31: {  	[smem:$0x3FAE] =	sst s10  }
0x32: {  	s10 =	sld [smem:$0x3FAC];
	_ =	sdelay $0x3  }
0x33: {  	p0 =	seq.s32 s10, $0x1;
	s10 =	sld [smem:$0x3FAE];
	_ =	sdelay $0x3  }
0x34: {  	[smem:$0x3FAE] =	sst s10  }
0x35: {  	s10 =	sld [smem:$0x3FAD];
	_ =	sdelay $0x3  }
0x36: {  	p1 =	seq.s32 s10, $0x1;
	s10 =	sld [smem:$0x3FAE];
	_ =	sdelay $0x3  }
0x37: {  	[smem:$0x3FAE] =	sst s10  }
0x38: {  	s10 =	sld [smem:$0x3FAF]  }
0x39: {  	_ = 	snop;
	(pc) =	sbr.ind lr, $3  }
0x3a: {  	_ = 	snop  }
0x3b: {  	_ = 	snop  }
0x3c: {  	p2 =	seq.s32 s10, $0x1;
	s10 =	sld [smem:$0x3FAE]  }
0x3d: {  	_ =	shalt  }
0x3e: {  	_ =	shalt  }
0x3f: {  	_ =	shalt  }
0x40: {  	_ =	shalt  }
0x41: {  	_ =	shalt  }
0x42: {  	_ =	shalt  }
0x43: {  	_ =	shalt  }
0x44: {  	_ =	shalt  }
0x45: {  	_ =	shalt  }
0x46: {  	_ =	shalt  }
0x47: {  	_ =	shalt  }
0x48: {  	_ =	shalt  }
0x49: {  	_ =	shalt  }
0x4a: {  	_ =	shalt  }
0x4b: {  	_ =	shalt  }
0x4c: {  	_ =	shalt  }
0x4d: {  	_ =	shalt  }
0x4e: {  	_ =	shalt  }
0x4f: {  	_ =	shalt  }
0x50: {  	_ =	shalt  }
0x51: {  	_ =	shalt  }
0x52: {  	_ =	shalt  }
0x53: {  	_ =	shalt  }
0x54: {  	_ =	shalt  }
0x55: {  	_ =	shalt  }
0x56: {  	_ =	shalt  }
0x57: {  	_ =	shalt  }
0x58: {  	_ =	shalt  }
0x59: {  	_ =	shalt  }
0x5a: {  	_ =	shalt  }
0x5b: {  	_ =	shalt  }
0x5c: {  	_ =	shalt  }
0x5d: {  	_ =	shalt  }
0x5e: {  	_ =	shalt  }
0x5f: {  	_ =	shalt  }
0x60: {  	_ =	shalt  }
0x61: {  	_ =	shalt  }
0x62: {  	_ =	shalt  }
0x63: {  	_ =	shalt  }
0x64: {  	_ =	shalt  }
0x65: {  	_ =	shalt  }
0x66: {  	_ =	shalt  }
0x67: {  	_ =	shalt  }
0x68: {  	_ =	shalt  }
0x69: {  	_ =	shalt  }
0x6a: {  	_ =	shalt  }
0x6b: {  	_ =	shalt  }
0x6c: {  	_ =	shalt  }
0x6d: {  	_ =	shalt  }
0x6e: {  	_ =	shalt  }
0x6f: {  	_ =	shalt  }
0x70: {  	_ =	shalt  }
0x71: {  	_ =	shalt  }
0x72: {  	_ =	shalt  }
0x73: {  	_ =	shalt  }
0x74: {  	_ =	shalt  }
0x75: {  	_ =	shalt  }
0x76: {  	_ =	shalt  }
0x77: {  	_ =	shalt  }
0x78: {  	_ =	shalt  }
0x79: {  	_ =	shalt  }
0x7a: {  	_ =	shalt  }
0x7b: {  	_ =	shalt  }
0x7c: {  	_ =	shalt  }
0x7d: {  	_ =	shalt  }
0x7e: {  	_ =	shalt  }
0x7f: {  	_ =	shalt  }
0x80: {  	_ =	shalt  }
0x81: {  	_ =	shalt  }
0x82: {  	_ =	shalt  }
0x83: {  	_ =	shalt  }
0x84: {  	_ =	shalt  }
0x85: {  	_ =	shalt  }
0x86: {  	_ =	shalt  }
0x87: {  	_ =	shalt  }
.Lfunc_end0:
.L_simem_size_0:
called_computation.2_lowered:
.L_overlay_start_0:
0x88: {  	s2 =	sld [smem:$0x3FD9]  }
0x89: {  	s3 =	sld [smem:$0x3FFE];
	_ =	sdelay $0x1  }
0x8a: {  	s1 =	srdreg.scid  }
0x8b: {  	s0 =	sand.u32 $0x1, s1  }
0x8c: {  	s17 =	sshll.u32 s0, $0xA;
	s2 =	sadd.s32 s3, s2  }
0x8d: {  	s2 =	sadd.s32 s2, s17  }
0x8e: {  	[smem:$0x3FBA] =	sst s2  }
0x8f: {  	_ = 	snop  }
0x90: {  	s2 =	sld [smem:$0x3FD0];
	(tm) =	ssettm $0x1  }
0x91: {  	s18 =	sld [smem:$0x3FFB];
	_ =	sdelay $0x3  }
0x92: {  	_ =	strace s18  }
0x93: {  	s3 =	sld [smem:$0x3FFC];
	_ =	sdelay $0x3  }
0x94: {  	_ =	strace s3  }
0x95: {  	s3 =	sld [smem:$0x3FFD];
	_ =	sdelay $0x3  }
0x96: {  	_ =	strace s3  }
0x97: {  	_ =	strace $0x8FFFFFFF  }
0x98: {  	s19 =	sld [smem:$0x3FDB];
	_ =	sdelay $0x1  }
0x99: {  	s4 =	simm.s32 $_scs_section_size  }
0x9a: {  	s5 =	simm.s32 $_size__tile_overlayer_lowered;
	s6 =	simm.s32 $_tile_overlayer_lowered  }
0x9b: {  	s22 =	simm.s32 $0x1BFF;
	s21 =	sshll.u32 s6, $0x1;
	s3 =	sadd.s32 s4, s19  }
0x9c: {  	s7 =	simm.s32 $0x0;
	s20 =	sshll.u32 s5, $0x1;
	s5 =	sadd.s32 s21, s3  }
0x9d: {  	[timem:s7], [sflag:s22] =	dma.local [hbm:s5], s20  }
0x9e: {  	_ =	swait.ge [sflag:s22], s20  }
0x9f: {  	s4 =	ssub.s32 $0x0, s20;
	[sflag:s22] =	ssyncset.done $0x0  }
0xa0: {  	[sflag:s22] =	ssyncadd.s32 s4;
	_ =	sdelay $0x1  }
0xa1: {  	s23 =	simm.s32 $0x1B8B  }
0xa2: {  	_ =	swait.ge [sflag:s23], $0x1  }
0xa3: {  	[sflag:s23] =	ssyncset.done $0x0  }
0xa4: {  	s25 =	simm.s32 $0x1B8E;
	s24 =	sld [smem:$0x3FFE];
	[sflag:s23] =	ssyncadd.s32 $0xFFFFFFFF  }
0xa5: {  	s26 =	simm.s32 $execute0_lowered;
	[smem:$0x3FD2] =	sst s25  }
0xa6: {  	s5 =	sshll.u32 s26, $0x1;
	_ =	strace $0x8000004C;
	[dreg:$0x1] =	wrdreg $0xFFFFFFFF  }
0xa7: {  	s28 =	simm.s32 $_size_execute0_lowered;
	s3 =	sadd.s32 s3, s5;
	[dreg:$0x0] =	wrdreg $0x0  }
0xa8: {  	s5 =	sshll.u32 s28, $0x1;
	[dreg:$0x2] =	wrdreg s3  }
0xa9: {  	[dreg:$0x3] =	wrdreg s5  }
0xaa: {  	[dreg:$0x4] =	wrdreg $0xC0  }
0xab: {  	_ =	task [dreg:s7], $0x5FFFF  }
0xac: {  	[dreg:$0x1] =	wrdreg $0xFFFFFFFF  }
0xad: {  	[dreg:$0x0] =	wrdreg $0x60  }
0xae: {  	[dreg:$0x2] =	wrdreg s24  }
0xaf: {  	[dreg:$0x3] =	wrdreg s2  }
0xb0: {  	[dreg:$0x4] =	wrdreg $0x13D900  }
0xb1: {  	[dreg:$0x5] =	wrdreg $0x9  }
0xb2: {  	_ =	task.clear_ibuf [dreg:s7], $0x6FFFF;
	_ =	strace $0x9000004C  }
0xb3: {  	s29 =	simm.s32 $0x9;
	_ =	strace $0x8000004E  }
0xb4: {  	_ =	swait.ge [sflag:s29], $0x1  }
0xb5: {  	[sflag:s29] =	ssyncadd.s32 $0xFFFFFFFF  }
0xb6: {  	_ =	strace $0x9000004E  }
0xb7: {  	_ =	sfence  }
0xb8: {  	s30 =	sld [smem:$0x0];
	_ =	sdelay $0x2  }
0xb9: {  	s31 =	sshll.u32 s1, $0xD;
	s1 =	sshrl.u32 s1, $0x2  }
0xba: {  	s3 =	sand.u32 $0x4000, s31;
	s1 =	sadd.s32 s1, s30  }
0xbb: {  	s0 =	sor.u32 s3, s0;
	s1 =	sshll.u32 s1, $0x11  }
0xbc: {  	s0 =	sor.u32 s1, s0  }
0xbd: {  	s0 =	sadd.s32 $0x8F2B, s0  }
0xbe: {  	[sflag:s0] =	ssyncadd.remote.s32 $0x1  }
0xbf: {  	_ =	sfence.sel $0xFFFF  }
0xc0: {  	[dreg:$0x0] =	wrdreg $0xFFFFFFFF;
	(pc) =	sbr.abs _section_cstart, $3  }
0xc1: {  	[dreg:$0x1] =	wrdreg $0xFFFFFFFF  }
0xc2: {  	_ =	task.clear_ibuf [dreg:s7], $0x2FFFF;
	_ =	strace $0x9FFFFFFF  }
0xc3: {  	(tm) =	ssettm $0x7FFFFFFF  }
tec
execute0_lowered:
.L_overlay_start_1:
0x0: {  	(tag) =	ssettag $0x1  }
0x1: {  	s0 =	rddreg [dreg:$0x0]  }
0x2: {  	s1 =	rddreg [dreg:$0x1]  }
0x3: {  	s2 =	rddreg [dreg:$0x2];
	s12 =	stileid.u32  }
0x4: {  	s3 =	simm.s32 $0x0;
	s4 =	srdreg.scid;
	s21 =	simm.s32 $0x3  }
0x5: {  	s22 =	simm.s32 $0x2800;
	s28 =	simm.s32 $0x11580;
	s29 =	simm.s32 $0x50  }
0x6: {  	s31 =	simm.s32 $0x1;
	s5 =	smul.u32 $0x9C4, s12;
	[smem:$0x7FF] =	sst s3  }
0x7: {  	s6 =	sand.u32 $0x1, s4;
	s7 =	smul.u32 $0xA000, s12;
	s4 =	sadd.s32 $0xE600, s0  }
0x8: {  	s10 =	sadd.s32 $0x36600, s0;
	s23 =	sadd.s32 $0x36C00, s0;
	s24 =	smul.u32 $0x500, s12  }
0x9: {  	s12 =	smul.u32 $0x28000, s12;
	_ =	strace $0x8000004D;
	[dreg:$0x4] =	wrdreg s10  }
0xa: {  	s13 =	sadd.s32 $0x37200, s0;
	s8 =	smul.u32 $0xA0000, s6;
	[dreg:$0x5] =	wrdreg s23  }
0xb: {  	s11 =	ssub.s32 $0x2, s6;
	[dreg:$0x6] =	wrdreg s13;
	p0 =	sne.s32 s6, $0x0  }
0xc: {  	s23 =	simm.s32 $0x0;
	s9 =	sadd.s32 s5, s0;
	s25 =	sshrl.u32 s11, $0x1  }
0xd: {  	s26 =	sshrl.u32 s12, $0x2;
	s1 =	sadd.s32 s1, s5;
	s10 =	sadd.s32 s7, s2  }
0xe: {  	s8 =	sadd.s32 s7, s8;
	s20 =	ssub.s32 s11, s25;
	s9 =	sadd.s32 $0x4800, s9  }
0xf: {  	[dreg:$0x8] =	wrdreg s1;
	s30 =	sadd.s32 s26, s2;
	s26 =	simm.s32 $0xED80  }
0x10: {  	s8 =	sshrl.u32 s8, $0x3;
	[dreg:$0x7] =	wrdreg s9;
	s11 =	sadd.s32 $0x1400, s30  }
0x11: {  	s12 =	sadd.s32 $0x2800, s30;
	s13 =	sadd.s32 $0x3C00, s30;
	s14 =	sadd.s32 $0x5000, s30  }
0x12: {  	s15 =	sadd.s32 $0x6400, s30;
	s16 =	sadd.s32 $0x7800, s30;
	s17 =	sadd.s32 $0x8C00, s30  }
0x13: {  	s20 =	smax.u32 s20, $0x1;
	s8 =	sadd.s32 s8, s0;
	s0 =	sadd.s32 s24, s0  }
0x14: {  	v1 =	vimm.f32 $0.0e+00;
	v0 =	vmov s6;
	s18 =	sadd.s32 $0x37400, s0;
	s19 =	sadd.s32 $0x3C400, s8;
	s0 =	simm.s32 $0x2  }
.LBB2_1:
0x15: {  	s1 =	rddreg [dreg:$0x4]  }
0x16: {  	[tilespmem:s3], [sflag:$0x3] =	stream.linear.gather [hbm4b:s1+s3], $0x2800, $0x38;
	[tilespmem:$0x1DD90] =	vst v63  }
0x17: {  	_ =	swait.ge [sflag:s21], $0x2800  }
0x18: {  	[sflag:s21] =	ssyncset.done $0x0  }
0x19: {  	s7 =	rddreg [dreg:$0x5];
	[sflag:s21] =	ssyncadd.s32 $0xFFFFD800  }
0x1a: {  	[tilespmem:s22], [sflag:$0x3] =	stream.linear.gather [hbm4b:s7+s3], $0x2800, $0x38;
	[tilespmem:$0x1DD90] =	vst v63  }
0x1b: {  	_ =	swait.ge [sflag:s21], $0x2800  }
0x1c: {  	[sflag:s21] =	ssyncset.done $0x0  }
0x1d: {  	s5 =	simm.s32 $0x5000;
	s8 =	rddreg [dreg:$0x7];
	[sflag:s21] =	ssyncadd.s32 $0xFFFFD800  }
0x1e: {  	[tilespmem:s5], [sflag:$0x3] =	stream.linear.gather [hbm4b:s8+s3], $0x4E20, $0x38;
	[tilespmem:$0x1DD90] =	vst v63  }
0x1f: {  	_ =	swait.ge [sflag:s21], $0x4E20  }
0x20: {  	[sflag:s21] =	ssyncset.done $0x0  }
0x21: {  	s24 =	simm.s32 $0x9E20;
	s9 =	rddreg [dreg:$0x8];
	[sflag:s21] =	ssyncadd.s32 $0xFFFFB1E0  }
0x22: {  	[tilespmem:s24], [sflag:$0x3] =	stream.linear.gather [hbm4b:s9+s3], $0x4E20, $0x38;
	[tilespmem:$0x1DD90] =	vst v63  }
0x23: {  	_ =	swait.ge [sflag:s21], $0x4E20  }
0x24: {  	[sflag:s21] =	ssyncset.done $0x0  }
0x25: {  	s30 =	simm.s32 $0x13D80;
	s25 =	rddreg [dreg:$0x6];
	[sflag:s21] =	ssyncadd.s32 $0xFFFFB1E0  }
0x26: {  	[tilespmem:s30], [sflag:$0x3] =	stream.linear.gather [hbm4b:s25+s3], $0x10, $0x38;
	[tilespmem:$0x1DD90] =	vst v63  }
0x27: {  	_ =	swait.ge [sflag:s21], $0x10  }
0x28: {  	[sflag:s21] =	ssyncset.done $0x0  }
0x29: {  	s1 =	simm.s32 $0x0;
	s5 =	simm.s32 $0x100;
	[sflag:s21] =	ssyncadd.s32 $0xFFFFFFF0  }
.LBB2_2:
0x2a: {  	p1 =	sne.s32 s5, $0x4F00;
	[tilespmem:s1+$0xEDB0] =	vst v1;
	s6 =	smov.u32 s5;
	s5 =	sadd.s32 $0x100, s5  }
.Ltmp0:
0x2b: {  	[tilespmem:s1+$0xEDA0] =	vst v1;
	(pc) =	sbr.rel @p1 .LBB2_2-.Ltmp0, $3  }
0x2c: {  	[tilespmem:s1+$0xED80] =	vst v1  }
0x2d: {  	[tilespmem:s1+$0xED90] =	vst v1;
	_ =	sdelay $0x1  }
0x2e: {  	s1 =	sshra.s32 s6, $0x2  }
0x2f: {  	[tilespmem:s1+$0xEDB0] =	vst v1  }
0x30: {  	[tilespmem:s1+$0xEDA0] =	vst v1  }
0x31: {  	[tilespmem:s1+$0xED80] =	vst v1  }
0x32: {  	[tilespmem:s1+$0xED90] =	vst v1  }
0x33: {  	[spmem:s10] =	stream.linear.scatter [tilespmem:s26], [sflag:$0x3], $0x1400, $0x38;
	[tilespmem:$0x1DD90] =	vst v63  }
0x34: {  	_ =	swait.ge [sflag:s21], $0x1400  }
0x35: {  	[sflag:s21] =	ssyncset.done $0x0  }
0x36: {  	[sflag:s21] =	ssyncadd.s32 $0xFFFFEC00  }
0x37: {  	[spmem:s11] =	stream.linear.scatter [tilespmem:s26], [sflag:$0x3], $0x1400, $0x38;
	[tilespmem:$0x1DD90] =	vst v63  }
0x38: {  	_ =	swait.ge [sflag:s21], $0x1400  }
0x39: {  	[sflag:s21] =	ssyncset.done $0x0  }
0x3a: {  	[sflag:s21] =	ssyncadd.s32 $0xFFFFEC00  }
0x3b: {  	[spmem:s12] =	stream.linear.scatter [tilespmem:s26], [sflag:$0x3], $0x1400, $0x38;
	[tilespmem:$0x1DD90] =	vst v63  }
0x3c: {  	_ =	swait.ge [sflag:s21], $0x1400  }
0x3d: {  	[sflag:s21] =	ssyncset.done $0x0  }
0x3e: {  	[sflag:s21] =	ssyncadd.s32 $0xFFFFEC00  }
0x3f: {  	[spmem:s13] =	stream.linear.scatter [tilespmem:s26], [sflag:$0x3], $0x1400, $0x38;
	[tilespmem:$0x1DD90] =	vst v63  }
0x40: {  	_ =	swait.ge [sflag:s21], $0x1400  }
0x41: {  	[sflag:s21] =	ssyncset.done $0x0  }
0x42: {  	[sflag:s21] =	ssyncadd.s32 $0xFFFFEC00  }
0x43: {  	[spmem:s14] =	stream.linear.scatter [tilespmem:s26], [sflag:$0x3], $0x1400, $0x38;
	[tilespmem:$0x1DD90] =	vst v63  }
0x44: {  	_ =	swait.ge [sflag:s21], $0x1400  }
0x45: {  	[sflag:s21] =	ssyncset.done $0x0  }
0x46: {  	[sflag:s21] =	ssyncadd.s32 $0xFFFFEC00  }
0x47: {  	[spmem:s15] =	stream.linear.scatter [tilespmem:s26], [sflag:$0x3], $0x1400, $0x38;
	[tilespmem:$0x1DD90] =	vst v63  }
0x48: {  	_ =	swait.ge [sflag:s21], $0x1400  }
0x49: {  	[sflag:s21] =	ssyncset.done $0x0  }
0x4a: {  	[sflag:s21] =	ssyncadd.s32 $0xFFFFEC00  }
0x4b: {  	[spmem:s16] =	stream.linear.scatter [tilespmem:s26], [sflag:$0x3], $0x1400, $0x38;
	[tilespmem:$0x1DD90] =	vst v63  }
0x4c: {  	_ =	swait.ge [sflag:s21], $0x1400  }
0x4d: {  	[sflag:s21] =	ssyncset.done $0x0  }
0x4e: {  	[sflag:s21] =	ssyncadd.s32 $0xFFFFEC00  }
0x4f: {  	[spmem:s17] =	stream.linear.scatter [tilespmem:s26], [sflag:$0x3], $0x1400, $0x38;
	[tilespmem:$0x1DD90] =	vst v63  }
0x50: {  	_ =	swait.ge [sflag:s21], $0x1400  }
0x51: {  	[sflag:s21] =	ssyncset.done $0x0  }
0x52: {  	s1 =	simm.s32 $0x40;
	s5 =	simm.s32 $0x0;
	[sflag:s21] =	ssyncadd.s32 $0xFFFFEC00  }
.LBB2_4:
0x53: {  	p1 =	sne.s32 s1, $0x9FC0;
	[tilespmem:s5+$0x11580] =	vst v1;
	s5 =	smov.u32 s1;
	s1 =	sadd.s32 $0x40, s1  }
.Ltmp1:
0x54: {  	(pc) =	sbr.rel @p1 .LBB2_4-.Ltmp1, $2  }
0x55: {  	_ =	sdelay $0x2  }
0x56: {  	s5 =	sshra.s32 s5, $0x2  }
0x57: {  	[tilespmem:s5+$0x11580] =	vst v1  }
0x58: {  	[bflag:$0x0] =	sbarrier.arrive $0xFFFF  }
0x59: {  	v3 =	vld [tilespmem:$0x5000]  }
0x5a: {  	v4 =	vld [tilespmem:$0x9E20];
	_ =	sdelay $0x5  }
0x5b: {  	s24 =	simm.s32 $0x0;
	v2 =	vld [tilespmem:$0x13D80]  }
0x5c: {  	v5 =	vld.idx.msk [tilespmem:v3+s24+$0x0], $0xffff  }
0x5d: {  	v6 =	vld.idx.msk [tilespmem:v4+s22+$0x0], $0xffff;
	_ =	sdelay $0x4  }
0x5e: {  	v5 =	vadd.f32 v6, v5;
	v6 =	vadd.f32 v6, v2;
	_ =	sdelay $0x1  }
0x5f: {  	v7 =	vmul.f32 $2.000000030e-01, v5;
	v8 =	vmul.f32 $2.000000030e-01, v6  }
0x60: {  	vm0 =	vge.f32 v5, $0.0e+00;
	vm1 =	vge.f32 v6, $0.0e+00  }
0x61: {  	v5 =	vsel vm0, v5, v7;
	v6 =	vsel vm1, v6, v8  }
0x62: {  	v5 =	vsub.f32 v5, v6;
	_ =	sdelay $0x1  }
0x63: {  	v5 =	vmul.f32 $1.442695020e+00, v5;
	_ =	sdelay $0x1  }
0x64: {  	(erf) = vpow2.f32 v5;
	_ =	sdelay $0x8  }
0x65: {  	v5 =	vpop (erf)  }
0x66: {  	[tilespmem:$0xECE0] =	vst v5  }
0x67: {  	[tilespmem:v4+s28+$0x0] =	vst.idx.add.f32.msk $0xffff, v5  }
0x68: {  	v4 =	vld [tilespmem:$0x5010]  }
0x69: {  	v5 =	vld [tilespmem:$0x9E30];
	_ =	sdelay $0x3  }
0x6a: {  	v3 =	vshll.u32 v3, $0x1  }
0x6b: {  	v3 =	vor.u32 v0, v3  }
0x6c: {  	[tilespmem:$0xEC40] =	vst v3  }
0x6d: {  	v3 =	vld.idx.msk [tilespmem:v4+s24+$0x0], $0xffff  }
0x6e: {  	v52 =	vld.idx.msk [tilespmem:v5+s22+$0x0], $0xffff;
	_ =	sdelay $0x4  }
0x6f: {  	v3 =	vadd.f32 v52, v3;
	v6 =	vadd.f32 v52, v2;
	_ =	sdelay $0x1  }
0x70: {  	v53 =	vmul.f32 $2.000000030e-01, v3;
	v54 =	vmul.f32 $2.000000030e-01, v6  }
0x71: {  	vm8 =	vge.f32 v3, $0.0e+00;
	vm9 =	vge.f32 v6, $0.0e+00  }
0x72: {  	v3 =	vsel vm8, v3, v53;
	v6 =	vsel vm9, v6, v54  }
0x73: {  	v3 =	vsub.f32 v3, v6;
	_ =	sdelay $0x1  }
0x74: {  	v3 =	vmul.f32 $1.442695020e+00, v3;
	_ =	sdelay $0x1  }
0x75: {  	(erf) = vpow2.f32 v3;
	_ =	sdelay $0x8  }
0x76: {  	v3 =	vpop (erf)  }
0x77: {  	[tilespmem:$0xECF0] =	vst v3  }
0x78: {  	[tilespmem:v5+s28+$0x0] =	vst.idx.add.f32.msk $0xffff, v3  }
0x79: {  	v3 =	vld [tilespmem:$0x5020]  }
0x7a: {  	v5 =	vld [tilespmem:$0x9E40];
	_ =	sdelay $0x3  }
0x7b: {  	v4 =	vshll.u32 v4, $0x1  }
0x7c: {  	v4 =	vor.u32 v0, v4  }
0x7d: {  	[tilespmem:$0xEC50] =	vst v4  }
0x7e: {  	v4 =	vld.idx.msk [tilespmem:v3+s24+$0x0], $0xffff  }
0x7f: {  	v55 =	vld.idx.msk [tilespmem:v5+s22+$0x0], $0xffff;
	_ =	sdelay $0x4  }
0x80: {  	v4 =	vadd.f32 v55, v4;
	v6 =	vadd.f32 v55, v2;
	_ =	sdelay $0x1  }
0x81: {  	v56 =	vmul.f32 $2.000000030e-01, v4;
	v57 =	vmul.f32 $2.000000030e-01, v6  }
0x82: {  	vm10 =	vge.f32 v4, $0.0e+00;
	vm11 =	vge.f32 v6, $0.0e+00  }
0x83: {  	v4 =	vsel vm10, v4, v56;
	v6 =	vsel vm11, v6, v57  }
0x84: {  	v4 =	vsub.f32 v4, v6;
	_ =	sdelay $0x1  }
0x85: {  	v4 =	vmul.f32 $1.442695020e+00, v4;
	_ =	sdelay $0x1  }
0x86: {  	(erf) = vpow2.f32 v4;
	_ =	sdelay $0x8  }
0x87: {  	v4 =	vpop (erf)  }
0x88: {  	[tilespmem:$0xED00] =	vst v4  }
0x89: {  	[tilespmem:v5+s28+$0x0] =	vst.idx.add.f32.msk $0xffff, v4  }
0x8a: {  	v4 =	vld [tilespmem:$0x5030]  }
0x8b: {  	v5 =	vld [tilespmem:$0x9E50];
	_ =	sdelay $0x3  }
0x8c: {  	v3 =	vshll.u32 v3, $0x1  }
0x8d: {  	v3 =	vor.u32 v0, v3  }
0x8e: {  	[tilespmem:$0xEC60] =	vst v3  }
0x8f: {  	v3 =	vld.idx.msk [tilespmem:v4+s24+$0x0], $0xffff  }
0x90: {  	v58 =	vld.idx.msk [tilespmem:v5+s22+$0x0], $0xffff;
	_ =	sdelay $0x4  }
0x91: {  	v3 =	vadd.f32 v58, v3;
	v6 =	vadd.f32 v58, v2;
	_ =	sdelay $0x1  }
0x92: {  	v59 =	vmul.f32 $2.000000030e-01, v3;
	v60 =	vmul.f32 $2.000000030e-01, v6  }
0x93: {  	vm12 =	vge.f32 v3, $0.0e+00;
	vm13 =	vge.f32 v6, $0.0e+00  }
0x94: {  	v3 =	vsel vm12, v3, v59;
	v6 =	vsel vm13, v6, v60  }
0x95: {  	v3 =	vsub.f32 v3, v6;
	_ =	sdelay $0x1  }
0x96: {  	v3 =	vmul.f32 $1.442695020e+00, v3;
	_ =	sdelay $0x1  }
0x97: {  	(erf) = vpow2.f32 v3;
	_ =	sdelay $0x8  }
0x98: {  	v3 =	vpop (erf)  }
0x99: {  	[tilespmem:$0xED10] =	vst v3  }
0x9a: {  	[tilespmem:v5+s28+$0x0] =	vst.idx.add.f32.msk $0xffff, v3  }
0x9b: {  	v3 =	vld [tilespmem:$0x5040]  }
0x9c: {  	v5 =	vld [tilespmem:$0x9E60];
	_ =	sdelay $0x3  }
0x9d: {  	v4 =	vshll.u32 v4, $0x1  }
0x9e: {  	v4 =	vor.u32 v0, v4  }
0x9f: {  	[tilespmem:$0xEC70] =	vst v4  }
0xa0: {  	v4 =	vld.idx.msk [tilespmem:v3+s24+$0x0], $0xffff  }
0xa1: {  	v61 =	vld.idx.msk [tilespmem:v5+s22+$0x0], $0xffff;
	_ =	sdelay $0x4  }
0xa2: {  	v4 =	vadd.f32 v61, v4;
	v6 =	vadd.f32 v61, v2;
	_ =	sdelay $0x1  }
0xa3: {  	v62 =	vmul.f32 $2.000000030e-01, v4;
	v63 =	vmul.f32 $2.000000030e-01, v6  }
0xa4: {  	vm14 =	vge.f32 v4, $0.0e+00;
	vm15 =	vge.f32 v6, $0.0e+00  }
0xa5: {  	v4 =	vsel vm14, v4, v62;
	v6 =	vsel vm15, v6, v63  }
0xa6: {  	v4 =	vsub.f32 v4, v6;
	_ =	sdelay $0x1  }
0xa7: {  	v4 =	vmul.f32 $1.442695020e+00, v4;
	_ =	sdelay $0x1  }
0xa8: {  	(erf) = vpow2.f32 v4;
	_ =	sdelay $0x8  }
0xa9: {  	v4 =	vpop (erf)  }
0xaa: {  	v3 =	vshll.u32 v3, $0x1;
	[tilespmem:$0xED20] =	vst v4  }
0xab: {  	v3 =	vor.u32 v0, v3;
	[tilespmem:v5+s28+$0x0] =	vst.idx.add.f32.msk $0xffff, v4  }
0xac: {  	s1 =	simm.s32 $0xEC40;
	[tilespmem:$0xEC80] =	vst v3  }
0xad: {  	[tilespmem:s26], [sflag:$0x1] =	stream.indirect.gather [hbm4b:s4+s29], $0x40, s1, s29, $0xb8;
	[tilespmem:$0x1DD90] =	vst v63  }
.LBB2_6:
0xae: {  	p1 =	seq.s32 s24, $0x0  }
0xaf: {  	p2 =	seq.s32 @!p1 s24, $0xF9  }
0xb0: {  	_ =	swait.ge [sflag:s31], $0x1400;
	p2 =	por p1, !p2  }
.Ltmp2:
0xb1: {  	[sflag:s31] =	ssyncset.done $0x0;
	(pc) =	sbr.rel @!p2 .LBB2_8-.Ltmp2, $4  }
0xb2: {  	s5 =	simm.s32 @!p1 $0x2;
	[sflag:s31] =	ssyncadd.s32 $0xFFFFEC00  }
0xb3: {  	_ =	swait.ge @!p1 [sflag:s5], $0x1400  }
0xb4: {  	[sflag:s5] =	ssyncset.done @!p1 $0x0  }
0xb5: {  	s1 =	sand.u32 $0x1, s24;
	s25 =	simm.s32 @!p1 $0xFA;
	[sflag:s5] =	ssyncadd.s32 @!p1 $0xFFFFEC00  }
0xb6: {  	s25 =	sadd.s32 @!p1 $0x1, s24  }
0xb7: {  	s25 =	simm.s32 @p1 $0x1  }
0xb8: {  	s6 =	smul.u32 $0x50, s25;
	_ =	sdelay $0x1  }
0xb9: {  	v3 =	vld [tilespmem:s6+$0x5000]  }
0xba: {  	v4 =	vld [tilespmem:s6+$0x9E20];
	_ =	sdelay $0x6  }
0xbb: {  	v5 =	vld.idx.msk [tilespmem:v3+s3+$0x0], $0xffff  }
0xbc: {  	v6 =	vld.idx.msk [tilespmem:v4+s22+$0x0], $0xffff;
	_ =	sdelay $0x4  }
0xbd: {  	v5 =	vadd.f32 v6, v5;
	v6 =	vadd.f32 v6, v2;
	_ =	sdelay $0x1  }
0xbe: {  	v7 =	vmul.f32 $2.000000030e-01, v5;
	v8 =	vmul.f32 $2.000000030e-01, v6  }
0xbf: {  	vm0 =	vge.f32 v5, $0.0e+00;
	vm1 =	vge.f32 v6, $0.0e+00  }
0xc0: {  	v5 =	vsel vm0, v5, v7;
	v6 =	vsel vm1, v6, v8  }
0xc1: {  	v5 =	vsub.f32 v5, v6;
	_ =	sdelay $0x1  }
0xc2: {  	v5 =	vmul.f32 $1.442695020e+00, v5;
	_ =	sdelay $0x1  }
0xc3: {  	(erf) = vpow2.f32 v5;
	_ =	sdelay $0x6  }
0xc4: {  	s7 =	sxor.u32 $0x1, s1  }
0xc5: {  	s5 =	smul.u32 $0x50, s7  }
0xc6: {  	v5 =	vpop (erf)  }
0xc7: {  	v3 =	vshll.u32 v3, $0x1;
	[tilespmem:s5+$0xECE0] =	vst v5  }
0xc8: {  	v3 =	vor.u32 v0, v3;
	[tilespmem:v4+s28+$0x0] =	vst.idx.add.f32.msk $0xffff, v5  }
0xc9: {  	[tilespmem:s5+$0xEC40] =	vst v3  }
0xca: {  	v3 =	vld [tilespmem:s6+$0x5010]  }
0xcb: {  	v4 =	vld [tilespmem:s6+$0x9E30];
	_ =	sdelay $0x6  }
0xcc: {  	v5 =	vld.idx.msk [tilespmem:v3+s3+$0x0], $0xffff  }
0xcd: {  	v52 =	vld.idx.msk [tilespmem:v4+s22+$0x0], $0xffff;
	_ =	sdelay $0x4  }
0xce: {  	v5 =	vadd.f32 v52, v5;
	v6 =	vadd.f32 v52, v2;
	_ =	sdelay $0x1  }
0xcf: {  	v53 =	vmul.f32 $2.000000030e-01, v5;
	v54 =	vmul.f32 $2.000000030e-01, v6  }
0xd0: {  	vm8 =	vge.f32 v5, $0.0e+00;
	vm9 =	vge.f32 v6, $0.0e+00  }
0xd1: {  	v5 =	vsel vm8, v5, v53;
	v6 =	vsel vm9, v6, v54  }
0xd2: {  	v5 =	vsub.f32 v5, v6;
	_ =	sdelay $0x1  }
0xd3: {  	v5 =	vmul.f32 $1.442695020e+00, v5;
	_ =	sdelay $0x1  }
0xd4: {  	(erf) = vpow2.f32 v5;
	_ =	sdelay $0x8  }
0xd5: {  	v5 =	vpop (erf)  }
0xd6: {  	v3 =	vshll.u32 v3, $0x1;
	[tilespmem:s5+$0xECF0] =	vst v5  }
0xd7: {  	v3 =	vor.u32 v0, v3;
	[tilespmem:v4+s28+$0x0] =	vst.idx.add.f32.msk $0xffff, v5  }
0xd8: {  	[tilespmem:s5+$0xEC50] =	vst v3  }
0xd9: {  	v3 =	vld [tilespmem:s6+$0x5020]  }
0xda: {  	v4 =	vld [tilespmem:s6+$0x9E40];
	_ =	sdelay $0x6  }
0xdb: {  	v5 =	vld.idx.msk [tilespmem:v3+s3+$0x0], $0xffff  }
0xdc: {  	v55 =	vld.idx.msk [tilespmem:v4+s22+$0x0], $0xffff;
	_ =	sdelay $0x4  }
0xdd: {  	v5 =	vadd.f32 v55, v5;
	v6 =	vadd.f32 v55, v2;
	_ =	sdelay $0x1  }
0xde: {  	v56 =	vmul.f32 $2.000000030e-01, v5;
	v57 =	vmul.f32 $2.000000030e-01, v6  }
0xdf: {  	vm10 =	vge.f32 v5, $0.0e+00;
	vm11 =	vge.f32 v6, $0.0e+00  }
0xe0: {  	v5 =	vsel vm10, v5, v56;
	v6 =	vsel vm11, v6, v57  }
0xe1: {  	v5 =	vsub.f32 v5, v6;
	_ =	sdelay $0x1  }
0xe2: {  	v5 =	vmul.f32 $1.442695020e+00, v5;
	_ =	sdelay $0x1  }
0xe3: {  	(erf) = vpow2.f32 v5;
	_ =	sdelay $0x8  }
0xe4: {  	v5 =	vpop (erf)  }
0xe5: {  	v3 =	vshll.u32 v3, $0x1;
	[tilespmem:s5+$0xED00] =	vst v5  }
0xe6: {  	v3 =	vor.u32 v0, v3;
	[tilespmem:v4+s28+$0x0] =	vst.idx.add.f32.msk $0xffff, v5  }
0xe7: {  	[tilespmem:s5+$0xEC60] =	vst v3  }
0xe8: {  	v3 =	vld [tilespmem:s6+$0x5030]  }
0xe9: {  	v4 =	vld [tilespmem:s6+$0x9E50];
	_ =	sdelay $0x6  }
0xea: {  	v5 =	vld.idx.msk [tilespmem:v3+s3+$0x0], $0xffff  }
0xeb: {  	v58 =	vld.idx.msk [tilespmem:v4+s22+$0x0], $0xffff;
	_ =	sdelay $0x4  }
0xec: {  	v5 =	vadd.f32 v58, v5;
	v6 =	vadd.f32 v58, v2;
	_ =	sdelay $0x1  }
0xed: {  	v59 =	vmul.f32 $2.000000030e-01, v5;
	v60 =	vmul.f32 $2.000000030e-01, v6  }
0xee: {  	vm12 =	vge.f32 v5, $0.0e+00;
	vm13 =	vge.f32 v6, $0.0e+00  }
0xef: {  	v5 =	vsel vm12, v5, v59;
	v6 =	vsel vm13, v6, v60  }
0xf0: {  	v5 =	vsub.f32 v5, v6;
	_ =	sdelay $0x1  }
0xf1: {  	v5 =	vmul.f32 $1.442695020e+00, v5;
	_ =	sdelay $0x1  }
0xf2: {  	(erf) = vpow2.f32 v5;
	_ =	sdelay $0x8  }
0xf3: {  	v5 =	vpop (erf)  }
0xf4: {  	v3 =	vshll.u32 v3, $0x1;
	[tilespmem:s5+$0xED10] =	vst v5  }
0xf5: {  	v3 =	vor.u32 v0, v3;
	[tilespmem:v4+s28+$0x0] =	vst.idx.add.f32.msk $0xffff, v5  }
0xf6: {  	[tilespmem:s5+$0xEC70] =	vst v3  }
0xf7: {  	v3 =	vld [tilespmem:s6+$0x5040]  }
0xf8: {  	v4 =	vld [tilespmem:s6+$0x9E60];
	_ =	sdelay $0x6  }
0xf9: {  	v5 =	vld.idx.msk [tilespmem:v3+s3+$0x0], $0xffff  }
0xfa: {  	v61 =	vld.idx.msk [tilespmem:v4+s22+$0x0], $0xffff;
	_ =	sdelay $0x4  }
0xfb: {  	v5 =	vadd.f32 v61, v5;
	v6 =	vadd.f32 v61, v2;
	_ =	sdelay $0x1  }
0xfc: {  	v62 =	vmul.f32 $2.000000030e-01, v5;
	v63 =	vmul.f32 $2.000000030e-01, v6  }
0xfd: {  	vm14 =	vge.f32 v5, $0.0e+00;
	vm15 =	vge.f32 v6, $0.0e+00  }
0xfe: {  	v5 =	vsel vm14, v5, v62;
	v6 =	vsel vm15, v6, v63  }
0xff: {  	v5 =	vsub.f32 v5, v6;
	_ =	sdelay $0x1  }
0x100: {  	v5 =	vmul.f32 $1.442695020e+00, v5;
	_ =	sdelay $0x1  }
0x101: {  	(erf) = vpow2.f32 v5;
	_ =	sdelay $0x8  }
0x102: {  	s8 =	smul.u32 $0x5000, s7;
	v5 =	vpop (erf)  }
0x103: {  	v3 =	vshll.u32 v3, $0x1;
	[tilespmem:s5+$0xED20] =	vst v5  }
0x104: {  	s6 =	sshrl.u32 s8, $0x2;
	v3 =	vor.u32 v0, v3;
	[tilespmem:v4+s28+$0x0] =	vst.idx.add.f32.msk $0xffff, v5  }
0x105: {  	s9 =	sadd.s32 $0xEC40, s5;
	s30 =	sadd.s32 $0xED80, s6;
	[tilespmem:s5+$0xEC80] =	vst v3  }
0x106: {  	[tilespmem:s30], [sflag:$0x1] =	stream.indirect.gather [hbm4b:s4+s29], $0x40, s9, s29, $0xb8;
	[tilespmem:$0x1DD90] =	vst v63  }
.LBB2_8:
0x107: {  	s5 =	simm.s32 $0x0  }
0x108: {  	v3 =	vmov s5  }
0x109: {  	s9 =	simm.s32 $0x3;
	s6 =	simm.s32 $0x1;
	v3 =	vand.u32 $0xFFFFFFFC, v3  }
0x10a: {  	v4 =	vmov s9;
	v5 =	vmov s6;
	v6 =	vbroadcast v3, $0x0  }
0x10b: {  	s7 =	smul.u32 $0x140, s1;
	s6 =	simm.s32 $0x2;
	v3 =	vand.u32 $0xFFFFFFFD, v5  }
0x10c: {  	v5 =	vmov s6;
	v7 =	vbroadcast v3, $0x0  }
0x10d: {  	s8 =	smul.u32 $0x5000, s1;
	s5 =	sshrl.u32 s7, $0x2;
	v3 =	vand.u32 $0xFFFFFFFE, v5  }
0x10e: {  	s5 =	sadd.s32 $0xECE0, s5;
	v8 =	vbroadcast v3, $0x0  }
0x10f: {  	s6 =	sshrl.u32 s8, $0x2;
	v3 =	vld.idx.msk [tilespmem:v4+s5+$0x0], $0xffff  }
0x110: {  	s1 =	sadd.s32 $0xEE00, s6;
	v10 =	vld.idx.msk [tilespmem:v6+s5+$0x0], $0xffff  }
0x111: {  	v6 =	vld [tilespmem:s1+$0x30]  }
0x112: {  	v5 =	vld.idx.msk [tilespmem:v7+s5+$0x0], $0xffff  }
0x113: {  	v7 =	vld [tilespmem:s1+$0xFFFFFF80]  }
0x114: {  	v4 =	vld.idx.msk [tilespmem:v8+s5+$0x0], $0xffff  }
0x115: {  	v8 =	vld [tilespmem:s1+$0xFFFFFF90]  }
0x116: {  	v9 =	vld [tilespmem:s1+$0xFFFFFFA0]  }
0x117: {  	v11 =	vld [tilespmem:s1+$0xFFFFFFB0]  }
0x118: {  	v12 =	vld [tilespmem:s1+$0xFFFFFFC0];
	v14 =	vmul.f32 v7, v10  }
0x119: {  	v7 =	vld [tilespmem:s1+$0xFFFFFFD0];
	v13 =	vmul.f32 v6, v4  }
0x11a: {  	s7 =	simm.s32 $0x4;
	v15 =	vmul.f32 v8, v10;
	v6 =	vld [tilespmem:s1+$0xFFFFFFE0];
	[tilespmem:s1+$0xFFFFFF80] =	vst v14  }
0x11b: {  	s9 =	simm.s32 $0x7;
	v8 =	vmov s7;
	v14 =	vmul.f32 v9, v10;
	v9 =	vld [tilespmem:s1+$0xFFFFFFF0];
	[tilespmem:s1+$0x30] =	vst v13  }
0x11c: {  	s8 =	simm.s32 $0x5;
	s30 =	sadd.s32 $0xED80, s6;
	v16 =	vand.u32 $0xFFFFFFFC, v8;
	v8 =	vmov s9;
	[tilespmem:s1+$0xFFFFFF90] =	vst v15;
	v13 =	vmul.f32 v11, v10;
	v11 =	vld [tilespmem:s1+$0x0]  }
0x11d: {  	s6 =	smov.u32 s1;
	s7 =	simm.s32 $0x8;
	v10 =	vbroadcast v16, $0x0;
	v15 =	vmov s8;
	s8 =	simm.s32 $0x6;
	[tilespmem:s1+$0xFFFFFFA0] =	vst v14;
	v14 =	vmul.f32 v12, v5;
	v12 =	vld [tilespmem:s1+$0x10]  }
.LBB2_9:
0x11e: {  	p1 =	slt.u32 s7, $0x4C;
	v15 =	vand.u32 $0xFFFFFFFD, v15;
	v16 =	vmov s8;
	[tilespmem:s1+$0xFFFFFFB0] =	vst v13;
	v7 =	vmul.f32 v7, v5;
	v13 =	vld [tilespmem:s1+$0x20]  }
0x11f: {  	v15 =	vbroadcast v15, $0x0;
	v16 =	vand.u32 $0xFFFFFFFE, v16;
	[tilespmem:s1+$0xFFFFFFC0] =	vst v14;
	v6 =	vmul.f32 v6, v5;
	v14 =	vld [tilespmem:s1+$0x40]  }
0x120: {  	v16 =	vbroadcast v16, $0x0;
	[tilespmem:s1+$0xFFFFFFD0] =	vst v7;
	v5 =	vmul.f32 v9, v5;
	v7 =	vld [tilespmem:s1+$0x50]  }
0x121: {  	[tilespmem:s1+$0xFFFFFFE0] =	vst v6;
	v6 =	vmul.f32 v11, v4;
	v9 =	vld [tilespmem:s1+$0x60]  }
0x122: {  	[tilespmem:s1+$0xFFFFFFF0] =	vst v5;
	v5 =	vmul.f32 v12, v4;
	v11 =	vld [tilespmem:s1+$0x70]  }
0x123: {  	v8 =	vld.idx.msk [tilespmem:v8+s5+$0x0], $0xffff;
	[tilespmem:s1+$0x0] =	vst v6;
	v4 =	vmul.f32 v13, v4  }
0x124: {  	v10 =	vld.idx.msk [tilespmem:v10+s5+$0x0], $0xffff;
	[tilespmem:s1+$0x10] =	vst v5;
	v6 =	vmul.f32 v14, v3  }
0x125: {  	v5 =	vld.idx.msk [tilespmem:v15+s5+$0x0], $0xffff;
	[tilespmem:s1+$0x20] =	vst v4;
	v7 =	vmul.f32 v7, v3  }
0x126: {  	s1 =	sadd.s32 $0x100, s1;
	v4 =	vld.idx.msk [tilespmem:v16+s5+$0x0], $0xffff;
	[tilespmem:s6+$0x40] =	vst v6;
	v6 =	vmul.f32 v9, v3  }
0x127: {  	v9 =	vld [tilespmem:s1+$0x30];
	[tilespmem:s6+$0x50] =	vst v7;
	v11 =	vmul.f32 v11, v3  }
0x128: {  	v7 =	vld [tilespmem:s1+$0xFFFFFF80];
	[tilespmem:s6+$0x60] =	vst v6  }
0x129: {  	v3 =	vmov v8;
	v6 =	vld [tilespmem:s1+$0xFFFFFF90];
	[tilespmem:s6+$0x70] =	vst v11;
	s6 =	smov.u32 s1  }
0x12a: {  	v8 =	vld [tilespmem:s1+$0xFFFFFFA0]  }
0x12b: {  	v11 =	vld [tilespmem:s1+$0xFFFFFFB0]  }
0x12c: {  	v12 =	vld [tilespmem:s1+$0xFFFFFFC0];
	v9 =	vmul.f32 v9, v4  }
.Ltmp3:
0x12d: {  	v13 =	vmul.f32 v7, v10;
	v7 =	vld [tilespmem:s1+$0xFFFFFFD0];
	(pc) =	sbr.rel @p1 .LBB2_9-.Ltmp3, $4  }
0x12e: {  	v14 =	vmul.f32 v6, v10;
	v6 =	vld [tilespmem:s1+$0xFFFFFFE0];
	[tilespmem:s1+$0x30] =	vst v9  }
0x12f: {  	s8 =	sadd.s32 $0x3, s7;
	v15 =	vmov s7;
	[tilespmem:s1+$0xFFFFFF80] =	vst v13;
	v16 =	vmul.f32 v8, v10;
	v9 =	vld [tilespmem:s1+$0xFFFFFFF0]  }
0x130: {  	s9 =	sadd.s32 $0x1, s7;
	v15 =	vand.u32 $0xFFFFFFFC, v15;
	v8 =	vmov s8;
	[tilespmem:s1+$0xFFFFFF90] =	vst v14;
	v13 =	vmul.f32 v11, v10;
	v11 =	vld [tilespmem:s1+$0x0]  }
0x131: {  	s8 =	sadd.s32 $0x2, s7;
	s7 =	sadd.s32 $0x4, s7;
	v10 =	vbroadcast v15, $0x0;
	v15 =	vmov s9;
	[tilespmem:s1+$0xFFFFFFA0] =	vst v16;
	v14 =	vmul.f32 v12, v5;
	v12 =	vld [tilespmem:s1+$0x10]  }
0x132: {  	v17 =	vld [tilespmem:s1+$0x20]  }
0x133: {  	v18 =	vld [tilespmem:s1+$0x40]  }
0x134: {  	v19 =	vld [tilespmem:s1+$0x50]  }
0x135: {  	v20 =	vld [tilespmem:s1+$0x60]  }
0x136: {  	[tilespmem:s1+$0xFFFFFFB0] =	vst v13;
	v7 =	vmul.f32 v7, v5;
	v32 =	vld [tilespmem:s1+$0x70]  }
0x137: {  	v8 =	vld.idx.msk [tilespmem:v8+s5+$0x0], $0xffff;
	[tilespmem:s1+$0xFFFFFFC0] =	vst v14;
	v6 =	vmul.f32 v6, v5  }
0x138: {  	s9 =	sadd.s32 $0x100, s1;
	v34 =	vld.idx.msk [tilespmem:v10+s5+$0x0], $0xffff;
	[tilespmem:s1+$0xFFFFFFD0] =	vst v7;
	v33 =	vmul.f32 v9, v5  }
0x139: {  	v15 =	vand.u32 $0xFFFFFFFD, v15;
	v42 =	vld [tilespmem:s9+$0xFFFFFF80];
	[tilespmem:s1+$0xFFFFFFE0] =	vst v6;
	v35 =	vmul.f32 v11, v4  }
0x13a: {  	v15 =	vbroadcast v15, $0x0;
	v44 =	vld [tilespmem:s9+$0xFFFFFF90];
	[tilespmem:s1+$0xFFFFFFF0] =	vst v33;
	v37 =	vmul.f32 v12, v4  }
0x13b: {  	v46 =	vld [tilespmem:s9+$0xFFFFFFA0];
	[tilespmem:s1+$0x0] =	vst v35;
	v39 =	vmul.f32 v17, v4  }
0x13c: {  	v16 =	vmov s8;
	v47 =	vld [tilespmem:s9+$0xFFFFFFB0];
	v41 =	vmul.f32 v18, v3;
	[tilespmem:s1+$0x10] =	vst v37  }
0x13d: {  	v16 =	vand.u32 $0xFFFFFFFE, v16;
	v48 =	vld [tilespmem:s9+$0xFFFFFFC0];
	v43 =	vmul.f32 v19, v3;
	[tilespmem:s1+$0x20] =	vst v39  }
0x13e: {  	v49 =	vld [tilespmem:s9+$0xFFFFFFD0];
	v16 =	vbroadcast v16, $0x0;
	v45 =	vmul.f32 v20, v3;
	[tilespmem:s6+$0x40] =	vst v41  }
0x13f: {  	v56 =	vld [tilespmem:s9+$0x40];
	v3 =	vmul.f32 v32, v3;
	[tilespmem:s6+$0x50] =	vst v43  }
0x140: {  	v12 =	vmul.f32 v44, v34;
	v36 =	vld.idx.msk [tilespmem:v15+s5+$0x0], $0xffff;
	[tilespmem:s6+$0x60] =	vst v45  }
0x141: {  	v59 =	vld [tilespmem:s9+$0x60];
	[tilespmem:s6+$0x70] =	vst v3;
	v3 =	vmul.f32 v42, v34  }
0x142: {  	v50 =	vld [tilespmem:s9+$0xFFFFFFE0];
	v4 =	vmul.f32 v47, v34;
	[tilespmem:s9+$0xFFFFFF90] =	vst v12  }
0x143: {  	v52 =	vld [tilespmem:s9+$0x0];
	[tilespmem:s9+$0xFFFFFF80] =	vst v3;
	v3 =	vmul.f32 v46, v34  }
0x144: {  	v62 =	vmul.f32 v56, v8;
	v38 =	vld.idx.msk [tilespmem:v16+s5+$0x0], $0xffff;
	[tilespmem:s9+$0xFFFFFFB0] =	vst v4  }
0x145: {  	v51 =	vld [tilespmem:s9+$0xFFFFFFF0];
	[tilespmem:s9+$0xFFFFFFA0] =	vst v3;
	v3 =	vmul.f32 v48, v36  }
0x146: {  	v55 =	vld [tilespmem:s9+$0x20];
	v63 =	vmul.f32 v59, v8;
	[tilespmem:s9+$0x40] =	vst v62  }
0x147: {  	v40 =	vld [tilespmem:s9+$0x30];
	[tilespmem:s9+$0xFFFFFFC0] =	vst v3;
	v3 =	vmul.f32 v50, v36  }
0x148: {  	v58 =	vld [tilespmem:s9+$0x50];
	[tilespmem:s9+$0x60] =	vst v63;
	v54 =	vmul.f32 v49, v36  }
0x149: {  	v53 =	vld [tilespmem:s9+$0x10];
	[tilespmem:s9+$0xFFFFFFE0] =	vst v3;
	v3 =	vmul.f32 v52, v38  }
0x14a: {  	v61 =	vld [tilespmem:s9+$0x70];
	v57 =	vmul.f32 v51, v36;
	[tilespmem:s9+$0xFFFFFFD0] =	vst v54  }
0x14b: {  	[tilespmem:s9+$0x0] =	vst v3;
	v3 =	vmul.f32 v55, v38  }
0x14c: {  	v6 =	vmul.f32 v40, v38;
	[tilespmem:s9+$0xFFFFFFF0] =	vst v57  }
0x14d: {  	s24 =	smul.u32 $0x140, s24;
	p1 =	slt.u32 s25, $0xFA;
	[tilespmem:s9+$0x20] =	vst v3;
	v3 =	vmul.f32 v58, v8  }
.Ltmp4:
0x14e: {  	v60 =	vmul.f32 v53, v38;
	[tilespmem:s9+$0x30] =	vst v6;
	(pc) =	sbr.rel @p1 .LBB2_6-.Ltmp4, $4  }
0x14f: {  	[tilespmem:s9+$0x50] =	vst v3;
	v3 =	vmul.f32 v61, v8  }
0x150: {  	s1 =	sshra.s32 s24, $0x2;
	[tilespmem:s9+$0x10] =	vst v60  }
0x151: {  	s24 =	smov.u32 s25;
	s1 =	sadd.s32 $0x9E20, s1;
	[tilespmem:s9+$0x70] =	vst v3  }
0x152: {  	[spmem:s2] =	stream.indirect.scatter.add.f32 [tilespmem:s30], [sflag:$0x2], $0x40, s1, s29, $0xb8;
	[tilespmem:$0x1DD90] =	vst v63  }
0x153: {  	_ =	swait.ge [sflag:s0], $0x1400  }
0x154: {  	[sflag:s0] =	ssyncset.done $0x0  }
0x155: {  	s1 =	simm.s32 @!p0 $0x0;
	s5 =	simm.s32 @!p0 $0x11580;
	[sflag:s0] =	ssyncadd.s32 $0xFFFFEC00  }
0x156: {  	[hbm4b:s18+s1] =	stream.linear.scatter @!p0 [tilespmem:s5], [sflag:$0x3], $0x2800, $0x38;
	[tilespmem:$0x1DD90] =	vst v63  }
0x157: {  	s1 =	simm.s32 @!p0 $0x3  }
0x158: {  	s25 =	stileid.u32;
	_ =	swait.ge @!p0 [sflag:s1], $0x2800  }
0x159: {  	s30 =	sshrl.u32 s10, $0x3;
	s23 =	sadd.s32 $0x1, s23;
	[sflag:s1] =	ssyncset.done @!p0 $0x0  }
0x15a: {  	p1 =	sne.s32 s23, s20;
	[sflag:s1] =	ssyncadd.s32 @!p0 $0xFFFFD800;
	s1 =	sshll.u32 s25, $0x6  }
.Ltmp5:
0x15b: {  	[bflag:$0x0] =	sbarrier.arrive $0xFFFF;
	s1 =	sor.u32 $0x1C03, s1;
	(pc) =	sbr.rel @p1 .LBB2_1-.Ltmp5, $4  }
0x15c: {  	[hbm:s19], [sflag:s1] =	dma.local [spmem:s30], $0x1400  }
0x15d: {  	_ =	swait.ge [sflag:s21], $0x1400  }
0x15e: {  	[sflag:s21] =	ssyncset.done $0x0  }
0x15f: {  	[sflag:s21] =	ssyncadd.s32 $0xFFFFEC00  }
0x160: {  	_ =	sfence.sel $0x180000  }
0x161: {  	[bflag:$0x0] =	sbarrier.arrive $0xFFFF  }
0x162: {  	_ =	strace $0x9000004D  }
0x163: {  	s0 =	stileid.u32;
	[bflag:$0x2] =	sbarrier.arrive $0xFFFF  }
0x164: {  	p0 =	sne.s32 s0, $0x0;
	s0 =	rddreg [dreg:$0x3]  }
0x165: {  	s0 =	sadd.s32 @!p0 $0x100000, s0  }
0x166: {  	[sflag:s0] =	ssyncadd.tile.s32 @!p0 $0x1;
	_ =	shalt  }
.Lfunc_end2:
_tile_overlayer_lowered:
.L_overlay_start_2:
0x167: {  	(tag) =	ssettag $0x2  }
0x168: {  	s0 =	rddreg [dreg:$0x0];
	s2 =	stileid.u32  }
0x169: {  	s1 =	rddreg [dreg:$0x1];
	p0 =	sne.s32 s2, $0x0  }
0x16a: {  	s3 =	rddreg [dreg:$0x2];
	[bflag:$0x3] =	sbarrier.arrive $0xFFFF;
	s2 =	simm.s32 @!p0 $0x1C03  }
0x16b: {  	[timem:s3], [sflag:s2] =	dma.local @!p0 [hbm:s0], s1  }
0x16c: {  	s0 =	simm.s32 @!p0 $0x3  }
0x16d: {  	_ =	swait.ge @!p0 [sflag:s0], s1  }
0x16e: {  	s1 =	ssub.s32 @!p0 $0x0, s1;
	[sflag:s0] =	ssyncset.done @!p0 $0x0  }
0x16f: {  	[sflag:s0] =	ssyncadd.s32 @!p0 s1  }
0x170: {  	[bflag:$0x3] =	sbarrier.arrive $0xFFFF  }
0x171: {  	_ =	shalt  }

// kernel: kernel.9.cloned.1.call-start
scs
__scs_entry_jumppad:
0x0: {  	(pc) =	sbr.rel $0x88, $3  }
0x1: {  	(tag) =	ssettag $0x0;
	lr =	simm.s32 $0x1  }
0x2: {  	[smem:$0x3F93] =	sst lr;
	_ =	strace $0xD0000000  }
0x3: {  	_ = 	snop  }
0x4: {  	_ = 	snop  }
0x5: {  	_ = 	snop  }
0x6: {  	_ = 	snop  }
0x7: {  	_ = 	snop  }
__scs_overlays_trampoline_lowered:
0x8: {  	[smem:$0x3FA2] =	sst s0  }
0x9: {  	[smem:$0x3FA3] =	sst s1  }
0xa: {  	[smem:$0x3FA4] =	sst s2  }
0xb: {  	[smem:$0x3FA5] =	sst s3  }
0xc: {  	[smem:$0x3FA6] =	sst s4  }
0xd: {  	[smem:$0x3FA7] =	sst s5  }
0xe: {  	[smem:$0x3FA8] =	sst s6  }
0xf: {  	[smem:$0x3FA9] =	sst s7  }
0x10: {  	[smem:$0x3FAA] =	sst s8  }
0x11: {  	[smem:$0x3FAB] =	sst s9;
	s0 =	simm.s32 @!p0 $0x0  }
0x12: {  	s1 =	sld [smem:$0x3F91];
	s0 =	simm.s32 @p0 $0x1  }
0x13: {  	[smem:$0x3FAC] =	sst s0;
	s0 =	simm.s32 @!p1 $0x0  }
0x14: {  	s2 =	sld [smem:$0x3F90];
	s0 =	simm.s32 @p1 $0x1  }
0x15: {  	[smem:$0x3FAD] =	sst s0;
	s0 =	simm.s32 @!p2 $0x0  }
0x16: {  	s3 =	sld [smem:$0x3FDB];
	s0 =	simm.s32 @p2 $0x1  }
0x17: {  	s4 =	simm.s32 $0x1BF5;
	[smem:$0x3FAF] =	sst s0  }
0x18: {  	s0 =	sld [smem:$0x3F92];
	_ =	swait.ge [sflag:s4], $0x0  }
0x19: {  	s7 =	sld [smem:$0x3F93]  }
0x1a: {  	s8 =	sadd.s32 $0xFFFFE003, lr  }
0x1b: {  	s9 =	sadd.s32 $0xFFFFFEF7, lr;
	s5 =	simm.s32 $0xFFFFFFFF;
	p2 =	slt.u32 s8, $0xFFFFF086  }
0x1c: {  	p1 =	slt.u32 s9, $0xF7A;
	s5 =	simm.s32 @!p2 $0x0  }
0x1d: {  	s5 =	simm.s32 @p1 $0x1;
	p0 =	seq.s32 s7, s2  }
0x1e: {  	s7 =	smul.u32 @!p0 $0xF7A, s2;
	p2 =	seq.s32 @!p0 s5, $0x0  }
0x1f: {  	s9 =	smul.u32 $0xF7A, s1;
	s8 =	simm.s32 @!p0 $0x1BF5;
	p2 =	por !p2, p0  }
0x20: {  	[sflag:s8] =	ssyncset.s32 @!p0 $0xFFFFF086;
	s6 =	sadd.s32 @!p0 s3, s7;
	s7 =	simm.s32 @!p0 $0x108  }
0x21: {  	s3 =	sadd.s32 s3, s9;
	s6 =	sadd.s32 @!p0 $0x88, s6;
	s7 =	simm.s32 @p2 $0x1082  }
0x22: {  	[simem:s7], [sflag:s8] =	dma.local @!p0 [hbm:s6], $0xF7A  }
0x23: {  	s9 =	sor.u32 $0xD0000000, s2;
	s6 =	simm.s32 $0x108;
	_ =	swait.ge @!p0 [sflag:s8], $0x0  }
0x24: {  	s3 =	sadd.s32 $0x88, s3;
	s6 =	simm.s32 @!p1 $0x1082;
	[sflag:s4] =	ssyncset.s32 $0xFFFFF086  }
0x25: {  	[simem:s6], [sflag:s4] =	dma.local [hbm:s3], $0xF7A  }
0x26: {  	[smem:$0x3F93] =	sst s1;
	(tag) =	ssettag s2;
	_ =	strace s9  }
0x27: {  	s1 =	sld [smem:$0x3FA3]  }
0x28: {  	s2 =	sld [smem:$0x3FA4]  }
0x29: {  	s4 =	sld [smem:$0x3FA6]  }
0x2a: {  	p0 =	seq.s32 s5, $0x0;
	s5 =	sld [smem:$0x3FA7]  }
0x2b: {  	s6 =	sld [smem:$0x3FA8]  }
0x2c: {  	s7 =	sld [smem:$0x3FA9]  }
0x2d: {  	s3 =	simm.s32 $0x108;
	s8 =	sld [smem:$0x3FAA]  }
0x2e: {  	s3 =	simm.s32 @!p0 $0x1082;
	s9 =	sld [smem:$0x3FAB]  }
0x2f: {  	lr =	sadd.s32 s0, s3;
	s0 =	sld [smem:$0x3FA2]  }
0x30: {  	s3 =	sld [smem:$0x3FA5]  }
0x31: {  	[smem:$0x3FAE] =	sst s10  }
0x32: {  	s10 =	sld [smem:$0x3FAC];
	_ =	sdelay $0x3  }
0x33: {  	p0 =	seq.s32 s10, $0x1;
	s10 =	sld [smem:$0x3FAE];
	_ =	sdelay $0x3  }
0x34: {  	[smem:$0x3FAE] =	sst s10  }
0x35: {  	s10 =	sld [smem:$0x3FAD];
	_ =	sdelay $0x3  }
0x36: {  	p1 =	seq.s32 s10, $0x1;
	s10 =	sld [smem:$0x3FAE];
	_ =	sdelay $0x3  }
0x37: {  	[smem:$0x3FAE] =	sst s10  }
0x38: {  	s10 =	sld [smem:$0x3FAF]  }
0x39: {  	_ = 	snop;
	(pc) =	sbr.ind lr, $3  }
0x3a: {  	_ = 	snop  }
0x3b: {  	_ = 	snop  }
0x3c: {  	p2 =	seq.s32 s10, $0x1;
	s10 =	sld [smem:$0x3FAE]  }
0x3d: {  	_ =	shalt  }
0x3e: {  	_ =	shalt  }
0x3f: {  	_ =	shalt  }
0x40: {  	_ =	shalt  }
0x41: {  	_ =	shalt  }
0x42: {  	_ =	shalt  }
0x43: {  	_ =	shalt  }
0x44: {  	_ =	shalt  }
0x45: {  	_ =	shalt  }
0x46: {  	_ =	shalt  }
0x47: {  	_ =	shalt  }
0x48: {  	_ =	shalt  }
0x49: {  	_ =	shalt  }
0x4a: {  	_ =	shalt  }
0x4b: {  	_ =	shalt  }
0x4c: {  	_ =	shalt  }
0x4d: {  	_ =	shalt  }
0x4e: {  	_ =	shalt  }
0x4f: {  	_ =	shalt  }
0x50: {  	_ =	shalt  }
0x51: {  	_ =	shalt  }
0x52: {  	_ =	shalt  }
0x53: {  	_ =	shalt  }
0x54: {  	_ =	shalt  }
0x55: {  	_ =	shalt  }
0x56: {  	_ =	shalt  }
0x57: {  	_ =	shalt  }
0x58: {  	_ =	shalt  }
0x59: {  	_ =	shalt  }
0x5a: {  	_ =	shalt  }
0x5b: {  	_ =	shalt  }
0x5c: {  	_ =	shalt  }
0x5d: {  	_ =	shalt  }
0x5e: {  	_ =	shalt  }
0x5f: {  	_ =	shalt  }
0x60: {  	_ =	shalt  }
0x61: {  	_ =	shalt  }
0x62: {  	_ =	shalt  }
0x63: {  	_ =	shalt  }
0x64: {  	_ =	shalt  }
0x65: {  	_ =	shalt  }
0x66: {  	_ =	shalt  }
0x67: {  	_ =	shalt  }
0x68: {  	_ =	shalt  }
0x69: {  	_ =	shalt  }
0x6a: {  	_ =	shalt  }
0x6b: {  	_ =	shalt  }
0x6c: {  	_ =	shalt  }
0x6d: {  	_ =	shalt  }
0x6e: {  	_ =	shalt  }
0x6f: {  	_ =	shalt  }
0x70: {  	_ =	shalt  }
0x71: {  	_ =	shalt  }
0x72: {  	_ =	shalt  }
0x73: {  	_ =	shalt  }
0x74: {  	_ =	shalt  }
0x75: {  	_ =	shalt  }
0x76: {  	_ =	shalt  }
0x77: {  	_ =	shalt  }
0x78: {  	_ =	shalt  }
0x79: {  	_ =	shalt  }
0x7a: {  	_ =	shalt  }
0x7b: {  	_ =	shalt  }
0x7c: {  	_ =	shalt  }
0x7d: {  	_ =	shalt  }
0x7e: {  	_ =	shalt  }
0x7f: {  	_ =	shalt  }
0x80: {  	_ =	shalt  }
0x81: {  	_ =	shalt  }
0x82: {  	_ =	shalt  }
0x83: {  	_ =	shalt  }
0x84: {  	_ =	shalt  }
0x85: {  	_ =	shalt  }
0x86: {  	_ =	shalt  }
0x87: {  	_ =	shalt  }
.Lfunc_end0:
.L_simem_size_0:
called_computation_lowered:
.L_overlay_start_0:
0x88: {  	s2 =	sld [smem:$0x3FD9]  }
0x89: {  	s3 =	sld [smem:$0x3FFE];
	_ =	sdelay $0x1  }
0x8a: {  	s1 =	srdreg.scid  }
0x8b: {  	s0 =	sand.u32 $0x1, s1  }
0x8c: {  	s17 =	sshll.u32 s0, $0xA;
	s2 =	sadd.s32 s3, s2  }
0x8d: {  	s2 =	sadd.s32 s2, s17  }
0x8e: {  	[smem:$0x3FBA] =	sst s2  }
0x8f: {  	_ = 	snop  }
0x90: {  	s2 =	sld [smem:$0x3FD0];
	(tm) =	ssettm $0x1  }
0x91: {  	s18 =	sld [smem:$0x3FFB];
	_ =	sdelay $0x3  }
0x92: {  	_ =	strace s18  }
0x93: {  	s3 =	sld [smem:$0x3FFC];
	_ =	sdelay $0x3  }
0x94: {  	_ =	strace s3  }
0x95: {  	s3 =	sld [smem:$0x3FFD];
	_ =	sdelay $0x3  }
0x96: {  	_ =	strace s3  }
0x97: {  	_ =	strace $0x8FFFFFFF  }
0x98: {  	s19 =	sld [smem:$0x3FDB];
	_ =	sdelay $0x1  }
0x99: {  	s4 =	simm.s32 $_scs_section_size  }
0x9a: {  	s5 =	simm.s32 $_size__tile_overlayer_lowered;
	s6 =	simm.s32 $_tile_overlayer_lowered  }
0x9b: {  	s22 =	simm.s32 $0x1BFF;
	s21 =	sshll.u32 s6, $0x1;
	s3 =	sadd.s32 s4, s19  }
0x9c: {  	s7 =	simm.s32 $0x0;
	s20 =	sshll.u32 s5, $0x1;
	s5 =	sadd.s32 s21, s3  }
0x9d: {  	[timem:s7], [sflag:s22] =	dma.local [hbm:s5], s20  }
0x9e: {  	_ =	swait.ge [sflag:s22], s20  }
0x9f: {  	s4 =	ssub.s32 $0x0, s20;
	[sflag:s22] =	ssyncset.done $0x0  }
0xa0: {  	[sflag:s22] =	ssyncadd.s32 s4;
	_ =	sdelay $0x1  }
0xa1: {  	s23 =	simm.s32 $0x1B8B  }
0xa2: {  	_ =	swait.ge [sflag:s23], $0x1  }
0xa3: {  	[sflag:s23] =	ssyncset.done $0x0  }
0xa4: {  	s25 =	simm.s32 $0x1B8E;
	s24 =	sld [smem:$0x3FFE];
	[sflag:s23] =	ssyncadd.s32 $0xFFFFFFFF  }
0xa5: {  	s26 =	simm.s32 $execute0_lowered;
	[smem:$0x3FD2] =	sst s25  }
0xa6: {  	s5 =	sshll.u32 s26, $0x1;
	_ =	strace $0x80000046;
	[dreg:$0x1] =	wrdreg $0xFFFFFFFF  }
0xa7: {  	s28 =	simm.s32 $_size_execute0_lowered;
	s3 =	sadd.s32 s3, s5;
	[dreg:$0x0] =	wrdreg $0x0  }
0xa8: {  	s5 =	sshll.u32 s28, $0x1;
	[dreg:$0x2] =	wrdreg s3  }
0xa9: {  	[dreg:$0x3] =	wrdreg s5  }
0xaa: {  	[dreg:$0x4] =	wrdreg $0xC0  }
0xab: {  	_ =	task [dreg:s7], $0x5FFFF  }
0xac: {  	[dreg:$0x1] =	wrdreg $0xFFFFFFFF  }
0xad: {  	[dreg:$0x0] =	wrdreg $0x60  }
0xae: {  	[dreg:$0x2] =	wrdreg s24  }
0xaf: {  	[dreg:$0x3] =	wrdreg s2  }
0xb0: {  	[dreg:$0x4] =	wrdreg $0x13D900  }
0xb1: {  	[dreg:$0x5] =	wrdreg $0x9  }
0xb2: {  	_ =	task.clear_ibuf [dreg:s7], $0x6FFFF;
	_ =	strace $0x90000046  }
0xb3: {  	s29 =	simm.s32 $0x9;
	_ =	strace $0x80000048  }
0xb4: {  	_ =	swait.ge [sflag:s29], $0x1  }
0xb5: {  	[sflag:s29] =	ssyncadd.s32 $0xFFFFFFFF  }
0xb6: {  	_ =	strace $0x90000048  }
0xb7: {  	_ =	sfence  }
0xb8: {  	s30 =	sld [smem:$0x0];
	_ =	sdelay $0x2  }
0xb9: {  	s31 =	sshll.u32 s1, $0xD;
	s1 =	sshrl.u32 s1, $0x2  }
0xba: {  	s3 =	sand.u32 $0x4000, s31;
	s1 =	sadd.s32 s1, s30  }
0xbb: {  	s0 =	sor.u32 s3, s0;
	s1 =	sshll.u32 s1, $0x11  }
0xbc: {  	s0 =	sor.u32 s1, s0  }
0xbd: {  	s0 =	sadd.s32 $0x8F2B, s0  }
0xbe: {  	[sflag:s0] =	ssyncadd.remote.s32 $0x1  }
0xbf: {  	_ =	sfence.sel $0xFFFF  }
0xc0: {  	[dreg:$0x0] =	wrdreg $0xFFFFFFFF;
	(pc) =	sbr.abs _section_cstart, $3  }
0xc1: {  	[dreg:$0x1] =	wrdreg $0xFFFFFFFF  }
0xc2: {  	_ =	task.clear_ibuf [dreg:s7], $0x2FFFF;
	_ =	strace $0x9FFFFFFF  }
0xc3: {  	(tm) =	ssettm $0x7FFFFFFF  }
tec
execute0_lowered:
.L_overlay_start_1:
0x0: {  	(tag) =	ssettag $0x1  }
0x1: {  	s0 =	rddreg [dreg:$0x0]  }
0x2: {  	s1 =	rddreg [dreg:$0x1]  }
0x3: {  	s2 =	rddreg [dreg:$0x2];
	s12 =	stileid.u32  }
0x4: {  	s3 =	simm.s32 $0x0;
	s4 =	srdreg.scid;
	s21 =	simm.s32 $0x3  }
0x5: {  	s22 =	simm.s32 $0x2800;
	s28 =	simm.s32 $0x11580;
	s29 =	simm.s32 $0x50  }
0x6: {  	s31 =	simm.s32 $0x1;
	s5 =	smul.u32 $0x9C4, s12;
	[smem:$0x7FF] =	sst s3  }
0x7: {  	s6 =	sand.u32 $0x1, s4;
	s7 =	smul.u32 $0xA000, s12;
	s4 =	sadd.s32 $0xE600, s0  }
0x8: {  	s10 =	sadd.s32 $0x36600, s0;
	s23 =	sadd.s32 $0x36C00, s0;
	s24 =	smul.u32 $0x500, s12  }
0x9: {  	s12 =	smul.u32 $0x28000, s12;
	_ =	strace $0x80000047;
	[dreg:$0x4] =	wrdreg s10  }
0xa: {  	s13 =	sadd.s32 $0x37200, s0;
	s8 =	smul.u32 $0xA0000, s6;
	[dreg:$0x5] =	wrdreg s23  }
0xb: {  	s11 =	ssub.s32 $0x2, s6;
	[dreg:$0x6] =	wrdreg s13;
	p0 =	sne.s32 s6, $0x0  }
0xc: {  	s23 =	simm.s32 $0x0;
	s9 =	sadd.s32 s5, s0;
	s25 =	sshrl.u32 s11, $0x1  }
0xd: {  	s26 =	sshrl.u32 s12, $0x2;
	s1 =	sadd.s32 s1, s5;
	s10 =	sadd.s32 s7, s2  }
0xe: {  	s8 =	sadd.s32 s7, s8;
	s20 =	ssub.s32 s11, s25;
	s9 =	sadd.s32 $0x4800, s9  }
0xf: {  	[dreg:$0x8] =	wrdreg s1;
	s30 =	sadd.s32 s26, s2;
	s26 =	simm.s32 $0xED80  }
0x10: {  	s8 =	sshrl.u32 s8, $0x3;
	[dreg:$0x7] =	wrdreg s9;
	s11 =	sadd.s32 $0x1400, s30  }
0x11: {  	s12 =	sadd.s32 $0x2800, s30;
	s13 =	sadd.s32 $0x3C00, s30;
	s14 =	sadd.s32 $0x5000, s30  }
0x12: {  	s15 =	sadd.s32 $0x6400, s30;
	s16 =	sadd.s32 $0x7800, s30;
	s17 =	sadd.s32 $0x8C00, s30  }
0x13: {  	s20 =	smax.u32 s20, $0x1;
	s8 =	sadd.s32 s8, s0;
	s0 =	sadd.s32 s24, s0  }
0x14: {  	v1 =	vimm.f32 $0.0e+00;
	v0 =	vmov s6;
	s18 =	sadd.s32 $0x37400, s0;
	s19 =	sadd.s32 $0x3C400, s8;
	s0 =	simm.s32 $0x2  }
.LBB2_1:
0x15: {  	s1 =	rddreg [dreg:$0x4]  }
0x16: {  	[tilespmem:s3], [sflag:$0x3] =	stream.linear.gather [hbm4b:s1+s3], $0x2800, $0x38;
	[tilespmem:$0x1DD90] =	vst v63  }
0x17: {  	_ =	swait.ge [sflag:s21], $0x2800  }
0x18: {  	[sflag:s21] =	ssyncset.done $0x0  }
0x19: {  	s7 =	rddreg [dreg:$0x5];
	[sflag:s21] =	ssyncadd.s32 $0xFFFFD800  }
0x1a: {  	[tilespmem:s22], [sflag:$0x3] =	stream.linear.gather [hbm4b:s7+s3], $0x2800, $0x38;
	[tilespmem:$0x1DD90] =	vst v63  }
0x1b: {  	_ =	swait.ge [sflag:s21], $0x2800  }
0x1c: {  	[sflag:s21] =	ssyncset.done $0x0  }
0x1d: {  	s5 =	simm.s32 $0x5000;
	s8 =	rddreg [dreg:$0x7];
	[sflag:s21] =	ssyncadd.s32 $0xFFFFD800  }
0x1e: {  	[tilespmem:s5], [sflag:$0x3] =	stream.linear.gather [hbm4b:s8+s3], $0x4E20, $0x38;
	[tilespmem:$0x1DD90] =	vst v63  }
0x1f: {  	_ =	swait.ge [sflag:s21], $0x4E20  }
0x20: {  	[sflag:s21] =	ssyncset.done $0x0  }
0x21: {  	s24 =	simm.s32 $0x9E20;
	s9 =	rddreg [dreg:$0x8];
	[sflag:s21] =	ssyncadd.s32 $0xFFFFB1E0  }
0x22: {  	[tilespmem:s24], [sflag:$0x3] =	stream.linear.gather [hbm4b:s9+s3], $0x4E20, $0x38;
	[tilespmem:$0x1DD90] =	vst v63  }
0x23: {  	_ =	swait.ge [sflag:s21], $0x4E20  }
0x24: {  	[sflag:s21] =	ssyncset.done $0x0  }
0x25: {  	s30 =	simm.s32 $0x13D80;
	s25 =	rddreg [dreg:$0x6];
	[sflag:s21] =	ssyncadd.s32 $0xFFFFB1E0  }
0x26: {  	[tilespmem:s30], [sflag:$0x3] =	stream.linear.gather [hbm4b:s25+s3], $0x10, $0x38;
	[tilespmem:$0x1DD90] =	vst v63  }
0x27: {  	_ =	swait.ge [sflag:s21], $0x10  }
0x28: {  	[sflag:s21] =	ssyncset.done $0x0  }
0x29: {  	s1 =	simm.s32 $0x0;
	s5 =	simm.s32 $0x100;
	[sflag:s21] =	ssyncadd.s32 $0xFFFFFFF0  }
.LBB2_2:
0x2a: {  	p1 =	sne.s32 s5, $0x4F00;
	[tilespmem:s1+$0xEDB0] =	vst v1;
	s6 =	smov.u32 s5;
	s5 =	sadd.s32 $0x100, s5  }
.Ltmp0:
0x2b: {  	[tilespmem:s1+$0xEDA0] =	vst v1;
	(pc) =	sbr.rel @p1 .LBB2_2-.Ltmp0, $3  }
0x2c: {  	[tilespmem:s1+$0xED80] =	vst v1  }
0x2d: {  	[tilespmem:s1+$0xED90] =	vst v1;
	_ =	sdelay $0x1  }
0x2e: {  	s1 =	sshra.s32 s6, $0x2  }
0x2f: {  	[tilespmem:s1+$0xEDB0] =	vst v1  }
0x30: {  	[tilespmem:s1+$0xEDA0] =	vst v1  }
0x31: {  	[tilespmem:s1+$0xED80] =	vst v1  }
0x32: {  	[tilespmem:s1+$0xED90] =	vst v1  }
0x33: {  	[spmem:s10] =	stream.linear.scatter [tilespmem:s26], [sflag:$0x3], $0x1400, $0x38;
	[tilespmem:$0x1DD90] =	vst v63  }
0x34: {  	_ =	swait.ge [sflag:s21], $0x1400  }
0x35: {  	[sflag:s21] =	ssyncset.done $0x0  }
0x36: {  	[sflag:s21] =	ssyncadd.s32 $0xFFFFEC00  }
0x37: {  	[spmem:s11] =	stream.linear.scatter [tilespmem:s26], [sflag:$0x3], $0x1400, $0x38;
	[tilespmem:$0x1DD90] =	vst v63  }
0x38: {  	_ =	swait.ge [sflag:s21], $0x1400  }
0x39: {  	[sflag:s21] =	ssyncset.done $0x0  }
0x3a: {  	[sflag:s21] =	ssyncadd.s32 $0xFFFFEC00  }
0x3b: {  	[spmem:s12] =	stream.linear.scatter [tilespmem:s26], [sflag:$0x3], $0x1400, $0x38;
	[tilespmem:$0x1DD90] =	vst v63  }
0x3c: {  	_ =	swait.ge [sflag:s21], $0x1400  }
0x3d: {  	[sflag:s21] =	ssyncset.done $0x0  }
0x3e: {  	[sflag:s21] =	ssyncadd.s32 $0xFFFFEC00  }
0x3f: {  	[spmem:s13] =	stream.linear.scatter [tilespmem:s26], [sflag:$0x3], $0x1400, $0x38;
	[tilespmem:$0x1DD90] =	vst v63  }
0x40: {  	_ =	swait.ge [sflag:s21], $0x1400  }
0x41: {  	[sflag:s21] =	ssyncset.done $0x0  }
0x42: {  	[sflag:s21] =	ssyncadd.s32 $0xFFFFEC00  }
0x43: {  	[spmem:s14] =	stream.linear.scatter [tilespmem:s26], [sflag:$0x3], $0x1400, $0x38;
	[tilespmem:$0x1DD90] =	vst v63  }
0x44: {  	_ =	swait.ge [sflag:s21], $0x1400  }
0x45: {  	[sflag:s21] =	ssyncset.done $0x0  }
0x46: {  	[sflag:s21] =	ssyncadd.s32 $0xFFFFEC00  }
0x47: {  	[spmem:s15] =	stream.linear.scatter [tilespmem:s26], [sflag:$0x3], $0x1400, $0x38;
	[tilespmem:$0x1DD90] =	vst v63  }
0x48: {  	_ =	swait.ge [sflag:s21], $0x1400  }
0x49: {  	[sflag:s21] =	ssyncset.done $0x0  }
0x4a: {  	[sflag:s21] =	ssyncadd.s32 $0xFFFFEC00  }
0x4b: {  	[spmem:s16] =	stream.linear.scatter [tilespmem:s26], [sflag:$0x3], $0x1400, $0x38;
	[tilespmem:$0x1DD90] =	vst v63  }
0x4c: {  	_ =	swait.ge [sflag:s21], $0x1400  }
0x4d: {  	[sflag:s21] =	ssyncset.done $0x0  }
0x4e: {  	[sflag:s21] =	ssyncadd.s32 $0xFFFFEC00  }
0x4f: {  	[spmem:s17] =	stream.linear.scatter [tilespmem:s26], [sflag:$0x3], $0x1400, $0x38;
	[tilespmem:$0x1DD90] =	vst v63  }
0x50: {  	_ =	swait.ge [sflag:s21], $0x1400  }
0x51: {  	[sflag:s21] =	ssyncset.done $0x0  }
0x52: {  	s1 =	simm.s32 $0x40;
	s5 =	simm.s32 $0x0;
	[sflag:s21] =	ssyncadd.s32 $0xFFFFEC00  }
.LBB2_4:
0x53: {  	p1 =	sne.s32 s1, $0x9FC0;
	[tilespmem:s5+$0x11580] =	vst v1;
	s5 =	smov.u32 s1;
	s1 =	sadd.s32 $0x40, s1  }
.Ltmp1:
0x54: {  	(pc) =	sbr.rel @p1 .LBB2_4-.Ltmp1, $2  }
0x55: {  	_ =	sdelay $0x2  }
0x56: {  	s5 =	sshra.s32 s5, $0x2  }
0x57: {  	[tilespmem:s5+$0x11580] =	vst v1  }
0x58: {  	[bflag:$0x0] =	sbarrier.arrive $0xFFFF  }
0x59: {  	v3 =	vld [tilespmem:$0x5000]  }
0x5a: {  	v4 =	vld [tilespmem:$0x9E20];
	_ =	sdelay $0x5  }
0x5b: {  	s24 =	simm.s32 $0x0;
	v2 =	vld [tilespmem:$0x13D80]  }
0x5c: {  	v5 =	vld.idx.msk [tilespmem:v3+s24+$0x0], $0xffff  }
0x5d: {  	v6 =	vld.idx.msk [tilespmem:v4+s22+$0x0], $0xffff;
	_ =	sdelay $0x4  }
0x5e: {  	v5 =	vadd.f32 v6, v5;
	v6 =	vadd.f32 v6, v2;
	_ =	sdelay $0x1  }
0x5f: {  	v7 =	vmul.f32 $2.000000030e-01, v5;
	v8 =	vmul.f32 $2.000000030e-01, v6  }
0x60: {  	vm0 =	vge.f32 v5, $0.0e+00;
	vm1 =	vge.f32 v6, $0.0e+00  }
0x61: {  	v5 =	vsel vm0, v5, v7;
	v6 =	vsel vm1, v6, v8  }
0x62: {  	v5 =	vsub.f32 v5, v6;
	_ =	sdelay $0x1  }
0x63: {  	v5 =	vmul.f32 $1.442695020e+00, v5;
	_ =	sdelay $0x1  }
0x64: {  	(erf) = vpow2.f32 v5;
	_ =	sdelay $0x8  }
0x65: {  	v5 =	vpop (erf)  }
0x66: {  	[tilespmem:$0xECE0] =	vst v5  }
0x67: {  	[tilespmem:v4+s28+$0x0] =	vst.idx.add.f32.msk $0xffff, v5  }
0x68: {  	v4 =	vld [tilespmem:$0x5010]  }
0x69: {  	v5 =	vld [tilespmem:$0x9E30];
	_ =	sdelay $0x3  }
0x6a: {  	v3 =	vshll.u32 v3, $0x1  }
0x6b: {  	v3 =	vor.u32 v0, v3  }
0x6c: {  	[tilespmem:$0xEC40] =	vst v3  }
0x6d: {  	v3 =	vld.idx.msk [tilespmem:v4+s24+$0x0], $0xffff  }
0x6e: {  	v52 =	vld.idx.msk [tilespmem:v5+s22+$0x0], $0xffff;
	_ =	sdelay $0x4  }
0x6f: {  	v3 =	vadd.f32 v52, v3;
	v6 =	vadd.f32 v52, v2;
	_ =	sdelay $0x1  }
0x70: {  	v53 =	vmul.f32 $2.000000030e-01, v3;
	v54 =	vmul.f32 $2.000000030e-01, v6  }
0x71: {  	vm8 =	vge.f32 v3, $0.0e+00;
	vm9 =	vge.f32 v6, $0.0e+00  }
0x72: {  	v3 =	vsel vm8, v3, v53;
	v6 =	vsel vm9, v6, v54  }
0x73: {  	v3 =	vsub.f32 v3, v6;
	_ =	sdelay $0x1  }
0x74: {  	v3 =	vmul.f32 $1.442695020e+00, v3;
	_ =	sdelay $0x1  }
0x75: {  	(erf) = vpow2.f32 v3;
	_ =	sdelay $0x8  }
0x76: {  	v3 =	vpop (erf)  }
0x77: {  	[tilespmem:$0xECF0] =	vst v3  }
0x78: {  	[tilespmem:v5+s28+$0x0] =	vst.idx.add.f32.msk $0xffff, v3  }
0x79: {  	v3 =	vld [tilespmem:$0x5020]  }
0x7a: {  	v5 =	vld [tilespmem:$0x9E40];
	_ =	sdelay $0x3  }
0x7b: {  	v4 =	vshll.u32 v4, $0x1  }
0x7c: {  	v4 =	vor.u32 v0, v4  }
0x7d: {  	[tilespmem:$0xEC50] =	vst v4  }
0x7e: {  	v4 =	vld.idx.msk [tilespmem:v3+s24+$0x0], $0xffff  }
0x7f: {  	v55 =	vld.idx.msk [tilespmem:v5+s22+$0x0], $0xffff;
	_ =	sdelay $0x4  }
0x80: {  	v4 =	vadd.f32 v55, v4;
	v6 =	vadd.f32 v55, v2;
	_ =	sdelay $0x1  }
0x81: {  	v56 =	vmul.f32 $2.000000030e-01, v4;
	v57 =	vmul.f32 $2.000000030e-01, v6  }
0x82: {  	vm10 =	vge.f32 v4, $0.0e+00;
	vm11 =	vge.f32 v6, $0.0e+00  }
0x83: {  	v4 =	vsel vm10, v4, v56;
	v6 =	vsel vm11, v6, v57  }
0x84: {  	v4 =	vsub.f32 v4, v6;
	_ =	sdelay $0x1  }
0x85: {  	v4 =	vmul.f32 $1.442695020e+00, v4;
	_ =	sdelay $0x1  }
0x86: {  	(erf) = vpow2.f32 v4;
	_ =	sdelay $0x8  }
0x87: {  	v4 =	vpop (erf)  }
0x88: {  	[tilespmem:$0xED00] =	vst v4  }
0x89: {  	[tilespmem:v5+s28+$0x0] =	vst.idx.add.f32.msk $0xffff, v4  }
0x8a: {  	v4 =	vld [tilespmem:$0x5030]  }
0x8b: {  	v5 =	vld [tilespmem:$0x9E50];
	_ =	sdelay $0x3  }
0x8c: {  	v3 =	vshll.u32 v3, $0x1  }
0x8d: {  	v3 =	vor.u32 v0, v3  }
0x8e: {  	[tilespmem:$0xEC60] =	vst v3  }
0x8f: {  	v3 =	vld.idx.msk [tilespmem:v4+s24+$0x0], $0xffff  }
0x90: {  	v58 =	vld.idx.msk [tilespmem:v5+s22+$0x0], $0xffff;
	_ =	sdelay $0x4  }
0x91: {  	v3 =	vadd.f32 v58, v3;
	v6 =	vadd.f32 v58, v2;
	_ =	sdelay $0x1  }
0x92: {  	v59 =	vmul.f32 $2.000000030e-01, v3;
	v60 =	vmul.f32 $2.000000030e-01, v6  }
0x93: {  	vm12 =	vge.f32 v3, $0.0e+00;
	vm13 =	vge.f32 v6, $0.0e+00  }
0x94: {  	v3 =	vsel vm12, v3, v59;
	v6 =	vsel vm13, v6, v60  }
0x95: {  	v3 =	vsub.f32 v3, v6;
	_ =	sdelay $0x1  }
0x96: {  	v3 =	vmul.f32 $1.442695020e+00, v3;
	_ =	sdelay $0x1  }
0x97: {  	(erf) = vpow2.f32 v3;
	_ =	sdelay $0x8  }
0x98: {  	v3 =	vpop (erf)  }
0x99: {  	[tilespmem:$0xED10] =	vst v3  }
0x9a: {  	[tilespmem:v5+s28+$0x0] =	vst.idx.add.f32.msk $0xffff, v3  }
0x9b: {  	v3 =	vld [tilespmem:$0x5040]  }
0x9c: {  	v5 =	vld [tilespmem:$0x9E60];
	_ =	sdelay $0x3  }
0x9d: {  	v4 =	vshll.u32 v4, $0x1  }
0x9e: {  	v4 =	vor.u32 v0, v4  }
0x9f: {  	[tilespmem:$0xEC70] =	vst v4  }
0xa0: {  	v4 =	vld.idx.msk [tilespmem:v3+s24+$0x0], $0xffff  }
0xa1: {  	v61 =	vld.idx.msk [tilespmem:v5+s22+$0x0], $0xffff;
	_ =	sdelay $0x4  }
0xa2: {  	v4 =	vadd.f32 v61, v4;
	v6 =	vadd.f32 v61, v2;
	_ =	sdelay $0x1  }
0xa3: {  	v62 =	vmul.f32 $2.000000030e-01, v4;
	v63 =	vmul.f32 $2.000000030e-01, v6  }
0xa4: {  	vm14 =	vge.f32 v4, $0.0e+00;
	vm15 =	vge.f32 v6, $0.0e+00  }
0xa5: {  	v4 =	vsel vm14, v4, v62;
	v6 =	vsel vm15, v6, v63  }
0xa6: {  	v4 =	vsub.f32 v4, v6;
	_ =	sdelay $0x1  }
0xa7: {  	v4 =	vmul.f32 $1.442695020e+00, v4;
	_ =	sdelay $0x1  }
0xa8: {  	(erf) = vpow2.f32 v4;
	_ =	sdelay $0x8  }
0xa9: {  	v4 =	vpop (erf)  }
0xaa: {  	v3 =	vshll.u32 v3, $0x1;
	[tilespmem:$0xED20] =	vst v4  }
0xab: {  	v3 =	vor.u32 v0, v3;
	[tilespmem:v5+s28+$0x0] =	vst.idx.add.f32.msk $0xffff, v4  }
0xac: {  	s1 =	simm.s32 $0xEC40;
	[tilespmem:$0xEC80] =	vst v3  }
0xad: {  	[tilespmem:s26], [sflag:$0x1] =	stream.indirect.gather [hbm4b:s4+s29], $0x40, s1, s29, $0xb8;
	[tilespmem:$0x1DD90] =	vst v63  }
.LBB2_6:
0xae: {  	p1 =	seq.s32 s24, $0x0  }
0xaf: {  	p2 =	seq.s32 @!p1 s24, $0xF9  }
0xb0: {  	_ =	swait.ge [sflag:s31], $0x1400;
	p2 =	por p1, !p2  }
.Ltmp2:
0xb1: {  	[sflag:s31] =	ssyncset.done $0x0;
	(pc) =	sbr.rel @!p2 .LBB2_8-.Ltmp2, $4  }
0xb2: {  	s5 =	simm.s32 @!p1 $0x2;
	[sflag:s31] =	ssyncadd.s32 $0xFFFFEC00  }
0xb3: {  	_ =	swait.ge @!p1 [sflag:s5], $0x1400  }
0xb4: {  	[sflag:s5] =	ssyncset.done @!p1 $0x0  }
0xb5: {  	s1 =	sand.u32 $0x1, s24;
	s25 =	simm.s32 @!p1 $0xFA;
	[sflag:s5] =	ssyncadd.s32 @!p1 $0xFFFFEC00  }
0xb6: {  	s25 =	sadd.s32 @!p1 $0x1, s24  }
0xb7: {  	s25 =	simm.s32 @p1 $0x1  }
0xb8: {  	s6 =	smul.u32 $0x50, s25;
	_ =	sdelay $0x1  }
0xb9: {  	v3 =	vld [tilespmem:s6+$0x5000]  }
0xba: {  	v4 =	vld [tilespmem:s6+$0x9E20];
	_ =	sdelay $0x6  }
0xbb: {  	v5 =	vld.idx.msk [tilespmem:v3+s3+$0x0], $0xffff  }
0xbc: {  	v6 =	vld.idx.msk [tilespmem:v4+s22+$0x0], $0xffff;
	_ =	sdelay $0x4  }
0xbd: {  	v5 =	vadd.f32 v6, v5;
	v6 =	vadd.f32 v6, v2;
	_ =	sdelay $0x1  }
0xbe: {  	v7 =	vmul.f32 $2.000000030e-01, v5;
	v8 =	vmul.f32 $2.000000030e-01, v6  }
0xbf: {  	vm0 =	vge.f32 v5, $0.0e+00;
	vm1 =	vge.f32 v6, $0.0e+00  }
0xc0: {  	v5 =	vsel vm0, v5, v7;
	v6 =	vsel vm1, v6, v8  }
0xc1: {  	v5 =	vsub.f32 v5, v6;
	_ =	sdelay $0x1  }
0xc2: {  	v5 =	vmul.f32 $1.442695020e+00, v5;
	_ =	sdelay $0x1  }
0xc3: {  	(erf) = vpow2.f32 v5;
	_ =	sdelay $0x6  }
0xc4: {  	s7 =	sxor.u32 $0x1, s1  }
0xc5: {  	s5 =	smul.u32 $0x50, s7  }
0xc6: {  	v5 =	vpop (erf)  }
0xc7: {  	v3 =	vshll.u32 v3, $0x1;
	[tilespmem:s5+$0xECE0] =	vst v5  }
0xc8: {  	v3 =	vor.u32 v0, v3;
	[tilespmem:v4+s28+$0x0] =	vst.idx.add.f32.msk $0xffff, v5  }
0xc9: {  	[tilespmem:s5+$0xEC40] =	vst v3  }
0xca: {  	v3 =	vld [tilespmem:s6+$0x5010]  }
0xcb: {  	v4 =	vld [tilespmem:s6+$0x9E30];
	_ =	sdelay $0x6  }
0xcc: {  	v5 =	vld.idx.msk [tilespmem:v3+s3+$0x0], $0xffff  }
0xcd: {  	v52 =	vld.idx.msk [tilespmem:v4+s22+$0x0], $0xffff;
	_ =	sdelay $0x4  }
0xce: {  	v5 =	vadd.f32 v52, v5;
	v6 =	vadd.f32 v52, v2;
	_ =	sdelay $0x1  }
0xcf: {  	v53 =	vmul.f32 $2.000000030e-01, v5;
	v54 =	vmul.f32 $2.000000030e-01, v6  }
0xd0: {  	vm8 =	vge.f32 v5, $0.0e+00;
	vm9 =	vge.f32 v6, $0.0e+00  }
0xd1: {  	v5 =	vsel vm8, v5, v53;
	v6 =	vsel vm9, v6, v54  }
0xd2: {  	v5 =	vsub.f32 v5, v6;
	_ =	sdelay $0x1  }
0xd3: {  	v5 =	vmul.f32 $1.442695020e+00, v5;
	_ =	sdelay $0x1  }
0xd4: {  	(erf) = vpow2.f32 v5;
	_ =	sdelay $0x8  }
0xd5: {  	v5 =	vpop (erf)  }
0xd6: {  	v3 =	vshll.u32 v3, $0x1;
	[tilespmem:s5+$0xECF0] =	vst v5  }
0xd7: {  	v3 =	vor.u32 v0, v3;
	[tilespmem:v4+s28+$0x0] =	vst.idx.add.f32.msk $0xffff, v5  }
0xd8: {  	[tilespmem:s5+$0xEC50] =	vst v3  }
0xd9: {  	v3 =	vld [tilespmem:s6+$0x5020]  }
0xda: {  	v4 =	vld [tilespmem:s6+$0x9E40];
	_ =	sdelay $0x6  }
0xdb: {  	v5 =	vld.idx.msk [tilespmem:v3+s3+$0x0], $0xffff  }
0xdc: {  	v55 =	vld.idx.msk [tilespmem:v4+s22+$0x0], $0xffff;
	_ =	sdelay $0x4  }
0xdd: {  	v5 =	vadd.f32 v55, v5;
	v6 =	vadd.f32 v55, v2;
	_ =	sdelay $0x1  }
0xde: {  	v56 =	vmul.f32 $2.000000030e-01, v5;
	v57 =	vmul.f32 $2.000000030e-01, v6  }
0xdf: {  	vm10 =	vge.f32 v5, $0.0e+00;
	vm11 =	vge.f32 v6, $0.0e+00  }
0xe0: {  	v5 =	vsel vm10, v5, v56;
	v6 =	vsel vm11, v6, v57  }
0xe1: {  	v5 =	vsub.f32 v5, v6;
	_ =	sdelay $0x1  }
0xe2: {  	v5 =	vmul.f32 $1.442695020e+00, v5;
	_ =	sdelay $0x1  }
0xe3: {  	(erf) = vpow2.f32 v5;
	_ =	sdelay $0x8  }
0xe4: {  	v5 =	vpop (erf)  }
0xe5: {  	v3 =	vshll.u32 v3, $0x1;
	[tilespmem:s5+$0xED00] =	vst v5  }
0xe6: {  	v3 =	vor.u32 v0, v3;
	[tilespmem:v4+s28+$0x0] =	vst.idx.add.f32.msk $0xffff, v5  }
0xe7: {  	[tilespmem:s5+$0xEC60] =	vst v3  }
0xe8: {  	v3 =	vld [tilespmem:s6+$0x5030]  }
0xe9: {  	v4 =	vld [tilespmem:s6+$0x9E50];
	_ =	sdelay $0x6  }
0xea: {  	v5 =	vld.idx.msk [tilespmem:v3+s3+$0x0], $0xffff  }
0xeb: {  	v58 =	vld.idx.msk [tilespmem:v4+s22+$0x0], $0xffff;
	_ =	sdelay $0x4  }
0xec: {  	v5 =	vadd.f32 v58, v5;
	v6 =	vadd.f32 v58, v2;
	_ =	sdelay $0x1  }
0xed: {  	v59 =	vmul.f32 $2.000000030e-01, v5;
	v60 =	vmul.f32 $2.000000030e-01, v6  }
0xee: {  	vm12 =	vge.f32 v5, $0.0e+00;
	vm13 =	vge.f32 v6, $0.0e+00  }
0xef: {  	v5 =	vsel vm12, v5, v59;
	v6 =	vsel vm13, v6, v60  }
0xf0: {  	v5 =	vsub.f32 v5, v6;
	_ =	sdelay $0x1  }
0xf1: {  	v5 =	vmul.f32 $1.442695020e+00, v5;
	_ =	sdelay $0x1  }
0xf2: {  	(erf) = vpow2.f32 v5;
	_ =	sdelay $0x8  }
0xf3: {  	v5 =	vpop (erf)  }
0xf4: {  	v3 =	vshll.u32 v3, $0x1;
	[tilespmem:s5+$0xED10] =	vst v5  }
0xf5: {  	v3 =	vor.u32 v0, v3;
	[tilespmem:v4+s28+$0x0] =	vst.idx.add.f32.msk $0xffff, v5  }
0xf6: {  	[tilespmem:s5+$0xEC70] =	vst v3  }
0xf7: {  	v3 =	vld [tilespmem:s6+$0x5040]  }
0xf8: {  	v4 =	vld [tilespmem:s6+$0x9E60];
	_ =	sdelay $0x6  }
0xf9: {  	v5 =	vld.idx.msk [tilespmem:v3+s3+$0x0], $0xffff  }
0xfa: {  	v61 =	vld.idx.msk [tilespmem:v4+s22+$0x0], $0xffff;
	_ =	sdelay $0x4  }
0xfb: {  	v5 =	vadd.f32 v61, v5;
	v6 =	vadd.f32 v61, v2;
	_ =	sdelay $0x1  }
0xfc: {  	v62 =	vmul.f32 $2.000000030e-01, v5;
	v63 =	vmul.f32 $2.000000030e-01, v6  }
0xfd: {  	vm14 =	vge.f32 v5, $0.0e+00;
	vm15 =	vge.f32 v6, $0.0e+00  }
0xfe: {  	v5 =	vsel vm14, v5, v62;
	v6 =	vsel vm15, v6, v63  }
0xff: {  	v5 =	vsub.f32 v5, v6;
	_ =	sdelay $0x1  }
0x100: {  	v5 =	vmul.f32 $1.442695020e+00, v5;
	_ =	sdelay $0x1  }
0x101: {  	(erf) = vpow2.f32 v5;
	_ =	sdelay $0x8  }
0x102: {  	s8 =	smul.u32 $0x5000, s7;
	v5 =	vpop (erf)  }
0x103: {  	v3 =	vshll.u32 v3, $0x1;
	[tilespmem:s5+$0xED20] =	vst v5  }
0x104: {  	s6 =	sshrl.u32 s8, $0x2;
	v3 =	vor.u32 v0, v3;
	[tilespmem:v4+s28+$0x0] =	vst.idx.add.f32.msk $0xffff, v5  }
0x105: {  	s9 =	sadd.s32 $0xEC40, s5;
	s30 =	sadd.s32 $0xED80, s6;
	[tilespmem:s5+$0xEC80] =	vst v3  }
0x106: {  	[tilespmem:s30], [sflag:$0x1] =	stream.indirect.gather [hbm4b:s4+s29], $0x40, s9, s29, $0xb8;
	[tilespmem:$0x1DD90] =	vst v63  }
.LBB2_8:
0x107: {  	s5 =	simm.s32 $0x0  }
0x108: {  	v3 =	vmov s5  }
0x109: {  	s9 =	simm.s32 $0x3;
	s6 =	simm.s32 $0x1;
	v3 =	vand.u32 $0xFFFFFFFC, v3  }
0x10a: {  	v4 =	vmov s9;
	v5 =	vmov s6;
	v6 =	vbroadcast v3, $0x0  }
0x10b: {  	s7 =	smul.u32 $0x140, s1;
	s6 =	simm.s32 $0x2;
	v3 =	vand.u32 $0xFFFFFFFD, v5  }
0x10c: {  	v5 =	vmov s6;
	v7 =	vbroadcast v3, $0x0  }
0x10d: {  	s8 =	smul.u32 $0x5000, s1;
	s5 =	sshrl.u32 s7, $0x2;
	v3 =	vand.u32 $0xFFFFFFFE, v5  }
0x10e: {  	s5 =	sadd.s32 $0xECE0, s5;
	v8 =	vbroadcast v3, $0x0  }
0x10f: {  	s6 =	sshrl.u32 s8, $0x2;
	v3 =	vld.idx.msk [tilespmem:v4+s5+$0x0], $0xffff  }
0x110: {  	s1 =	sadd.s32 $0xEE00, s6;
	v10 =	vld.idx.msk [tilespmem:v6+s5+$0x0], $0xffff  }
0x111: {  	v6 =	vld [tilespmem:s1+$0x30]  }
0x112: {  	v5 =	vld.idx.msk [tilespmem:v7+s5+$0x0], $0xffff  }
0x113: {  	v7 =	vld [tilespmem:s1+$0xFFFFFF80]  }
0x114: {  	v4 =	vld.idx.msk [tilespmem:v8+s5+$0x0], $0xffff  }
0x115: {  	v8 =	vld [tilespmem:s1+$0xFFFFFF90]  }
0x116: {  	v9 =	vld [tilespmem:s1+$0xFFFFFFA0]  }
0x117: {  	v11 =	vld [tilespmem:s1+$0xFFFFFFB0]  }
0x118: {  	v12 =	vld [tilespmem:s1+$0xFFFFFFC0];
	v14 =	vmul.f32 v7, v10  }
0x119: {  	v7 =	vld [tilespmem:s1+$0xFFFFFFD0];
	v13 =	vmul.f32 v6, v4  }
0x11a: {  	s7 =	simm.s32 $0x4;
	v15 =	vmul.f32 v8, v10;
	v6 =	vld [tilespmem:s1+$0xFFFFFFE0];
	[tilespmem:s1+$0xFFFFFF80] =	vst v14  }
0x11b: {  	s9 =	simm.s32 $0x7;
	v8 =	vmov s7;
	v14 =	vmul.f32 v9, v10;
	v9 =	vld [tilespmem:s1+$0xFFFFFFF0];
	[tilespmem:s1+$0x30] =	vst v13  }
0x11c: {  	s8 =	simm.s32 $0x5;
	s30 =	sadd.s32 $0xED80, s6;
	v16 =	vand.u32 $0xFFFFFFFC, v8;
	v8 =	vmov s9;
	[tilespmem:s1+$0xFFFFFF90] =	vst v15;
	v13 =	vmul.f32 v11, v10;
	v11 =	vld [tilespmem:s1+$0x0]  }
0x11d: {  	s6 =	smov.u32 s1;
	s7 =	simm.s32 $0x8;
	v10 =	vbroadcast v16, $0x0;
	v15 =	vmov s8;
	s8 =	simm.s32 $0x6;
	[tilespmem:s1+$0xFFFFFFA0] =	vst v14;
	v14 =	vmul.f32 v12, v5;
	v12 =	vld [tilespmem:s1+$0x10]  }
.LBB2_9:
0x11e: {  	p1 =	slt.u32 s7, $0x4C;
	v15 =	vand.u32 $0xFFFFFFFD, v15;
	v16 =	vmov s8;
	[tilespmem:s1+$0xFFFFFFB0] =	vst v13;
	v7 =	vmul.f32 v7, v5;
	v13 =	vld [tilespmem:s1+$0x20]  }
0x11f: {  	v15 =	vbroadcast v15, $0x0;
	v16 =	vand.u32 $0xFFFFFFFE, v16;
	[tilespmem:s1+$0xFFFFFFC0] =	vst v14;
	v6 =	vmul.f32 v6, v5;
	v14 =	vld [tilespmem:s1+$0x40]  }
0x120: {  	v16 =	vbroadcast v16, $0x0;
	[tilespmem:s1+$0xFFFFFFD0] =	vst v7;
	v5 =	vmul.f32 v9, v5;
	v7 =	vld [tilespmem:s1+$0x50]  }
0x121: {  	[tilespmem:s1+$0xFFFFFFE0] =	vst v6;
	v6 =	vmul.f32 v11, v4;
	v9 =	vld [tilespmem:s1+$0x60]  }
0x122: {  	[tilespmem:s1+$0xFFFFFFF0] =	vst v5;
	v5 =	vmul.f32 v12, v4;
	v11 =	vld [tilespmem:s1+$0x70]  }
0x123: {  	v8 =	vld.idx.msk [tilespmem:v8+s5+$0x0], $0xffff;
	[tilespmem:s1+$0x0] =	vst v6;
	v4 =	vmul.f32 v13, v4  }
0x124: {  	v10 =	vld.idx.msk [tilespmem:v10+s5+$0x0], $0xffff;
	[tilespmem:s1+$0x10] =	vst v5;
	v6 =	vmul.f32 v14, v3  }
0x125: {  	v5 =	vld.idx.msk [tilespmem:v15+s5+$0x0], $0xffff;
	[tilespmem:s1+$0x20] =	vst v4;
	v7 =	vmul.f32 v7, v3  }
0x126: {  	s1 =	sadd.s32 $0x100, s1;
	v4 =	vld.idx.msk [tilespmem:v16+s5+$0x0], $0xffff;
	[tilespmem:s6+$0x40] =	vst v6;
	v6 =	vmul.f32 v9, v3  }
0x127: {  	v9 =	vld [tilespmem:s1+$0x30];
	[tilespmem:s6+$0x50] =	vst v7;
	v11 =	vmul.f32 v11, v3  }
0x128: {  	v7 =	vld [tilespmem:s1+$0xFFFFFF80];
	[tilespmem:s6+$0x60] =	vst v6  }
0x129: {  	v3 =	vmov v8;
	v6 =	vld [tilespmem:s1+$0xFFFFFF90];
	[tilespmem:s6+$0x70] =	vst v11;
	s6 =	smov.u32 s1  }
0x12a: {  	v8 =	vld [tilespmem:s1+$0xFFFFFFA0]  }
0x12b: {  	v11 =	vld [tilespmem:s1+$0xFFFFFFB0]  }
0x12c: {  	v12 =	vld [tilespmem:s1+$0xFFFFFFC0];
	v9 =	vmul.f32 v9, v4  }
.Ltmp3:
0x12d: {  	v13 =	vmul.f32 v7, v10;
	v7 =	vld [tilespmem:s1+$0xFFFFFFD0];
	(pc) =	sbr.rel @p1 .LBB2_9-.Ltmp3, $4  }
0x12e: {  	v14 =	vmul.f32 v6, v10;
	v6 =	vld [tilespmem:s1+$0xFFFFFFE0];
	[tilespmem:s1+$0x30] =	vst v9  }
0x12f: {  	s8 =	sadd.s32 $0x3, s7;
	v15 =	vmov s7;
	[tilespmem:s1+$0xFFFFFF80] =	vst v13;
	v16 =	vmul.f32 v8, v10;
	v9 =	vld [tilespmem:s1+$0xFFFFFFF0]  }
0x130: {  	s9 =	sadd.s32 $0x1, s7;
	v15 =	vand.u32 $0xFFFFFFFC, v15;
	v8 =	vmov s8;
	[tilespmem:s1+$0xFFFFFF90] =	vst v14;
	v13 =	vmul.f32 v11, v10;
	v11 =	vld [tilespmem:s1+$0x0]  }
0x131: {  	s8 =	sadd.s32 $0x2, s7;
	s7 =	sadd.s32 $0x4, s7;
	v10 =	vbroadcast v15, $0x0;
	v15 =	vmov s9;
	[tilespmem:s1+$0xFFFFFFA0] =	vst v16;
	v14 =	vmul.f32 v12, v5;
	v12 =	vld [tilespmem:s1+$0x10]  }
0x132: {  	v17 =	vld [tilespmem:s1+$0x20]  }
0x133: {  	v18 =	vld [tilespmem:s1+$0x40]  }
0x134: {  	v19 =	vld [tilespmem:s1+$0x50]  }
0x135: {  	v20 =	vld [tilespmem:s1+$0x60]  }
0x136: {  	[tilespmem:s1+$0xFFFFFFB0] =	vst v13;
	v7 =	vmul.f32 v7, v5;
	v32 =	vld [tilespmem:s1+$0x70]  }
0x137: {  	v8 =	vld.idx.msk [tilespmem:v8+s5+$0x0], $0xffff;
	[tilespmem:s1+$0xFFFFFFC0] =	vst v14;
	v6 =	vmul.f32 v6, v5  }
0x138: {  	s9 =	sadd.s32 $0x100, s1;
	v34 =	vld.idx.msk [tilespmem:v10+s5+$0x0], $0xffff;
	[tilespmem:s1+$0xFFFFFFD0] =	vst v7;
	v33 =	vmul.f32 v9, v5  }
0x139: {  	v15 =	vand.u32 $0xFFFFFFFD, v15;
	v42 =	vld [tilespmem:s9+$0xFFFFFF80];
	[tilespmem:s1+$0xFFFFFFE0] =	vst v6;
	v35 =	vmul.f32 v11, v4  }
0x13a: {  	v15 =	vbroadcast v15, $0x0;
	v44 =	vld [tilespmem:s9+$0xFFFFFF90];
	[tilespmem:s1+$0xFFFFFFF0] =	vst v33;
	v37 =	vmul.f32 v12, v4  }
0x13b: {  	v46 =	vld [tilespmem:s9+$0xFFFFFFA0];
	[tilespmem:s1+$0x0] =	vst v35;
	v39 =	vmul.f32 v17, v4  }
0x13c: {  	v16 =	vmov s8;
	v47 =	vld [tilespmem:s9+$0xFFFFFFB0];
	v41 =	vmul.f32 v18, v3;
	[tilespmem:s1+$0x10] =	vst v37  }
0x13d: {  	v16 =	vand.u32 $0xFFFFFFFE, v16;
	v48 =	vld [tilespmem:s9+$0xFFFFFFC0];
	v43 =	vmul.f32 v19, v3;
	[tilespmem:s1+$0x20] =	vst v39  }
0x13e: {  	v49 =	vld [tilespmem:s9+$0xFFFFFFD0];
	v16 =	vbroadcast v16, $0x0;
	v45 =	vmul.f32 v20, v3;
	[tilespmem:s6+$0x40] =	vst v41  }
0x13f: {  	v56 =	vld [tilespmem:s9+$0x40];
	v3 =	vmul.f32 v32, v3;
	[tilespmem:s6+$0x50] =	vst v43  }
0x140: {  	v12 =	vmul.f32 v44, v34;
	v36 =	vld.idx.msk [tilespmem:v15+s5+$0x0], $0xffff;
	[tilespmem:s6+$0x60] =	vst v45  }
0x141: {  	v59 =	vld [tilespmem:s9+$0x60];
	[tilespmem:s6+$0x70] =	vst v3;
	v3 =	vmul.f32 v42, v34  }
0x142: {  	v50 =	vld [tilespmem:s9+$0xFFFFFFE0];
	v4 =	vmul.f32 v47, v34;
	[tilespmem:s9+$0xFFFFFF90] =	vst v12  }
0x143: {  	v52 =	vld [tilespmem:s9+$0x0];
	[tilespmem:s9+$0xFFFFFF80] =	vst v3;
	v3 =	vmul.f32 v46, v34  }
0x144: {  	v62 =	vmul.f32 v56, v8;
	v38 =	vld.idx.msk [tilespmem:v16+s5+$0x0], $0xffff;
	[tilespmem:s9+$0xFFFFFFB0] =	vst v4  }
0x145: {  	v51 =	vld [tilespmem:s9+$0xFFFFFFF0];
	[tilespmem:s9+$0xFFFFFFA0] =	vst v3;
	v3 =	vmul.f32 v48, v36  }
0x146: {  	v55 =	vld [tilespmem:s9+$0x20];
	v63 =	vmul.f32 v59, v8;
	[tilespmem:s9+$0x40] =	vst v62  }
0x147: {  	v40 =	vld [tilespmem:s9+$0x30];
	[tilespmem:s9+$0xFFFFFFC0] =	vst v3;
	v3 =	vmul.f32 v50, v36  }
0x148: {  	v58 =	vld [tilespmem:s9+$0x50];
	[tilespmem:s9+$0x60] =	vst v63;
	v54 =	vmul.f32 v49, v36  }
0x149: {  	v53 =	vld [tilespmem:s9+$0x10];
	[tilespmem:s9+$0xFFFFFFE0] =	vst v3;
	v3 =	vmul.f32 v52, v38  }
0x14a: {  	v61 =	vld [tilespmem:s9+$0x70];
	v57 =	vmul.f32 v51, v36;
	[tilespmem:s9+$0xFFFFFFD0] =	vst v54  }
0x14b: {  	[tilespmem:s9+$0x0] =	vst v3;
	v3 =	vmul.f32 v55, v38  }
0x14c: {  	v6 =	vmul.f32 v40, v38;
	[tilespmem:s9+$0xFFFFFFF0] =	vst v57  }
0x14d: {  	s24 =	smul.u32 $0x140, s24;
	p1 =	slt.u32 s25, $0xFA;
	[tilespmem:s9+$0x20] =	vst v3;
	v3 =	vmul.f32 v58, v8  }
.Ltmp4:
0x14e: {  	v60 =	vmul.f32 v53, v38;
	[tilespmem:s9+$0x30] =	vst v6;
	(pc) =	sbr.rel @p1 .LBB2_6-.Ltmp4, $4  }
0x14f: {  	[tilespmem:s9+$0x50] =	vst v3;
	v3 =	vmul.f32 v61, v8  }
0x150: {  	s1 =	sshra.s32 s24, $0x2;
	[tilespmem:s9+$0x10] =	vst v60  }
0x151: {  	s24 =	smov.u32 s25;
	s1 =	sadd.s32 $0x9E20, s1;
	[tilespmem:s9+$0x70] =	vst v3  }
0x152: {  	[spmem:s2] =	stream.indirect.scatter.add.f32 [tilespmem:s30], [sflag:$0x2], $0x40, s1, s29, $0xb8;
	[tilespmem:$0x1DD90] =	vst v63  }
0x153: {  	_ =	swait.ge [sflag:s0], $0x1400  }
0x154: {  	[sflag:s0] =	ssyncset.done $0x0  }
0x155: {  	s1 =	simm.s32 @!p0 $0x0;
	s5 =	simm.s32 @!p0 $0x11580;
	[sflag:s0] =	ssyncadd.s32 $0xFFFFEC00  }
0x156: {  	[hbm4b:s18+s1] =	stream.linear.scatter @!p0 [tilespmem:s5], [sflag:$0x3], $0x2800, $0x38;
	[tilespmem:$0x1DD90] =	vst v63  }
0x157: {  	s1 =	simm.s32 @!p0 $0x3  }
0x158: {  	s25 =	stileid.u32;
	_ =	swait.ge @!p0 [sflag:s1], $0x2800  }
0x159: {  	s30 =	sshrl.u32 s10, $0x3;
	s23 =	sadd.s32 $0x1, s23;
	[sflag:s1] =	ssyncset.done @!p0 $0x0  }
0x15a: {  	p1 =	sne.s32 s23, s20;
	[sflag:s1] =	ssyncadd.s32 @!p0 $0xFFFFD800;
	s1 =	sshll.u32 s25, $0x6  }
.Ltmp5:
0x15b: {  	[bflag:$0x0] =	sbarrier.arrive $0xFFFF;
	s1 =	sor.u32 $0x1C03, s1;
	(pc) =	sbr.rel @p1 .LBB2_1-.Ltmp5, $4  }
0x15c: {  	[hbm:s19], [sflag:s1] =	dma.local [spmem:s30], $0x1400  }
0x15d: {  	_ =	swait.ge [sflag:s21], $0x1400  }
0x15e: {  	[sflag:s21] =	ssyncset.done $0x0  }
0x15f: {  	[sflag:s21] =	ssyncadd.s32 $0xFFFFEC00  }
0x160: {  	_ =	sfence.sel $0x180000  }
0x161: {  	[bflag:$0x0] =	sbarrier.arrive $0xFFFF  }
0x162: {  	_ =	strace $0x90000047  }
0x163: {  	s0 =	stileid.u32;
	[bflag:$0x2] =	sbarrier.arrive $0xFFFF  }
0x164: {  	p0 =	sne.s32 s0, $0x0;
	s0 =	rddreg [dreg:$0x3]  }
0x165: {  	s0 =	sadd.s32 @!p0 $0x100000, s0  }
0x166: {  	[sflag:s0] =	ssyncadd.tile.s32 @!p0 $0x1;
	_ =	shalt  }
.Lfunc_end2:
_tile_overlayer_lowered:
.L_overlay_start_2:
0x167: {  	(tag) =	ssettag $0x2  }
0x168: {  	s0 =	rddreg [dreg:$0x0];
	s2 =	stileid.u32  }
0x169: {  	s1 =	rddreg [dreg:$0x1];
	p0 =	sne.s32 s2, $0x0  }
0x16a: {  	s3 =	rddreg [dreg:$0x2];
	[bflag:$0x3] =	sbarrier.arrive $0xFFFF;
	s2 =	simm.s32 @!p0 $0x1C03  }
0x16b: {  	[timem:s3], [sflag:s2] =	dma.local @!p0 [hbm:s0], s1  }
0x16c: {  	s0 =	simm.s32 @!p0 $0x3  }
0x16d: {  	_ =	swait.ge @!p0 [sflag:s0], s1  }
0x16e: {  	s1 =	ssub.s32 @!p0 $0x0, s1;
	[sflag:s0] =	ssyncset.done @!p0 $0x0  }
0x16f: {  	[sflag:s0] =	ssyncadd.s32 @!p0 s1  }
0x170: {  	[bflag:$0x3] =	sbarrier.arrive $0xFFFF  }
0x171: {  	_ =	shalt  }

</sc_bundles>
